<compile_context>
chip_gen: v7x
topology: tpu7x:2x2x1
jax: 0.10.2.dev20260603
libtpu: 0.0.44.dev20260713+nightly
codegen_flags: <defaults>
</compile_context>

<pallas_src>
import dataclasses
import functools

import jax
import jax.numpy as jnp
import numpy as np
from jax import lax
from jax.experimental import pallas as pl
from jax.experimental.pallas import tpu as pltpu
from jax.experimental.pallas import tpu_sc as plsc

D = 1024
NK = 16384
K = 32
ER = 0.1
SCALE = 1.0 / np.sqrt(D)

TB = 128
KB = 2048
NKB = NK // KB

NTOK = 4096
NT = NTOK // TB

SC_NC = 2
SC_NS = 16
SC_L = 16
NW = SC_NC * SC_NS

NCHUNK = 2
CTOK = NTOK // NCHUNK
TPW = CTOK // NW



def _score_topk_body(x_ref, wqt_ref, bq_ref, kt_ref, ac_ref, su_ref,
                     w_out_ref, i_out_ref, q_scr, s_scr):
    kb = pl.program_id(1)

    @pl.when(kb == 0)
    def _():
        q_scr[...] = (
            jnp.dot(x_ref[...], wqt_ref[...],
                    preferred_element_type=jnp.float32) + bq_ref[...])

    ac = ac_ref[...]
    su = su_ref[...]
    bias = ER * ((1.0 - ER) * (su / (ac + 1e-10)) + ER / (ac + 1.0))
    s_scr[kb] = (
        jnp.dot(q_scr[...], kt_ref[...],
                preferred_element_type=jnp.float32) * SCALE + bias)

    @pl.when(kb == NKB - 1)
    def _():
        col3 = (lax.broadcasted_iota(jnp.int32, (NKB, TB, KB), 0) * KB
                + lax.broadcasted_iota(jnp.int32, (NKB, TB, KB), 2))
        ii = lax.broadcasted_iota(jnp.int32, (TB, K), 1)

        def body(i, carry):
            tv, ti = carry
            s = s_scr[...]
            m = jnp.max(jnp.max(s, axis=2), axis=0)
            mb = m[None, :, None]
            cand = jnp.where(s == mb, col3, jnp.int32(2 ** 30))
            mcol = jnp.min(jnp.min(cand, axis=2), axis=0)
            s_scr[...] = jnp.where(col3 == mcol[None, :, None],
                                   -jnp.inf, s)
            tv = jnp.where(ii == i, m[:, None], tv)
            ti = jnp.where(ii == i, mcol[:, None], ti)
            return tv, ti

        tv0 = jnp.full((TB, K), -jnp.inf, jnp.float32)
        ti0 = jnp.zeros((TB, K), jnp.int32)
        tv, ti = lax.fori_loop(0, K, body, (tv0, ti0))
        e = jnp.exp(tv - tv[:, 0:1])
        w_out_ref[...] = e / jnp.sum(e, axis=1, keepdims=True)
        i_out_ref[...] = ti


def _stage_a(xf, wqt, bq2, kt, ac2, su2, interpret=False):
    ntok = xf.shape[0]
    return pl.pallas_call(
        _score_topk_body,
        grid=(ntok // TB, NKB),
        in_specs=[
            pl.BlockSpec((TB, D), lambda t, k: (t, 0)),
            pl.BlockSpec((D, D), lambda t, k: (0, 0)),
            pl.BlockSpec((1, D), lambda t, k: (0, 0)),
            pl.BlockSpec((D, KB), lambda t, k: (0, k)),
            pl.BlockSpec((1, KB), lambda t, k: (0, k)),
            pl.BlockSpec((1, KB), lambda t, k: (0, k)),
        ],
        out_specs=[
            pl.BlockSpec((TB, K), lambda t, k: (t, 0)),
            pl.BlockSpec((TB, K), lambda t, k: (t, 0)),
        ],
        out_shape=[
            jax.ShapeDtypeStruct((ntok, K), jnp.float32),
            jax.ShapeDtypeStruct((ntok, K), jnp.int32),
        ],
        scratch_shapes=[
            pltpu.VMEM((TB, D), jnp.float32),
            pltpu.VMEM((NKB, TB, KB), jnp.float32),
        ],
        compiler_params=pltpu.CompilerParams(
            dimension_semantics=("parallel", "arbitrary")),
        interpret=interpret,
    )(xf, wqt, bq2, kt, ac2, su2)



def _gather_combine_body(v_hbm, i_hbm, w_hbm, o_hbm,
                         idx_v, w_v, wb_v, rows2_v, orow2_v,
                         gsem0, gsem1, osem0, osem1):
    wid = lax.axis_index("s") * SC_NC + lax.axis_index("c")
    base = wid * TPW
    pltpu.sync_copy(i_hbm.at[pl.ds(base * K, TPW * K)], idx_v)
    pltpu.sync_copy(w_hbm.at[pl.ds(base * K, TPW * K)], w_v)

    def gather(t, buf, sem):
        return pltpu.make_async_copy(
            v_hbm.at[idx_v.at[pl.ds(t * K, K)]], rows2_v.at[buf], sem)

    def out_copy(t, buf, sem):
        return pltpu.make_async_copy(
            orow2_v.at[buf], o_hbm.at[base + t], sem)

    def compute(t, buf, osem):
        tk = t * K

        @pl.loop(0, K)
        def _(k):
            wb_v[k] = plsc.load_gather(
                w_v, [tk + k + jnp.zeros((SC_L,), jnp.int32)])

        ws = [wb_v[k] for k in range(K)]
        rows = rows2_v.at[buf]

        @pl.when(t >= 2)
        def _():
            out_copy(t - 2, buf, osem).wait()

        @pl.loop(0, D, step=SC_L)
        def _(c):
            acc = ws[0] * rows[0, pl.ds(c, SC_L)]
            for k in range(1, K):
                acc = acc + ws[k] * rows[k, pl.ds(c, SC_L)]
            orow2_v[buf, pl.ds(c, SC_L)] = acc

        out_copy(t, buf, osem).start()

    gather(0, 0, gsem0).start()

    @pl.loop(0, TPW, step=2)
    def _(t):
        gather(t, 0, gsem0).wait()
        gather(t + 1, 1, gsem1).start()
        compute(t, 0, osem0)
        gather(t + 1, 1, gsem1).wait()

        @pl.when(t + 2 < TPW)
        def _():
            gather(t + 2, 0, gsem0).start()

        compute(t + 1, 1, osem1)

    out_copy(TPW - 2, 0, osem0).wait()
    out_copy(TPW - 1, 1, osem1).wait()


def _stage_b(value_embed, idx_flat, w_flat):
    mesh = plsc.VectorSubcoreMesh(core_axis_name="c", subcore_axis_name="s")
    cp = pltpu.CompilerParams()
    if "needs_layout_passes" in pltpu.CompilerParams.__dataclass_fields__:
        cp = dataclasses.replace(cp, needs_layout_passes=False)
    knl = pl.kernel(
        _gather_combine_body,
        out_type=jax.ShapeDtypeStruct((CTOK, D), jnp.float32),
        mesh=mesh,
        scratch_types=[
            pltpu.VMEM((TPW * K,), jnp.int32),
            pltpu.VMEM((TPW * K,), jnp.float32),
            pltpu.VMEM((K, SC_L), jnp.float32),
            pltpu.VMEM((2, K, D), jnp.float32),
            pltpu.VMEM((2, D), jnp.float32),
            pltpu.SemaphoreType.DMA,
            pltpu.SemaphoreType.DMA,
            pltpu.SemaphoreType.DMA,
            pltpu.SemaphoreType.DMA,
        ],
        compiler_params=cp,
    )
    return knl(value_embed, idx_flat, w_flat)



CB = 512


def _conf_body(o_ref, w1t_ref, b1_ref, w2t_ref, b2_ref, c_ref):
    h = jnp.maximum(
        jnp.dot(o_ref[...], w1t_ref[...],
                preferred_element_type=jnp.float32) + b1_ref[...], 0.0)
    z = (jnp.dot(h, w2t_ref[...], preferred_element_type=jnp.float32)
         + b2_ref[...])
    c_ref[...] = 1.0 / (1.0 + jnp.exp(-z))


def _stage_c(out_flat, w1t, b12, w2t, b22, interpret=False):
    return pl.pallas_call(
        _conf_body,
        grid=(NTOK // CB,),
        in_specs=[
            pl.BlockSpec((CB, D), lambda t: (t, 0)),
            pl.BlockSpec((D, D // 2), lambda t: (0, 0)),
            pl.BlockSpec((1, D // 2), lambda t: (0, 0)),
            pl.BlockSpec((D // 2, 1), lambda t: (0, 0)),
            pl.BlockSpec((1, 1), lambda t: (0, 0)),
        ],
        out_specs=pl.BlockSpec((CB, 1), lambda t: (t, 0)),
        out_shape=jax.ShapeDtypeStruct((NTOK, 1), jnp.float32),
        compiler_params=pltpu.CompilerParams(
            dimension_semantics=("parallel",)),
        interpret=interpret,
    )(out_flat, w1t, b12, w2t, b22)



def kernel(x, Wq, bq, key_embed, value_embed, W1, b1, W2, b2,
           access_counts, success_counts):
    B, S, _ = x.shape
    xf = x.reshape(B * S, D)
    wqt = Wq.T
    kt = key_embed.T
    bq2 = bq.reshape(1, D)
    ac2 = access_counts.reshape(1, NK)
    su2 = success_counts.reshape(1, NK)
    ws, idxs, outs = [], [], []
    for c in range(NCHUNK):
        w_c, i_c = _stage_a(xf[c * CTOK:(c + 1) * CTOK], wqt, bq2, kt,
                            ac2, su2)
        ws.append(w_c)
        idxs.append(i_c)
    for c in range(NCHUNK):
        outs.append(_stage_b(value_embed, idxs[c].reshape(-1),
                             ws[c].reshape(-1)))
    out_flat = jnp.concatenate(outs, axis=0)
    indices = jnp.concatenate(idxs, axis=0)
    conf = _stage_c(out_flat, W1.T, b1.reshape(1, D // 2), W2.T,
                    b2.reshape(1, 1))
    return (out_flat.reshape(B, S, D), conf.reshape(B, S, 1),
            indices.reshape(B, S, K))

# --- scband reference (transcript-rebuilt; emitter-appended) ---
"""Pipeline reference for scband-bstar-memory-37950331028263 (READ-ONLY COPY).

The authoritative reference and input builder live on the scoring server;
editing this copy changes nothing except your own understanding.
"""

import jax, jax.numpy as jnp
import numpy as np

DIM = 1024
NUM_KEYS = 16384
TOPK = 32
TEMPERATURE = 1.0
EXPLORATION_RATE = 0.1


def setup_inputs(seed: int = 0) -> dict:
    key = jax.random.key(seed)
    ks = jax.random.split(key, 6)
    x = jax.random.normal(ks[0], (2, 2048, DIM), dtype=jnp.float32)
    # learned parameters (init mirrors the torch module)
    key_embed = 0.02 * jax.random.normal(ks[1], (NUM_KEYS, DIM), dtype=jnp.float32)
    value_embed = 0.02 * jax.random.normal(ks[2], (NUM_KEYS, DIM), dtype=jnp.float32)
    Wq = 0.02 * jax.random.normal(ks[3], (DIM, DIM), dtype=jnp.float32)
    bq = jnp.zeros((DIM,), dtype=jnp.float32)
    W1 = jax.random.normal(ks[4], (DIM // 2, DIM), dtype=jnp.float32) / np.sqrt(DIM)
    b1 = jnp.zeros((DIM // 2,), dtype=jnp.float32)
    W2 = jax.random.normal(ks[5], (1, DIM // 2), dtype=jnp.float32) / np.sqrt(DIM // 2)
    b2 = jnp.zeros((1,), dtype=jnp.float32)
    # non-trainable buffers (zeros at init)
    access_counts = jnp.zeros((NUM_KEYS,), dtype=jnp.float32)
    success_counts = jnp.zeros((NUM_KEYS,), dtype=jnp.float32)
    return {"x": x, "Wq": Wq, "bq": bq, "key_embed": key_embed,
            "value_embed": value_embed, "W1": W1, "b1": b1, "W2": W2, "b2": b2,
            "access_counts": access_counts, "success_counts": success_counts}


def reference(x, Wq, bq, key_embed, value_embed, W1, b1, W2, b2,
              access_counts, success_counts):
    # query projection
    query = x @ Wq.T + bq
    # memory scores
    memory_scores = (query @ key_embed.T) / np.sqrt(DIM)
    # exploration scores from buffers
    success_rate = success_counts / (access_counts + 1e-10)
    exploration_score = 1.0 / (access_counts + 1.0)
    exploration_scores = (1.0 - EXPLORATION_RATE) * success_rate + EXPLORATION_RATE * exploration_score
    memory_scores = memory_scores + EXPLORATION_RATE * exploration_scores
    # top-k selection
    scores, indices = jax.lax.top_k(memory_scores, TOPK)
    weights = jax.nn.softmax(scores / TEMPERATURE, axis=-1)
    # gather values: [B, S, topk, dim]
    values = jnp.take(value_embed, indices, axis=0)
    # weighted sum over topk
    output = jnp.einsum('bsk,bskd->bsd', weights, values)
    # confidence head
    h = jax.nn.relu(output @ W1.T + b1)
    confidence = jax.nn.sigmoid(h @ W2.T + b2)
    return output, confidence, indices

if __name__ == "__main__":
    import jax
    _d = setup_inputs()
    print(jax.jit(kernel)(*tuple(_d.values())))

</pallas_src>

<mosaic_0001>
#map = affine_map<(d0, d1) -> (0, 0)>
#map1 = affine_map<(d0, d1) -> (0)>
module attributes {stable_mosaic.version = 14 : i64} {
  func.func @_gather_combine_body(%arg0: i32, %arg1: i32, %arg2: memref<16384x1024xf32, #tpu.memory_space<hbm>>, %arg3: memref<65536xi32, #tpu.memory_space<hbm>>, %arg4: memref<65536xf32, #tpu.memory_space<hbm>>, %arg5: memref<2048x1024xf32, #tpu.memory_space<hbm>>, %arg6: memref<2048xi32, #tpu.memory_space<vmem>>, %arg7: memref<2048xf32, #tpu.memory_space<vmem>>, %arg8: memref<32x16xf32, #tpu.memory_space<vmem>>, %arg9: memref<2x32x1024xf32, #tpu.memory_space<vmem>>, %arg10: memref<2x1024xf32, #tpu.memory_space<vmem>>, %arg11: memref<!tpu.dma_semaphore, #tpu.memory_space<semaphore_mem>>, %arg12: memref<!tpu.dma_semaphore, #tpu.memory_space<semaphore_mem>>, %arg13: memref<!tpu.dma_semaphore, #tpu.memory_space<semaphore_mem>>, %arg14: memref<!tpu.dma_semaphore, #tpu.memory_space<semaphore_mem>>) attributes {dimension_semantics = [#tpu.dimension_semantics<core_parallel>, #tpu.dimension_semantics<subcore_parallel>], iteration_bounds = array<i64: 2, 16>, scalar_prefetch = 0 : i64, scratch_operands = 9 : i64, tpu.core_type = #tpu.core_type<sc_vector_subcore>, window_params = [{transform_indices = #map}, {transform_indices = #map1}, {transform_indices = #map1}, {transform_indices = #map}]} {
    %mul3A = arith.constant 2 : i32
    %mul3A_0 = arith.muli %arg1, %mul3A : i32
    %add3A = arith.addi %mul3A_0, %arg0 : i32
    %mul3A_1 = arith.constant 64 : i32
    %mul3A_2 = arith.muli %add3A, %mul3A_1 : i32
    %mul3A_3 = arith.constant 32 : i32
    %mul3A_4 = arith.muli %mul3A_2, %mul3A_3 : i32
    "tpu.region"() ({
      %run_scoped3A = tpu.sem_alloc : memref<!tpu.dma_semaphore, #tpu.memory_space<semaphore_mem>>
      %dma_start3A_49 = tpu.memref_slice %arg3[%mul3A_4] : memref<65536xi32, #tpu.memory_space<hbm>> -> memref<2048xi32, #tpu.memory_space<hbm>>
      %dma_start3A_50 = tpu.memref_slice %arg3[%mul3A_4] : memref<65536xi32, #tpu.memory_space<hbm>> -> memref<2048xi32, #tpu.memory_space<hbm>>
      tpu.enqueue_dma source(%dma_start3A_50 : memref<2048xi32, #tpu.memory_space<hbm>>) target(%arg6 : memref<2048xi32, #tpu.memory_space<vmem>>) target_semaphore(%run_scoped3A : memref<!tpu.dma_semaphore, #tpu.memory_space<semaphore_mem>>)
      %dma_wait3A_51 = tpu.memref_slice %arg3[%mul3A_4] : memref<65536xi32, #tpu.memory_space<hbm>> -> memref<2048xi32, #tpu.memory_space<hbm>>
      %dma_wait3A_52 = tpu.memref_slice %arg3[%mul3A_4] : memref<65536xi32, #tpu.memory_space<hbm>> -> memref<2048xi32, #tpu.memory_space<hbm>>
      tpu.wait_dma2 semaphore(%run_scoped3A : memref<!tpu.dma_semaphore, #tpu.memory_space<semaphore_mem>>) src(%dma_wait3A_52 : memref<2048xi32, #tpu.memory_space<hbm>>) dst(%arg6 : memref<2048xi32, #tpu.memory_space<vmem>>)
      tpu.yield
    }) : () -> ()
    %mul3A_5 = arith.constant 32 : i32
    %mul3A_6 = arith.muli %mul3A_2, %mul3A_5 : i32
    "tpu.region"() ({
      %run_scoped3A = tpu.sem_alloc : memref<!tpu.dma_semaphore, #tpu.memory_space<semaphore_mem>>
      %dma_start3A_49 = tpu.memref_slice %arg4[%mul3A_6] : memref<65536xf32, #tpu.memory_space<hbm>> -> memref<2048xf32, #tpu.memory_space<hbm>>
      %dma_start3A_50 = tpu.memref_slice %arg4[%mul3A_6] : memref<65536xf32, #tpu.memory_space<hbm>> -> memref<2048xf32, #tpu.memory_space<hbm>>
      tpu.enqueue_dma source(%dma_start3A_50 : memref<2048xf32, #tpu.memory_space<hbm>>) target(%arg7 : memref<2048xf32, #tpu.memory_space<vmem>>) target_semaphore(%run_scoped3A : memref<!tpu.dma_semaphore, #tpu.memory_space<semaphore_mem>>)
      %dma_wait3A_51 = tpu.memref_slice %arg4[%mul3A_6] : memref<65536xf32, #tpu.memory_space<hbm>> -> memref<2048xf32, #tpu.memory_space<hbm>>
      %dma_wait3A_52 = tpu.memref_slice %arg4[%mul3A_6] : memref<65536xf32, #tpu.memory_space<hbm>> -> memref<2048xf32, #tpu.memory_space<hbm>>
      tpu.wait_dma2 semaphore(%run_scoped3A : memref<!tpu.dma_semaphore, #tpu.memory_space<semaphore_mem>>) src(%dma_wait3A_52 : memref<2048xf32, #tpu.memory_space<hbm>>) dst(%arg7 : memref<2048xf32, #tpu.memory_space<vmem>>)
      tpu.yield
    }) : () -> ()
    %dma_start3A = arith.constant 0 : i32
    %dma_start3A_7 = arith.constant 0 : i32
    %dma_start3A_8 = arith.constant 0 : i32
    %dma_start3A_9 = tpu.memref_slice %arg9[%dma_start3A, %dma_start3A_7, %dma_start3A_8] : memref<2x32x1024xf32, #tpu.memory_space<vmem>> -> memref<1x32x1024xf32, #tpu.memory_space<vmem>>
    %dma_start3A_10 = tpu.memref_squeeze %dma_start3A_9 : memref<1x32x1024xf32, #tpu.memory_space<vmem>> -> memref<32x1024xf32, #tpu.memory_space<vmem>>
    %dma_start3A_11 = arith.constant 0 : i32
    %dma_start3A_12 = tpu.memref_slice %arg6[%dma_start3A_11] : memref<2048xi32, #tpu.memory_space<vmem>> -> memref<32xi32, #tpu.memory_space<vmem>>
    %dma_start3A_13 = arith.constant 0 : i32
    %dma_start3A_14 = arith.constant 0 : i32
    %dma_start3A_15 = tpu.memref_slice %arg2[%dma_start3A_13, %dma_start3A_14] : memref<16384x1024xf32, #tpu.memory_space<hbm>> -> memref<16384x1024xf32, #tpu.memory_space<hbm>>
    tpu.enqueue_indirect_dma source(%dma_start3A_15 : memref<16384x1024xf32, #tpu.memory_space<hbm>>) target(%dma_start3A_10 : memref<32x1024xf32, #tpu.memory_space<vmem>>) offsets(%dma_start3A_12 : memref<32xi32, #tpu.memory_space<vmem>>) semaphore(%arg11 : memref<!tpu.dma_semaphore, #tpu.memory_space<semaphore_mem>>)
    %scan3A = arith.constant 0 : i32
    %scan3A_16 = arith.constant 32 : i32
    %scan3A_17 = arith.addi %scan3A, %scan3A_16 : i32
    %scan3A_18 = arith.constant 1 : i32
    scf.for %scan3A_49 = %scan3A to %scan3A_17 step %scan3A_18  : i32 {
      %mul3A_50 = arith.constant 2 : i32
      %mul3A_51 = arith.muli %scan3A_49, %mul3A_50 : i32
      %add3A_52 = arith.constant 0 : i32
      %add3A_53 = arith.addi %add3A_52, %mul3A_51 : i32
      %mul3A_54 = arith.constant 32 : i32
      %mul3A_55 = arith.muli %add3A_53, %mul3A_54 : i32
      %dma_wait3A_56 = arith.constant 0 : i32
      %dma_wait3A_57 = arith.constant 0 : i32
      %dma_wait3A_58 = arith.constant 0 : i32
      %dma_wait3A_59 = tpu.memref_slice %arg9[%dma_wait3A_56, %dma_wait3A_57, %dma_wait3A_58] : memref<2x32x1024xf32, #tpu.memory_space<vmem>> -> memref<1x32x1024xf32, #tpu.memory_space<vmem>>
      %dma_wait3A_60 = tpu.memref_squeeze %dma_wait3A_59 : memref<1x32x1024xf32, #tpu.memory_space<vmem>> -> memref<32x1024xf32, #tpu.memory_space<vmem>>
      %dma_wait3A_61 = tpu.memref_slice %arg6[%mul3A_55] : memref<2048xi32, #tpu.memory_space<vmem>> -> memref<32xi32, #tpu.memory_space<vmem>>
      %dma_wait3A_62 = arith.constant 0 : i32
      %dma_wait3A_63 = arith.constant 0 : i32
      %dma_wait3A_64 = tpu.memref_slice %arg2[%dma_wait3A_62, %dma_wait3A_63] : memref<16384x1024xf32, #tpu.memory_space<hbm>> -> memref<16384x1024xf32, #tpu.memory_space<hbm>>
      tpu.wait_indirect_dma semaphore(%arg11 : memref<!tpu.dma_semaphore, #tpu.memory_space<semaphore_mem>>) src(%dma_wait3A_64 : memref<16384x1024xf32, #tpu.memory_space<hbm>>) dst(%dma_wait3A_60 : memref<32x1024xf32, #tpu.memory_space<vmem>>)
      %add3A_65 = arith.constant 1 : i32
      %add3A_66 = arith.addi %add3A_53, %add3A_65 : i32
      %mul3A_67 = arith.constant 32 : i32
      %mul3A_68 = arith.muli %add3A_66, %mul3A_67 : i32
      %dma_start3A_69 = arith.constant 1 : i32
      %dma_start3A_70 = arith.constant 0 : i32
      %dma_start3A_71 = arith.constant 0 : i32
      %dma_start3A_72 = tpu.memref_slice %arg9[%dma_start3A_69, %dma_start3A_70, %dma_start3A_71] : memref<2x32x1024xf32, #tpu.memory_space<vmem>> -> memref<1x32x1024xf32, #tpu.memory_space<vmem>>
      %dma_start3A_73 = tpu.memref_squeeze %dma_start3A_72 : memref<1x32x1024xf32, #tpu.memory_space<vmem>> -> memref<32x1024xf32, #tpu.memory_space<vmem>>
      %dma_start3A_74 = tpu.memref_slice %arg6[%mul3A_68] : memref<2048xi32, #tpu.memory_space<vmem>> -> memref<32xi32, #tpu.memory_space<vmem>>
      %dma_start3A_75 = arith.constant 0 : i32
      %dma_start3A_76 = arith.constant 0 : i32
      %dma_start3A_77 = tpu.memref_slice %arg2[%dma_start3A_75, %dma_start3A_76] : memref<16384x1024xf32, #tpu.memory_space<hbm>> -> memref<16384x1024xf32, #tpu.memory_space<hbm>>
      tpu.enqueue_indirect_dma source(%dma_start3A_77 : memref<16384x1024xf32, #tpu.memory_space<hbm>>) target(%dma_start3A_73 : memref<32x1024xf32, #tpu.memory_space<vmem>>) offsets(%dma_start3A_74 : memref<32xi32, #tpu.memory_space<vmem>>) semaphore(%arg12 : memref<!tpu.dma_semaphore, #tpu.memory_space<semaphore_mem>>)
      %mul3A_78 = arith.constant 32 : i32
      %mul3A_79 = arith.muli %add3A_53, %mul3A_78 : i32
      %scan3A_80 = arith.constant 0 : i32
      %scan3A_81 = arith.constant 32 : i32
      %scan3A_82 = arith.addi %scan3A_80, %scan3A_81 : i32
      %scan3A_83 = arith.constant 1 : i32
      scf.for %scan3A_415 = %scan3A_80 to %scan3A_82 step %scan3A_83  : i32 {
        %mul3A_416 = arith.constant 1 : i32
        %mul3A_417 = arith.muli %scan3A_415, %mul3A_416 : i32
        %add3A_418 = arith.constant 0 : i32
        %add3A_419 = arith.addi %add3A_418, %mul3A_417 : i32
        %add3A_420 = arith.addi %mul3A_79, %add3A_419 : i32
        %broadcast_in_dim3A = arith.constant 0 : i32
        %broadcast_in_dim3A_421 = vector.broadcast %broadcast_in_dim3A : i32 to vector<16xi32>
        %add3A_422 = vector.broadcast %add3A_420 : i32 to vector<16xi32>
        %add3A_423 = arith.addi %add3A_422, %broadcast_in_dim3A_421 : vector<16xi32>
        %gather3A = tpu.vector_load_idx %arg7[%add3A_423] : memref<2048xf32, #tpu.memory_space<vmem>>[vector<16xi32>], vector<16xf32>,
        %swap3A = arith.index_cast %add3A_419 : i32 to index
        %swap3A_424 = arith.constant 0 : index
        %swap3A_425 = tpu.vector_load %arg8[%swap3A, %swap3A_424] {strides = array<i32>} : memref<32x16xf32, #tpu.memory_space<vmem>>, vector<16xf32>,
        tpu.vector_store %arg8[%swap3A, %swap3A_424], %gather3A {strides = array<i32>} : memref<32x16xf32, #tpu.memory_space<vmem>>, vector<16xf32>,
      }
      %scan3A_84 = arith.constant 32 : i32
      %get3A = arith.constant 0 : i32
      %get3A_85 = arith.index_cast %get3A : i32 to index
      %get3A_86 = arith.constant 0 : index
      %get3A_87 = tpu.vector_load %arg8[%get3A_85, %get3A_86] {strides = array<i32>} : memref<32x16xf32, #tpu.memory_space<vmem>>, vector<16xf32>,
      %get3A_88 = arith.constant 1 : i32
      %get3A_89 = arith.index_cast %get3A_88 : i32 to index
      %get3A_90 = arith.constant 0 : index
      %get3A_91 = tpu.vector_load %arg8[%get3A_89, %get3A_90] {strides = array<i32>} : memref<32x16xf32, #tpu.memory_space<vmem>>, vector<16xf32>,
      %get3A_92 = arith.constant 2 : i32
      %get3A_93 = arith.index_cast %get3A_92 : i32 to index
      %get3A_94 = arith.constant 0 : index
      %get3A_95 = tpu.vector_load %arg8[%get3A_93, %get3A_94] {strides = array<i32>} : memref<32x16xf32, #tpu.memory_space<vmem>>, vector<16xf32>,
      %get3A_96 = arith.constant 3 : i32
      %get3A_97 = arith.index_cast %get3A_96 : i32 to index
      %get3A_98 = arith.constant 0 : index
      %get3A_99 = tpu.vector_load %arg8[%get3A_97, %get3A_98] {strides = array<i32>} : memref<32x16xf32, #tpu.memory_space<vmem>>, vector<16xf32>,
      %get3A_100 = arith.constant 4 : i32
      %get3A_101 = arith.index_cast %get3A_100 : i32 to index
      %get3A_102 = arith.constant 0 : index
      %get3A_103 = tpu.vector_load %arg8[%get3A_101, %get3A_102] {strides = array<i32>} : memref<32x16xf32, #tpu.memory_space<vmem>>, vector<16xf32>,
      %get3A_104 = arith.constant 5 : i32
      %get3A_105 = arith.index_cast %get3A_104 : i32 to index
      %get3A_106 = arith.constant 0 : index
      %get3A_107 = tpu.vector_load %arg8[%get3A_105, %get3A_106] {strides = array<i32>} : memref<32x16xf32, #tpu.memory_space<vmem>>, vector<16xf32>,
      %get3A_108 = arith.constant 6 : i32
      %get3A_109 = arith.index_cast %get3A_108 : i32 to index
      %get3A_110 = arith.constant 0 : index
      %get3A_111 = tpu.vector_load %arg8[%get3A_109, %get3A_110] {strides = array<i32>} : memref<32x16xf32, #tpu.memory_space<vmem>>, vector<16xf32>,
      %get3A_112 = arith.constant 7 : i32
      %get3A_113 = arith.index_cast %get3A_112 : i32 to index
      %get3A_114 = arith.constant 0 : index
      %get3A_115 = tpu.vector_load %arg8[%get3A_113, %get3A_114] {strides = array<i32>} : memref<32x16xf32, #tpu.memory_space<vmem>>, vector<16xf32>,
      %get3A_116 = arith.constant 8 : i32
      %get3A_117 = arith.index_cast %get3A_116 : i32 to index
      %get3A_118 = arith.constant 0 : index
      %get3A_119 = tpu.vector_load %arg8[%get3A_117, %get3A_118] {strides = array<i32>} : memref<32x16xf32, #tpu.memory_space<vmem>>, vector<16xf32>,
      %get3A_120 = arith.constant 9 : i32
      %get3A_121 = arith.index_cast %get3A_120 : i32 to index
      %get3A_122 = arith.constant 0 : index
      %get3A_123 = tpu.vector_load %arg8[%get3A_121, %get3A_122] {strides = array<i32>} : memref<32x16xf32, #tpu.memory_space<vmem>>, vector<16xf32>,
      %get3A_124 = arith.constant 10 : i32
      %get3A_125 = arith.index_cast %get3A_124 : i32 to index
      %get3A_126 = arith.constant 0 : index
      %get3A_127 = tpu.vector_load %arg8[%get3A_125, %get3A_126] {strides = array<i32>} : memref<32x16xf32, #tpu.memory_space<vmem>>, vector<16xf32>,
      %get3A_128 = arith.constant 11 : i32
      %get3A_129 = arith.index_cast %get3A_128 : i32 to index
      %get3A_130 = arith.constant 0 : index
      %get3A_131 = tpu.vector_load %arg8[%get3A_129, %get3A_130] {strides = array<i32>} : memref<32x16xf32, #tpu.memory_space<vmem>>, vector<16xf32>,
      %get3A_132 = arith.constant 12 : i32
      %get3A_133 = arith.index_cast %get3A_132 : i32 to index
      %get3A_134 = arith.constant 0 : index
      %get3A_135 = tpu.vector_load %arg8[%get3A_133, %get3A_134] {strides = array<i32>} : memref<32x16xf32, #tpu.memory_space<vmem>>, vector<16xf32>,
      %get3A_136 = arith.constant 13 : i32
      %get3A_137 = arith.index_cast %get3A_136 : i32 to index
      %get3A_138 = arith.constant 0 : index
      %get3A_139 = tpu.vector_load %arg8[%get3A_137, %get3A_138] {strides = array<i32>} : memref<32x16xf32, #tpu.memory_space<vmem>>, vector<16xf32>,
      %get3A_140 = arith.constant 14 : i32
      %get3A_141 = arith.index_cast %get3A_140 : i32 to index
      %get3A_142 = arith.constant 0 : index
      %get3A_143 = tpu.vector_load %arg8[%get3A_141, %get3A_142] {strides = array<i32>} : memref<32x16xf32, #tpu.memory_space<vmem>>, vector<16xf32>,
      %get3A_144 = arith.constant 15 : i32
      %get3A_145 = arith.index_cast %get3A_144 : i32 to index
      %get3A_146 = arith.constant 0 : index
      %get3A_147 = tpu.vector_load %arg8[%get3A_145, %get3A_146] {strides = array<i32>} : memref<32x16xf32, #tpu.memory_space<vmem>>, vector<16xf32>,
      %get3A_148 = arith.constant 16 : i32
      %get3A_149 = arith.index_cast %get3A_148 : i32 to index
      %get3A_150 = arith.constant 0 : index
      %get3A_151 = tpu.vector_load %arg8[%get3A_149, %get3A_150] {strides = array<i32>} : memref<32x16xf32, #tpu.memory_space<vmem>>, vector<16xf32>,
      %get3A_152 = arith.constant 17 : i32
      %get3A_153 = arith.index_cast %get3A_152 : i32 to index
      %get3A_154 = arith.constant 0 : index
      %get3A_155 = tpu.vector_load %arg8[%get3A_153, %get3A_154] {strides = array<i32>} : memref<32x16xf32, #tpu.memory_space<vmem>>, vector<16xf32>,
      %get3A_156 = arith.constant 18 : i32
      %get3A_157 = arith.index_cast %get3A_156 : i32 to index
      %get3A_158 = arith.constant 0 : index
      %get3A_159 = tpu.vector_load %arg8[%get3A_157, %get3A_158] {strides = array<i32>} : memref<32x16xf32, #tpu.memory_space<vmem>>, vector<16xf32>,
      %get3A_160 = arith.constant 19 : i32
      %get3A_161 = arith.index_cast %get3A_160 : i32 to index
      %get3A_162 = arith.constant 0 : index
      %get3A_163 = tpu.vector_load %arg8[%get3A_161, %get3A_162] {strides = array<i32>} : memref<32x16xf32, #tpu.memory_space<vmem>>, vector<16xf32>,
      %get3A_164 = arith.constant 20 : i32
      %get3A_165 = arith.index_cast %get3A_164 : i32 to index
      %get3A_166 = arith.constant 0 : index
      %get3A_167 = tpu.vector_load %arg8[%get3A_165, %get3A_166] {strides = array<i32>} : memref<32x16xf32, #tpu.memory_space<vmem>>, vector<16xf32>,
      %get3A_168 = arith.constant 21 : i32
      %get3A_169 = arith.index_cast %get3A_168 : i32 to index
      %get3A_170 = arith.constant 0 : index
      %get3A_171 = tpu.vector_load %arg8[%get3A_169, %get3A_170] {strides = array<i32>} : memref<32x16xf32, #tpu.memory_space<vmem>>, vector<16xf32>,
      %get3A_172 = arith.constant 22 : i32
      %get3A_173 = arith.index_cast %get3A_172 : i32 to index
      %get3A_174 = arith.constant 0 : index
      %get3A_175 = tpu.vector_load %arg8[%get3A_173, %get3A_174] {strides = array<i32>} : memref<32x16xf32, #tpu.memory_space<vmem>>, vector<16xf32>,
      %get3A_176 = arith.constant 23 : i32
      %get3A_177 = arith.index_cast %get3A_176 : i32 to index
      %get3A_178 = arith.constant 0 : index
      %get3A_179 = tpu.vector_load %arg8[%get3A_177, %get3A_178] {strides = array<i32>} : memref<32x16xf32, #tpu.memory_space<vmem>>, vector<16xf32>,
      %get3A_180 = arith.constant 24 : i32
      %get3A_181 = arith.index_cast %get3A_180 : i32 to index
      %get3A_182 = arith.constant 0 : index
      %get3A_183 = tpu.vector_load %arg8[%get3A_181, %get3A_182] {strides = array<i32>} : memref<32x16xf32, #tpu.memory_space<vmem>>, vector<16xf32>,
      %get3A_184 = arith.constant 25 : i32
      %get3A_185 = arith.index_cast %get3A_184 : i32 to index
      %get3A_186 = arith.constant 0 : index
      %get3A_187 = tpu.vector_load %arg8[%get3A_185, %get3A_186] {strides = array<i32>} : memref<32x16xf32, #tpu.memory_space<vmem>>, vector<16xf32>,
      %get3A_188 = arith.constant 26 : i32
      %get3A_189 = arith.index_cast %get3A_188 : i32 to index
      %get3A_190 = arith.constant 0 : index
      %get3A_191 = tpu.vector_load %arg8[%get3A_189, %get3A_190] {strides = array<i32>} : memref<32x16xf32, #tpu.memory_space<vmem>>, vector<16xf32>,
      %get3A_192 = arith.constant 27 : i32
      %get3A_193 = arith.index_cast %get3A_192 : i32 to index
      %get3A_194 = arith.constant 0 : index
      %get3A_195 = tpu.vector_load %arg8[%get3A_193, %get3A_194] {strides = array<i32>} : memref<32x16xf32, #tpu.memory_space<vmem>>, vector<16xf32>,
      %get3A_196 = arith.constant 28 : i32
      %get3A_197 = arith.index_cast %get3A_196 : i32 to index
      %get3A_198 = arith.constant 0 : index
      %get3A_199 = tpu.vector_load %arg8[%get3A_197, %get3A_198] {strides = array<i32>} : memref<32x16xf32, #tpu.memory_space<vmem>>, vector<16xf32>,
      %get3A_200 = arith.constant 29 : i32
      %get3A_201 = arith.index_cast %get3A_200 : i32 to index
      %get3A_202 = arith.constant 0 : index
      %get3A_203 = tpu.vector_load %arg8[%get3A_201, %get3A_202] {strides = array<i32>} : memref<32x16xf32, #tpu.memory_space<vmem>>, vector<16xf32>,
      %get3A_204 = arith.constant 30 : i32
      %get3A_205 = arith.index_cast %get3A_204 : i32 to index
      %get3A_206 = arith.constant 0 : index
      %get3A_207 = tpu.vector_load %arg8[%get3A_205, %get3A_206] {strides = array<i32>} : memref<32x16xf32, #tpu.memory_space<vmem>>, vector<16xf32>,
      %get3A_208 = arith.constant 31 : i32
      %get3A_209 = arith.index_cast %get3A_208 : i32 to index
      %get3A_210 = arith.constant 0 : index
      %get3A_211 = tpu.vector_load %arg8[%get3A_209, %get3A_210] {strides = array<i32>} : memref<32x16xf32, #tpu.memory_space<vmem>>, vector<16xf32>,
      %ge3A = arith.constant 2 : i32
      %ge3A_212 = arith.cmpi sge, %add3A_53, %ge3A : i32
      %convert_element_type3A = arith.extui %ge3A_212 : i1 to i32
      %cond3A = arith.constant 0 : i32
      %cond3A_213 = arith.cmpi ne, %convert_element_type3A, %cond3A : i32
      scf.if %cond3A_213 {
        %sub3A = arith.constant 2 : i32
        %sub3A_415 = arith.subi %add3A_53, %sub3A : i32
        %add3A_416 = arith.addi %mul3A_2, %sub3A_415 : i32
        %dma_wait3A_417 = arith.constant 0 : i32
        %dma_wait3A_418 = arith.constant 0 : i32
        %dma_wait3A_419 = tpu.memref_slice %arg10[%dma_wait3A_417, %dma_wait3A_418] : memref<2x1024xf32, #tpu.memory_space<vmem>> -> memref<1x1024xf32, #tpu.memory_space<vmem>>
        %dma_wait3A_420 = tpu.memref_squeeze %dma_wait3A_419 : memref<1x1024xf32, #tpu.memory_space<vmem>> -> memref<1024xf32, #tpu.memory_space<vmem>>
        %dma_wait3A_421 = arith.constant 0 : i32
        %dma_wait3A_422 = tpu.memref_slice %arg5[%add3A_416, %dma_wait3A_421] : memref<2048x1024xf32, #tpu.memory_space<hbm>> -> memref<1x1024xf32, #tpu.memory_space<hbm>>
        %dma_wait3A_423 = tpu.memref_squeeze %dma_wait3A_422 : memref<1x1024xf32, #tpu.memory_space<hbm>> -> memref<1024xf32, #tpu.memory_space<hbm>>
        %dma_wait3A_424 = arith.constant 0 : i32
        %dma_wait3A_425 = tpu.memref_slice %arg5[%add3A_416, %dma_wait3A_424] : memref<2048x1024xf32, #tpu.memory_space<hbm>> -> memref<1x1024xf32, #tpu.memory_space<hbm>>
        %dma_wait3A_426 = tpu.memref_squeeze %dma_wait3A_425 : memref<1x1024xf32, #tpu.memory_space<hbm>> -> memref<1024xf32, #tpu.memory_space<hbm>>
        %dma_wait3A_427 = arith.constant 0 : i32
        %dma_wait3A_428 = tpu.memref_slice %arg10[%dma_wait3A_417, %dma_wait3A_427] : memref<2x1024xf32, #tpu.memory_space<vmem>> -> memref<1x1024xf32, #tpu.memory_space<vmem>>
        %dma_wait3A_429 = tpu.memref_squeeze %dma_wait3A_428 : memref<1x1024xf32, #tpu.memory_space<vmem>> -> memref<1024xf32, #tpu.memory_space<vmem>>
        tpu.wait_dma2 semaphore(%arg13 : memref<!tpu.dma_semaphore, #tpu.memory_space<semaphore_mem>>) src(%dma_wait3A_429 : memref<1024xf32, #tpu.memory_space<vmem>>) dst(%dma_wait3A_426 : memref<1024xf32, #tpu.memory_space<hbm>>)
      } else {
      }
      %scan3A_214 = arith.constant 0 : i32
      %scan3A_215 = arith.constant 0 : i32
      %scan3A_216 = arith.constant 64 : i32
      %scan3A_217 = arith.addi %scan3A_215, %scan3A_216 : i32
      %scan3A_218 = arith.constant 1 : i32
      scf.for %scan3A_415 = %scan3A_215 to %scan3A_217 step %scan3A_218  : i32 {
        %mul3A_416 = arith.constant 16 : i32
        %mul3A_417 = arith.muli %scan3A_415, %mul3A_416 : i32
        %add3A_418 = arith.constant 0 : i32
        %add3A_419 = arith.addi %add3A_418, %mul3A_417 : i32
        %get3A_420 = arith.constant 0 : i32
        %get3A_421 = arith.constant 0 : i32
        %get3A_422 = arith.constant 0 : i32
        %get3A_423 = tpu.memref_slice %arg9[%scan3A_214, %get3A_421, %get3A_422] : memref<2x32x1024xf32, #tpu.memory_space<vmem>> -> memref<1x32x1024xf32, #tpu.memory_space<vmem>>
        %get3A_424 = tpu.memref_squeeze %get3A_423 : memref<1x32x1024xf32, #tpu.memory_space<vmem>> -> memref<32x1024xf32, #tpu.memory_space<vmem>>
        %get3A_425 = arith.index_cast %get3A_420 : i32 to index
        %get3A_426 = arith.index_cast %add3A_419 : i32 to index
        %get3A_427 = tpu.vector_load %get3A_424[%get3A_425, %get3A_426] {strides = array<i32>} : memref<32x1024xf32, #tpu.memory_space<vmem>>, vector<16xf32>,
        %mul3A_428 = arith.mulf %get3A_87, %get3A_427 : vector<16xf32>
        %get3A_429 = arith.constant 1 : i32
        %get3A_430 = arith.constant 0 : i32
        %get3A_431 = arith.constant 0 : i32
        %get3A_432 = tpu.memref_slice %arg9[%scan3A_214, %get3A_430, %get3A_431] : memref<2x32x1024xf32, #tpu.memory_space<vmem>> -> memref<1x32x1024xf32, #tpu.memory_space<vmem>>
        %get3A_433 = tpu.memref_squeeze %get3A_432 : memref<1x32x1024xf32, #tpu.memory_space<vmem>> -> memref<32x1024xf32, #tpu.memory_space<vmem>>
        %get3A_434 = arith.index_cast %get3A_429 : i32 to index
        %get3A_435 = arith.index_cast %add3A_419 : i32 to index
        %get3A_436 = tpu.vector_load %get3A_433[%get3A_434, %get3A_435] {strides = array<i32>} : memref<32x1024xf32, #tpu.memory_space<vmem>>, vector<16xf32>,
        %mul3A_437 = arith.mulf %get3A_91, %get3A_436 : vector<16xf32>
        %add3A_438 = arith.addf %mul3A_428, %mul3A_437 : vector<16xf32>
        %get3A_439 = arith.constant 2 : i32
        %get3A_440 = arith.constant 0 : i32
        %get3A_441 = arith.constant 0 : i32
        %get3A_442 = tpu.memref_slice %arg9[%scan3A_214, %get3A_440, %get3A_441] : memref<2x32x1024xf32, #tpu.memory_space<vmem>> -> memref<1x32x1024xf32, #tpu.memory_space<vmem>>
        %get3A_443 = tpu.memref_squeeze %get3A_442 : memref<1x32x1024xf32, #tpu.memory_space<vmem>> -> memref<32x1024xf32, #tpu.memory_space<vmem>>
        %get3A_444 = arith.index_cast %get3A_439 : i32 to index
        %get3A_445 = arith.index_cast %add3A_419 : i32 to index
        %get3A_446 = tpu.vector_load %get3A_443[%get3A_444, %get3A_445] {strides = array<i32>} : memref<32x1024xf32, #tpu.memory_space<vmem>>, vector<16xf32>,
        %mul3A_447 = arith.mulf %get3A_95, %get3A_446 : vector<16xf32>
        %add3A_448 = arith.addf %add3A_438, %mul3A_447 : vector<16xf32>
        %get3A_449 = arith.constant 3 : i32
        %get3A_450 = arith.constant 0 : i32
        %get3A_451 = arith.constant 0 : i32
        %get3A_452 = tpu.memref_slice %arg9[%scan3A_214, %get3A_450, %get3A_451] : memref<2x32x1024xf32, #tpu.memory_space<vmem>> -> memref<1x32x1024xf32, #tpu.memory_space<vmem>>
        %get3A_453 = tpu.memref_squeeze %get3A_452 : memref<1x32x1024xf32, #tpu.memory_space<vmem>> -> memref<32x1024xf32, #tpu.memory_space<vmem>>
        %get3A_454 = arith.index_cast %get3A_449 : i32 to index
        %get3A_455 = arith.index_cast %add3A_419 : i32 to index
        %get3A_456 = tpu.vector_load %get3A_453[%get3A_454, %get3A_455] {strides = array<i32>} : memref<32x1024xf32, #tpu.memory_space<vmem>>, vector<16xf32>,
        %mul3A_457 = arith.mulf %get3A_99, %get3A_456 : vector<16xf32>
        %add3A_458 = arith.addf %add3A_448, %mul3A_457 : vector<16xf32>
        %get3A_459 = arith.constant 4 : i32
        %get3A_460 = arith.constant 0 : i32
        %get3A_461 = arith.constant 0 : i32
        %get3A_462 = tpu.memref_slice %arg9[%scan3A_214, %get3A_460, %get3A_461] : memref<2x32x1024xf32, #tpu.memory_space<vmem>> -> memref<1x32x1024xf32, #tpu.memory_space<vmem>>
        %get3A_463 = tpu.memref_squeeze %get3A_462 : memref<1x32x1024xf32, #tpu.memory_space<vmem>> -> memref<32x1024xf32, #tpu.memory_space<vmem>>
        %get3A_464 = arith.index_cast %get3A_459 : i32 to index
        %get3A_465 = arith.index_cast %add3A_419 : i32 to index
        %get3A_466 = tpu.vector_load %get3A_463[%get3A_464, %get3A_465] {strides = array<i32>} : memref<32x1024xf32, #tpu.memory_space<vmem>>, vector<16xf32>,
        %mul3A_467 = arith.mulf %get3A_103, %get3A_466 : vector<16xf32>
        %add3A_468 = arith.addf %add3A_458, %mul3A_467 : vector<16xf32>
        %get3A_469 = arith.constant 5 : i32
        %get3A_470 = arith.constant 0 : i32
        %get3A_471 = arith.constant 0 : i32
        %get3A_472 = tpu.memref_slice %arg9[%scan3A_214, %get3A_470, %get3A_471] : memref<2x32x1024xf32, #tpu.memory_space<vmem>> -> memref<1x32x1024xf32, #tpu.memory_space<vmem>>
        %get3A_473 = tpu.memref_squeeze %get3A_472 : memref<1x32x1024xf32, #tpu.memory_space<vmem>> -> memref<32x1024xf32, #tpu.memory_space<vmem>>
        %get3A_474 = arith.index_cast %get3A_469 : i32 to index
        %get3A_475 = arith.index_cast %add3A_419 : i32 to index
        %get3A_476 = tpu.vector_load %get3A_473[%get3A_474, %get3A_475] {strides = array<i32>} : memref<32x1024xf32, #tpu.memory_space<vmem>>, vector<16xf32>,
        %mul3A_477 = arith.mulf %get3A_107, %get3A_476 : vector<16xf32>
        %add3A_478 = arith.addf %add3A_468, %mul3A_477 : vector<16xf32>
        %get3A_479 = arith.constant 6 : i32
        %get3A_480 = arith.constant 0 : i32
        %get3A_481 = arith.constant 0 : i32
        %get3A_482 = tpu.memref_slice %arg9[%scan3A_214, %get3A_480, %get3A_481] : memref<2x32x1024xf32, #tpu.memory_space<vmem>> -> memref<1x32x1024xf32, #tpu.memory_space<vmem>>
        %get3A_483 = tpu.memref_squeeze %get3A_482 : memref<1x32x1024xf32, #tpu.memory_space<vmem>> -> memref<32x1024xf32, #tpu.memory_space<vmem>>
        %get3A_484 = arith.index_cast %get3A_479 : i32 to index
        %get3A_485 = arith.index_cast %add3A_419 : i32 to index
        %get3A_486 = tpu.vector_load %get3A_483[%get3A_484, %get3A_485] {strides = array<i32>} : memref<32x1024xf32, #tpu.memory_space<vmem>>, vector<16xf32>,
        %mul3A_487 = arith.mulf %get3A_111, %get3A_486 : vector<16xf32>
        %add3A_488 = arith.addf %add3A_478, %mul3A_487 : vector<16xf32>
        %get3A_489 = arith.constant 7 : i32
        %get3A_490 = arith.constant 0 : i32
        %get3A_491 = arith.constant 0 : i32
        %get3A_492 = tpu.memref_slice %arg9[%scan3A_214, %get3A_490, %get3A_491] : memref<2x32x1024xf32, #tpu.memory_space<vmem>> -> memref<1x32x1024xf32, #tpu.memory_space<vmem>>
        %get3A_493 = tpu.memref_squeeze %get3A_492 : memref<1x32x1024xf32, #tpu.memory_space<vmem>> -> memref<32x1024xf32, #tpu.memory_space<vmem>>
        %get3A_494 = arith.index_cast %get3A_489 : i32 to index
        %get3A_495 = arith.index_cast %add3A_419 : i32 to index
        %get3A_496 = tpu.vector_load %get3A_493[%get3A_494, %get3A_495] {strides = array<i32>} : memref<32x1024xf32, #tpu.memory_space<vmem>>, vector<16xf32>,
        %mul3A_497 = arith.mulf %get3A_115, %get3A_496 : vector<16xf32>
        %add3A_498 = arith.addf %add3A_488, %mul3A_497 : vector<16xf32>
        %get3A_499 = arith.constant 8 : i32
        %get3A_500 = arith.constant 0 : i32
        %get3A_501 = arith.constant 0 : i32
        %get3A_502 = tpu.memref_slice %arg9[%scan3A_214, %get3A_500, %get3A_501] : memref<2x32x1024xf32, #tpu.memory_space<vmem>> -> memref<1x32x1024xf32, #tpu.memory_space<vmem>>
        %get3A_503 = tpu.memref_squeeze %get3A_502 : memref<1x32x1024xf32, #tpu.memory_space<vmem>> -> memref<32x1024xf32, #tpu.memory_space<vmem>>
        %get3A_504 = arith.index_cast %get3A_499 : i32 to index
        %get3A_505 = arith.index_cast %add3A_419 : i32 to index
        %get3A_506 = tpu.vector_load %get3A_503[%get3A_504, %get3A_505] {strides = array<i32>} : memref<32x1024xf32, #tpu.memory_space<vmem>>, vector<16xf32>,
        %mul3A_507 = arith.mulf %get3A_119, %get3A_506 : vector<16xf32>
        %add3A_508 = arith.addf %add3A_498, %mul3A_507 : vector<16xf32>
        %get3A_509 = arith.constant 9 : i32
        %get3A_510 = arith.constant 0 : i32
        %get3A_511 = arith.constant 0 : i32
        %get3A_512 = tpu.memref_slice %arg9[%scan3A_214, %get3A_510, %get3A_511] : memref<2x32x1024xf32, #tpu.memory_space<vmem>> -> memref<1x32x1024xf32, #tpu.memory_space<vmem>>
        %get3A_513 = tpu.memref_squeeze %get3A_512 : memref<1x32x1024xf32, #tpu.memory_space<vmem>> -> memref<32x1024xf32, #tpu.memory_space<vmem>>
        %get3A_514 = arith.index_cast %get3A_509 : i32 to index
        %get3A_515 = arith.index_cast %add3A_419 : i32 to index
        %get3A_516 = tpu.vector_load %get3A_513[%get3A_514, %get3A_515] {strides = array<i32>} : memref<32x1024xf32, #tpu.memory_space<vmem>>, vector<16xf32>,
        %mul3A_517 = arith.mulf %get3A_123, %get3A_516 : vector<16xf32>
        %add3A_518 = arith.addf %add3A_508, %mul3A_517 : vector<16xf32>
        %get3A_519 = arith.constant 10 : i32
        %get3A_520 = arith.constant 0 : i32
        %get3A_521 = arith.constant 0 : i32
        %get3A_522 = tpu.memref_slice %arg9[%scan3A_214, %get3A_520, %get3A_521] : memref<2x32x1024xf32, #tpu.memory_space<vmem>> -> memref<1x32x1024xf32, #tpu.memory_space<vmem>>
        %get3A_523 = tpu.memref_squeeze %get3A_522 : memref<1x32x1024xf32, #tpu.memory_space<vmem>> -> memref<32x1024xf32, #tpu.memory_space<vmem>>
        %get3A_524 = arith.index_cast %get3A_519 : i32 to index
        %get3A_525 = arith.index_cast %add3A_419 : i32 to index
        %get3A_526 = tpu.vector_load %get3A_523[%get3A_524, %get3A_525] {strides = array<i32>} : memref<32x1024xf32, #tpu.memory_space<vmem>>, vector<16xf32>,
        %mul3A_527 = arith.mulf %get3A_127, %get3A_526 : vector<16xf32>
        %add3A_528 = arith.addf %add3A_518, %mul3A_527 : vector<16xf32>
        %get3A_529 = arith.constant 11 : i32
        %get3A_530 = arith.constant 0 : i32
        %get3A_531 = arith.constant 0 : i32
        %get3A_532 = tpu.memref_slice %arg9[%scan3A_214, %get3A_530, %get3A_531] : memref<2x32x1024xf32, #tpu.memory_space<vmem>> -> memref<1x32x1024xf32, #tpu.memory_space<vmem>>
        %get3A_533 = tpu.memref_squeeze %get3A_532 : memref<1x32x1024xf32, #tpu.memory_space<vmem>> -> memref<32x1024xf32, #tpu.memory_space<vmem>>
        %get3A_534 = arith.index_cast %get3A_529 : i32 to index
        %get3A_535 = arith.index_cast %add3A_419 : i32 to index
        %get3A_536 = tpu.vector_load %get3A_533[%get3A_534, %get3A_535] {strides = array<i32>} : memref<32x1024xf32, #tpu.memory_space<vmem>>, vector<16xf32>,
        %mul3A_537 = arith.mulf %get3A_131, %get3A_536 : vector<16xf32>
        %add3A_538 = arith.addf %add3A_528, %mul3A_537 : vector<16xf32>
        %get3A_539 = arith.constant 12 : i32
        %get3A_540 = arith.constant 0 : i32
        %get3A_541 = arith.constant 0 : i32
        %get3A_542 = tpu.memref_slice %arg9[%scan3A_214, %get3A_540, %get3A_541] : memref<2x32x1024xf32, #tpu.memory_space<vmem>> -> memref<1x32x1024xf32, #tpu.memory_space<vmem>>
        %get3A_543 = tpu.memref_squeeze %get3A_542 : memref<1x32x1024xf32, #tpu.memory_space<vmem>> -> memref<32x1024xf32, #tpu.memory_space<vmem>>
        %get3A_544 = arith.index_cast %get3A_539 : i32 to index
        %get3A_545 = arith.index_cast %add3A_419 : i32 to index
        %get3A_546 = tpu.vector_load %get3A_543[%get3A_544, %get3A_545] {strides = array<i32>} : memref<32x1024xf32, #tpu.memory_space<vmem>>, vector<16xf32>,
        %mul3A_547 = arith.mulf %get3A_135, %get3A_546 : vector<16xf32>
        %add3A_548 = arith.addf %add3A_538, %mul3A_547 : vector<16xf32>
        %get3A_549 = arith.constant 13 : i32
        %get3A_550 = arith.constant 0 : i32
        %get3A_551 = arith.constant 0 : i32
        %get3A_552 = tpu.memref_slice %arg9[%scan3A_214, %get3A_550, %get3A_551] : memref<2x32x1024xf32, #tpu.memory_space<vmem>> -> memref<1x32x1024xf32, #tpu.memory_space<vmem>>
        %get3A_553 = tpu.memref_squeeze %get3A_552 : memref<1x32x1024xf32, #tpu.memory_space<vmem>> -> memref<32x1024xf32, #tpu.memory_space<vmem>>
        %get3A_554 = arith.index_cast %get3A_549 : i32 to index
        %get3A_555 = arith.index_cast %add3A_419 : i32 to index
        %get3A_556 = tpu.vector_load %get3A_553[%get3A_554, %get3A_555] {strides = array<i32>} : memref<32x1024xf32, #tpu.memory_space<vmem>>, vector<16xf32>,
        %mul3A_557 = arith.mulf %get3A_139, %get3A_556 : vector<16xf32>
        %add3A_558 = arith.addf %add3A_548, %mul3A_557 : vector<16xf32>
        %get3A_559 = arith.constant 14 : i32
        %get3A_560 = arith.constant 0 : i32
        %get3A_561 = arith.constant 0 : i32
        %get3A_562 = tpu.memref_slice %arg9[%scan3A_214, %get3A_560, %get3A_561] : memref<2x32x1024xf32, #tpu.memory_space<vmem>> -> memref<1x32x1024xf32, #tpu.memory_space<vmem>>
        %get3A_563 = tpu.memref_squeeze %get3A_562 : memref<1x32x1024xf32, #tpu.memory_space<vmem>> -> memref<32x1024xf32, #tpu.memory_space<vmem>>
        %get3A_564 = arith.index_cast %get3A_559 : i32 to index
        %get3A_565 = arith.index_cast %add3A_419 : i32 to index
        %get3A_566 = tpu.vector_load %get3A_563[%get3A_564, %get3A_565] {strides = array<i32>} : memref<32x1024xf32, #tpu.memory_space<vmem>>, vector<16xf32>,
        %mul3A_567 = arith.mulf %get3A_143, %get3A_566 : vector<16xf32>
        %add3A_568 = arith.addf %add3A_558, %mul3A_567 : vector<16xf32>
        %get3A_569 = arith.constant 15 : i32
        %get3A_570 = arith.constant 0 : i32
        %get3A_571 = arith.constant 0 : i32
        %get3A_572 = tpu.memref_slice %arg9[%scan3A_214, %get3A_570, %get3A_571] : memref<2x32x1024xf32, #tpu.memory_space<vmem>> -> memref<1x32x1024xf32, #tpu.memory_space<vmem>>
        %get3A_573 = tpu.memref_squeeze %get3A_572 : memref<1x32x1024xf32, #tpu.memory_space<vmem>> -> memref<32x1024xf32, #tpu.memory_space<vmem>>
        %get3A_574 = arith.index_cast %get3A_569 : i32 to index
        %get3A_575 = arith.index_cast %add3A_419 : i32 to index
        %get3A_576 = tpu.vector_load %get3A_573[%get3A_574, %get3A_575] {strides = array<i32>} : memref<32x1024xf32, #tpu.memory_space<vmem>>, vector<16xf32>,
        %mul3A_577 = arith.mulf %get3A_147, %get3A_576 : vector<16xf32>
        %add3A_578 = arith.addf %add3A_568, %mul3A_577 : vector<16xf32>
        %get3A_579 = arith.constant 16 : i32
        %get3A_580 = arith.constant 0 : i32
        %get3A_581 = arith.constant 0 : i32
        %get3A_582 = tpu.memref_slice %arg9[%scan3A_214, %get3A_580, %get3A_581] : memref<2x32x1024xf32, #tpu.memory_space<vmem>> -> memref<1x32x1024xf32, #tpu.memory_space<vmem>>
        %get3A_583 = tpu.memref_squeeze %get3A_582 : memref<1x32x1024xf32, #tpu.memory_space<vmem>> -> memref<32x1024xf32, #tpu.memory_space<vmem>>
        %get3A_584 = arith.index_cast %get3A_579 : i32 to index
        %get3A_585 = arith.index_cast %add3A_419 : i32 to index
        %get3A_586 = tpu.vector_load %get3A_583[%get3A_584, %get3A_585] {strides = array<i32>} : memref<32x1024xf32, #tpu.memory_space<vmem>>, vector<16xf32>,
        %mul3A_587 = arith.mulf %get3A_151, %get3A_586 : vector<16xf32>
        %add3A_588 = arith.addf %add3A_578, %mul3A_587 : vector<16xf32>
        %get3A_589 = arith.constant 17 : i32
        %get3A_590 = arith.constant 0 : i32
        %get3A_591 = arith.constant 0 : i32
        %get3A_592 = tpu.memref_slice %arg9[%scan3A_214, %get3A_590, %get3A_591] : memref<2x32x1024xf32, #tpu.memory_space<vmem>> -> memref<1x32x1024xf32, #tpu.memory_space<vmem>>
        %get3A_593 = tpu.memref_squeeze %get3A_592 : memref<1x32x1024xf32, #tpu.memory_space<vmem>> -> memref<32x1024xf32, #tpu.memory_space<vmem>>
        %get3A_594 = arith.index_cast %get3A_589 : i32 to index
        %get3A_595 = arith.index_cast %add3A_419 : i32 to index
        %get3A_596 = tpu.vector_load %get3A_593[%get3A_594, %get3A_595] {strides = array<i32>} : memref<32x1024xf32, #tpu.memory_space<vmem>>, vector<16xf32>,
        %mul3A_597 = arith.mulf %get3A_155, %get3A_596 : vector<16xf32>
        %add3A_598 = arith.addf %add3A_588, %mul3A_597 : vector<16xf32>
        %get3A_599 = arith.constant 18 : i32
        %get3A_600 = arith.constant 0 : i32
        %get3A_601 = arith.constant 0 : i32
        %get3A_602 = tpu.memref_slice %arg9[%scan3A_214, %get3A_600, %get3A_601] : memref<2x32x1024xf32, #tpu.memory_space<vmem>> -> memref<1x32x1024xf32, #tpu.memory_space<vmem>>
        %get3A_603 = tpu.memref_squeeze %get3A_602 : memref<1x32x1024xf32, #tpu.memory_space<vmem>> -> memref<32x1024xf32, #tpu.memory_space<vmem>>
        %get3A_604 = arith.index_cast %get3A_599 : i32 to index
        %get3A_605 = arith.index_cast %add3A_419 : i32 to index
        %get3A_606 = tpu.vector_load %get3A_603[%get3A_604, %get3A_605] {strides = array<i32>} : memref<32x1024xf32, #tpu.memory_space<vmem>>, vector<16xf32>,
        %mul3A_607 = arith.mulf %get3A_159, %get3A_606 : vector<16xf32>
        %add3A_608 = arith.addf %add3A_598, %mul3A_607 : vector<16xf32>
        %get3A_609 = arith.constant 19 : i32
        %get3A_610 = arith.constant 0 : i32
        %get3A_611 = arith.constant 0 : i32
        %get3A_612 = tpu.memref_slice %arg9[%scan3A_214, %get3A_610, %get3A_611] : memref<2x32x1024xf32, #tpu.memory_space<vmem>> -> memref<1x32x1024xf32, #tpu.memory_space<vmem>>
        %get3A_613 = tpu.memref_squeeze %get3A_612 : memref<1x32x1024xf32, #tpu.memory_space<vmem>> -> memref<32x1024xf32, #tpu.memory_space<vmem>>
        %get3A_614 = arith.index_cast %get3A_609 : i32 to index
        %get3A_615 = arith.index_cast %add3A_419 : i32 to index
        %get3A_616 = tpu.vector_load %get3A_613[%get3A_614, %get3A_615] {strides = array<i32>} : memref<32x1024xf32, #tpu.memory_space<vmem>>, vector<16xf32>,
        %mul3A_617 = arith.mulf %get3A_163, %get3A_616 : vector<16xf32>
        %add3A_618 = arith.addf %add3A_608, %mul3A_617 : vector<16xf32>
        %get3A_619 = arith.constant 20 : i32
        %get3A_620 = arith.constant 0 : i32
        %get3A_621 = arith.constant 0 : i32
        %get3A_622 = tpu.memref_slice %arg9[%scan3A_214, %get3A_620, %get3A_621] : memref<2x32x1024xf32, #tpu.memory_space<vmem>> -> memref<1x32x1024xf32, #tpu.memory_space<vmem>>
        %get3A_623 = tpu.memref_squeeze %get3A_622 : memref<1x32x1024xf32, #tpu.memory_space<vmem>> -> memref<32x1024xf32, #tpu.memory_space<vmem>>
        %get3A_624 = arith.index_cast %get3A_619 : i32 to index
        %get3A_625 = arith.index_cast %add3A_419 : i32 to index
        %get3A_626 = tpu.vector_load %get3A_623[%get3A_624, %get3A_625] {strides = array<i32>} : memref<32x1024xf32, #tpu.memory_space<vmem>>, vector<16xf32>,
        %mul3A_627 = arith.mulf %get3A_167, %get3A_626 : vector<16xf32>
        %add3A_628 = arith.addf %add3A_618, %mul3A_627 : vector<16xf32>
        %get3A_629 = arith.constant 21 : i32
        %get3A_630 = arith.constant 0 : i32
        %get3A_631 = arith.constant 0 : i32
        %get3A_632 = tpu.memref_slice %arg9[%scan3A_214, %get3A_630, %get3A_631] : memref<2x32x1024xf32, #tpu.memory_space<vmem>> -> memref<1x32x1024xf32, #tpu.memory_space<vmem>>
        %get3A_633 = tpu.memref_squeeze %get3A_632 : memref<1x32x1024xf32, #tpu.memory_space<vmem>> -> memref<32x1024xf32, #tpu.memory_space<vmem>>
        %get3A_634 = arith.index_cast %get3A_629 : i32 to index
        %get3A_635 = arith.index_cast %add3A_419 : i32 to index
        %get3A_636 = tpu.vector_load %get3A_633[%get3A_634, %get3A_635] {strides = array<i32>} : memref<32x1024xf32, #tpu.memory_space<vmem>>, vector<16xf32>,
        %mul3A_637 = arith.mulf %get3A_171, %get3A_636 : vector<16xf32>
        %add3A_638 = arith.addf %add3A_628, %mul3A_637 : vector<16xf32>
        %get3A_639 = arith.constant 22 : i32
        %get3A_640 = arith.constant 0 : i32
        %get3A_641 = arith.constant 0 : i32
        %get3A_642 = tpu.memref_slice %arg9[%scan3A_214, %get3A_640, %get3A_641] : memref<2x32x1024xf32, #tpu.memory_space<vmem>> -> memref<1x32x1024xf32, #tpu.memory_space<vmem>>
        %get3A_643 = tpu.memref_squeeze %get3A_642 : memref<1x32x1024xf32, #tpu.memory_space<vmem>> -> memref<32x1024xf32, #tpu.memory_space<vmem>>
        %get3A_644 = arith.index_cast %get3A_639 : i32 to index
        %get3A_645 = arith.index_cast %add3A_419 : i32 to index
        %get3A_646 = tpu.vector_load %get3A_643[%get3A_644, %get3A_645] {strides = array<i32>} : memref<32x1024xf32, #tpu.memory_space<vmem>>, vector<16xf32>,
        %mul3A_647 = arith.mulf %get3A_175, %get3A_646 : vector<16xf32>
        %add3A_648 = arith.addf %add3A_638, %mul3A_647 : vector<16xf32>
        %get3A_649 = arith.constant 23 : i32
        %get3A_650 = arith.constant 0 : i32
        %get3A_651 = arith.constant 0 : i32
        %get3A_652 = tpu.memref_slice %arg9[%scan3A_214, %get3A_650, %get3A_651] : memref<2x32x1024xf32, #tpu.memory_space<vmem>> -> memref<1x32x1024xf32, #tpu.memory_space<vmem>>
        %get3A_653 = tpu.memref_squeeze %get3A_652 : memref<1x32x1024xf32, #tpu.memory_space<vmem>> -> memref<32x1024xf32, #tpu.memory_space<vmem>>
        %get3A_654 = arith.index_cast %get3A_649 : i32 to index
        %get3A_655 = arith.index_cast %add3A_419 : i32 to index
        %get3A_656 = tpu.vector_load %get3A_653[%get3A_654, %get3A_655] {strides = array<i32>} : memref<32x1024xf32, #tpu.memory_space<vmem>>, vector<16xf32>,
        %mul3A_657 = arith.mulf %get3A_179, %get3A_656 : vector<16xf32>
        %add3A_658 = arith.addf %add3A_648, %mul3A_657 : vector<16xf32>
        %get3A_659 = arith.constant 24 : i32
        %get3A_660 = arith.constant 0 : i32
        %get3A_661 = arith.constant 0 : i32
        %get3A_662 = tpu.memref_slice %arg9[%scan3A_214, %get3A_660, %get3A_661] : memref<2x32x1024xf32, #tpu.memory_space<vmem>> -> memref<1x32x1024xf32, #tpu.memory_space<vmem>>
        %get3A_663 = tpu.memref_squeeze %get3A_662 : memref<1x32x1024xf32, #tpu.memory_space<vmem>> -> memref<32x1024xf32, #tpu.memory_space<vmem>>
        %get3A_664 = arith.index_cast %get3A_659 : i32 to index
        %get3A_665 = arith.index_cast %add3A_419 : i32 to index
        %get3A_666 = tpu.vector_load %get3A_663[%get3A_664, %get3A_665] {strides = array<i32>} : memref<32x1024xf32, #tpu.memory_space<vmem>>, vector<16xf32>,
        %mul3A_667 = arith.mulf %get3A_183, %get3A_666 : vector<16xf32>
        %add3A_668 = arith.addf %add3A_658, %mul3A_667 : vector<16xf32>
        %get3A_669 = arith.constant 25 : i32
        %get3A_670 = arith.constant 0 : i32
        %get3A_671 = arith.constant 0 : i32
        %get3A_672 = tpu.memref_slice %arg9[%scan3A_214, %get3A_670, %get3A_671] : memref<2x32x1024xf32, #tpu.memory_space<vmem>> -> memref<1x32x1024xf32, #tpu.memory_space<vmem>>
        %get3A_673 = tpu.memref_squeeze %get3A_672 : memref<1x32x1024xf32, #tpu.memory_space<vmem>> -> memref<32x1024xf32, #tpu.memory_space<vmem>>
        %get3A_674 = arith.index_cast %get3A_669 : i32 to index
        %get3A_675 = arith.index_cast %add3A_419 : i32 to index
        %get3A_676 = tpu.vector_load %get3A_673[%get3A_674, %get3A_675] {strides = array<i32>} : memref<32x1024xf32, #tpu.memory_space<vmem>>, vector<16xf32>,
        %mul3A_677 = arith.mulf %get3A_187, %get3A_676 : vector<16xf32>
        %add3A_678 = arith.addf %add3A_668, %mul3A_677 : vector<16xf32>
        %get3A_679 = arith.constant 26 : i32
        %get3A_680 = arith.constant 0 : i32
        %get3A_681 = arith.constant 0 : i32
        %get3A_682 = tpu.memref_slice %arg9[%scan3A_214, %get3A_680, %get3A_681] : memref<2x32x1024xf32, #tpu.memory_space<vmem>> -> memref<1x32x1024xf32, #tpu.memory_space<vmem>>
        %get3A_683 = tpu.memref_squeeze %get3A_682 : memref<1x32x1024xf32, #tpu.memory_space<vmem>> -> memref<32x1024xf32, #tpu.memory_space<vmem>>
        %get3A_684 = arith.index_cast %get3A_679 : i32 to index
        %get3A_685 = arith.index_cast %add3A_419 : i32 to index
        %get3A_686 = tpu.vector_load %get3A_683[%get3A_684, %get3A_685] {strides = array<i32>} : memref<32x1024xf32, #tpu.memory_space<vmem>>, vector<16xf32>,
        %mul3A_687 = arith.mulf %get3A_191, %get3A_686 : vector<16xf32>
        %add3A_688 = arith.addf %add3A_678, %mul3A_687 : vector<16xf32>
        %get3A_689 = arith.constant 27 : i32
        %get3A_690 = arith.constant 0 : i32
        %get3A_691 = arith.constant 0 : i32
        %get3A_692 = tpu.memref_slice %arg9[%scan3A_214, %get3A_690, %get3A_691] : memref<2x32x1024xf32, #tpu.memory_space<vmem>> -> memref<1x32x1024xf32, #tpu.memory_space<vmem>>
        %get3A_693 = tpu.memref_squeeze %get3A_692 : memref<1x32x1024xf32, #tpu.memory_space<vmem>> -> memref<32x1024xf32, #tpu.memory_space<vmem>>
        %get3A_694 = arith.index_cast %get3A_689 : i32 to index
        %get3A_695 = arith.index_cast %add3A_419 : i32 to index
        %get3A_696 = tpu.vector_load %get3A_693[%get3A_694, %get3A_695] {strides = array<i32>} : memref<32x1024xf32, #tpu.memory_space<vmem>>, vector<16xf32>,
        %mul3A_697 = arith.mulf %get3A_195, %get3A_696 : vector<16xf32>
        %add3A_698 = arith.addf %add3A_688, %mul3A_697 : vector<16xf32>
        %get3A_699 = arith.constant 28 : i32
        %get3A_700 = arith.constant 0 : i32
        %get3A_701 = arith.constant 0 : i32
        %get3A_702 = tpu.memref_slice %arg9[%scan3A_214, %get3A_700, %get3A_701] : memref<2x32x1024xf32, #tpu.memory_space<vmem>> -> memref<1x32x1024xf32, #tpu.memory_space<vmem>>
        %get3A_703 = tpu.memref_squeeze %get3A_702 : memref<1x32x1024xf32, #tpu.memory_space<vmem>> -> memref<32x1024xf32, #tpu.memory_space<vmem>>
        %get3A_704 = arith.index_cast %get3A_699 : i32 to index
        %get3A_705 = arith.index_cast %add3A_419 : i32 to index
        %get3A_706 = tpu.vector_load %get3A_703[%get3A_704, %get3A_705] {strides = array<i32>} : memref<32x1024xf32, #tpu.memory_space<vmem>>, vector<16xf32>,
        %mul3A_707 = arith.mulf %get3A_199, %get3A_706 : vector<16xf32>
        %add3A_708 = arith.addf %add3A_698, %mul3A_707 : vector<16xf32>
        %get3A_709 = arith.constant 29 : i32
        %get3A_710 = arith.constant 0 : i32
        %get3A_711 = arith.constant 0 : i32
        %get3A_712 = tpu.memref_slice %arg9[%scan3A_214, %get3A_710, %get3A_711] : memref<2x32x1024xf32, #tpu.memory_space<vmem>> -> memref<1x32x1024xf32, #tpu.memory_space<vmem>>
        %get3A_713 = tpu.memref_squeeze %get3A_712 : memref<1x32x1024xf32, #tpu.memory_space<vmem>> -> memref<32x1024xf32, #tpu.memory_space<vmem>>
        %get3A_714 = arith.index_cast %get3A_709 : i32 to index
        %get3A_715 = arith.index_cast %add3A_419 : i32 to index
        %get3A_716 = tpu.vector_load %get3A_713[%get3A_714, %get3A_715] {strides = array<i32>} : memref<32x1024xf32, #tpu.memory_space<vmem>>, vector<16xf32>,
        %mul3A_717 = arith.mulf %get3A_203, %get3A_716 : vector<16xf32>
        %add3A_718 = arith.addf %add3A_708, %mul3A_717 : vector<16xf32>
        %get3A_719 = arith.constant 30 : i32
        %get3A_720 = arith.constant 0 : i32
        %get3A_721 = arith.constant 0 : i32
        %get3A_722 = tpu.memref_slice %arg9[%scan3A_214, %get3A_720, %get3A_721] : memref<2x32x1024xf32, #tpu.memory_space<vmem>> -> memref<1x32x1024xf32, #tpu.memory_space<vmem>>
        %get3A_723 = tpu.memref_squeeze %get3A_722 : memref<1x32x1024xf32, #tpu.memory_space<vmem>> -> memref<32x1024xf32, #tpu.memory_space<vmem>>
        %get3A_724 = arith.index_cast %get3A_719 : i32 to index
        %get3A_725 = arith.index_cast %add3A_419 : i32 to index
        %get3A_726 = tpu.vector_load %get3A_723[%get3A_724, %get3A_725] {strides = array<i32>} : memref<32x1024xf32, #tpu.memory_space<vmem>>, vector<16xf32>,
        %mul3A_727 = arith.mulf %get3A_207, %get3A_726 : vector<16xf32>
        %add3A_728 = arith.addf %add3A_718, %mul3A_727 : vector<16xf32>
        %get3A_729 = arith.constant 31 : i32
        %get3A_730 = arith.constant 0 : i32
        %get3A_731 = arith.constant 0 : i32
        %get3A_732 = tpu.memref_slice %arg9[%scan3A_214, %get3A_730, %get3A_731] : memref<2x32x1024xf32, #tpu.memory_space<vmem>> -> memref<1x32x1024xf32, #tpu.memory_space<vmem>>
        %get3A_733 = tpu.memref_squeeze %get3A_732 : memref<1x32x1024xf32, #tpu.memory_space<vmem>> -> memref<32x1024xf32, #tpu.memory_space<vmem>>
        %get3A_734 = arith.index_cast %get3A_729 : i32 to index
        %get3A_735 = arith.index_cast %add3A_419 : i32 to index
        %get3A_736 = tpu.vector_load %get3A_733[%get3A_734, %get3A_735] {strides = array<i32>} : memref<32x1024xf32, #tpu.memory_space<vmem>>, vector<16xf32>,
        %mul3A_737 = arith.mulf %get3A_211, %get3A_736 : vector<16xf32>
        %add3A_738 = arith.addf %add3A_728, %mul3A_737 : vector<16xf32>
        %swap3A = arith.constant 0 : i32
        %swap3A_739 = arith.index_cast %swap3A : i32 to index
        %swap3A_740 = arith.index_cast %add3A_419 : i32 to index
        %swap3A_741 = tpu.vector_load %arg10[%swap3A_739, %swap3A_740] {strides = array<i32>} : memref<2x1024xf32, #tpu.memory_space<vmem>>, vector<16xf32>,
        tpu.vector_store %arg10[%swap3A_739, %swap3A_740], %add3A_738 {strides = array<i32>} : memref<2x1024xf32, #tpu.memory_space<vmem>>, vector<16xf32>,
      }
      %scan3A_219 = arith.constant 64 : i32
      %add3A_220 = arith.addi %mul3A_2, %add3A_53 : i32
      %dma_start3A_221 = arith.constant 0 : i32
      %dma_start3A_222 = arith.constant 0 : i32
      %dma_start3A_223 = tpu.memref_slice %arg10[%dma_start3A_221, %dma_start3A_222] : memref<2x1024xf32, #tpu.memory_space<vmem>> -> memref<1x1024xf32, #tpu.memory_space<vmem>>
      %dma_start3A_224 = tpu.memref_squeeze %dma_start3A_223 : memref<1x1024xf32, #tpu.memory_space<vmem>> -> memref<1024xf32, #tpu.memory_space<vmem>>
      %dma_start3A_225 = arith.constant 0 : i32
      %dma_start3A_226 = tpu.memref_slice %arg5[%add3A_220, %dma_start3A_225] : memref<2048x1024xf32, #tpu.memory_space<hbm>> -> memref<1x1024xf32, #tpu.memory_space<hbm>>
      %dma_start3A_227 = tpu.memref_squeeze %dma_start3A_226 : memref<1x1024xf32, #tpu.memory_space<hbm>> -> memref<1024xf32, #tpu.memory_space<hbm>>
      %dma_start3A_228 = arith.constant 0 : i32
      %dma_start3A_229 = tpu.memref_slice %arg5[%add3A_220, %dma_start3A_228] : memref<2048x1024xf32, #tpu.memory_space<hbm>> -> memref<1x1024xf32, #tpu.memory_space<hbm>>
      %dma_start3A_230 = tpu.memref_squeeze %dma_start3A_229 : memref<1x1024xf32, #tpu.memory_space<hbm>> -> memref<1024xf32, #tpu.memory_space<hbm>>
      %dma_start3A_231 = arith.constant 0 : i32
      %dma_start3A_232 = tpu.memref_slice %arg10[%dma_start3A_221, %dma_start3A_231] : memref<2x1024xf32, #tpu.memory_space<vmem>> -> memref<1x1024xf32, #tpu.memory_space<vmem>>
      %dma_start3A_233 = tpu.memref_squeeze %dma_start3A_232 : memref<1x1024xf32, #tpu.memory_space<vmem>> -> memref<1024xf32, #tpu.memory_space<vmem>>
      tpu.enqueue_dma source(%dma_start3A_233 : memref<1024xf32, #tpu.memory_space<vmem>>) target(%dma_start3A_230 : memref<1024xf32, #tpu.memory_space<hbm>>) target_semaphore(%arg13 : memref<!tpu.dma_semaphore, #tpu.memory_space<semaphore_mem>>)
      %add3A_234 = arith.constant 1 : i32
      %add3A_235 = arith.addi %add3A_53, %add3A_234 : i32
      %mul3A_236 = arith.constant 32 : i32
      %mul3A_237 = arith.muli %add3A_235, %mul3A_236 : i32
      %dma_wait3A_238 = arith.constant 1 : i32
      %dma_wait3A_239 = arith.constant 0 : i32
      %dma_wait3A_240 = arith.constant 0 : i32
      %dma_wait3A_241 = tpu.memref_slice %arg9[%dma_wait3A_238, %dma_wait3A_239, %dma_wait3A_240] : memref<2x32x1024xf32, #tpu.memory_space<vmem>> -> memref<1x32x1024xf32, #tpu.memory_space<vmem>>
      %dma_wait3A_242 = tpu.memref_squeeze %dma_wait3A_241 : memref<1x32x1024xf32, #tpu.memory_space<vmem>> -> memref<32x1024xf32, #tpu.memory_space<vmem>>
      %dma_wait3A_243 = tpu.memref_slice %arg6[%mul3A_237] : memref<2048xi32, #tpu.memory_space<vmem>> -> memref<32xi32, #tpu.memory_space<vmem>>
      %dma_wait3A_244 = arith.constant 0 : i32
      %dma_wait3A_245 = arith.constant 0 : i32
      %dma_wait3A_246 = tpu.memref_slice %arg2[%dma_wait3A_244, %dma_wait3A_245] : memref<16384x1024xf32, #tpu.memory_space<hbm>> -> memref<16384x1024xf32, #tpu.memory_space<hbm>>
      tpu.wait_indirect_dma semaphore(%arg12 : memref<!tpu.dma_semaphore, #tpu.memory_space<semaphore_mem>>) src(%dma_wait3A_246 : memref<16384x1024xf32, #tpu.memory_space<hbm>>) dst(%dma_wait3A_242 : memref<32x1024xf32, #tpu.memory_space<vmem>>)
      %add3A_247 = arith.constant 2 : i32
      %add3A_248 = arith.addi %add3A_53, %add3A_247 : i32
      %lt3A = arith.constant 64 : i32
      %lt3A_249 = arith.cmpi slt, %add3A_248, %lt3A : i32
      %convert_element_type3A_250 = arith.extui %lt3A_249 : i1 to i32
      %cond3A_251 = arith.constant 0 : i32
      %cond3A_252 = arith.cmpi ne, %convert_element_type3A_250, %cond3A_251 : i32
      scf.if %cond3A_252 {
        %add3A_415 = arith.constant 2 : i32
        %add3A_416 = arith.addi %add3A_53, %add3A_415 : i32
        %mul3A_417 = arith.constant 32 : i32
        %mul3A_418 = arith.muli %add3A_416, %mul3A_417 : i32
        %dma_start3A_419 = arith.constant 0 : i32
        %dma_start3A_420 = arith.constant 0 : i32
        %dma_start3A_421 = arith.constant 0 : i32
        %dma_start3A_422 = tpu.memref_slice %arg9[%dma_start3A_419, %dma_start3A_420, %dma_start3A_421] : memref<2x32x1024xf32, #tpu.memory_space<vmem>> -> memref<1x32x1024xf32, #tpu.memory_space<vmem>>
        %dma_start3A_423 = tpu.memref_squeeze %dma_start3A_422 : memref<1x32x1024xf32, #tpu.memory_space<vmem>> -> memref<32x1024xf32, #tpu.memory_space<vmem>>
        %dma_start3A_424 = tpu.memref_slice %arg6[%mul3A_418] : memref<2048xi32, #tpu.memory_space<vmem>> -> memref<32xi32, #tpu.memory_space<vmem>>
        %dma_start3A_425 = arith.constant 0 : i32
        %dma_start3A_426 = arith.constant 0 : i32
        %dma_start3A_427 = tpu.memref_slice %arg2[%dma_start3A_425, %dma_start3A_426] : memref<16384x1024xf32, #tpu.memory_space<hbm>> -> memref<16384x1024xf32, #tpu.memory_space<hbm>>
        tpu.enqueue_indirect_dma source(%dma_start3A_427 : memref<16384x1024xf32, #tpu.memory_space<hbm>>) target(%dma_start3A_423 : memref<32x1024xf32, #tpu.memory_space<vmem>>) offsets(%dma_start3A_424 : memref<32xi32, #tpu.memory_space<vmem>>) semaphore(%arg11 : memref<!tpu.dma_semaphore, #tpu.memory_space<semaphore_mem>>)
      } else {
      }
      %add3A_253 = arith.constant 1 : i32
      %add3A_254 = arith.addi %add3A_53, %add3A_253 : i32
      %mul3A_255 = arith.constant 32 : i32
      %mul3A_256 = arith.muli %add3A_254, %mul3A_255 : i32
      %scan3A_257 = arith.constant 0 : i32
      %scan3A_258 = arith.constant 32 : i32
      %scan3A_259 = arith.addi %scan3A_257, %scan3A_258 : i32
      %scan3A_260 = arith.constant 1 : i32
      scf.for %scan3A_415 = %scan3A_257 to %scan3A_259 step %scan3A_260  : i32 {
        %mul3A_416 = arith.constant 1 : i32
        %mul3A_417 = arith.muli %scan3A_415, %mul3A_416 : i32
        %add3A_418 = arith.constant 0 : i32
        %add3A_419 = arith.addi %add3A_418, %mul3A_417 : i32
        %add3A_420 = arith.addi %mul3A_256, %add3A_419 : i32
        %broadcast_in_dim3A = arith.constant 0 : i32
        %broadcast_in_dim3A_421 = vector.broadcast %broadcast_in_dim3A : i32 to vector<16xi32>
        %add3A_422 = vector.broadcast %add3A_420 : i32 to vector<16xi32>
        %add3A_423 = arith.addi %add3A_422, %broadcast_in_dim3A_421 : vector<16xi32>
        %gather3A = tpu.vector_load_idx %arg7[%add3A_423] : memref<2048xf32, #tpu.memory_space<vmem>>[vector<16xi32>], vector<16xf32>,
        %swap3A = arith.index_cast %add3A_419 : i32 to index
        %swap3A_424 = arith.constant 0 : index
        %swap3A_425 = tpu.vector_load %arg8[%swap3A, %swap3A_424] {strides = array<i32>} : memref<32x16xf32, #tpu.memory_space<vmem>>, vector<16xf32>,
        tpu.vector_store %arg8[%swap3A, %swap3A_424], %gather3A {strides = array<i32>} : memref<32x16xf32, #tpu.memory_space<vmem>>, vector<16xf32>,
      }
      %scan3A_261 = arith.constant 32 : i32
      %get3A_262 = arith.constant 0 : i32
      %get3A_263 = arith.index_cast %get3A_262 : i32 to index
      %get3A_264 = arith.constant 0 : index
      %get3A_265 = tpu.vector_load %arg8[%get3A_263, %get3A_264] {strides = array<i32>} : memref<32x16xf32, #tpu.memory_space<vmem>>, vector<16xf32>,
      %get3A_266 = arith.constant 1 : i32
      %get3A_267 = arith.index_cast %get3A_266 : i32 to index
      %get3A_268 = arith.constant 0 : index
      %get3A_269 = tpu.vector_load %arg8[%get3A_267, %get3A_268] {strides = array<i32>} : memref<32x16xf32, #tpu.memory_space<vmem>>, vector<16xf32>,
      %get3A_270 = arith.constant 2 : i32
      %get3A_271 = arith.index_cast %get3A_270 : i32 to index
      %get3A_272 = arith.constant 0 : index
      %get3A_273 = tpu.vector_load %arg8[%get3A_271, %get3A_272] {strides = array<i32>} : memref<32x16xf32, #tpu.memory_space<vmem>>, vector<16xf32>,
      %get3A_274 = arith.constant 3 : i32
      %get3A_275 = arith.index_cast %get3A_274 : i32 to index
      %get3A_276 = arith.constant 0 : index
      %get3A_277 = tpu.vector_load %arg8[%get3A_275, %get3A_276] {strides = array<i32>} : memref<32x16xf32, #tpu.memory_space<vmem>>, vector<16xf32>,
      %get3A_278 = arith.constant 4 : i32
      %get3A_279 = arith.index_cast %get3A_278 : i32 to index
      %get3A_280 = arith.constant 0 : index
      %get3A_281 = tpu.vector_load %arg8[%get3A_279, %get3A_280] {strides = array<i32>} : memref<32x16xf32, #tpu.memory_space<vmem>>, vector<16xf32>,
      %get3A_282 = arith.constant 5 : i32
      %get3A_283 = arith.index_cast %get3A_282 : i32 to index
      %get3A_284 = arith.constant 0 : index
      %get3A_285 = tpu.vector_load %arg8[%get3A_283, %get3A_284] {strides = array<i32>} : memref<32x16xf32, #tpu.memory_space<vmem>>, vector<16xf32>,
      %get3A_286 = arith.constant 6 : i32
      %get3A_287 = arith.index_cast %get3A_286 : i32 to index
      %get3A_288 = arith.constant 0 : index
      %get3A_289 = tpu.vector_load %arg8[%get3A_287, %get3A_288] {strides = array<i32>} : memref<32x16xf32, #tpu.memory_space<vmem>>, vector<16xf32>,
      %get3A_290 = arith.constant 7 : i32
      %get3A_291 = arith.index_cast %get3A_290 : i32 to index
      %get3A_292 = arith.constant 0 : index
      %get3A_293 = tpu.vector_load %arg8[%get3A_291, %get3A_292] {strides = array<i32>} : memref<32x16xf32, #tpu.memory_space<vmem>>, vector<16xf32>,
      %get3A_294 = arith.constant 8 : i32
      %get3A_295 = arith.index_cast %get3A_294 : i32 to index
      %get3A_296 = arith.constant 0 : index
      %get3A_297 = tpu.vector_load %arg8[%get3A_295, %get3A_296] {strides = array<i32>} : memref<32x16xf32, #tpu.memory_space<vmem>>, vector<16xf32>,
      %get3A_298 = arith.constant 9 : i32
      %get3A_299 = arith.index_cast %get3A_298 : i32 to index
      %get3A_300 = arith.constant 0 : index
      %get3A_301 = tpu.vector_load %arg8[%get3A_299, %get3A_300] {strides = array<i32>} : memref<32x16xf32, #tpu.memory_space<vmem>>, vector<16xf32>,
      %get3A_302 = arith.constant 10 : i32
      %get3A_303 = arith.index_cast %get3A_302 : i32 to index
      %get3A_304 = arith.constant 0 : index
      %get3A_305 = tpu.vector_load %arg8[%get3A_303, %get3A_304] {strides = array<i32>} : memref<32x16xf32, #tpu.memory_space<vmem>>, vector<16xf32>,
      %get3A_306 = arith.constant 11 : i32
      %get3A_307 = arith.index_cast %get3A_306 : i32 to index
      %get3A_308 = arith.constant 0 : index
      %get3A_309 = tpu.vector_load %arg8[%get3A_307, %get3A_308] {strides = array<i32>} : memref<32x16xf32, #tpu.memory_space<vmem>>, vector<16xf32>,
      %get3A_310 = arith.constant 12 : i32
      %get3A_311 = arith.index_cast %get3A_310 : i32 to index
      %get3A_312 = arith.constant 0 : index
      %get3A_313 = tpu.vector_load %arg8[%get3A_311, %get3A_312] {strides = array<i32>} : memref<32x16xf32, #tpu.memory_space<vmem>>, vector<16xf32>,
      %get3A_314 = arith.constant 13 : i32
      %get3A_315 = arith.index_cast %get3A_314 : i32 to index
      %get3A_316 = arith.constant 0 : index
      %get3A_317 = tpu.vector_load %arg8[%get3A_315, %get3A_316] {strides = array<i32>} : memref<32x16xf32, #tpu.memory_space<vmem>>, vector<16xf32>,
      %get3A_318 = arith.constant 14 : i32
      %get3A_319 = arith.index_cast %get3A_318 : i32 to index
      %get3A_320 = arith.constant 0 : index
      %get3A_321 = tpu.vector_load %arg8[%get3A_319, %get3A_320] {strides = array<i32>} : memref<32x16xf32, #tpu.memory_space<vmem>>, vector<16xf32>,
      %get3A_322 = arith.constant 15 : i32
      %get3A_323 = arith.index_cast %get3A_322 : i32 to index
      %get3A_324 = arith.constant 0 : index
      %get3A_325 = tpu.vector_load %arg8[%get3A_323, %get3A_324] {strides = array<i32>} : memref<32x16xf32, #tpu.memory_space<vmem>>, vector<16xf32>,
      %get3A_326 = arith.constant 16 : i32
      %get3A_327 = arith.index_cast %get3A_326 : i32 to index
      %get3A_328 = arith.constant 0 : index
      %get3A_329 = tpu.vector_load %arg8[%get3A_327, %get3A_328] {strides = array<i32>} : memref<32x16xf32, #tpu.memory_space<vmem>>, vector<16xf32>,
      %get3A_330 = arith.constant 17 : i32
      %get3A_331 = arith.index_cast %get3A_330 : i32 to index
      %get3A_332 = arith.constant 0 : index
      %get3A_333 = tpu.vector_load %arg8[%get3A_331, %get3A_332] {strides = array<i32>} : memref<32x16xf32, #tpu.memory_space<vmem>>, vector<16xf32>,
      %get3A_334 = arith.constant 18 : i32
      %get3A_335 = arith.index_cast %get3A_334 : i32 to index
      %get3A_336 = arith.constant 0 : index
      %get3A_337 = tpu.vector_load %arg8[%get3A_335, %get3A_336] {strides = array<i32>} : memref<32x16xf32, #tpu.memory_space<vmem>>, vector<16xf32>,
      %get3A_338 = arith.constant 19 : i32
      %get3A_339 = arith.index_cast %get3A_338 : i32 to index
      %get3A_340 = arith.constant 0 : index
      %get3A_341 = tpu.vector_load %arg8[%get3A_339, %get3A_340] {strides = array<i32>} : memref<32x16xf32, #tpu.memory_space<vmem>>, vector<16xf32>,
      %get3A_342 = arith.constant 20 : i32
      %get3A_343 = arith.index_cast %get3A_342 : i32 to index
      %get3A_344 = arith.constant 0 : index
      %get3A_345 = tpu.vector_load %arg8[%get3A_343, %get3A_344] {strides = array<i32>} : memref<32x16xf32, #tpu.memory_space<vmem>>, vector<16xf32>,
      %get3A_346 = arith.constant 21 : i32
      %get3A_347 = arith.index_cast %get3A_346 : i32 to index
      %get3A_348 = arith.constant 0 : index
      %get3A_349 = tpu.vector_load %arg8[%get3A_347, %get3A_348] {strides = array<i32>} : memref<32x16xf32, #tpu.memory_space<vmem>>, vector<16xf32>,
      %get3A_350 = arith.constant 22 : i32
      %get3A_351 = arith.index_cast %get3A_350 : i32 to index
      %get3A_352 = arith.constant 0 : index
      %get3A_353 = tpu.vector_load %arg8[%get3A_351, %get3A_352] {strides = array<i32>} : memref<32x16xf32, #tpu.memory_space<vmem>>, vector<16xf32>,
      %get3A_354 = arith.constant 23 : i32
      %get3A_355 = arith.index_cast %get3A_354 : i32 to index
      %get3A_356 = arith.constant 0 : index
      %get3A_357 = tpu.vector_load %arg8[%get3A_355, %get3A_356] {strides = array<i32>} : memref<32x16xf32, #tpu.memory_space<vmem>>, vector<16xf32>,
      %get3A_358 = arith.constant 24 : i32
      %get3A_359 = arith.index_cast %get3A_358 : i32 to index
      %get3A_360 = arith.constant 0 : index
      %get3A_361 = tpu.vector_load %arg8[%get3A_359, %get3A_360] {strides = array<i32>} : memref<32x16xf32, #tpu.memory_space<vmem>>, vector<16xf32>,
      %get3A_362 = arith.constant 25 : i32
      %get3A_363 = arith.index_cast %get3A_362 : i32 to index
      %get3A_364 = arith.constant 0 : index
      %get3A_365 = tpu.vector_load %arg8[%get3A_363, %get3A_364] {strides = array<i32>} : memref<32x16xf32, #tpu.memory_space<vmem>>, vector<16xf32>,
      %get3A_366 = arith.constant 26 : i32
      %get3A_367 = arith.index_cast %get3A_366 : i32 to index
      %get3A_368 = arith.constant 0 : index
      %get3A_369 = tpu.vector_load %arg8[%get3A_367, %get3A_368] {strides = array<i32>} : memref<32x16xf32, #tpu.memory_space<vmem>>, vector<16xf32>,
      %get3A_370 = arith.constant 27 : i32
      %get3A_371 = arith.index_cast %get3A_370 : i32 to index
      %get3A_372 = arith.constant 0 : index
      %get3A_373 = tpu.vector_load %arg8[%get3A_371, %get3A_372] {strides = array<i32>} : memref<32x16xf32, #tpu.memory_space<vmem>>, vector<16xf32>,
      %get3A_374 = arith.constant 28 : i32
      %get3A_375 = arith.index_cast %get3A_374 : i32 to index
      %get3A_376 = arith.constant 0 : index
      %get3A_377 = tpu.vector_load %arg8[%get3A_375, %get3A_376] {strides = array<i32>} : memref<32x16xf32, #tpu.memory_space<vmem>>, vector<16xf32>,
      %get3A_378 = arith.constant 29 : i32
      %get3A_379 = arith.index_cast %get3A_378 : i32 to index
      %get3A_380 = arith.constant 0 : index
      %get3A_381 = tpu.vector_load %arg8[%get3A_379, %get3A_380] {strides = array<i32>} : memref<32x16xf32, #tpu.memory_space<vmem>>, vector<16xf32>,
      %get3A_382 = arith.constant 30 : i32
      %get3A_383 = arith.index_cast %get3A_382 : i32 to index
      %get3A_384 = arith.constant 0 : index
      %get3A_385 = tpu.vector_load %arg8[%get3A_383, %get3A_384] {strides = array<i32>} : memref<32x16xf32, #tpu.memory_space<vmem>>, vector<16xf32>,
      %get3A_386 = arith.constant 31 : i32
      %get3A_387 = arith.index_cast %get3A_386 : i32 to index
      %get3A_388 = arith.constant 0 : index
      %get3A_389 = tpu.vector_load %arg8[%get3A_387, %get3A_388] {strides = array<i32>} : memref<32x16xf32, #tpu.memory_space<vmem>>, vector<16xf32>,
      %ge3A_390 = arith.constant 2 : i32
      %ge3A_391 = arith.cmpi sge, %add3A_254, %ge3A_390 : i32
      %convert_element_type3A_392 = arith.extui %ge3A_391 : i1 to i32
      %cond3A_393 = arith.constant 0 : i32
      %cond3A_394 = arith.cmpi ne, %convert_element_type3A_392, %cond3A_393 : i32
      scf.if %cond3A_394 {
        %sub3A = arith.constant 2 : i32
        %sub3A_415 = arith.subi %add3A_254, %sub3A : i32
        %add3A_416 = arith.addi %mul3A_2, %sub3A_415 : i32
        %dma_wait3A_417 = arith.constant 1 : i32
        %dma_wait3A_418 = arith.constant 0 : i32
        %dma_wait3A_419 = tpu.memref_slice %arg10[%dma_wait3A_417, %dma_wait3A_418] : memref<2x1024xf32, #tpu.memory_space<vmem>> -> memref<1x1024xf32, #tpu.memory_space<vmem>>
        %dma_wait3A_420 = tpu.memref_squeeze %dma_wait3A_419 : memref<1x1024xf32, #tpu.memory_space<vmem>> -> memref<1024xf32, #tpu.memory_space<vmem>>
        %dma_wait3A_421 = arith.constant 0 : i32
        %dma_wait3A_422 = tpu.memref_slice %arg5[%add3A_416, %dma_wait3A_421] : memref<2048x1024xf32, #tpu.memory_space<hbm>> -> memref<1x1024xf32, #tpu.memory_space<hbm>>
        %dma_wait3A_423 = tpu.memref_squeeze %dma_wait3A_422 : memref<1x1024xf32, #tpu.memory_space<hbm>> -> memref<1024xf32, #tpu.memory_space<hbm>>
        %dma_wait3A_424 = arith.constant 0 : i32
        %dma_wait3A_425 = tpu.memref_slice %arg5[%add3A_416, %dma_wait3A_424] : memref<2048x1024xf32, #tpu.memory_space<hbm>> -> memref<1x1024xf32, #tpu.memory_space<hbm>>
        %dma_wait3A_426 = tpu.memref_squeeze %dma_wait3A_425 : memref<1x1024xf32, #tpu.memory_space<hbm>> -> memref<1024xf32, #tpu.memory_space<hbm>>
        %dma_wait3A_427 = arith.constant 0 : i32
        %dma_wait3A_428 = tpu.memref_slice %arg10[%dma_wait3A_417, %dma_wait3A_427] : memref<2x1024xf32, #tpu.memory_space<vmem>> -> memref<1x1024xf32, #tpu.memory_space<vmem>>
        %dma_wait3A_429 = tpu.memref_squeeze %dma_wait3A_428 : memref<1x1024xf32, #tpu.memory_space<vmem>> -> memref<1024xf32, #tpu.memory_space<vmem>>
        tpu.wait_dma2 semaphore(%arg14 : memref<!tpu.dma_semaphore, #tpu.memory_space<semaphore_mem>>) src(%dma_wait3A_429 : memref<1024xf32, #tpu.memory_space<vmem>>) dst(%dma_wait3A_426 : memref<1024xf32, #tpu.memory_space<hbm>>)
      } else {
      }
      %scan3A_395 = arith.constant 1 : i32
      %scan3A_396 = arith.constant 0 : i32
      %scan3A_397 = arith.constant 64 : i32
      %scan3A_398 = arith.addi %scan3A_396, %scan3A_397 : i32
      %scan3A_399 = arith.constant 1 : i32
      scf.for %scan3A_415 = %scan3A_396 to %scan3A_398 step %scan3A_399  : i32 {
        %mul3A_416 = arith.constant 16 : i32
        %mul3A_417 = arith.muli %scan3A_415, %mul3A_416 : i32
        %add3A_418 = arith.constant 0 : i32
        %add3A_419 = arith.addi %add3A_418, %mul3A_417 : i32
        %get3A_420 = arith.constant 0 : i32
        %get3A_421 = arith.constant 0 : i32
        %get3A_422 = arith.constant 0 : i32
        %get3A_423 = tpu.memref_slice %arg9[%scan3A_395, %get3A_421, %get3A_422] : memref<2x32x1024xf32, #tpu.memory_space<vmem>> -> memref<1x32x1024xf32, #tpu.memory_space<vmem>>
        %get3A_424 = tpu.memref_squeeze %get3A_423 : memref<1x32x1024xf32, #tpu.memory_space<vmem>> -> memref<32x1024xf32, #tpu.memory_space<vmem>>
        %get3A_425 = arith.index_cast %get3A_420 : i32 to index
        %get3A_426 = arith.index_cast %add3A_419 : i32 to index
        %get3A_427 = tpu.vector_load %get3A_424[%get3A_425, %get3A_426] {strides = array<i32>} : memref<32x1024xf32, #tpu.memory_space<vmem>>, vector<16xf32>,
        %mul3A_428 = arith.mulf %get3A_265, %get3A_427 : vector<16xf32>
        %get3A_429 = arith.constant 1 : i32
        %get3A_430 = arith.constant 0 : i32
        %get3A_431 = arith.constant 0 : i32
        %get3A_432 = tpu.memref_slice %arg9[%scan3A_395, %get3A_430, %get3A_431] : memref<2x32x1024xf32, #tpu.memory_space<vmem>> -> memref<1x32x1024xf32, #tpu.memory_space<vmem>>
        %get3A_433 = tpu.memref_squeeze %get3A_432 : memref<1x32x1024xf32, #tpu.memory_space<vmem>> -> memref<32x1024xf32, #tpu.memory_space<vmem>>
        %get3A_434 = arith.index_cast %get3A_429 : i32 to index
        %get3A_435 = arith.index_cast %add3A_419 : i32 to index
        %get3A_436 = tpu.vector_load %get3A_433[%get3A_434, %get3A_435] {strides = array<i32>} : memref<32x1024xf32, #tpu.memory_space<vmem>>, vector<16xf32>,
        %mul3A_437 = arith.mulf %get3A_269, %get3A_436 : vector<16xf32>
        %add3A_438 = arith.addf %mul3A_428, %mul3A_437 : vector<16xf32>
        %get3A_439 = arith.constant 2 : i32
        %get3A_440 = arith.constant 0 : i32
        %get3A_441 = arith.constant 0 : i32
        %get3A_442 = tpu.memref_slice %arg9[%scan3A_395, %get3A_440, %get3A_441] : memref<2x32x1024xf32, #tpu.memory_space<vmem>> -> memref<1x32x1024xf32, #tpu.memory_space<vmem>>
        %get3A_443 = tpu.memref_squeeze %get3A_442 : memref<1x32x1024xf32, #tpu.memory_space<vmem>> -> memref<32x1024xf32, #tpu.memory_space<vmem>>
        %get3A_444 = arith.index_cast %get3A_439 : i32 to index
        %get3A_445 = arith.index_cast %add3A_419 : i32 to index
        %get3A_446 = tpu.vector_load %get3A_443[%get3A_444, %get3A_445] {strides = array<i32>} : memref<32x1024xf32, #tpu.memory_space<vmem>>, vector<16xf32>,
        %mul3A_447 = arith.mulf %get3A_273, %get3A_446 : vector<16xf32>
        %add3A_448 = arith.addf %add3A_438, %mul3A_447 : vector<16xf32>
        %get3A_449 = arith.constant 3 : i32
        %get3A_450 = arith.constant 0 : i32
        %get3A_451 = arith.constant 0 : i32
        %get3A_452 = tpu.memref_slice %arg9[%scan3A_395, %get3A_450, %get3A_451] : memref<2x32x1024xf32, #tpu.memory_space<vmem>> -> memref<1x32x1024xf32, #tpu.memory_space<vmem>>
        %get3A_453 = tpu.memref_squeeze %get3A_452 : memref<1x32x1024xf32, #tpu.memory_space<vmem>> -> memref<32x1024xf32, #tpu.memory_space<vmem>>
        %get3A_454 = arith.index_cast %get3A_449 : i32 to index
        %get3A_455 = arith.index_cast %add3A_419 : i32 to index
        %get3A_456 = tpu.vector_load %get3A_453[%get3A_454, %get3A_455] {strides = array<i32>} : memref<32x1024xf32, #tpu.memory_space<vmem>>, vector<16xf32>,
        %mul3A_457 = arith.mulf %get3A_277, %get3A_456 : vector<16xf32>
        %add3A_458 = arith.addf %add3A_448, %mul3A_457 : vector<16xf32>
        %get3A_459 = arith.constant 4 : i32
        %get3A_460 = arith.constant 0 : i32
        %get3A_461 = arith.constant 0 : i32
        %get3A_462 = tpu.memref_slice %arg9[%scan3A_395, %get3A_460, %get3A_461] : memref<2x32x1024xf32, #tpu.memory_space<vmem>> -> memref<1x32x1024xf32, #tpu.memory_space<vmem>>
        %get3A_463 = tpu.memref_squeeze %get3A_462 : memref<1x32x1024xf32, #tpu.memory_space<vmem>> -> memref<32x1024xf32, #tpu.memory_space<vmem>>
        %get3A_464 = arith.index_cast %get3A_459 : i32 to index
        %get3A_465 = arith.index_cast %add3A_419 : i32 to index
        %get3A_466 = tpu.vector_load %get3A_463[%get3A_464, %get3A_465] {strides = array<i32>} : memref<32x1024xf32, #tpu.memory_space<vmem>>, vector<16xf32>,
        %mul3A_467 = arith.mulf %get3A_281, %get3A_466 : vector<16xf32>
        %add3A_468 = arith.addf %add3A_458, %mul3A_467 : vector<16xf32>
        %get3A_469 = arith.constant 5 : i32
        %get3A_470 = arith.constant 0 : i32
        %get3A_471 = arith.constant 0 : i32
        %get3A_472 = tpu.memref_slice %arg9[%scan3A_395, %get3A_470, %get3A_471] : memref<2x32x1024xf32, #tpu.memory_space<vmem>> -> memref<1x32x1024xf32, #tpu.memory_space<vmem>>
        %get3A_473 = tpu.memref_squeeze %get3A_472 : memref<1x32x1024xf32, #tpu.memory_space<vmem>> -> memref<32x1024xf32, #tpu.memory_space<vmem>>
        %get3A_474 = arith.index_cast %get3A_469 : i32 to index
        %get3A_475 = arith.index_cast %add3A_419 : i32 to index
        %get3A_476 = tpu.vector_load %get3A_473[%get3A_474, %get3A_475] {strides = array<i32>} : memref<32x1024xf32, #tpu.memory_space<vmem>>, vector<16xf32>,
        %mul3A_477 = arith.mulf %get3A_285, %get3A_476 : vector<16xf32>
        %add3A_478 = arith.addf %add3A_468, %mul3A_477 : vector<16xf32>
        %get3A_479 = arith.constant 6 : i32
        %get3A_480 = arith.constant 0 : i32
        %get3A_481 = arith.constant 0 : i32
        %get3A_482 = tpu.memref_slice %arg9[%scan3A_395, %get3A_480, %get3A_481] : memref<2x32x1024xf32, #tpu.memory_space<vmem>> -> memref<1x32x1024xf32, #tpu.memory_space<vmem>>
        %get3A_483 = tpu.memref_squeeze %get3A_482 : memref<1x32x1024xf32, #tpu.memory_space<vmem>> -> memref<32x1024xf32, #tpu.memory_space<vmem>>
        %get3A_484 = arith.index_cast %get3A_479 : i32 to index
        %get3A_485 = arith.index_cast %add3A_419 : i32 to index
        %get3A_486 = tpu.vector_load %get3A_483[%get3A_484, %get3A_485] {strides = array<i32>} : memref<32x1024xf32, #tpu.memory_space<vmem>>, vector<16xf32>,
        %mul3A_487 = arith.mulf %get3A_289, %get3A_486 : vector<16xf32>
        %add3A_488 = arith.addf %add3A_478, %mul3A_487 : vector<16xf32>
        %get3A_489 = arith.constant 7 : i32
        %get3A_490 = arith.constant 0 : i32
        %get3A_491 = arith.constant 0 : i32
        %get3A_492 = tpu.memref_slice %arg9[%scan3A_395, %get3A_490, %get3A_491] : memref<2x32x1024xf32, #tpu.memory_space<vmem>> -> memref<1x32x1024xf32, #tpu.memory_space<vmem>>
        %get3A_493 = tpu.memref_squeeze %get3A_492 : memref<1x32x1024xf32, #tpu.memory_space<vmem>> -> memref<32x1024xf32, #tpu.memory_space<vmem>>
        %get3A_494 = arith.index_cast %get3A_489 : i32 to index
        %get3A_495 = arith.index_cast %add3A_419 : i32 to index
        %get3A_496 = tpu.vector_load %get3A_493[%get3A_494, %get3A_495] {strides = array<i32>} : memref<32x1024xf32, #tpu.memory_space<vmem>>, vector<16xf32>,
        %mul3A_497 = arith.mulf %get3A_293, %get3A_496 : vector<16xf32>
        %add3A_498 = arith.addf %add3A_488, %mul3A_497 : vector<16xf32>
        %get3A_499 = arith.constant 8 : i32
        %get3A_500 = arith.constant 0 : i32
        %get3A_501 = arith.constant 0 : i32
        %get3A_502 = tpu.memref_slice %arg9[%scan3A_395, %get3A_500, %get3A_501] : memref<2x32x1024xf32, #tpu.memory_space<vmem>> -> memref<1x32x1024xf32, #tpu.memory_space<vmem>>
        %get3A_503 = tpu.memref_squeeze %get3A_502 : memref<1x32x1024xf32, #tpu.memory_space<vmem>> -> memref<32x1024xf32, #tpu.memory_space<vmem>>
        %get3A_504 = arith.index_cast %get3A_499 : i32 to index
        %get3A_505 = arith.index_cast %add3A_419 : i32 to index
        %get3A_506 = tpu.vector_load %get3A_503[%get3A_504, %get3A_505] {strides = array<i32>} : memref<32x1024xf32, #tpu.memory_space<vmem>>, vector<16xf32>,
        %mul3A_507 = arith.mulf %get3A_297, %get3A_506 : vector<16xf32>
        %add3A_508 = arith.addf %add3A_498, %mul3A_507 : vector<16xf32>
        %get3A_509 = arith.constant 9 : i32
        %get3A_510 = arith.constant 0 : i32
        %get3A_511 = arith.constant 0 : i32
        %get3A_512 = tpu.memref_slice %arg9[%scan3A_395, %get3A_510, %get3A_511] : memref<2x32x1024xf32, #tpu.memory_space<vmem>> -> memref<1x32x1024xf32, #tpu.memory_space<vmem>>
        %get3A_513 = tpu.memref_squeeze %get3A_512 : memref<1x32x1024xf32, #tpu.memory_space<vmem>> -> memref<32x1024xf32, #tpu.memory_space<vmem>>
        %get3A_514 = arith.index_cast %get3A_509 : i32 to index
        %get3A_515 = arith.index_cast %add3A_419 : i32 to index
        %get3A_516 = tpu.vector_load %get3A_513[%get3A_514, %get3A_515] {strides = array<i32>} : memref<32x1024xf32, #tpu.memory_space<vmem>>, vector<16xf32>,
        %mul3A_517 = arith.mulf %get3A_301, %get3A_516 : vector<16xf32>
        %add3A_518 = arith.addf %add3A_508, %mul3A_517 : vector<16xf32>
        %get3A_519 = arith.constant 10 : i32
        %get3A_520 = arith.constant 0 : i32
        %get3A_521 = arith.constant 0 : i32
        %get3A_522 = tpu.memref_slice %arg9[%scan3A_395, %get3A_520, %get3A_521] : memref<2x32x1024xf32, #tpu.memory_space<vmem>> -> memref<1x32x1024xf32, #tpu.memory_space<vmem>>
        %get3A_523 = tpu.memref_squeeze %get3A_522 : memref<1x32x1024xf32, #tpu.memory_space<vmem>> -> memref<32x1024xf32, #tpu.memory_space<vmem>>
        %get3A_524 = arith.index_cast %get3A_519 : i32 to index
        %get3A_525 = arith.index_cast %add3A_419 : i32 to index
        %get3A_526 = tpu.vector_load %get3A_523[%get3A_524, %get3A_525] {strides = array<i32>} : memref<32x1024xf32, #tpu.memory_space<vmem>>, vector<16xf32>,
        %mul3A_527 = arith.mulf %get3A_305, %get3A_526 : vector<16xf32>
        %add3A_528 = arith.addf %add3A_518, %mul3A_527 : vector<16xf32>
        %get3A_529 = arith.constant 11 : i32
        %get3A_530 = arith.constant 0 : i32
        %get3A_531 = arith.constant 0 : i32
        %get3A_532 = tpu.memref_slice %arg9[%scan3A_395, %get3A_530, %get3A_531] : memref<2x32x1024xf32, #tpu.memory_space<vmem>> -> memref<1x32x1024xf32, #tpu.memory_space<vmem>>
        %get3A_533 = tpu.memref_squeeze %get3A_532 : memref<1x32x1024xf32, #tpu.memory_space<vmem>> -> memref<32x1024xf32, #tpu.memory_space<vmem>>
        %get3A_534 = arith.index_cast %get3A_529 : i32 to index
        %get3A_535 = arith.index_cast %add3A_419 : i32 to index
        %get3A_536 = tpu.vector_load %get3A_533[%get3A_534, %get3A_535] {strides = array<i32>} : memref<32x1024xf32, #tpu.memory_space<vmem>>, vector<16xf32>,
        %mul3A_537 = arith.mulf %get3A_309, %get3A_536 : vector<16xf32>
        %add3A_538 = arith.addf %add3A_528, %mul3A_537 : vector<16xf32>
        %get3A_539 = arith.constant 12 : i32
        %get3A_540 = arith.constant 0 : i32
        %get3A_541 = arith.constant 0 : i32
        %get3A_542 = tpu.memref_slice %arg9[%scan3A_395, %get3A_540, %get3A_541] : memref<2x32x1024xf32, #tpu.memory_space<vmem>> -> memref<1x32x1024xf32, #tpu.memory_space<vmem>>
        %get3A_543 = tpu.memref_squeeze %get3A_542 : memref<1x32x1024xf32, #tpu.memory_space<vmem>> -> memref<32x1024xf32, #tpu.memory_space<vmem>>
        %get3A_544 = arith.index_cast %get3A_539 : i32 to index
        %get3A_545 = arith.index_cast %add3A_419 : i32 to index
        %get3A_546 = tpu.vector_load %get3A_543[%get3A_544, %get3A_545] {strides = array<i32>} : memref<32x1024xf32, #tpu.memory_space<vmem>>, vector<16xf32>,
        %mul3A_547 = arith.mulf %get3A_313, %get3A_546 : vector<16xf32>
        %add3A_548 = arith.addf %add3A_538, %mul3A_547 : vector<16xf32>
        %get3A_549 = arith.constant 13 : i32
        %get3A_550 = arith.constant 0 : i32
        %get3A_551 = arith.constant 0 : i32
        %get3A_552 = tpu.memref_slice %arg9[%scan3A_395, %get3A_550, %get3A_551] : memref<2x32x1024xf32, #tpu.memory_space<vmem>> -> memref<1x32x1024xf32, #tpu.memory_space<vmem>>
        %get3A_553 = tpu.memref_squeeze %get3A_552 : memref<1x32x1024xf32, #tpu.memory_space<vmem>> -> memref<32x1024xf32, #tpu.memory_space<vmem>>
        %get3A_554 = arith.index_cast %get3A_549 : i32 to index
        %get3A_555 = arith.index_cast %add3A_419 : i32 to index
        %get3A_556 = tpu.vector_load %get3A_553[%get3A_554, %get3A_555] {strides = array<i32>} : memref<32x1024xf32, #tpu.memory_space<vmem>>, vector<16xf32>,
        %mul3A_557 = arith.mulf %get3A_317, %get3A_556 : vector<16xf32>
        %add3A_558 = arith.addf %add3A_548, %mul3A_557 : vector<16xf32>
        %get3A_559 = arith.constant 14 : i32
        %get3A_560 = arith.constant 0 : i32
        %get3A_561 = arith.constant 0 : i32
        %get3A_562 = tpu.memref_slice %arg9[%scan3A_395, %get3A_560, %get3A_561] : memref<2x32x1024xf32, #tpu.memory_space<vmem>> -> memref<1x32x1024xf32, #tpu.memory_space<vmem>>
        %get3A_563 = tpu.memref_squeeze %get3A_562 : memref<1x32x1024xf32, #tpu.memory_space<vmem>> -> memref<32x1024xf32, #tpu.memory_space<vmem>>
        %get3A_564 = arith.index_cast %get3A_559 : i32 to index
        %get3A_565 = arith.index_cast %add3A_419 : i32 to index
        %get3A_566 = tpu.vector_load %get3A_563[%get3A_564, %get3A_565] {strides = array<i32>} : memref<32x1024xf32, #tpu.memory_space<vmem>>, vector<16xf32>,
        %mul3A_567 = arith.mulf %get3A_321, %get3A_566 : vector<16xf32>
        %add3A_568 = arith.addf %add3A_558, %mul3A_567 : vector<16xf32>
        %get3A_569 = arith.constant 15 : i32
        %get3A_570 = arith.constant 0 : i32
        %get3A_571 = arith.constant 0 : i32
        %get3A_572 = tpu.memref_slice %arg9[%scan3A_395, %get3A_570, %get3A_571] : memref<2x32x1024xf32, #tpu.memory_space<vmem>> -> memref<1x32x1024xf32, #tpu.memory_space<vmem>>
        %get3A_573 = tpu.memref_squeeze %get3A_572 : memref<1x32x1024xf32, #tpu.memory_space<vmem>> -> memref<32x1024xf32, #tpu.memory_space<vmem>>
        %get3A_574 = arith.index_cast %get3A_569 : i32 to index
        %get3A_575 = arith.index_cast %add3A_419 : i32 to index
        %get3A_576 = tpu.vector_load %get3A_573[%get3A_574, %get3A_575] {strides = array<i32>} : memref<32x1024xf32, #tpu.memory_space<vmem>>, vector<16xf32>,
        %mul3A_577 = arith.mulf %get3A_325, %get3A_576 : vector<16xf32>
        %add3A_578 = arith.addf %add3A_568, %mul3A_577 : vector<16xf32>
        %get3A_579 = arith.constant 16 : i32
        %get3A_580 = arith.constant 0 : i32
        %get3A_581 = arith.constant 0 : i32
        %get3A_582 = tpu.memref_slice %arg9[%scan3A_395, %get3A_580, %get3A_581] : memref<2x32x1024xf32, #tpu.memory_space<vmem>> -> memref<1x32x1024xf32, #tpu.memory_space<vmem>>
        %get3A_583 = tpu.memref_squeeze %get3A_582 : memref<1x32x1024xf32, #tpu.memory_space<vmem>> -> memref<32x1024xf32, #tpu.memory_space<vmem>>
        %get3A_584 = arith.index_cast %get3A_579 : i32 to index
        %get3A_585 = arith.index_cast %add3A_419 : i32 to index
        %get3A_586 = tpu.vector_load %get3A_583[%get3A_584, %get3A_585] {strides = array<i32>} : memref<32x1024xf32, #tpu.memory_space<vmem>>, vector<16xf32>,
        %mul3A_587 = arith.mulf %get3A_329, %get3A_586 : vector<16xf32>
        %add3A_588 = arith.addf %add3A_578, %mul3A_587 : vector<16xf32>
        %get3A_589 = arith.constant 17 : i32
        %get3A_590 = arith.constant 0 : i32
        %get3A_591 = arith.constant 0 : i32
        %get3A_592 = tpu.memref_slice %arg9[%scan3A_395, %get3A_590, %get3A_591] : memref<2x32x1024xf32, #tpu.memory_space<vmem>> -> memref<1x32x1024xf32, #tpu.memory_space<vmem>>
        %get3A_593 = tpu.memref_squeeze %get3A_592 : memref<1x32x1024xf32, #tpu.memory_space<vmem>> -> memref<32x1024xf32, #tpu.memory_space<vmem>>
        %get3A_594 = arith.index_cast %get3A_589 : i32 to index
        %get3A_595 = arith.index_cast %add3A_419 : i32 to index
        %get3A_596 = tpu.vector_load %get3A_593[%get3A_594, %get3A_595] {strides = array<i32>} : memref<32x1024xf32, #tpu.memory_space<vmem>>, vector<16xf32>,
        %mul3A_597 = arith.mulf %get3A_333, %get3A_596 : vector<16xf32>
        %add3A_598 = arith.addf %add3A_588, %mul3A_597 : vector<16xf32>
        %get3A_599 = arith.constant 18 : i32
        %get3A_600 = arith.constant 0 : i32
        %get3A_601 = arith.constant 0 : i32
        %get3A_602 = tpu.memref_slice %arg9[%scan3A_395, %get3A_600, %get3A_601] : memref<2x32x1024xf32, #tpu.memory_space<vmem>> -> memref<1x32x1024xf32, #tpu.memory_space<vmem>>
        %get3A_603 = tpu.memref_squeeze %get3A_602 : memref<1x32x1024xf32, #tpu.memory_space<vmem>> -> memref<32x1024xf32, #tpu.memory_space<vmem>>
        %get3A_604 = arith.index_cast %get3A_599 : i32 to index
        %get3A_605 = arith.index_cast %add3A_419 : i32 to index
        %get3A_606 = tpu.vector_load %get3A_603[%get3A_604, %get3A_605] {strides = array<i32>} : memref<32x1024xf32, #tpu.memory_space<vmem>>, vector<16xf32>,
        %mul3A_607 = arith.mulf %get3A_337, %get3A_606 : vector<16xf32>
        %add3A_608 = arith.addf %add3A_598, %mul3A_607 : vector<16xf32>
        %get3A_609 = arith.constant 19 : i32
        %get3A_610 = arith.constant 0 : i32
        %get3A_611 = arith.constant 0 : i32
        %get3A_612 = tpu.memref_slice %arg9[%scan3A_395, %get3A_610, %get3A_611] : memref<2x32x1024xf32, #tpu.memory_space<vmem>> -> memref<1x32x1024xf32, #tpu.memory_space<vmem>>
        %get3A_613 = tpu.memref_squeeze %get3A_612 : memref<1x32x1024xf32, #tpu.memory_space<vmem>> -> memref<32x1024xf32, #tpu.memory_space<vmem>>
        %get3A_614 = arith.index_cast %get3A_609 : i32 to index
        %get3A_615 = arith.index_cast %add3A_419 : i32 to index
        %get3A_616 = tpu.vector_load %get3A_613[%get3A_614, %get3A_615] {strides = array<i32>} : memref<32x1024xf32, #tpu.memory_space<vmem>>, vector<16xf32>,
        %mul3A_617 = arith.mulf %get3A_341, %get3A_616 : vector<16xf32>
        %add3A_618 = arith.addf %add3A_608, %mul3A_617 : vector<16xf32>
        %get3A_619 = arith.constant 20 : i32
        %get3A_620 = arith.constant 0 : i32
        %get3A_621 = arith.constant 0 : i32
        %get3A_622 = tpu.memref_slice %arg9[%scan3A_395, %get3A_620, %get3A_621] : memref<2x32x1024xf32, #tpu.memory_space<vmem>> -> memref<1x32x1024xf32, #tpu.memory_space<vmem>>
        %get3A_623 = tpu.memref_squeeze %get3A_622 : memref<1x32x1024xf32, #tpu.memory_space<vmem>> -> memref<32x1024xf32, #tpu.memory_space<vmem>>
        %get3A_624 = arith.index_cast %get3A_619 : i32 to index
        %get3A_625 = arith.index_cast %add3A_419 : i32 to index
        %get3A_626 = tpu.vector_load %get3A_623[%get3A_624, %get3A_625] {strides = array<i32>} : memref<32x1024xf32, #tpu.memory_space<vmem>>, vector<16xf32>,
        %mul3A_627 = arith.mulf %get3A_345, %get3A_626 : vector<16xf32>
        %add3A_628 = arith.addf %add3A_618, %mul3A_627 : vector<16xf32>
        %get3A_629 = arith.constant 21 : i32
        %get3A_630 = arith.constant 0 : i32
        %get3A_631 = arith.constant 0 : i32
        %get3A_632 = tpu.memref_slice %arg9[%scan3A_395, %get3A_630, %get3A_631] : memref<2x32x1024xf32, #tpu.memory_space<vmem>> -> memref<1x32x1024xf32, #tpu.memory_space<vmem>>
        %get3A_633 = tpu.memref_squeeze %get3A_632 : memref<1x32x1024xf32, #tpu.memory_space<vmem>> -> memref<32x1024xf32, #tpu.memory_space<vmem>>
        %get3A_634 = arith.index_cast %get3A_629 : i32 to index
        %get3A_635 = arith.index_cast %add3A_419 : i32 to index
        %get3A_636 = tpu.vector_load %get3A_633[%get3A_634, %get3A_635] {strides = array<i32>} : memref<32x1024xf32, #tpu.memory_space<vmem>>, vector<16xf32>,
        %mul3A_637 = arith.mulf %get3A_349, %get3A_636 : vector<16xf32>
        %add3A_638 = arith.addf %add3A_628, %mul3A_637 : vector<16xf32>
        %get3A_639 = arith.constant 22 : i32
        %get3A_640 = arith.constant 0 : i32
        %get3A_641 = arith.constant 0 : i32
        %get3A_642 = tpu.memref_slice %arg9[%scan3A_395, %get3A_640, %get3A_641] : memref<2x32x1024xf32, #tpu.memory_space<vmem>> -> memref<1x32x1024xf32, #tpu.memory_space<vmem>>
        %get3A_643 = tpu.memref_squeeze %get3A_642 : memref<1x32x1024xf32, #tpu.memory_space<vmem>> -> memref<32x1024xf32, #tpu.memory_space<vmem>>
        %get3A_644 = arith.index_cast %get3A_639 : i32 to index
        %get3A_645 = arith.index_cast %add3A_419 : i32 to index
        %get3A_646 = tpu.vector_load %get3A_643[%get3A_644, %get3A_645] {strides = array<i32>} : memref<32x1024xf32, #tpu.memory_space<vmem>>, vector<16xf32>,
        %mul3A_647 = arith.mulf %get3A_353, %get3A_646 : vector<16xf32>
        %add3A_648 = arith.addf %add3A_638, %mul3A_647 : vector<16xf32>
        %get3A_649 = arith.constant 23 : i32
        %get3A_650 = arith.constant 0 : i32
        %get3A_651 = arith.constant 0 : i32
        %get3A_652 = tpu.memref_slice %arg9[%scan3A_395, %get3A_650, %get3A_651] : memref<2x32x1024xf32, #tpu.memory_space<vmem>> -> memref<1x32x1024xf32, #tpu.memory_space<vmem>>
        %get3A_653 = tpu.memref_squeeze %get3A_652 : memref<1x32x1024xf32, #tpu.memory_space<vmem>> -> memref<32x1024xf32, #tpu.memory_space<vmem>>
        %get3A_654 = arith.index_cast %get3A_649 : i32 to index
        %get3A_655 = arith.index_cast %add3A_419 : i32 to index
        %get3A_656 = tpu.vector_load %get3A_653[%get3A_654, %get3A_655] {strides = array<i32>} : memref<32x1024xf32, #tpu.memory_space<vmem>>, vector<16xf32>,
        %mul3A_657 = arith.mulf %get3A_357, %get3A_656 : vector<16xf32>
        %add3A_658 = arith.addf %add3A_648, %mul3A_657 : vector<16xf32>
        %get3A_659 = arith.constant 24 : i32
        %get3A_660 = arith.constant 0 : i32
        %get3A_661 = arith.constant 0 : i32
        %get3A_662 = tpu.memref_slice %arg9[%scan3A_395, %get3A_660, %get3A_661] : memref<2x32x1024xf32, #tpu.memory_space<vmem>> -> memref<1x32x1024xf32, #tpu.memory_space<vmem>>
        %get3A_663 = tpu.memref_squeeze %get3A_662 : memref<1x32x1024xf32, #tpu.memory_space<vmem>> -> memref<32x1024xf32, #tpu.memory_space<vmem>>
        %get3A_664 = arith.index_cast %get3A_659 : i32 to index
        %get3A_665 = arith.index_cast %add3A_419 : i32 to index
        %get3A_666 = tpu.vector_load %get3A_663[%get3A_664, %get3A_665] {strides = array<i32>} : memref<32x1024xf32, #tpu.memory_space<vmem>>, vector<16xf32>,
        %mul3A_667 = arith.mulf %get3A_361, %get3A_666 : vector<16xf32>
        %add3A_668 = arith.addf %add3A_658, %mul3A_667 : vector<16xf32>
        %get3A_669 = arith.constant 25 : i32
        %get3A_670 = arith.constant 0 : i32
        %get3A_671 = arith.constant 0 : i32
        %get3A_672 = tpu.memref_slice %arg9[%scan3A_395, %get3A_670, %get3A_671] : memref<2x32x1024xf32, #tpu.memory_space<vmem>> -> memref<1x32x1024xf32, #tpu.memory_space<vmem>>
        %get3A_673 = tpu.memref_squeeze %get3A_672 : memref<1x32x1024xf32, #tpu.memory_space<vmem>> -> memref<32x1024xf32, #tpu.memory_space<vmem>>
        %get3A_674 = arith.index_cast %get3A_669 : i32 to index
        %get3A_675 = arith.index_cast %add3A_419 : i32 to index
        %get3A_676 = tpu.vector_load %get3A_673[%get3A_674, %get3A_675] {strides = array<i32>} : memref<32x1024xf32, #tpu.memory_space<vmem>>, vector<16xf32>,
        %mul3A_677 = arith.mulf %get3A_365, %get3A_676 : vector<16xf32>
        %add3A_678 = arith.addf %add3A_668, %mul3A_677 : vector<16xf32>
        %get3A_679 = arith.constant 26 : i32
        %get3A_680 = arith.constant 0 : i32
        %get3A_681 = arith.constant 0 : i32
        %get3A_682 = tpu.memref_slice %arg9[%scan3A_395, %get3A_680, %get3A_681] : memref<2x32x1024xf32, #tpu.memory_space<vmem>> -> memref<1x32x1024xf32, #tpu.memory_space<vmem>>
        %get3A_683 = tpu.memref_squeeze %get3A_682 : memref<1x32x1024xf32, #tpu.memory_space<vmem>> -> memref<32x1024xf32, #tpu.memory_space<vmem>>
        %get3A_684 = arith.index_cast %get3A_679 : i32 to index
        %get3A_685 = arith.index_cast %add3A_419 : i32 to index
        %get3A_686 = tpu.vector_load %get3A_683[%get3A_684, %get3A_685] {strides = array<i32>} : memref<32x1024xf32, #tpu.memory_space<vmem>>, vector<16xf32>,
        %mul3A_687 = arith.mulf %get3A_369, %get3A_686 : vector<16xf32>
        %add3A_688 = arith.addf %add3A_678, %mul3A_687 : vector<16xf32>
        %get3A_689 = arith.constant 27 : i32
        %get3A_690 = arith.constant 0 : i32
        %get3A_691 = arith.constant 0 : i32
        %get3A_692 = tpu.memref_slice %arg9[%scan3A_395, %get3A_690, %get3A_691] : memref<2x32x1024xf32, #tpu.memory_space<vmem>> -> memref<1x32x1024xf32, #tpu.memory_space<vmem>>
        %get3A_693 = tpu.memref_squeeze %get3A_692 : memref<1x32x1024xf32, #tpu.memory_space<vmem>> -> memref<32x1024xf32, #tpu.memory_space<vmem>>
        %get3A_694 = arith.index_cast %get3A_689 : i32 to index
        %get3A_695 = arith.index_cast %add3A_419 : i32 to index
        %get3A_696 = tpu.vector_load %get3A_693[%get3A_694, %get3A_695] {strides = array<i32>} : memref<32x1024xf32, #tpu.memory_space<vmem>>, vector<16xf32>,
        %mul3A_697 = arith.mulf %get3A_373, %get3A_696 : vector<16xf32>
        %add3A_698 = arith.addf %add3A_688, %mul3A_697 : vector<16xf32>
        %get3A_699 = arith.constant 28 : i32
        %get3A_700 = arith.constant 0 : i32
        %get3A_701 = arith.constant 0 : i32
        %get3A_702 = tpu.memref_slice %arg9[%scan3A_395, %get3A_700, %get3A_701] : memref<2x32x1024xf32, #tpu.memory_space<vmem>> -> memref<1x32x1024xf32, #tpu.memory_space<vmem>>
        %get3A_703 = tpu.memref_squeeze %get3A_702 : memref<1x32x1024xf32, #tpu.memory_space<vmem>> -> memref<32x1024xf32, #tpu.memory_space<vmem>>
        %get3A_704 = arith.index_cast %get3A_699 : i32 to index
        %get3A_705 = arith.index_cast %add3A_419 : i32 to index
        %get3A_706 = tpu.vector_load %get3A_703[%get3A_704, %get3A_705] {strides = array<i32>} : memref<32x1024xf32, #tpu.memory_space<vmem>>, vector<16xf32>,
        %mul3A_707 = arith.mulf %get3A_377, %get3A_706 : vector<16xf32>
        %add3A_708 = arith.addf %add3A_698, %mul3A_707 : vector<16xf32>
        %get3A_709 = arith.constant 29 : i32
        %get3A_710 = arith.constant 0 : i32
        %get3A_711 = arith.constant 0 : i32
        %get3A_712 = tpu.memref_slice %arg9[%scan3A_395, %get3A_710, %get3A_711] : memref<2x32x1024xf32, #tpu.memory_space<vmem>> -> memref<1x32x1024xf32, #tpu.memory_space<vmem>>
        %get3A_713 = tpu.memref_squeeze %get3A_712 : memref<1x32x1024xf32, #tpu.memory_space<vmem>> -> memref<32x1024xf32, #tpu.memory_space<vmem>>
        %get3A_714 = arith.index_cast %get3A_709 : i32 to index
        %get3A_715 = arith.index_cast %add3A_419 : i32 to index
        %get3A_716 = tpu.vector_load %get3A_713[%get3A_714, %get3A_715] {strides = array<i32>} : memref<32x1024xf32, #tpu.memory_space<vmem>>, vector<16xf32>,
        %mul3A_717 = arith.mulf %get3A_381, %get3A_716 : vector<16xf32>
        %add3A_718 = arith.addf %add3A_708, %mul3A_717 : vector<16xf32>
        %get3A_719 = arith.constant 30 : i32
        %get3A_720 = arith.constant 0 : i32
        %get3A_721 = arith.constant 0 : i32
        %get3A_722 = tpu.memref_slice %arg9[%scan3A_395, %get3A_720, %get3A_721] : memref<2x32x1024xf32, #tpu.memory_space<vmem>> -> memref<1x32x1024xf32, #tpu.memory_space<vmem>>
        %get3A_723 = tpu.memref_squeeze %get3A_722 : memref<1x32x1024xf32, #tpu.memory_space<vmem>> -> memref<32x1024xf32, #tpu.memory_space<vmem>>
        %get3A_724 = arith.index_cast %get3A_719 : i32 to index
        %get3A_725 = arith.index_cast %add3A_419 : i32 to index
        %get3A_726 = tpu.vector_load %get3A_723[%get3A_724, %get3A_725] {strides = array<i32>} : memref<32x1024xf32, #tpu.memory_space<vmem>>, vector<16xf32>,
        %mul3A_727 = arith.mulf %get3A_385, %get3A_726 : vector<16xf32>
        %add3A_728 = arith.addf %add3A_718, %mul3A_727 : vector<16xf32>
        %get3A_729 = arith.constant 31 : i32
        %get3A_730 = arith.constant 0 : i32
        %get3A_731 = arith.constant 0 : i32
        %get3A_732 = tpu.memref_slice %arg9[%scan3A_395, %get3A_730, %get3A_731] : memref<2x32x1024xf32, #tpu.memory_space<vmem>> -> memref<1x32x1024xf32, #tpu.memory_space<vmem>>
        %get3A_733 = tpu.memref_squeeze %get3A_732 : memref<1x32x1024xf32, #tpu.memory_space<vmem>> -> memref<32x1024xf32, #tpu.memory_space<vmem>>
        %get3A_734 = arith.index_cast %get3A_729 : i32 to index
        %get3A_735 = arith.index_cast %add3A_419 : i32 to index
        %get3A_736 = tpu.vector_load %get3A_733[%get3A_734, %get3A_735] {strides = array<i32>} : memref<32x1024xf32, #tpu.memory_space<vmem>>, vector<16xf32>,
        %mul3A_737 = arith.mulf %get3A_389, %get3A_736 : vector<16xf32>
        %add3A_738 = arith.addf %add3A_728, %mul3A_737 : vector<16xf32>
        %swap3A = arith.constant 1 : i32
        %swap3A_739 = arith.index_cast %swap3A : i32 to index
        %swap3A_740 = arith.index_cast %add3A_419 : i32 to index
        %swap3A_741 = tpu.vector_load %arg10[%swap3A_739, %swap3A_740] {strides = array<i32>} : memref<2x1024xf32, #tpu.memory_space<vmem>>, vector<16xf32>,
        tpu.vector_store %arg10[%swap3A_739, %swap3A_740], %add3A_738 {strides = array<i32>} : memref<2x1024xf32, #tpu.memory_space<vmem>>, vector<16xf32>,
      }
      %scan3A_400 = arith.constant 64 : i32
      %add3A_401 = arith.addi %mul3A_2, %add3A_254 : i32
      %dma_start3A_402 = arith.constant 1 : i32
      %dma_start3A_403 = arith.constant 0 : i32
      %dma_start3A_404 = tpu.memref_slice %arg10[%dma_start3A_402, %dma_start3A_403] : memref<2x1024xf32, #tpu.memory_space<vmem>> -> memref<1x1024xf32, #tpu.memory_space<vmem>>
      %dma_start3A_405 = tpu.memref_squeeze %dma_start3A_404 : memref<1x1024xf32, #tpu.memory_space<vmem>> -> memref<1024xf32, #tpu.memory_space<vmem>>
      %dma_start3A_406 = arith.constant 0 : i32
      %dma_start3A_407 = tpu.memref_slice %arg5[%add3A_401, %dma_start3A_406] : memref<2048x1024xf32, #tpu.memory_space<hbm>> -> memref<1x1024xf32, #tpu.memory_space<hbm>>
      %dma_start3A_408 = tpu.memref_squeeze %dma_start3A_407 : memref<1x1024xf32, #tpu.memory_space<hbm>> -> memref<1024xf32, #tpu.memory_space<hbm>>
      %dma_start3A_409 = arith.constant 0 : i32
      %dma_start3A_410 = tpu.memref_slice %arg5[%add3A_401, %dma_start3A_409] : memref<2048x1024xf32, #tpu.memory_space<hbm>> -> memref<1x1024xf32, #tpu.memory_space<hbm>>
      %dma_start3A_411 = tpu.memref_squeeze %dma_start3A_410 : memref<1x1024xf32, #tpu.memory_space<hbm>> -> memref<1024xf32, #tpu.memory_space<hbm>>
      %dma_start3A_412 = arith.constant 0 : i32
      %dma_start3A_413 = tpu.memref_slice %arg10[%dma_start3A_402, %dma_start3A_412] : memref<2x1024xf32, #tpu.memory_space<vmem>> -> memref<1x1024xf32, #tpu.memory_space<vmem>>
      %dma_start3A_414 = tpu.memref_squeeze %dma_start3A_413 : memref<1x1024xf32, #tpu.memory_space<vmem>> -> memref<1024xf32, #tpu.memory_space<vmem>>
      tpu.enqueue_dma source(%dma_start3A_414 : memref<1024xf32, #tpu.memory_space<vmem>>) target(%dma_start3A_411 : memref<1024xf32, #tpu.memory_space<hbm>>) target_semaphore(%arg14 : memref<!tpu.dma_semaphore, #tpu.memory_space<semaphore_mem>>)
    }
    %scan3A_19 = arith.constant 32 : i32
    %add3A_20 = arith.constant 62 : i32
    %add3A_21 = arith.addi %mul3A_2, %add3A_20 : i32
    %dma_wait3A = arith.constant 0 : i32
    %dma_wait3A_22 = arith.constant 0 : i32
    %dma_wait3A_23 = tpu.memref_slice %arg10[%dma_wait3A, %dma_wait3A_22] : memref<2x1024xf32, #tpu.memory_space<vmem>> -> memref<1x1024xf32, #tpu.memory_space<vmem>>
    %dma_wait3A_24 = tpu.memref_squeeze %dma_wait3A_23 : memref<1x1024xf32, #tpu.memory_space<vmem>> -> memref<1024xf32, #tpu.memory_space<vmem>>
    %dma_wait3A_25 = arith.constant 0 : i32
    %dma_wait3A_26 = tpu.memref_slice %arg5[%add3A_21, %dma_wait3A_25] : memref<2048x1024xf32, #tpu.memory_space<hbm>> -> memref<1x1024xf32, #tpu.memory_space<hbm>>
    %dma_wait3A_27 = tpu.memref_squeeze %dma_wait3A_26 : memref<1x1024xf32, #tpu.memory_space<hbm>> -> memref<1024xf32, #tpu.memory_space<hbm>>
    %dma_wait3A_28 = arith.constant 0 : i32
    %dma_wait3A_29 = tpu.memref_slice %arg5[%add3A_21, %dma_wait3A_28] : memref<2048x1024xf32, #tpu.memory_space<hbm>> -> memref<1x1024xf32, #tpu.memory_space<hbm>>
    %dma_wait3A_30 = tpu.memref_squeeze %dma_wait3A_29 : memref<1x1024xf32, #tpu.memory_space<hbm>> -> memref<1024xf32, #tpu.memory_space<hbm>>
    %dma_wait3A_31 = arith.constant 0 : i32
    %dma_wait3A_32 = tpu.memref_slice %arg10[%dma_wait3A, %dma_wait3A_31] : memref<2x1024xf32, #tpu.memory_space<vmem>> -> memref<1x1024xf32, #tpu.memory_space<vmem>>
    %dma_wait3A_33 = tpu.memref_squeeze %dma_wait3A_32 : memref<1x1024xf32, #tpu.memory_space<vmem>> -> memref<1024xf32, #tpu.memory_space<vmem>>
    tpu.wait_dma2 semaphore(%arg13 : memref<!tpu.dma_semaphore, #tpu.memory_space<semaphore_mem>>) src(%dma_wait3A_33 : memref<1024xf32, #tpu.memory_space<vmem>>) dst(%dma_wait3A_30 : memref<1024xf32, #tpu.memory_space<hbm>>)
    %add3A_34 = arith.constant 63 : i32
    %add3A_35 = arith.addi %mul3A_2, %add3A_34 : i32
    %dma_wait3A_36 = arith.constant 1 : i32
    %dma_wait3A_37 = arith.constant 0 : i32
    %dma_wait3A_38 = tpu.memref_slice %arg10[%dma_wait3A_36, %dma_wait3A_37] : memref<2x1024xf32, #tpu.memory_space<vmem>> -> memref<1x1024xf32, #tpu.memory_space<vmem>>
    %dma_wait3A_39 = tpu.memref_squeeze %dma_wait3A_38 : memref<1x1024xf32, #tpu.memory_space<vmem>> -> memref<1024xf32, #tpu.memory_space<vmem>>
    %dma_wait3A_40 = arith.constant 0 : i32
    %dma_wait3A_41 = tpu.memref_slice %arg5[%add3A_35, %dma_wait3A_40] : memref<2048x1024xf32, #tpu.memory_space<hbm>> -> memref<1x1024xf32, #tpu.memory_space<hbm>>
    %dma_wait3A_42 = tpu.memref_squeeze %dma_wait3A_41 : memref<1x1024xf32, #tpu.memory_space<hbm>> -> memref<1024xf32, #tpu.memory_space<hbm>>
    %dma_wait3A_43 = arith.constant 0 : i32
    %dma_wait3A_44 = tpu.memref_slice %arg5[%add3A_35, %dma_wait3A_43] : memref<2048x1024xf32, #tpu.memory_space<hbm>> -> memref<1x1024xf32, #tpu.memory_space<hbm>>
    %dma_wait3A_45 = tpu.memref_squeeze %dma_wait3A_44 : memref<1x1024xf32, #tpu.memory_space<hbm>> -> memref<1024xf32, #tpu.memory_space<hbm>>
    %dma_wait3A_46 = arith.constant 0 : i32
    %dma_wait3A_47 = tpu.memref_slice %arg10[%dma_wait3A_36, %dma_wait3A_46] : memref<2x1024xf32, #tpu.memory_space<vmem>> -> memref<1x1024xf32, #tpu.memory_space<vmem>>
    %dma_wait3A_48 = tpu.memref_squeeze %dma_wait3A_47 : memref<1x1024xf32, #tpu.memory_space<vmem>> -> memref<1024xf32, #tpu.memory_space<vmem>>
    tpu.wait_dma2 semaphore(%arg14 : memref<!tpu.dma_semaphore, #tpu.memory_space<semaphore_mem>>) src(%dma_wait3A_48 : memref<1024xf32, #tpu.memory_space<vmem>>) dst(%dma_wait3A_45 : memref<1024xf32, #tpu.memory_space<hbm>>)
    return
  }
}

#map = affine_map<(d0, d1) -> (0, 0)>
#map1 = affine_map<(d0, d1) -> (0)>
module attributes {stable_mosaic.version = 14 : i64} {
  func.func @_gather_combine_body(%arg0: i32, %arg1: i32, %arg2: memref<16384x1024xf32, #tpu.memory_space<hbm>>, %arg3: memref<65536xi32, #tpu.memory_space<hbm>>, %arg4: memref<65536xf32, #tpu.memory_space<hbm>>, %arg5: memref<2048x1024xf32, #tpu.memory_space<hbm>>, %arg6: memref<2048xi32, #tpu.memory_space<vmem>>, %arg7: memref<2048xf32, #tpu.memory_space<vmem>>, %arg8: memref<32x16xf32, #tpu.memory_space<vmem>>, %arg9: memref<2x32x1024xf32, #tpu.memory_space<vmem>>, %arg10: memref<2x1024xf32, #tpu.memory_space<vmem>>, %arg11: memref<!tpu.dma_semaphore, #tpu.memory_space<semaphore_mem>>, %arg12: memref<!tpu.dma_semaphore, #tpu.memory_space<semaphore_mem>>, %arg13: memref<!tpu.dma_semaphore, #tpu.memory_space<semaphore_mem>>, %arg14: memref<!tpu.dma_semaphore, #tpu.memory_space<semaphore_mem>>) attributes {dimension_semantics = [#tpu.dimension_semantics<core_parallel>, #tpu.dimension_semantics<subcore_parallel>], iteration_bounds = array<i64: 2, 16>, scalar_prefetch = 0 : i64, scratch_operands = 9 : i64, tpu.core_type = #tpu.core_type<sc_vector_subcore>, window_params = [{transform_indices = #map}, {transform_indices = #map1}, {transform_indices = #map1}, {transform_indices = #map}]} {
    %mul3A = arith.constant 2 : i32
    %mul3A_0 = arith.muli %arg1, %mul3A : i32
    %add3A = arith.addi %mul3A_0, %arg0 : i32
    %mul3A_1 = arith.constant 64 : i32
    %mul3A_2 = arith.muli %add3A, %mul3A_1 : i32
    %mul3A_3 = arith.constant 32 : i32
    %mul3A_4 = arith.muli %mul3A_2, %mul3A_3 : i32
    "tpu.region"() ({
      %run_scoped3A = tpu.sem_alloc : memref<!tpu.dma_semaphore, #tpu.memory_space<semaphore_mem>>
      %dma_start3A_49 = tpu.memref_slice %arg3[%mul3A_4] : memref<65536xi32, #tpu.memory_space<hbm>> -> memref<2048xi32, #tpu.memory_space<hbm>>
      %dma_start3A_50 = tpu.memref_slice %arg3[%mul3A_4] : memref<65536xi32, #tpu.memory_space<hbm>> -> memref<2048xi32, #tpu.memory_space<hbm>>
      tpu.enqueue_dma source(%dma_start3A_50 : memref<2048xi32, #tpu.memory_space<hbm>>) target(%arg6 : memref<2048xi32, #tpu.memory_space<vmem>>) target_semaphore(%run_scoped3A : memref<!tpu.dma_semaphore, #tpu.memory_space<semaphore_mem>>)
      %dma_wait3A_51 = tpu.memref_slice %arg3[%mul3A_4] : memref<65536xi32, #tpu.memory_space<hbm>> -> memref<2048xi32, #tpu.memory_space<hbm>>
      %dma_wait3A_52 = tpu.memref_slice %arg3[%mul3A_4] : memref<65536xi32, #tpu.memory_space<hbm>> -> memref<2048xi32, #tpu.memory_space<hbm>>
      tpu.wait_dma2 semaphore(%run_scoped3A : memref<!tpu.dma_semaphore, #tpu.memory_space<semaphore_mem>>) src(%dma_wait3A_52 : memref<2048xi32, #tpu.memory_space<hbm>>) dst(%arg6 : memref<2048xi32, #tpu.memory_space<vmem>>)
      tpu.yield
    }) : () -> ()
    %mul3A_5 = arith.constant 32 : i32
    %mul3A_6 = arith.muli %mul3A_2, %mul3A_5 : i32
    "tpu.region"() ({
      %run_scoped3A = tpu.sem_alloc : memref<!tpu.dma_semaphore, #tpu.memory_space<semaphore_mem>>
      %dma_start3A_49 = tpu.memref_slice %arg4[%mul3A_6] : memref<65536xf32, #tpu.memory_space<hbm>> -> memref<2048xf32, #tpu.memory_space<hbm>>
      %dma_start3A_50 = tpu.memref_slice %arg4[%mul3A_6] : memref<65536xf32, #tpu.memory_space<hbm>> -> memref<2048xf32, #tpu.memory_space<hbm>>
      tpu.enqueue_dma source(%dma_start3A_50 : memref<2048xf32, #tpu.memory_space<hbm>>) target(%arg7 : memref<2048xf32, #tpu.memory_space<vmem>>) target_semaphore(%run_scoped3A : memref<!tpu.dma_semaphore, #tpu.memory_space<semaphore_mem>>)
      %dma_wait3A_51 = tpu.memref_slice %arg4[%mul3A_6] : memref<65536xf32, #tpu.memory_space<hbm>> -> memref<2048xf32, #tpu.memory_space<hbm>>
      %dma_wait3A_52 = tpu.memref_slice %arg4[%mul3A_6] : memref<65536xf32, #tpu.memory_space<hbm>> -> memref<2048xf32, #tpu.memory_space<hbm>>
      tpu.wait_dma2 semaphore(%run_scoped3A : memref<!tpu.dma_semaphore, #tpu.memory_space<semaphore_mem>>) src(%dma_wait3A_52 : memref<2048xf32, #tpu.memory_space<hbm>>) dst(%arg7 : memref<2048xf32, #tpu.memory_space<vmem>>)
      tpu.yield
    }) : () -> ()
    %dma_start3A = arith.constant 0 : i32
    %dma_start3A_7 = arith.constant 0 : i32
    %dma_start3A_8 = arith.constant 0 : i32
    %dma_start3A_9 = tpu.memref_slice %arg9[%dma_start3A, %dma_start3A_7, %dma_start3A_8] : memref<2x32x1024xf32, #tpu.memory_space<vmem>> -> memref<1x32x1024xf32, #tpu.memory_space<vmem>>
    %dma_start3A_10 = tpu.memref_squeeze %dma_start3A_9 : memref<1x32x1024xf32, #tpu.memory_space<vmem>> -> memref<32x1024xf32, #tpu.memory_space<vmem>>
    %dma_start3A_11 = arith.constant 0 : i32
    %dma_start3A_12 = tpu.memref_slice %arg6[%dma_start3A_11] : memref<2048xi32, #tpu.memory_space<vmem>> -> memref<32xi32, #tpu.memory_space<vmem>>
    %dma_start3A_13 = arith.constant 0 : i32
    %dma_start3A_14 = arith.constant 0 : i32
    %dma_start3A_15 = tpu.memref_slice %arg2[%dma_start3A_13, %dma_start3A_14] : memref<16384x1024xf32, #tpu.memory_space<hbm>> -> memref<16384x1024xf32, #tpu.memory_space<hbm>>
    tpu.enqueue_indirect_dma source(%dma_start3A_15 : memref<16384x1024xf32, #tpu.memory_space<hbm>>) target(%dma_start3A_10 : memref<32x1024xf32, #tpu.memory_space<vmem>>) offsets(%dma_start3A_12 : memref<32xi32, #tpu.memory_space<vmem>>) semaphore(%arg11 : memref<!tpu.dma_semaphore, #tpu.memory_space<semaphore_mem>>)
    %scan3A = arith.constant 0 : i32
    %scan3A_16 = arith.constant 32 : i32
    %scan3A_17 = arith.addi %scan3A, %scan3A_16 : i32
    %scan3A_18 = arith.constant 1 : i32
    scf.for %scan3A_49 = %scan3A to %scan3A_17 step %scan3A_18  : i32 {
      %mul3A_50 = arith.constant 2 : i32
      %mul3A_51 = arith.muli %scan3A_49, %mul3A_50 : i32
      %add3A_52 = arith.constant 0 : i32
      %add3A_53 = arith.addi %add3A_52, %mul3A_51 : i32
      %mul3A_54 = arith.constant 32 : i32
      %mul3A_55 = arith.muli %add3A_53, %mul3A_54 : i32
      %dma_wait3A_56 = arith.constant 0 : i32
      %dma_wait3A_57 = arith.constant 0 : i32
      %dma_wait3A_58 = arith.constant 0 : i32
      %dma_wait3A_59 = tpu.memref_slice %arg9[%dma_wait3A_56, %dma_wait3A_57, %dma_wait3A_58] : memref<2x32x1024xf32, #tpu.memory_space<vmem>> -> memref<1x32x1024xf32, #tpu.memory_space<vmem>>
      %dma_wait3A_60 = tpu.memref_squeeze %dma_wait3A_59 : memref<1x32x1024xf32, #tpu.memory_space<vmem>> -> memref<32x1024xf32, #tpu.memory_space<vmem>>
      %dma_wait3A_61 = tpu.memref_slice %arg6[%mul3A_55] : memref<2048xi32, #tpu.memory_space<vmem>> -> memref<32xi32, #tpu.memory_space<vmem>>
      %dma_wait3A_62 = arith.constant 0 : i32
      %dma_wait3A_63 = arith.constant 0 : i32
      %dma_wait3A_64 = tpu.memref_slice %arg2[%dma_wait3A_62, %dma_wait3A_63] : memref<16384x1024xf32, #tpu.memory_space<hbm>> -> memref<16384x1024xf32, #tpu.memory_space<hbm>>
      tpu.wait_indirect_dma semaphore(%arg11 : memref<!tpu.dma_semaphore, #tpu.memory_space<semaphore_mem>>) src(%dma_wait3A_64 : memref<16384x1024xf32, #tpu.memory_space<hbm>>) dst(%dma_wait3A_60 : memref<32x1024xf32, #tpu.memory_space<vmem>>)
      %add3A_65 = arith.constant 1 : i32
      %add3A_66 = arith.addi %add3A_53, %add3A_65 : i32
      %mul3A_67 = arith.constant 32 : i32
      %mul3A_68 = arith.muli %add3A_66, %mul3A_67 : i32
      %dma_start3A_69 = arith.constant 1 : i32
      %dma_start3A_70 = arith.constant 0 : i32
      %dma_start3A_71 = arith.constant 0 : i32
      %dma_start3A_72 = tpu.memref_slice %arg9[%dma_start3A_69, %dma_start3A_70, %dma_start3A_71] : memref<2x32x1024xf32, #tpu.memory_space<vmem>> -> memref<1x32x1024xf32, #tpu.memory_space<vmem>>
      %dma_start3A_73 = tpu.memref_squeeze %dma_start3A_72 : memref<1x32x1024xf32, #tpu.memory_space<vmem>> -> memref<32x1024xf32, #tpu.memory_space<vmem>>
      %dma_start3A_74 = tpu.memref_slice %arg6[%mul3A_68] : memref<2048xi32, #tpu.memory_space<vmem>> -> memref<32xi32, #tpu.memory_space<vmem>>
      %dma_start3A_75 = arith.constant 0 : i32
      %dma_start3A_76 = arith.constant 0 : i32
      %dma_start3A_77 = tpu.memref_slice %arg2[%dma_start3A_75, %dma_start3A_76] : memref<16384x1024xf32, #tpu.memory_space<hbm>> -> memref<16384x1024xf32, #tpu.memory_space<hbm>>
      tpu.enqueue_indirect_dma source(%dma_start3A_77 : memref<16384x1024xf32, #tpu.memory_space<hbm>>) target(%dma_start3A_73 : memref<32x1024xf32, #tpu.memory_space<vmem>>) offsets(%dma_start3A_74 : memref<32xi32, #tpu.memory_space<vmem>>) semaphore(%arg12 : memref<!tpu.dma_semaphore, #tpu.memory_space<semaphore_mem>>)
      %mul3A_78 = arith.constant 32 : i32
      %mul3A_79 = arith.muli %add3A_53, %mul3A_78 : i32
      %scan3A_80 = arith.constant 0 : i32
      %scan3A_81 = arith.constant 32 : i32
      %scan3A_82 = arith.addi %scan3A_80, %scan3A_81 : i32
      %scan3A_83 = arith.constant 1 : i32
      scf.for %scan3A_415 = %scan3A_80 to %scan3A_82 step %scan3A_83  : i32 {
        %mul3A_416 = arith.constant 1 : i32
        %mul3A_417 = arith.muli %scan3A_415, %mul3A_416 : i32
        %add3A_418 = arith.constant 0 : i32
        %add3A_419 = arith.addi %add3A_418, %mul3A_417 : i32
        %add3A_420 = arith.addi %mul3A_79, %add3A_419 : i32
        %broadcast_in_dim3A = arith.constant 0 : i32
        %broadcast_in_dim3A_421 = vector.broadcast %broadcast_in_dim3A : i32 to vector<16xi32>
        %add3A_422 = vector.broadcast %add3A_420 : i32 to vector<16xi32>
        %add3A_423 = arith.addi %add3A_422, %broadcast_in_dim3A_421 : vector<16xi32>
        %gather3A = tpu.vector_load_idx %arg7[%add3A_423] : memref<2048xf32, #tpu.memory_space<vmem>>[vector<16xi32>], vector<16xf32>,
        %swap3A = arith.index_cast %add3A_419 : i32 to index
        %swap3A_424 = arith.constant 0 : index
        %swap3A_425 = tpu.vector_load %arg8[%swap3A, %swap3A_424] {strides = array<i32>} : memref<32x16xf32, #tpu.memory_space<vmem>>, vector<16xf32>,
        tpu.vector_store %arg8[%swap3A, %swap3A_424], %gather3A {strides = array<i32>} : memref<32x16xf32, #tpu.memory_space<vmem>>, vector<16xf32>,
      }
      %scan3A_84 = arith.constant 32 : i32
      %get3A = arith.constant 0 : i32
      %get3A_85 = arith.index_cast %get3A : i32 to index
      %get3A_86 = arith.constant 0 : index
      %get3A_87 = tpu.vector_load %arg8[%get3A_85, %get3A_86] {strides = array<i32>} : memref<32x16xf32, #tpu.memory_space<vmem>>, vector<16xf32>,
      %get3A_88 = arith.constant 1 : i32
      %get3A_89 = arith.index_cast %get3A_88 : i32 to index
      %get3A_90 = arith.constant 0 : index
      %get3A_91 = tpu.vector_load %arg8[%get3A_89, %get3A_90] {strides = array<i32>} : memref<32x16xf32, #tpu.memory_space<vmem>>, vector<16xf32>,
      %get3A_92 = arith.constant 2 : i32
      %get3A_93 = arith.index_cast %get3A_92 : i32 to index
      %get3A_94 = arith.constant 0 : index
      %get3A_95 = tpu.vector_load %arg8[%get3A_93, %get3A_94] {strides = array<i32>} : memref<32x16xf32, #tpu.memory_space<vmem>>, vector<16xf32>,
      %get3A_96 = arith.constant 3 : i32
      %get3A_97 = arith.index_cast %get3A_96 : i32 to index
      %get3A_98 = arith.constant 0 : index
      %get3A_99 = tpu.vector_load %arg8[%get3A_97, %get3A_98] {strides = array<i32>} : memref<32x16xf32, #tpu.memory_space<vmem>>, vector<16xf32>,
      %get3A_100 = arith.constant 4 : i32
      %get3A_101 = arith.index_cast %get3A_100 : i32 to index
      %get3A_102 = arith.constant 0 : index
      %get3A_103 = tpu.vector_load %arg8[%get3A_101, %get3A_102] {strides = array<i32>} : memref<32x16xf32, #tpu.memory_space<vmem>>, vector<16xf32>,
      %get3A_104 = arith.constant 5 : i32
      %get3A_105 = arith.index_cast %get3A_104 : i32 to index
      %get3A_106 = arith.constant 0 : index
      %get3A_107 = tpu.vector_load %arg8[%get3A_105, %get3A_106] {strides = array<i32>} : memref<32x16xf32, #tpu.memory_space<vmem>>, vector<16xf32>,
      %get3A_108 = arith.constant 6 : i32
      %get3A_109 = arith.index_cast %get3A_108 : i32 to index
      %get3A_110 = arith.constant 0 : index
      %get3A_111 = tpu.vector_load %arg8[%get3A_109, %get3A_110] {strides = array<i32>} : memref<32x16xf32, #tpu.memory_space<vmem>>, vector<16xf32>,
      %get3A_112 = arith.constant 7 : i32
      %get3A_113 = arith.index_cast %get3A_112 : i32 to index
      %get3A_114 = arith.constant 0 : index
      %get3A_115 = tpu.vector_load %arg8[%get3A_113, %get3A_114] {strides = array<i32>} : memref<32x16xf32, #tpu.memory_space<vmem>>, vector<16xf32>,
      %get3A_116 = arith.constant 8 : i32
      %get3A_117 = arith.index_cast %get3A_116 : i32 to index
      %get3A_118 = arith.constant 0 : index
      %get3A_119 = tpu.vector_load %arg8[%get3A_117, %get3A_118] {strides = array<i32>} : memref<32x16xf32, #tpu.memory_space<vmem>>, vector<16xf32>,
      %get3A_120 = arith.constant 9 : i32
      %get3A_121 = arith.index_cast %get3A_120 : i32 to index
      %get3A_122 = arith.constant 0 : index
      %get3A_123 = tpu.vector_load %arg8[%get3A_121, %get3A_122] {strides = array<i32>} : memref<32x16xf32, #tpu.memory_space<vmem>>, vector<16xf32>,
      %get3A_124 = arith.constant 10 : i32
      %get3A_125 = arith.index_cast %get3A_124 : i32 to index
      %get3A_126 = arith.constant 0 : index
      %get3A_127 = tpu.vector_load %arg8[%get3A_125, %get3A_126] {strides = array<i32>} : memref<32x16xf32, #tpu.memory_space<vmem>>, vector<16xf32>,
      %get3A_128 = arith.constant 11 : i32
      %get3A_129 = arith.index_cast %get3A_128 : i32 to index
      %get3A_130 = arith.constant 0 : index
      %get3A_131 = tpu.vector_load %arg8[%get3A_129, %get3A_130] {strides = array<i32>} : memref<32x16xf32, #tpu.memory_space<vmem>>, vector<16xf32>,
      %get3A_132 = arith.constant 12 : i32
      %get3A_133 = arith.index_cast %get3A_132 : i32 to index
      %get3A_134 = arith.constant 0 : index
      %get3A_135 = tpu.vector_load %arg8[%get3A_133, %get3A_134] {strides = array<i32>} : memref<32x16xf32, #tpu.memory_space<vmem>>, vector<16xf32>,
      %get3A_136 = arith.constant 13 : i32
      %get3A_137 = arith.index_cast %get3A_136 : i32 to index
      %get3A_138 = arith.constant 0 : index
      %get3A_139 = tpu.vector_load %arg8[%get3A_137, %get3A_138] {strides = array<i32>} : memref<32x16xf32, #tpu.memory_space<vmem>>, vector<16xf32>,
      %get3A_140 = arith.constant 14 : i32
      %get3A_141 = arith.index_cast %get3A_140 : i32 to index
      %get3A_142 = arith.constant 0 : index
      %get3A_143 = tpu.vector_load %arg8[%get3A_141, %get3A_142] {strides = array<i32>} : memref<32x16xf32, #tpu.memory_space<vmem>>, vector<16xf32>,
      %get3A_144 = arith.constant 15 : i32
      %get3A_145 = arith.index_cast %get3A_144 : i32 to index
      %get3A_146 = arith.constant 0 : index
      %get3A_147 = tpu.vector_load %arg8[%get3A_145, %get3A_146] {strides = array<i32>} : memref<32x16xf32, #tpu.memory_space<vmem>>, vector<16xf32>,
      %get3A_148 = arith.constant 16 : i32
      %get3A_149 = arith.index_cast %get3A_148 : i32 to index
      %get3A_150 = arith.constant 0 : index
      %get3A_151 = tpu.vector_load %arg8[%get3A_149, %get3A_150] {strides = array<i32>} : memref<32x16xf32, #tpu.memory_space<vmem>>, vector<16xf32>,
      %get3A_152 = arith.constant 17 : i32
      %get3A_153 = arith.index_cast %get3A_152 : i32 to index
      %get3A_154 = arith.constant 0 : index
      %get3A_155 = tpu.vector_load %arg8[%get3A_153, %get3A_154] {strides = array<i32>} : memref<32x16xf32, #tpu.memory_space<vmem>>, vector<16xf32>,
      %get3A_156 = arith.constant 18 : i32
      %get3A_157 = arith.index_cast %get3A_156 : i32 to index
      %get3A_158 = arith.constant 0 : index
      %get3A_159 = tpu.vector_load %arg8[%get3A_157, %get3A_158] {strides = array<i32>} : memref<32x16xf32, #tpu.memory_space<vmem>>, vector<16xf32>,
      %get3A_160 = arith.constant 19 : i32
      %get3A_161 = arith.index_cast %get3A_160 : i32 to index
      %get3A_162 = arith.constant 0 : index
      %get3A_163 = tpu.vector_load %arg8[%get3A_161, %get3A_162] {strides = array<i32>} : memref<32x16xf32, #tpu.memory_space<vmem>>, vector<16xf32>,
      %get3A_164 = arith.constant 20 : i32
      %get3A_165 = arith.index_cast %get3A_164 : i32 to index
      %get3A_166 = arith.constant 0 : index
      %get3A_167 = tpu.vector_load %arg8[%get3A_165, %get3A_166] {strides = array<i32>} : memref<32x16xf32, #tpu.memory_space<vmem>>, vector<16xf32>,
      %get3A_168 = arith.constant 21 : i32
      %get3A_169 = arith.index_cast %get3A_168 : i32 to index
      %get3A_170 = arith.constant 0 : index
      %get3A_171 = tpu.vector_load %arg8[%get3A_169, %get3A_170] {strides = array<i32>} : memref<32x16xf32, #tpu.memory_space<vmem>>, vector<16xf32>,
      %get3A_172 = arith.constant 22 : i32
      %get3A_173 = arith.index_cast %get3A_172 : i32 to index
      %get3A_174 = arith.constant 0 : index
      %get3A_175 = tpu.vector_load %arg8[%get3A_173, %get3A_174] {strides = array<i32>} : memref<32x16xf32, #tpu.memory_space<vmem>>, vector<16xf32>,
      %get3A_176 = arith.constant 23 : i32
      %get3A_177 = arith.index_cast %get3A_176 : i32 to index
      %get3A_178 = arith.constant 0 : index
      %get3A_179 = tpu.vector_load %arg8[%get3A_177, %get3A_178] {strides = array<i32>} : memref<32x16xf32, #tpu.memory_space<vmem>>, vector<16xf32>,
      %get3A_180 = arith.constant 24 : i32
      %get3A_181 = arith.index_cast %get3A_180 : i32 to index
      %get3A_182 = arith.constant 0 : index
      %get3A_183 = tpu.vector_load %arg8[%get3A_181, %get3A_182] {strides = array<i32>} : memref<32x16xf32, #tpu.memory_space<vmem>>, vector<16xf32>,
      %get3A_184 = arith.constant 25 : i32
      %get3A_185 = arith.index_cast %get3A_184 : i32 to index
      %get3A_186 = arith.constant 0 : index
      %get3A_187 = tpu.vector_load %arg8[%get3A_185, %get3A_186] {strides = array<i32>} : memref<32x16xf32, #tpu.memory_space<vmem>>, vector<16xf32>,
      %get3A_188 = arith.constant 26 : i32
      %get3A_189 = arith.index_cast %get3A_188 : i32 to index
      %get3A_190 = arith.constant 0 : index
      %get3A_191 = tpu.vector_load %arg8[%get3A_189, %get3A_190] {strides = array<i32>} : memref<32x16xf32, #tpu.memory_space<vmem>>, vector<16xf32>,
      %get3A_192 = arith.constant 27 : i32
      %get3A_193 = arith.index_cast %get3A_192 : i32 to index
      %get3A_194 = arith.constant 0 : index
      %get3A_195 = tpu.vector_load %arg8[%get3A_193, %get3A_194] {strides = array<i32>} : memref<32x16xf32, #tpu.memory_space<vmem>>, vector<16xf32>,
      %get3A_196 = arith.constant 28 : i32
      %get3A_197 = arith.index_cast %get3A_196 : i32 to index
      %get3A_198 = arith.constant 0 : index
      %get3A_199 = tpu.vector_load %arg8[%get3A_197, %get3A_198] {strides = array<i32>} : memref<32x16xf32, #tpu.memory_space<vmem>>, vector<16xf32>,
      %get3A_200 = arith.constant 29 : i32
      %get3A_201 = arith.index_cast %get3A_200 : i32 to index
      %get3A_202 = arith.constant 0 : index
      %get3A_203 = tpu.vector_load %arg8[%get3A_201, %get3A_202] {strides = array<i32>} : memref<32x16xf32, #tpu.memory_space<vmem>>, vector<16xf32>,
      %get3A_204 = arith.constant 30 : i32
      %get3A_205 = arith.index_cast %get3A_204 : i32 to index
      %get3A_206 = arith.constant 0 : index
      %get3A_207 = tpu.vector_load %arg8[%get3A_205, %get3A_206] {strides = array<i32>} : memref<32x16xf32, #tpu.memory_space<vmem>>, vector<16xf32>,
      %get3A_208 = arith.constant 31 : i32
      %get3A_209 = arith.index_cast %get3A_208 : i32 to index
      %get3A_210 = arith.constant 0 : index
      %get3A_211 = tpu.vector_load %arg8[%get3A_209, %get3A_210] {strides = array<i32>} : memref<32x16xf32, #tpu.memory_space<vmem>>, vector<16xf32>,
      %ge3A = arith.constant 2 : i32
      %ge3A_212 = arith.cmpi sge, %add3A_53, %ge3A : i32
      %convert_element_type3A = arith.extui %ge3A_212 : i1 to i32
      %cond3A = arith.constant 0 : i32
      %cond3A_213 = arith.cmpi ne, %convert_element_type3A, %cond3A : i32
      scf.if %cond3A_213 {
        %sub3A = arith.constant 2 : i32
        %sub3A_415 = arith.subi %add3A_53, %sub3A : i32
        %add3A_416 = arith.addi %mul3A_2, %sub3A_415 : i32
        %dma_wait3A_417 = arith.constant 0 : i32
        %dma_wait3A_418 = arith.constant 0 : i32
        %dma_wait3A_419 = tpu.memref_slice %arg10[%dma_wait3A_417, %dma_wait3A_418] : memref<2x1024xf32, #tpu.memory_space<vmem>> -> memref<1x1024xf32, #tpu.memory_space<vmem>>
        %dma_wait3A_420 = tpu.memref_squeeze %dma_wait3A_419 : memref<1x1024xf32, #tpu.memory_space<vmem>> -> memref<1024xf32, #tpu.memory_space<vmem>>
        %dma_wait3A_421 = arith.constant 0 : i32
        %dma_wait3A_422 = tpu.memref_slice %arg5[%add3A_416, %dma_wait3A_421] : memref<2048x1024xf32, #tpu.memory_space<hbm>> -> memref<1x1024xf32, #tpu.memory_space<hbm>>
        %dma_wait3A_423 = tpu.memref_squeeze %dma_wait3A_422 : memref<1x1024xf32, #tpu.memory_space<hbm>> -> memref<1024xf32, #tpu.memory_space<hbm>>
        %dma_wait3A_424 = arith.constant 0 : i32
        %dma_wait3A_425 = tpu.memref_slice %arg5[%add3A_416, %dma_wait3A_424] : memref<2048x1024xf32, #tpu.memory_space<hbm>> -> memref<1x1024xf32, #tpu.memory_space<hbm>>
        %dma_wait3A_426 = tpu.memref_squeeze %dma_wait3A_425 : memref<1x1024xf32, #tpu.memory_space<hbm>> -> memref<1024xf32, #tpu.memory_space<hbm>>
        %dma_wait3A_427 = arith.constant 0 : i32
        %dma_wait3A_428 = tpu.memref_slice %arg10[%dma_wait3A_417, %dma_wait3A_427] : memref<2x1024xf32, #tpu.memory_space<vmem>> -> memref<1x1024xf32, #tpu.memory_space<vmem>>
        %dma_wait3A_429 = tpu.memref_squeeze %dma_wait3A_428 : memref<1x1024xf32, #tpu.memory_space<vmem>> -> memref<1024xf32, #tpu.memory_space<vmem>>
        tpu.wait_dma2 semaphore(%arg13 : memref<!tpu.dma_semaphore, #tpu.memory_space<semaphore_mem>>) src(%dma_wait3A_429 : memref<1024xf32, #tpu.memory_space<vmem>>) dst(%dma_wait3A_426 : memref<1024xf32, #tpu.memory_space<hbm>>)
      } else {
      }
      %scan3A_214 = arith.constant 0 : i32
      %scan3A_215 = arith.constant 0 : i32
      %scan3A_216 = arith.constant 64 : i32
      %scan3A_217 = arith.addi %scan3A_215, %scan3A_216 : i32
      %scan3A_218 = arith.constant 1 : i32
      scf.for %scan3A_415 = %scan3A_215 to %scan3A_217 step %scan3A_218  : i32 {
        %mul3A_416 = arith.constant 16 : i32
        %mul3A_417 = arith.muli %scan3A_415, %mul3A_416 : i32
        %add3A_418 = arith.constant 0 : i32
        %add3A_419 = arith.addi %add3A_418, %mul3A_417 : i32
        %get3A_420 = arith.constant 0 : i32
        %get3A_421 = arith.constant 0 : i32
        %get3A_422 = arith.constant 0 : i32
        %get3A_423 = tpu.memref_slice %arg9[%scan3A_214, %get3A_421, %get3A_422] : memref<2x32x1024xf32, #tpu.memory_space<vmem>> -> memref<1x32x1024xf32, #tpu.memory_space<vmem>>
        %get3A_424 = tpu.memref_squeeze %get3A_423 : memref<1x32x1024xf32, #tpu.memory_space<vmem>> -> memref<32x1024xf32, #tpu.memory_space<vmem>>
        %get3A_425 = arith.index_cast %get3A_420 : i32 to index
        %get3A_426 = arith.index_cast %add3A_419 : i32 to index
        %get3A_427 = tpu.vector_load %get3A_424[%get3A_425, %get3A_426] {strides = array<i32>} : memref<32x1024xf32, #tpu.memory_space<vmem>>, vector<16xf32>,
        %mul3A_428 = arith.mulf %get3A_87, %get3A_427 : vector<16xf32>
        %get3A_429 = arith.constant 1 : i32
        %get3A_430 = arith.constant 0 : i32
        %get3A_431 = arith.constant 0 : i32
        %get3A_432 = tpu.memref_slice %arg9[%scan3A_214, %get3A_430, %get3A_431] : memref<2x32x1024xf32, #tpu.memory_space<vmem>> -> memref<1x32x1024xf32, #tpu.memory_space<vmem>>
        %get3A_433 = tpu.memref_squeeze %get3A_432 : memref<1x32x1024xf32, #tpu.memory_space<vmem>> -> memref<32x1024xf32, #tpu.memory_space<vmem>>
        %get3A_434 = arith.index_cast %get3A_429 : i32 to index
        %get3A_435 = arith.index_cast %add3A_419 : i32 to index
        %get3A_436 = tpu.vector_load %get3A_433[%get3A_434, %get3A_435] {strides = array<i32>} : memref<32x1024xf32, #tpu.memory_space<vmem>>, vector<16xf32>,
        %mul3A_437 = arith.mulf %get3A_91, %get3A_436 : vector<16xf32>
        %add3A_438 = arith.addf %mul3A_428, %mul3A_437 : vector<16xf32>
        %get3A_439 = arith.constant 2 : i32
        %get3A_440 = arith.constant 0 : i32
        %get3A_441 = arith.constant 0 : i32
        %get3A_442 = tpu.memref_slice %arg9[%scan3A_214, %get3A_440, %get3A_441] : memref<2x32x1024xf32, #tpu.memory_space<vmem>> -> memref<1x32x1024xf32, #tpu.memory_space<vmem>>
        %get3A_443 = tpu.memref_squeeze %get3A_442 : memref<1x32x1024xf32, #tpu.memory_space<vmem>> -> memref<32x1024xf32, #tpu.memory_space<vmem>>
        %get3A_444 = arith.index_cast %get3A_439 : i32 to index
        %get3A_445 = arith.index_cast %add3A_419 : i32 to index
        %get3A_446 = tpu.vector_load %get3A_443[%get3A_444, %get3A_445] {strides = array<i32>} : memref<32x1024xf32, #tpu.memory_space<vmem>>, vector<16xf32>,
        %mul3A_447 = arith.mulf %get3A_95, %get3A_446 : vector<16xf32>
        %add3A_448 = arith.addf %add3A_438, %mul3A_447 : vector<16xf32>
        %get3A_449 = arith.constant 3 : i32
        %get3A_450 = arith.constant 0 : i32
        %get3A_451 = arith.constant 0 : i32
        %get3A_452 = tpu.memref_slice %arg9[%scan3A_214, %get3A_450, %get3A_451] : memref<2x32x1024xf32, #tpu.memory_space<vmem>> -> memref<1x32x1024xf32, #tpu.memory_space<vmem>>
        %get3A_453 = tpu.memref_squeeze %get3A_452 : memref<1x32x1024xf32, #tpu.memory_space<vmem>> -> memref<32x1024xf32, #tpu.memory_space<vmem>>
        %get3A_454 = arith.index_cast %get3A_449 : i32 to index
        %get3A_455 = arith.index_cast %add3A_419 : i32 to index
        %get3A_456 = tpu.vector_load %get3A_453[%get3A_454, %get3A_455] {strides = array<i32>} : memref<32x1024xf32, #tpu.memory_space<vmem>>, vector<16xf32>,
        %mul3A_457 = arith.mulf %get3A_99, %get3A_456 : vector<16xf32>
        %add3A_458 = arith.addf %add3A_448, %mul3A_457 : vector<16xf32>
        %get3A_459 = arith.constant 4 : i32
        %get3A_460 = arith.constant 0 : i32
        %get3A_461 = arith.constant 0 : i32
        %get3A_462 = tpu.memref_slice %arg9[%scan3A_214, %get3A_460, %get3A_461] : memref<2x32x1024xf32, #tpu.memory_space<vmem>> -> memref<1x32x1024xf32, #tpu.memory_space<vmem>>
        %get3A_463 = tpu.memref_squeeze %get3A_462 : memref<1x32x1024xf32, #tpu.memory_space<vmem>> -> memref<32x1024xf32, #tpu.memory_space<vmem>>
        %get3A_464 = arith.index_cast %get3A_459 : i32 to index
        %get3A_465 = arith.index_cast %add3A_419 : i32 to index
        %get3A_466 = tpu.vector_load %get3A_463[%get3A_464, %get3A_465] {strides = array<i32>} : memref<32x1024xf32, #tpu.memory_space<vmem>>, vector<16xf32>,
        %mul3A_467 = arith.mulf %get3A_103, %get3A_466 : vector<16xf32>
        %add3A_468 = arith.addf %add3A_458, %mul3A_467 : vector<16xf32>
        %get3A_469 = arith.constant 5 : i32
        %get3A_470 = arith.constant 0 : i32
        %get3A_471 = arith.constant 0 : i32
        %get3A_472 = tpu.memref_slice %arg9[%scan3A_214, %get3A_470, %get3A_471] : memref<2x32x1024xf32, #tpu.memory_space<vmem>> -> memref<1x32x1024xf32, #tpu.memory_space<vmem>>
        %get3A_473 = tpu.memref_squeeze %get3A_472 : memref<1x32x1024xf32, #tpu.memory_space<vmem>> -> memref<32x1024xf32, #tpu.memory_space<vmem>>
        %get3A_474 = arith.index_cast %get3A_469 : i32 to index
        %get3A_475 = arith.index_cast %add3A_419 : i32 to index
        %get3A_476 = tpu.vector_load %get3A_473[%get3A_474, %get3A_475] {strides = array<i32>} : memref<32x1024xf32, #tpu.memory_space<vmem>>, vector<16xf32>,
        %mul3A_477 = arith.mulf %get3A_107, %get3A_476 : vector<16xf32>
        %add3A_478 = arith.addf %add3A_468, %mul3A_477 : vector<16xf32>
        %get3A_479 = arith.constant 6 : i32
        %get3A_480 = arith.constant 0 : i32
        %get3A_481 = arith.constant 0 : i32
        %get3A_482 = tpu.memref_slice %arg9[%scan3A_214, %get3A_480, %get3A_481] : memref<2x32x1024xf32, #tpu.memory_space<vmem>> -> memref<1x32x1024xf32, #tpu.memory_space<vmem>>
        %get3A_483 = tpu.memref_squeeze %get3A_482 : memref<1x32x1024xf32, #tpu.memory_space<vmem>> -> memref<32x1024xf32, #tpu.memory_space<vmem>>
        %get3A_484 = arith.index_cast %get3A_479 : i32 to index
        %get3A_485 = arith.index_cast %add3A_419 : i32 to index
        %get3A_486 = tpu.vector_load %get3A_483[%get3A_484, %get3A_485] {strides = array<i32>} : memref<32x1024xf32, #tpu.memory_space<vmem>>, vector<16xf32>,
        %mul3A_487 = arith.mulf %get3A_111, %get3A_486 : vector<16xf32>
        %add3A_488 = arith.addf %add3A_478, %mul3A_487 : vector<16xf32>
        %get3A_489 = arith.constant 7 : i32
        %get3A_490 = arith.constant 0 : i32
        %get3A_491 = arith.constant 0 : i32
        %get3A_492 = tpu.memref_slice %arg9[%scan3A_214, %get3A_490, %get3A_491] : memref<2x32x1024xf32, #tpu.memory_space<vmem>> -> memref<1x32x1024xf32, #tpu.memory_space<vmem>>
        %get3A_493 = tpu.memref_squeeze %get3A_492 : memref<1x32x1024xf32, #tpu.memory_space<vmem>> -> memref<32x1024xf32, #tpu.memory_space<vmem>>
        %get3A_494 = arith.index_cast %get3A_489 : i32 to index
        %get3A_495 = arith.index_cast %add3A_419 : i32 to index
        %get3A_496 = tpu.vector_load %get3A_493[%get3A_494, %get3A_495] {strides = array<i32>} : memref<32x1024xf32, #tpu.memory_space<vmem>>, vector<16xf32>,
        %mul3A_497 = arith.mulf %get3A_115, %get3A_496 : vector<16xf32>
        %add3A_498 = arith.addf %add3A_488, %mul3A_497 : vector<16xf32>
        %get3A_499 = arith.constant 8 : i32
        %get3A_500 = arith.constant 0 : i32
        %get3A_501 = arith.constant 0 : i32
        %get3A_502 = tpu.memref_slice %arg9[%scan3A_214, %get3A_500, %get3A_501] : memref<2x32x1024xf32, #tpu.memory_space<vmem>> -> memref<1x32x1024xf32, #tpu.memory_space<vmem>>
        %get3A_503 = tpu.memref_squeeze %get3A_502 : memref<1x32x1024xf32, #tpu.memory_space<vmem>> -> memref<32x1024xf32, #tpu.memory_space<vmem>>
        %get3A_504 = arith.index_cast %get3A_499 : i32 to index
        %get3A_505 = arith.index_cast %add3A_419 : i32 to index
        %get3A_506 = tpu.vector_load %get3A_503[%get3A_504, %get3A_505] {strides = array<i32>} : memref<32x1024xf32, #tpu.memory_space<vmem>>, vector<16xf32>,
        %mul3A_507 = arith.mulf %get3A_119, %get3A_506 : vector<16xf32>
        %add3A_508 = arith.addf %add3A_498, %mul3A_507 : vector<16xf32>
        %get3A_509 = arith.constant 9 : i32
        %get3A_510 = arith.constant 0 : i32
        %get3A_511 = arith.constant 0 : i32
        %get3A_512 = tpu.memref_slice %arg9[%scan3A_214, %get3A_510, %get3A_511] : memref<2x32x1024xf32, #tpu.memory_space<vmem>> -> memref<1x32x1024xf32, #tpu.memory_space<vmem>>
        %get3A_513 = tpu.memref_squeeze %get3A_512 : memref<1x32x1024xf32, #tpu.memory_space<vmem>> -> memref<32x1024xf32, #tpu.memory_space<vmem>>
        %get3A_514 = arith.index_cast %get3A_509 : i32 to index
        %get3A_515 = arith.index_cast %add3A_419 : i32 to index
        %get3A_516 = tpu.vector_load %get3A_513[%get3A_514, %get3A_515] {strides = array<i32>} : memref<32x1024xf32, #tpu.memory_space<vmem>>, vector<16xf32>,
        %mul3A_517 = arith.mulf %get3A_123, %get3A_516 : vector<16xf32>
        %add3A_518 = arith.addf %add3A_508, %mul3A_517 : vector<16xf32>
        %get3A_519 = arith.constant 10 : i32
        %get3A_520 = arith.constant 0 : i32
        %get3A_521 = arith.constant 0 : i32
        %get3A_522 = tpu.memref_slice %arg9[%scan3A_214, %get3A_520, %get3A_521] : memref<2x32x1024xf32, #tpu.memory_space<vmem>> -> memref<1x32x1024xf32, #tpu.memory_space<vmem>>
        %get3A_523 = tpu.memref_squeeze %get3A_522 : memref<1x32x1024xf32, #tpu.memory_space<vmem>> -> memref<32x1024xf32, #tpu.memory_space<vmem>>
        %get3A_524 = arith.index_cast %get3A_519 : i32 to index
        %get3A_525 = arith.index_cast %add3A_419 : i32 to index
        %get3A_526 = tpu.vector_load %get3A_523[%get3A_524, %get3A_525] {strides = array<i32>} : memref<32x1024xf32, #tpu.memory_space<vmem>>, vector<16xf32>,
        %mul3A_527 = arith.mulf %get3A_127, %get3A_526 : vector<16xf32>
        %add3A_528 = arith.addf %add3A_518, %mul3A_527 : vector<16xf32>
        %get3A_529 = arith.constant 11 : i32
        %get3A_530 = arith.constant 0 : i32
        %get3A_531 = arith.constant 0 : i32
        %get3A_532 = tpu.memref_slice %arg9[%scan3A_214, %get3A_530, %get3A_531] : memref<2x32x1024xf32, #tpu.memory_space<vmem>> -> memref<1x32x1024xf32, #tpu.memory_space<vmem>>
        %get3A_533 = tpu.memref_squeeze %get3A_532 : memref<1x32x1024xf32, #tpu.memory_space<vmem>> -> memref<32x1024xf32, #tpu.memory_space<vmem>>
        %get3A_534 = arith.index_cast %get3A_529 : i32 to index
        %get3A_535 = arith.index_cast %add3A_419 : i32 to index
        %get3A_536 = tpu.vector_load %get3A_533[%get3A_534, %get3A_535] {strides = array<i32>} : memref<32x1024xf32, #tpu.memory_space<vmem>>, vector<16xf32>,
        %mul3A_537 = arith.mulf %get3A_131, %get3A_536 : vector<16xf32>
        %add3A_538 = arith.addf %add3A_528, %mul3A_537 : vector<16xf32>
        %get3A_539 = arith.constant 12 : i32
        %get3A_540 = arith.constant 0 : i32
        %get3A_541 = arith.constant 0 : i32
        %get3A_542 = tpu.memref_slice %arg9[%scan3A_214, %get3A_540, %get3A_541] : memref<2x32x1024xf32, #tpu.memory_space<vmem>> -> memref<1x32x1024xf32, #tpu.memory_space<vmem>>
        %get3A_543 = tpu.memref_squeeze %get3A_542 : memref<1x32x1024xf32, #tpu.memory_space<vmem>> -> memref<32x1024xf32, #tpu.memory_space<vmem>>
        %get3A_544 = arith.index_cast %get3A_539 : i32 to index
        %get3A_545 = arith.index_cast %add3A_419 : i32 to index
        %get3A_546 = tpu.vector_load %get3A_543[%get3A_544, %get3A_545] {strides = array<i32>} : memref<32x1024xf32, #tpu.memory_space<vmem>>, vector<16xf32>,
        %mul3A_547 = arith.mulf %get3A_135, %get3A_546 : vector<16xf32>
        %add3A_548 = arith.addf %add3A_538, %mul3A_547 : vector<16xf32>
        %get3A_549 = arith.constant 13 : i32
        %get3A_550 = arith.constant 0 : i32
        %get3A_551 = arith.constant 0 : i32
        %get3A_552 = tpu.memref_slice %arg9[%scan3A_214, %get3A_550, %get3A_551] : memref<2x32x1024xf32, #tpu.memory_space<vmem>> -> memref<1x32x1024xf32, #tpu.memory_space<vmem>>
        %get3A_553 = tpu.memref_squeeze %get3A_552 : memref<1x32x1024xf32, #tpu.memory_space<vmem>> -> memref<32x1024xf32, #tpu.memory_space<vmem>>
        %get3A_554 = arith.index_cast %get3A_549 : i32 to index
        %get3A_555 = arith.index_cast %add3A_419 : i32 to index
        %get3A_556 = tpu.vector_load %get3A_553[%get3A_554, %get3A_555] {strides = array<i32>} : memref<32x1024xf32, #tpu.memory_space<vmem>>, vector<16xf32>,
        %mul3A_557 = arith.mulf %get3A_139, %get3A_556 : vector<16xf32>
        %add3A_558 = arith.addf %add3A_548, %mul3A_557 : vector<16xf32>
        %get3A_559 = arith.constant 14 : i32
        %get3A_560 = arith.constant 0 : i32
        %get3A_561 = arith.constant 0 : i32
        %get3A_562 = tpu.memref_slice %arg9[%scan3A_214, %get3A_560, %get3A_561] : memref<2x32x1024xf32, #tpu.memory_space<vmem>> -> memref<1x32x1024xf32, #tpu.memory_space<vmem>>
        %get3A_563 = tpu.memref_squeeze %get3A_562 : memref<1x32x1024xf32, #tpu.memory_space<vmem>> -> memref<32x1024xf32, #tpu.memory_space<vmem>>
        %get3A_564 = arith.index_cast %get3A_559 : i32 to index
        %get3A_565 = arith.index_cast %add3A_419 : i32 to index
        %get3A_566 = tpu.vector_load %get3A_563[%get3A_564, %get3A_565] {strides = array<i32>} : memref<32x1024xf32, #tpu.memory_space<vmem>>, vector<16xf32>,
        %mul3A_567 = arith.mulf %get3A_143, %get3A_566 : vector<16xf32>
        %add3A_568 = arith.addf %add3A_558, %mul3A_567 : vector<16xf32>
        %get3A_569 = arith.constant 15 : i32
        %get3A_570 = arith.constant 0 : i32
        %get3A_571 = arith.constant 0 : i32
        %get3A_572 = tpu.memref_slice %arg9[%scan3A_214, %get3A_570, %get3A_571] : memref<2x32x1024xf32, #tpu.memory_space<vmem>> -> memref<1x32x1024xf32, #tpu.memory_space<vmem>>
        %get3A_573 = tpu.memref_squeeze %get3A_572 : memref<1x32x1024xf32, #tpu.memory_space<vmem>> -> memref<32x1024xf32, #tpu.memory_space<vmem>>
        %get3A_574 = arith.index_cast %get3A_569 : i32 to index
        %get3A_575 = arith.index_cast %add3A_419 : i32 to index
        %get3A_576 = tpu.vector_load %get3A_573[%get3A_574, %get3A_575] {strides = array<i32>} : memref<32x1024xf32, #tpu.memory_space<vmem>>, vector<16xf32>,
        %mul3A_577 = arith.mulf %get3A_147, %get3A_576 : vector<16xf32>
        %add3A_578 = arith.addf %add3A_568, %mul3A_577 : vector<16xf32>
        %get3A_579 = arith.constant 16 : i32
        %get3A_580 = arith.constant 0 : i32
        %get3A_581 = arith.constant 0 : i32
        %get3A_582 = tpu.memref_slice %arg9[%scan3A_214, %get3A_580, %get3A_581] : memref<2x32x1024xf32, #tpu.memory_space<vmem>> -> memref<1x32x1024xf32, #tpu.memory_space<vmem>>
        %get3A_583 = tpu.memref_squeeze %get3A_582 : memref<1x32x1024xf32, #tpu.memory_space<vmem>> -> memref<32x1024xf32, #tpu.memory_space<vmem>>
        %get3A_584 = arith.index_cast %get3A_579 : i32 to index
        %get3A_585 = arith.index_cast %add3A_419 : i32 to index
        %get3A_586 = tpu.vector_load %get3A_583[%get3A_584, %get3A_585] {strides = array<i32>} : memref<32x1024xf32, #tpu.memory_space<vmem>>, vector<16xf32>,
        %mul3A_587 = arith.mulf %get3A_151, %get3A_586 : vector<16xf32>
        %add3A_588 = arith.addf %add3A_578, %mul3A_587 : vector<16xf32>
        %get3A_589 = arith.constant 17 : i32
        %get3A_590 = arith.constant 0 : i32
        %get3A_591 = arith.constant 0 : i32
        %get3A_592 = tpu.memref_slice %arg9[%scan3A_214, %get3A_590, %get3A_591] : memref<2x32x1024xf32, #tpu.memory_space<vmem>> -> memref<1x32x1024xf32, #tpu.memory_space<vmem>>
        %get3A_593 = tpu.memref_squeeze %get3A_592 : memref<1x32x1024xf32, #tpu.memory_space<vmem>> -> memref<32x1024xf32, #tpu.memory_space<vmem>>
        %get3A_594 = arith.index_cast %get3A_589 : i32 to index
        %get3A_595 = arith.index_cast %add3A_419 : i32 to index
        %get3A_596 = tpu.vector_load %get3A_593[%get3A_594, %get3A_595] {strides = array<i32>} : memref<32x1024xf32, #tpu.memory_space<vmem>>, vector<16xf32>,
        %mul3A_597 = arith.mulf %get3A_155, %get3A_596 : vector<16xf32>
        %add3A_598 = arith.addf %add3A_588, %mul3A_597 : vector<16xf32>
        %get3A_599 = arith.constant 18 : i32
        %get3A_600 = arith.constant 0 : i32
        %get3A_601 = arith.constant 0 : i32
        %get3A_602 = tpu.memref_slice %arg9[%scan3A_214, %get3A_600, %get3A_601] : memref<2x32x1024xf32, #tpu.memory_space<vmem>> -> memref<1x32x1024xf32, #tpu.memory_space<vmem>>
        %get3A_603 = tpu.memref_squeeze %get3A_602 : memref<1x32x1024xf32, #tpu.memory_space<vmem>> -> memref<32x1024xf32, #tpu.memory_space<vmem>>
        %get3A_604 = arith.index_cast %get3A_599 : i32 to index
        %get3A_605 = arith.index_cast %add3A_419 : i32 to index
        %get3A_606 = tpu.vector_load %get3A_603[%get3A_604, %get3A_605] {strides = array<i32>} : memref<32x1024xf32, #tpu.memory_space<vmem>>, vector<16xf32>,
        %mul3A_607 = arith.mulf %get3A_159, %get3A_606 : vector<16xf32>
        %add3A_608 = arith.addf %add3A_598, %mul3A_607 : vector<16xf32>
        %get3A_609 = arith.constant 19 : i32
        %get3A_610 = arith.constant 0 : i32
        %get3A_611 = arith.constant 0 : i32
        %get3A_612 = tpu.memref_slice %arg9[%scan3A_214, %get3A_610, %get3A_611] : memref<2x32x1024xf32, #tpu.memory_space<vmem>> -> memref<1x32x1024xf32, #tpu.memory_space<vmem>>
        %get3A_613 = tpu.memref_squeeze %get3A_612 : memref<1x32x1024xf32, #tpu.memory_space<vmem>> -> memref<32x1024xf32, #tpu.memory_space<vmem>>
        %get3A_614 = arith.index_cast %get3A_609 : i32 to index
        %get3A_615 = arith.index_cast %add3A_419 : i32 to index
        %get3A_616 = tpu.vector_load %get3A_613[%get3A_614, %get3A_615] {strides = array<i32>} : memref<32x1024xf32, #tpu.memory_space<vmem>>, vector<16xf32>,
        %mul3A_617 = arith.mulf %get3A_163, %get3A_616 : vector<16xf32>
        %add3A_618 = arith.addf %add3A_608, %mul3A_617 : vector<16xf32>
        %get3A_619 = arith.constant 20 : i32
        %get3A_620 = arith.constant 0 : i32
        %get3A_621 = arith.constant 0 : i32
        %get3A_622 = tpu.memref_slice %arg9[%scan3A_214, %get3A_620, %get3A_621] : memref<2x32x1024xf32, #tpu.memory_space<vmem>> -> memref<1x32x1024xf32, #tpu.memory_space<vmem>>
        %get3A_623 = tpu.memref_squeeze %get3A_622 : memref<1x32x1024xf32, #tpu.memory_space<vmem>> -> memref<32x1024xf32, #tpu.memory_space<vmem>>
        %get3A_624 = arith.index_cast %get3A_619 : i32 to index
        %get3A_625 = arith.index_cast %add3A_419 : i32 to index
        %get3A_626 = tpu.vector_load %get3A_623[%get3A_624, %get3A_625] {strides = array<i32>} : memref<32x1024xf32, #tpu.memory_space<vmem>>, vector<16xf32>,
        %mul3A_627 = arith.mulf %get3A_167, %get3A_626 : vector<16xf32>
        %add3A_628 = arith.addf %add3A_618, %mul3A_627 : vector<16xf32>
        %get3A_629 = arith.constant 21 : i32
        %get3A_630 = arith.constant 0 : i32
        %get3A_631 = arith.constant 0 : i32
        %get3A_632 = tpu.memref_slice %arg9[%scan3A_214, %get3A_630, %get3A_631] : memref<2x32x1024xf32, #tpu.memory_space<vmem>> -> memref<1x32x1024xf32, #tpu.memory_space<vmem>>
        %get3A_633 = tpu.memref_squeeze %get3A_632 : memref<1x32x1024xf32, #tpu.memory_space<vmem>> -> memref<32x1024xf32, #tpu.memory_space<vmem>>
        %get3A_634 = arith.index_cast %get3A_629 : i32 to index
        %get3A_635 = arith.index_cast %add3A_419 : i32 to index
        %get3A_636 = tpu.vector_load %get3A_633[%get3A_634, %get3A_635] {strides = array<i32>} : memref<32x1024xf32, #tpu.memory_space<vmem>>, vector<16xf32>,
        %mul3A_637 = arith.mulf %get3A_171, %get3A_636 : vector<16xf32>
        %add3A_638 = arith.addf %add3A_628, %mul3A_637 : vector<16xf32>
        %get3A_639 = arith.constant 22 : i32
        %get3A_640 = arith.constant 0 : i32
        %get3A_641 = arith.constant 0 : i32
        %get3A_642 = tpu.memref_slice %arg9[%scan3A_214, %get3A_640, %get3A_641] : memref<2x32x1024xf32, #tpu.memory_space<vmem>> -> memref<1x32x1024xf32, #tpu.memory_space<vmem>>
        %get3A_643 = tpu.memref_squeeze %get3A_642 : memref<1x32x1024xf32, #tpu.memory_space<vmem>> -> memref<32x1024xf32, #tpu.memory_space<vmem>>
        %get3A_644 = arith.index_cast %get3A_639 : i32 to index
        %get3A_645 = arith.index_cast %add3A_419 : i32 to index
        %get3A_646 = tpu.vector_load %get3A_643[%get3A_644, %get3A_645] {strides = array<i32>} : memref<32x1024xf32, #tpu.memory_space<vmem>>, vector<16xf32>,
        %mul3A_647 = arith.mulf %get3A_175, %get3A_646 : vector<16xf32>
        %add3A_648 = arith.addf %add3A_638, %mul3A_647 : vector<16xf32>
        %get3A_649 = arith.constant 23 : i32
        %get3A_650 = arith.constant 0 : i32
        %get3A_651 = arith.constant 0 : i32
        %get3A_652 = tpu.memref_slice %arg9[%scan3A_214, %get3A_650, %get3A_651] : memref<2x32x1024xf32, #tpu.memory_space<vmem>> -> memref<1x32x1024xf32, #tpu.memory_space<vmem>>
        %get3A_653 = tpu.memref_squeeze %get3A_652 : memref<1x32x1024xf32, #tpu.memory_space<vmem>> -> memref<32x1024xf32, #tpu.memory_space<vmem>>
        %get3A_654 = arith.index_cast %get3A_649 : i32 to index
        %get3A_655 = arith.index_cast %add3A_419 : i32 to index
        %get3A_656 = tpu.vector_load %get3A_653[%get3A_654, %get3A_655] {strides = array<i32>} : memref<32x1024xf32, #tpu.memory_space<vmem>>, vector<16xf32>,
        %mul3A_657 = arith.mulf %get3A_179, %get3A_656 : vector<16xf32>
        %add3A_658 = arith.addf %add3A_648, %mul3A_657 : vector<16xf32>
        %get3A_659 = arith.constant 24 : i32
        %get3A_660 = arith.constant 0 : i32
        %get3A_661 = arith.constant 0 : i32
        %get3A_662 = tpu.memref_slice %arg9[%scan3A_214, %get3A_660, %get3A_661] : memref<2x32x1024xf32, #tpu.memory_space<vmem>> -> memref<1x32x1024xf32, #tpu.memory_space<vmem>>
        %get3A_663 = tpu.memref_squeeze %get3A_662 : memref<1x32x1024xf32, #tpu.memory_space<vmem>> -> memref<32x1024xf32, #tpu.memory_space<vmem>>
        %get3A_664 = arith.index_cast %get3A_659 : i32 to index
        %get3A_665 = arith.index_cast %add3A_419 : i32 to index
        %get3A_666 = tpu.vector_load %get3A_663[%get3A_664, %get3A_665] {strides = array<i32>} : memref<32x1024xf32, #tpu.memory_space<vmem>>, vector<16xf32>,
        %mul3A_667 = arith.mulf %get3A_183, %get3A_666 : vector<16xf32>
        %add3A_668 = arith.addf %add3A_658, %mul3A_667 : vector<16xf32>
        %get3A_669 = arith.constant 25 : i32
        %get3A_670 = arith.constant 0 : i32
        %get3A_671 = arith.constant 0 : i32
        %get3A_672 = tpu.memref_slice %arg9[%scan3A_214, %get3A_670, %get3A_671] : memref<2x32x1024xf32, #tpu.memory_space<vmem>> -> memref<1x32x1024xf32, #tpu.memory_space<vmem>>
        %get3A_673 = tpu.memref_squeeze %get3A_672 : memref<1x32x1024xf32, #tpu.memory_space<vmem>> -> memref<32x1024xf32, #tpu.memory_space<vmem>>
        %get3A_674 = arith.index_cast %get3A_669 : i32 to index
        %get3A_675 = arith.index_cast %add3A_419 : i32 to index
        %get3A_676 = tpu.vector_load %get3A_673[%get3A_674, %get3A_675] {strides = array<i32>} : memref<32x1024xf32, #tpu.memory_space<vmem>>, vector<16xf32>,
        %mul3A_677 = arith.mulf %get3A_187, %get3A_676 : vector<16xf32>
        %add3A_678 = arith.addf %add3A_668, %mul3A_677 : vector<16xf32>
        %get3A_679 = arith.constant 26 : i32
        %get3A_680 = arith.constant 0 : i32
        %get3A_681 = arith.constant 0 : i32
        %get3A_682 = tpu.memref_slice %arg9[%scan3A_214, %get3A_680, %get3A_681] : memref<2x32x1024xf32, #tpu.memory_space<vmem>> -> memref<1x32x1024xf32, #tpu.memory_space<vmem>>
        %get3A_683 = tpu.memref_squeeze %get3A_682 : memref<1x32x1024xf32, #tpu.memory_space<vmem>> -> memref<32x1024xf32, #tpu.memory_space<vmem>>
        %get3A_684 = arith.index_cast %get3A_679 : i32 to index
        %get3A_685 = arith.index_cast %add3A_419 : i32 to index
        %get3A_686 = tpu.vector_load %get3A_683[%get3A_684, %get3A_685] {strides = array<i32>} : memref<32x1024xf32, #tpu.memory_space<vmem>>, vector<16xf32>,
        %mul3A_687 = arith.mulf %get3A_191, %get3A_686 : vector<16xf32>
        %add3A_688 = arith.addf %add3A_678, %mul3A_687 : vector<16xf32>
        %get3A_689 = arith.constant 27 : i32
        %get3A_690 = arith.constant 0 : i32
        %get3A_691 = arith.constant 0 : i32
        %get3A_692 = tpu.memref_slice %arg9[%scan3A_214, %get3A_690, %get3A_691] : memref<2x32x1024xf32, #tpu.memory_space<vmem>> -> memref<1x32x1024xf32, #tpu.memory_space<vmem>>
        %get3A_693 = tpu.memref_squeeze %get3A_692 : memref<1x32x1024xf32, #tpu.memory_space<vmem>> -> memref<32x1024xf32, #tpu.memory_space<vmem>>
        %get3A_694 = arith.index_cast %get3A_689 : i32 to index
        %get3A_695 = arith.index_cast %add3A_419 : i32 to index
        %get3A_696 = tpu.vector_load %get3A_693[%get3A_694, %get3A_695] {strides = array<i32>} : memref<32x1024xf32, #tpu.memory_space<vmem>>, vector<16xf32>,
        %mul3A_697 = arith.mulf %get3A_195, %get3A_696 : vector<16xf32>
        %add3A_698 = arith.addf %add3A_688, %mul3A_697 : vector<16xf32>
        %get3A_699 = arith.constant 28 : i32
        %get3A_700 = arith.constant 0 : i32
        %get3A_701 = arith.constant 0 : i32
        %get3A_702 = tpu.memref_slice %arg9[%scan3A_214, %get3A_700, %get3A_701] : memref<2x32x1024xf32, #tpu.memory_space<vmem>> -> memref<1x32x1024xf32, #tpu.memory_space<vmem>>
        %get3A_703 = tpu.memref_squeeze %get3A_702 : memref<1x32x1024xf32, #tpu.memory_space<vmem>> -> memref<32x1024xf32, #tpu.memory_space<vmem>>
        %get3A_704 = arith.index_cast %get3A_699 : i32 to index
        %get3A_705 = arith.index_cast %add3A_419 : i32 to index
        %get3A_706 = tpu.vector_load %get3A_703[%get3A_704, %get3A_705] {strides = array<i32>} : memref<32x1024xf32, #tpu.memory_space<vmem>>, vector<16xf32>,
        %mul3A_707 = arith.mulf %get3A_199, %get3A_706 : vector<16xf32>
        %add3A_708 = arith.addf %add3A_698, %mul3A_707 : vector<16xf32>
        %get3A_709 = arith.constant 29 : i32
        %get3A_710 = arith.constant 0 : i32
        %get3A_711 = arith.constant 0 : i32
        %get3A_712 = tpu.memref_slice %arg9[%scan3A_214, %get3A_710, %get3A_711] : memref<2x32x1024xf32, #tpu.memory_space<vmem>> -> memref<1x32x1024xf32, #tpu.memory_space<vmem>>
        %get3A_713 = tpu.memref_squeeze %get3A_712 : memref<1x32x1024xf32, #tpu.memory_space<vmem>> -> memref<32x1024xf32, #tpu.memory_space<vmem>>
        %get3A_714 = arith.index_cast %get3A_709 : i32 to index
        %get3A_715 = arith.index_cast %add3A_419 : i32 to index
        %get3A_716 = tpu.vector_load %get3A_713[%get3A_714, %get3A_715] {strides = array<i32>} : memref<32x1024xf32, #tpu.memory_space<vmem>>, vector<16xf32>,
        %mul3A_717 = arith.mulf %get3A_203, %get3A_716 : vector<16xf32>
        %add3A_718 = arith.addf %add3A_708, %mul3A_717 : vector<16xf32>
        %get3A_719 = arith.constant 30 : i32
        %get3A_720 = arith.constant 0 : i32
        %get3A_721 = arith.constant 0 : i32
        %get3A_722 = tpu.memref_slice %arg9[%scan3A_214, %get3A_720, %get3A_721] : memref<2x32x1024xf32, #tpu.memory_space<vmem>> -> memref<1x32x1024xf32, #tpu.memory_space<vmem>>
        %get3A_723 = tpu.memref_squeeze %get3A_722 : memref<1x32x1024xf32, #tpu.memory_space<vmem>> -> memref<32x1024xf32, #tpu.memory_space<vmem>>
        %get3A_724 = arith.index_cast %get3A_719 : i32 to index
        %get3A_725 = arith.index_cast %add3A_419 : i32 to index
        %get3A_726 = tpu.vector_load %get3A_723[%get3A_724, %get3A_725] {strides = array<i32>} : memref<32x1024xf32, #tpu.memory_space<vmem>>, vector<16xf32>,
        %mul3A_727 = arith.mulf %get3A_207, %get3A_726 : vector<16xf32>
        %add3A_728 = arith.addf %add3A_718, %mul3A_727 : vector<16xf32>
        %get3A_729 = arith.constant 31 : i32
        %get3A_730 = arith.constant 0 : i32
        %get3A_731 = arith.constant 0 : i32
        %get3A_732 = tpu.memref_slice %arg9[%scan3A_214, %get3A_730, %get3A_731] : memref<2x32x1024xf32, #tpu.memory_space<vmem>> -> memref<1x32x1024xf32, #tpu.memory_space<vmem>>
        %get3A_733 = tpu.memref_squeeze %get3A_732 : memref<1x32x1024xf32, #tpu.memory_space<vmem>> -> memref<32x1024xf32, #tpu.memory_space<vmem>>
        %get3A_734 = arith.index_cast %get3A_729 : i32 to index
        %get3A_735 = arith.index_cast %add3A_419 : i32 to index
        %get3A_736 = tpu.vector_load %get3A_733[%get3A_734, %get3A_735] {strides = array<i32>} : memref<32x1024xf32, #tpu.memory_space<vmem>>, vector<16xf32>,
        %mul3A_737 = arith.mulf %get3A_211, %get3A_736 : vector<16xf32>
        %add3A_738 = arith.addf %add3A_728, %mul3A_737 : vector<16xf32>
        %swap3A = arith.constant 0 : i32
        %swap3A_739 = arith.index_cast %swap3A : i32 to index
        %swap3A_740 = arith.index_cast %add3A_419 : i32 to index
        %swap3A_741 = tpu.vector_load %arg10[%swap3A_739, %swap3A_740] {strides = array<i32>} : memref<2x1024xf32, #tpu.memory_space<vmem>>, vector<16xf32>,
        tpu.vector_store %arg10[%swap3A_739, %swap3A_740], %add3A_738 {strides = array<i32>} : memref<2x1024xf32, #tpu.memory_space<vmem>>, vector<16xf32>,
      }
      %scan3A_219 = arith.constant 64 : i32
      %add3A_220 = arith.addi %mul3A_2, %add3A_53 : i32
      %dma_start3A_221 = arith.constant 0 : i32
      %dma_start3A_222 = arith.constant 0 : i32
      %dma_start3A_223 = tpu.memref_slice %arg10[%dma_start3A_221, %dma_start3A_222] : memref<2x1024xf32, #tpu.memory_space<vmem>> -> memref<1x1024xf32, #tpu.memory_space<vmem>>
      %dma_start3A_224 = tpu.memref_squeeze %dma_start3A_223 : memref<1x1024xf32, #tpu.memory_space<vmem>> -> memref<1024xf32, #tpu.memory_space<vmem>>
      %dma_start3A_225 = arith.constant 0 : i32
      %dma_start3A_226 = tpu.memref_slice %arg5[%add3A_220, %dma_start3A_225] : memref<2048x1024xf32, #tpu.memory_space<hbm>> -> memref<1x1024xf32, #tpu.memory_space<hbm>>
      %dma_start3A_227 = tpu.memref_squeeze %dma_start3A_226 : memref<1x1024xf32, #tpu.memory_space<hbm>> -> memref<1024xf32, #tpu.memory_space<hbm>>
      %dma_start3A_228 = arith.constant 0 : i32
      %dma_start3A_229 = tpu.memref_slice %arg5[%add3A_220, %dma_start3A_228] : memref<2048x1024xf32, #tpu.memory_space<hbm>> -> memref<1x1024xf32, #tpu.memory_space<hbm>>
      %dma_start3A_230 = tpu.memref_squeeze %dma_start3A_229 : memref<1x1024xf32, #tpu.memory_space<hbm>> -> memref<1024xf32, #tpu.memory_space<hbm>>
      %dma_start3A_231 = arith.constant 0 : i32
      %dma_start3A_232 = tpu.memref_slice %arg10[%dma_start3A_221, %dma_start3A_231] : memref<2x1024xf32, #tpu.memory_space<vmem>> -> memref<1x1024xf32, #tpu.memory_space<vmem>>
      %dma_start3A_233 = tpu.memref_squeeze %dma_start3A_232 : memref<1x1024xf32, #tpu.memory_space<vmem>> -> memref<1024xf32, #tpu.memory_space<vmem>>
      tpu.enqueue_dma source(%dma_start3A_233 : memref<1024xf32, #tpu.memory_space<vmem>>) target(%dma_start3A_230 : memref<1024xf32, #tpu.memory_space<hbm>>) target_semaphore(%arg13 : memref<!tpu.dma_semaphore, #tpu.memory_space<semaphore_mem>>)
      %add3A_234 = arith.constant 1 : i32
      %add3A_235 = arith.addi %add3A_53, %add3A_234 : i32
      %mul3A_236 = arith.constant 32 : i32
      %mul3A_237 = arith.muli %add3A_235, %mul3A_236 : i32
      %dma_wait3A_238 = arith.constant 1 : i32
      %dma_wait3A_239 = arith.constant 0 : i32
      %dma_wait3A_240 = arith.constant 0 : i32
      %dma_wait3A_241 = tpu.memref_slice %arg9[%dma_wait3A_238, %dma_wait3A_239, %dma_wait3A_240] : memref<2x32x1024xf32, #tpu.memory_space<vmem>> -> memref<1x32x1024xf32, #tpu.memory_space<vmem>>
      %dma_wait3A_242 = tpu.memref_squeeze %dma_wait3A_241 : memref<1x32x1024xf32, #tpu.memory_space<vmem>> -> memref<32x1024xf32, #tpu.memory_space<vmem>>
      %dma_wait3A_243 = tpu.memref_slice %arg6[%mul3A_237] : memref<2048xi32, #tpu.memory_space<vmem>> -> memref<32xi32, #tpu.memory_space<vmem>>
      %dma_wait3A_244 = arith.constant 0 : i32
      %dma_wait3A_245 = arith.constant 0 : i32
      %dma_wait3A_246 = tpu.memref_slice %arg2[%dma_wait3A_244, %dma_wait3A_245] : memref<16384x1024xf32, #tpu.memory_space<hbm>> -> memref<16384x1024xf32, #tpu.memory_space<hbm>>
      tpu.wait_indirect_dma semaphore(%arg12 : memref<!tpu.dma_semaphore, #tpu.memory_space<semaphore_mem>>) src(%dma_wait3A_246 : memref<16384x1024xf32, #tpu.memory_space<hbm>>) dst(%dma_wait3A_242 : memref<32x1024xf32, #tpu.memory_space<vmem>>)
      %add3A_247 = arith.constant 2 : i32
      %add3A_248 = arith.addi %add3A_53, %add3A_247 : i32
      %lt3A = arith.constant 64 : i32
      %lt3A_249 = arith.cmpi slt, %add3A_248, %lt3A : i32
      %convert_element_type3A_250 = arith.extui %lt3A_249 : i1 to i32
      %cond3A_251 = arith.constant 0 : i32
      %cond3A_252 = arith.cmpi ne, %convert_element_type3A_250, %cond3A_251 : i32
      scf.if %cond3A_252 {
        %add3A_415 = arith.constant 2 : i32
        %add3A_416 = arith.addi %add3A_53, %add3A_415 : i32
        %mul3A_417 = arith.constant 32 : i32
        %mul3A_418 = arith.muli %add3A_416, %mul3A_417 : i32
        %dma_start3A_419 = arith.constant 0 : i32
        %dma_start3A_420 = arith.constant 0 : i32
        %dma_start3A_421 = arith.constant 0 : i32
        %dma_start3A_422 = tpu.memref_slice %arg9[%dma_start3A_419, %dma_start3A_420, %dma_start3A_421] : memref<2x32x1024xf32, #tpu.memory_space<vmem>> -> memref<1x32x1024xf32, #tpu.memory_space<vmem>>
        %dma_start3A_423 = tpu.memref_squeeze %dma_start3A_422 : memref<1x32x1024xf32, #tpu.memory_space<vmem>> -> memref<32x1024xf32, #tpu.memory_space<vmem>>
        %dma_start3A_424 = tpu.memref_slice %arg6[%mul3A_418] : memref<2048xi32, #tpu.memory_space<vmem>> -> memref<32xi32, #tpu.memory_space<vmem>>
        %dma_start3A_425 = arith.constant 0 : i32
        %dma_start3A_426 = arith.constant 0 : i32
        %dma_start3A_427 = tpu.memref_slice %arg2[%dma_start3A_425, %dma_start3A_426] : memref<16384x1024xf32, #tpu.memory_space<hbm>> -> memref<16384x1024xf32, #tpu.memory_space<hbm>>
        tpu.enqueue_indirect_dma source(%dma_start3A_427 : memref<16384x1024xf32, #tpu.memory_space<hbm>>) target(%dma_start3A_423 : memref<32x1024xf32, #tpu.memory_space<vmem>>) offsets(%dma_start3A_424 : memref<32xi32, #tpu.memory_space<vmem>>) semaphore(%arg11 : memref<!tpu.dma_semaphore, #tpu.memory_space<semaphore_mem>>)
      } else {
      }
      %add3A_253 = arith.constant 1 : i32
      %add3A_254 = arith.addi %add3A_53, %add3A_253 : i32
      %mul3A_255 = arith.constant 32 : i32
      %mul3A_256 = arith.muli %add3A_254, %mul3A_255 : i32
      %scan3A_257 = arith.constant 0 : i32
      %scan3A_258 = arith.constant 32 : i32
      %scan3A_259 = arith.addi %scan3A_257, %scan3A_258 : i32
      %scan3A_260 = arith.constant 1 : i32
      scf.for %scan3A_415 = %scan3A_257 to %scan3A_259 step %scan3A_260  : i32 {
        %mul3A_416 = arith.constant 1 : i32
        %mul3A_417 = arith.muli %scan3A_415, %mul3A_416 : i32
        %add3A_418 = arith.constant 0 : i32
        %add3A_419 = arith.addi %add3A_418, %mul3A_417 : i32
        %add3A_420 = arith.addi %mul3A_256, %add3A_419 : i32
        %broadcast_in_dim3A = arith.constant 0 : i32
        %broadcast_in_dim3A_421 = vector.broadcast %broadcast_in_dim3A : i32 to vector<16xi32>
        %add3A_422 = vector.broadcast %add3A_420 : i32 to vector<16xi32>
        %add3A_423 = arith.addi %add3A_422, %broadcast_in_dim3A_421 : vector<16xi32>
        %gather3A = tpu.vector_load_idx %arg7[%add3A_423] : memref<2048xf32, #tpu.memory_space<vmem>>[vector<16xi32>], vector<16xf32>,
        %swap3A = arith.index_cast %add3A_419 : i32 to index
        %swap3A_424 = arith.constant 0 : index
        %swap3A_425 = tpu.vector_load %arg8[%swap3A, %swap3A_424] {strides = array<i32>} : memref<32x16xf32, #tpu.memory_space<vmem>>, vector<16xf32>,
        tpu.vector_store %arg8[%swap3A, %swap3A_424], %gather3A {strides = array<i32>} : memref<32x16xf32, #tpu.memory_space<vmem>>, vector<16xf32>,
      }
      %scan3A_261 = arith.constant 32 : i32
      %get3A_262 = arith.constant 0 : i32
      %get3A_263 = arith.index_cast %get3A_262 : i32 to index
      %get3A_264 = arith.constant 0 : index
      %get3A_265 = tpu.vector_load %arg8[%get3A_263, %get3A_264] {strides = array<i32>} : memref<32x16xf32, #tpu.memory_space<vmem>>, vector<16xf32>,
      %get3A_266 = arith.constant 1 : i32
      %get3A_267 = arith.index_cast %get3A_266 : i32 to index
      %get3A_268 = arith.constant 0 : index
      %get3A_269 = tpu.vector_load %arg8[%get3A_267, %get3A_268] {strides = array<i32>} : memref<32x16xf32, #tpu.memory_space<vmem>>, vector<16xf32>,
      %get3A_270 = arith.constant 2 : i32
      %get3A_271 = arith.index_cast %get3A_270 : i32 to index
      %get3A_272 = arith.constant 0 : index
      %get3A_273 = tpu.vector_load %arg8[%get3A_271, %get3A_272] {strides = array<i32>} : memref<32x16xf32, #tpu.memory_space<vmem>>, vector<16xf32>,
      %get3A_274 = arith.constant 3 : i32
      %get3A_275 = arith.index_cast %get3A_274 : i32 to index
      %get3A_276 = arith.constant 0 : index
      %get3A_277 = tpu.vector_load %arg8[%get3A_275, %get3A_276] {strides = array<i32>} : memref<32x16xf32, #tpu.memory_space<vmem>>, vector<16xf32>,
      %get3A_278 = arith.constant 4 : i32
      %get3A_279 = arith.index_cast %get3A_278 : i32 to index
      %get3A_280 = arith.constant 0 : index
      %get3A_281 = tpu.vector_load %arg8[%get3A_279, %get3A_280] {strides = array<i32>} : memref<32x16xf32, #tpu.memory_space<vmem>>, vector<16xf32>,
      %get3A_282 = arith.constant 5 : i32
      %get3A_283 = arith.index_cast %get3A_282 : i32 to index
      %get3A_284 = arith.constant 0 : index
      %get3A_285 = tpu.vector_load %arg8[%get3A_283, %get3A_284] {strides = array<i32>} : memref<32x16xf32, #tpu.memory_space<vmem>>, vector<16xf32>,
      %get3A_286 = arith.constant 6 : i32
      %get3A_287 = arith.index_cast %get3A_286 : i32 to index
      %get3A_288 = arith.constant 0 : index
      %get3A_289 = tpu.vector_load %arg8[%get3A_287, %get3A_288] {strides = array<i32>} : memref<32x16xf32, #tpu.memory_space<vmem>>, vector<16xf32>,
      %get3A_290 = arith.constant 7 : i32
      %get3A_291 = arith.index_cast %get3A_290 : i32 to index
      %get3A_292 = arith.constant 0 : index
      %get3A_293 = tpu.vector_load %arg8[%get3A_291, %get3A_292] {strides = array<i32>} : memref<32x16xf32, #tpu.memory_space<vmem>>, vector<16xf32>,
      %get3A_294 = arith.constant 8 : i32
      %get3A_295 = arith.index_cast %get3A_294 : i32 to index
      %get3A_296 = arith.constant 0 : index
      %get3A_297 = tpu.vector_load %arg8[%get3A_295, %get3A_296] {strides = array<i32>} : memref<32x16xf32, #tpu.memory_space<vmem>>, vector<16xf32>,
      %get3A_298 = arith.constant 9 : i32
      %get3A_299 = arith.index_cast %get3A_298 : i32 to index
      %get3A_300 = arith.constant 0 : index
      %get3A_301 = tpu.vector_load %arg8[%get3A_299, %get3A_300] {strides = array<i32>} : memref<32x16xf32, #tpu.memory_space<vmem>>, vector<16xf32>,
      %get3A_302 = arith.constant 10 : i32
      %get3A_303 = arith.index_cast %get3A_302 : i32 to index
      %get3A_304 = arith.constant 0 : index
      %get3A_305 = tpu.vector_load %arg8[%get3A_303, %get3A_304] {strides = array<i32>} : memref<32x16xf32, #tpu.memory_space<vmem>>, vector<16xf32>,
      %get3A_306 = arith.constant 11 : i32
      %get3A_307 = arith.index_cast %get3A_306 : i32 to index
      %get3A_308 = arith.constant 0 : index
      %get3A_309 = tpu.vector_load %arg8[%get3A_307, %get3A_308] {strides = array<i32>} : memref<32x16xf32, #tpu.memory_space<vmem>>, vector<16xf32>,
      %get3A_310 = arith.constant 12 : i32
      %get3A_311 = arith.index_cast %get3A_310 : i32 to index
      %get3A_312 = arith.constant 0 : index
      %get3A_313 = tpu.vector_load %arg8[%get3A_311, %get3A_312] {strides = array<i32>} : memref<32x16xf32, #tpu.memory_space<vmem>>, vector<16xf32>,
      %get3A_314 = arith.constant 13 : i32
      %get3A_315 = arith.index_cast %get3A_314 : i32 to index
      %get3A_316 = arith.constant 0 : index
      %get3A_317 = tpu.vector_load %arg8[%get3A_315, %get3A_316] {strides = array<i32>} : memref<32x16xf32, #tpu.memory_space<vmem>>, vector<16xf32>,
      %get3A_318 = arith.constant 14 : i32
      %get3A_319 = arith.index_cast %get3A_318 : i32 to index
      %get3A_320 = arith.constant 0 : index
      %get3A_321 = tpu.vector_load %arg8[%get3A_319, %get3A_320] {strides = array<i32>} : memref<32x16xf32, #tpu.memory_space<vmem>>, vector<16xf32>,
      %get3A_322 = arith.constant 15 : i32
      %get3A_323 = arith.index_cast %get3A_322 : i32 to index
      %get3A_324 = arith.constant 0 : index
      %get3A_325 = tpu.vector_load %arg8[%get3A_323, %get3A_324] {strides = array<i32>} : memref<32x16xf32, #tpu.memory_space<vmem>>, vector<16xf32>,
      %get3A_326 = arith.constant 16 : i32
      %get3A_327 = arith.index_cast %get3A_326 : i32 to index
      %get3A_328 = arith.constant 0 : index
      %get3A_329 = tpu.vector_load %arg8[%get3A_327, %get3A_328] {strides = array<i32>} : memref<32x16xf32, #tpu.memory_space<vmem>>, vector<16xf32>,
      %get3A_330 = arith.constant 17 : i32
      %get3A_331 = arith.index_cast %get3A_330 : i32 to index
      %get3A_332 = arith.constant 0 : index
      %get3A_333 = tpu.vector_load %arg8[%get3A_331, %get3A_332] {strides = array<i32>} : memref<32x16xf32, #tpu.memory_space<vmem>>, vector<16xf32>,
      %get3A_334 = arith.constant 18 : i32
      %get3A_335 = arith.index_cast %get3A_334 : i32 to index
      %get3A_336 = arith.constant 0 : index
      %get3A_337 = tpu.vector_load %arg8[%get3A_335, %get3A_336] {strides = array<i32>} : memref<32x16xf32, #tpu.memory_space<vmem>>, vector<16xf32>,
      %get3A_338 = arith.constant 19 : i32
      %get3A_339 = arith.index_cast %get3A_338 : i32 to index
      %get3A_340 = arith.constant 0 : index
      %get3A_341 = tpu.vector_load %arg8[%get3A_339, %get3A_340] {strides = array<i32>} : memref<32x16xf32, #tpu.memory_space<vmem>>, vector<16xf32>,
      %get3A_342 = arith.constant 20 : i32
      %get3A_343 = arith.index_cast %get3A_342 : i32 to index
      %get3A_344 = arith.constant 0 : index
      %get3A_345 = tpu.vector_load %arg8[%get3A_343, %get3A_344] {strides = array<i32>} : memref<32x16xf32, #tpu.memory_space<vmem>>, vector<16xf32>,
      %get3A_346 = arith.constant 21 : i32
      %get3A_347 = arith.index_cast %get3A_346 : i32 to index
      %get3A_348 = arith.constant 0 : index
      %get3A_349 = tpu.vector_load %arg8[%get3A_347, %get3A_348] {strides = array<i32>} : memref<32x16xf32, #tpu.memory_space<vmem>>, vector<16xf32>,
      %get3A_350 = arith.constant 22 : i32
      %get3A_351 = arith.index_cast %get3A_350 : i32 to index
      %get3A_352 = arith.constant 0 : index
      %get3A_353 = tpu.vector_load %arg8[%get3A_351, %get3A_352] {strides = array<i32>} : memref<32x16xf32, #tpu.memory_space<vmem>>, vector<16xf32>,
      %get3A_354 = arith.constant 23 : i32
      %get3A_355 = arith.index_cast %get3A_354 : i32 to index
      %get3A_356 = arith.constant 0 : index
      %get3A_357 = tpu.vector_load %arg8[%get3A_355, %get3A_356] {strides = array<i32>} : memref<32x16xf32, #tpu.memory_space<vmem>>, vector<16xf32>,
      %get3A_358 = arith.constant 24 : i32
      %get3A_359 = arith.index_cast %get3A_358 : i32 to index
      %get3A_360 = arith.constant 0 : index
      %get3A_361 = tpu.vector_load %arg8[%get3A_359, %get3A_360] {strides = array<i32>} : memref<32x16xf32, #tpu.memory_space<vmem>>, vector<16xf32>,
      %get3A_362 = arith.constant 25 : i32
      %get3A_363 = arith.index_cast %get3A_362 : i32 to index
      %get3A_364 = arith.constant 0 : index
      %get3A_365 = tpu.vector_load %arg8[%get3A_363, %get3A_364] {strides = array<i32>} : memref<32x16xf32, #tpu.memory_space<vmem>>, vector<16xf32>,
      %get3A_366 = arith.constant 26 : i32
      %get3A_367 = arith.index_cast %get3A_366 : i32 to index
      %get3A_368 = arith.constant 0 : index
      %get3A_369 = tpu.vector_load %arg8[%get3A_367, %get3A_368] {strides = array<i32>} : memref<32x16xf32, #tpu.memory_space<vmem>>, vector<16xf32>,
      %get3A_370 = arith.constant 27 : i32
      %get3A_371 = arith.index_cast %get3A_370 : i32 to index
      %get3A_372 = arith.constant 0 : index
      %get3A_373 = tpu.vector_load %arg8[%get3A_371, %get3A_372] {strides = array<i32>} : memref<32x16xf32, #tpu.memory_space<vmem>>, vector<16xf32>,
      %get3A_374 = arith.constant 28 : i32
      %get3A_375 = arith.index_cast %get3A_374 : i32 to index
      %get3A_376 = arith.constant 0 : index
      %get3A_377 = tpu.vector_load %arg8[%get3A_375, %get3A_376] {strides = array<i32>} : memref<32x16xf32, #tpu.memory_space<vmem>>, vector<16xf32>,
      %get3A_378 = arith.constant 29 : i32
      %get3A_379 = arith.index_cast %get3A_378 : i32 to index
      %get3A_380 = arith.constant 0 : index
      %get3A_381 = tpu.vector_load %arg8[%get3A_379, %get3A_380] {strides = array<i32>} : memref<32x16xf32, #tpu.memory_space<vmem>>, vector<16xf32>,
      %get3A_382 = arith.constant 30 : i32
      %get3A_383 = arith.index_cast %get3A_382 : i32 to index
      %get3A_384 = arith.constant 0 : index
      %get3A_385 = tpu.vector_load %arg8[%get3A_383, %get3A_384] {strides = array<i32>} : memref<32x16xf32, #tpu.memory_space<vmem>>, vector<16xf32>,
      %get3A_386 = arith.constant 31 : i32
      %get3A_387 = arith.index_cast %get3A_386 : i32 to index
      %get3A_388 = arith.constant 0 : index
      %get3A_389 = tpu.vector_load %arg8[%get3A_387, %get3A_388] {strides = array<i32>} : memref<32x16xf32, #tpu.memory_space<vmem>>, vector<16xf32>,
      %ge3A_390 = arith.constant 2 : i32
      %ge3A_391 = arith.cmpi sge, %add3A_254, %ge3A_390 : i32
      %convert_element_type3A_392 = arith.extui %ge3A_391 : i1 to i32
      %cond3A_393 = arith.constant 0 : i32
      %cond3A_394 = arith.cmpi ne, %convert_element_type3A_392, %cond3A_393 : i32
      scf.if %cond3A_394 {
        %sub3A = arith.constant 2 : i32
        %sub3A_415 = arith.subi %add3A_254, %sub3A : i32
        %add3A_416 = arith.addi %mul3A_2, %sub3A_415 : i32
        %dma_wait3A_417 = arith.constant 1 : i32
        %dma_wait3A_418 = arith.constant 0 : i32
        %dma_wait3A_419 = tpu.memref_slice %arg10[%dma_wait3A_417, %dma_wait3A_418] : memref<2x1024xf32, #tpu.memory_space<vmem>> -> memref<1x1024xf32, #tpu.memory_space<vmem>>
        %dma_wait3A_420 = tpu.memref_squeeze %dma_wait3A_419 : memref<1x1024xf32, #tpu.memory_space<vmem>> -> memref<1024xf32, #tpu.memory_space<vmem>>
        %dma_wait3A_421 = arith.constant 0 : i32
        %dma_wait3A_422 = tpu.memref_slice %arg5[%add3A_416, %dma_wait3A_421] : memref<2048x1024xf32, #tpu.memory_space<hbm>> -> memref<1x1024xf32, #tpu.memory_space<hbm>>
        %dma_wait3A_423 = tpu.memref_squeeze %dma_wait3A_422 : memref<1x1024xf32, #tpu.memory_space<hbm>> -> memref<1024xf32, #tpu.memory_space<hbm>>
        %dma_wait3A_424 = arith.constant 0 : i32
        %dma_wait3A_425 = tpu.memref_slice %arg5[%add3A_416, %dma_wait3A_424] : memref<2048x1024xf32, #tpu.memory_space<hbm>> -> memref<1x1024xf32, #tpu.memory_space<hbm>>
        %dma_wait3A_426 = tpu.memref_squeeze %dma_wait3A_425 : memref<1x1024xf32, #tpu.memory_space<hbm>> -> memref<1024xf32, #tpu.memory_space<hbm>>
        %dma_wait3A_427 = arith.constant 0 : i32
        %dma_wait3A_428 = tpu.memref_slice %arg10[%dma_wait3A_417, %dma_wait3A_427] : memref<2x1024xf32, #tpu.memory_space<vmem>> -> memref<1x1024xf32, #tpu.memory_space<vmem>>
        %dma_wait3A_429 = tpu.memref_squeeze %dma_wait3A_428 : memref<1x1024xf32, #tpu.memory_space<vmem>> -> memref<1024xf32, #tpu.memory_space<vmem>>
        tpu.wait_dma2 semaphore(%arg14 : memref<!tpu.dma_semaphore, #tpu.memory_space<semaphore_mem>>) src(%dma_wait3A_429 : memref<1024xf32, #tpu.memory_space<vmem>>) dst(%dma_wait3A_426 : memref<1024xf32, #tpu.memory_space<hbm>>)
      } else {
      }
      %scan3A_395 = arith.constant 1 : i32
      %scan3A_396 = arith.constant 0 : i32
      %scan3A_397 = arith.constant 64 : i32
      %scan3A_398 = arith.addi %scan3A_396, %scan3A_397 : i32
      %scan3A_399 = arith.constant 1 : i32
      scf.for %scan3A_415 = %scan3A_396 to %scan3A_398 step %scan3A_399  : i32 {
        %mul3A_416 = arith.constant 16 : i32
        %mul3A_417 = arith.muli %scan3A_415, %mul3A_416 : i32
        %add3A_418 = arith.constant 0 : i32
        %add3A_419 = arith.addi %add3A_418, %mul3A_417 : i32
        %get3A_420 = arith.constant 0 : i32
        %get3A_421 = arith.constant 0 : i32
        %get3A_422 = arith.constant 0 : i32
        %get3A_423 = tpu.memref_slice %arg9[%scan3A_395, %get3A_421, %get3A_422] : memref<2x32x1024xf32, #tpu.memory_space<vmem>> -> memref<1x32x1024xf32, #tpu.memory_space<vmem>>
        %get3A_424 = tpu.memref_squeeze %get3A_423 : memref<1x32x1024xf32, #tpu.memory_space<vmem>> -> memref<32x1024xf32, #tpu.memory_space<vmem>>
        %get3A_425 = arith.index_cast %get3A_420 : i32 to index
        %get3A_426 = arith.index_cast %add3A_419 : i32 to index
        %get3A_427 = tpu.vector_load %get3A_424[%get3A_425, %get3A_426] {strides = array<i32>} : memref<32x1024xf32, #tpu.memory_space<vmem>>, vector<16xf32>,
        %mul3A_428 = arith.mulf %get3A_265, %get3A_427 : vector<16xf32>
        %get3A_429 = arith.constant 1 : i32
        %get3A_430 = arith.constant 0 : i32
        %get3A_431 = arith.constant 0 : i32
        %get3A_432 = tpu.memref_slice %arg9[%scan3A_395, %get3A_430, %get3A_431] : memref<2x32x1024xf32, #tpu.memory_space<vmem>> -> memref<1x32x1024xf32, #tpu.memory_space<vmem>>
        %get3A_433 = tpu.memref_squeeze %get3A_432 : memref<1x32x1024xf32, #tpu.memory_space<vmem>> -> memref<32x1024xf32, #tpu.memory_space<vmem>>
        %get3A_434 = arith.index_cast %get3A_429 : i32 to index
        %get3A_435 = arith.index_cast %add3A_419 : i32 to index
        %get3A_436 = tpu.vector_load %get3A_433[%get3A_434, %get3A_435] {strides = array<i32>} : memref<32x1024xf32, #tpu.memory_space<vmem>>, vector<16xf32>,
        %mul3A_437 = arith.mulf %get3A_269, %get3A_436 : vector<16xf32>
        %add3A_438 = arith.addf %mul3A_428, %mul3A_437 : vector<16xf32>
        %get3A_439 = arith.constant 2 : i32
        %get3A_440 = arith.constant 0 : i32
        %get3A_441 = arith.constant 0 : i32
        %get3A_442 = tpu.memref_slice %arg9[%scan3A_395, %get3A_440, %get3A_441] : memref<2x32x1024xf32, #tpu.memory_space<vmem>> -> memref<1x32x1024xf32, #tpu.memory_space<vmem>>
        %get3A_443 = tpu.memref_squeeze %get3A_442 : memref<1x32x1024xf32, #tpu.memory_space<vmem>> -> memref<32x1024xf32, #tpu.memory_space<vmem>>
        %get3A_444 = arith.index_cast %get3A_439 : i32 to index
        %get3A_445 = arith.index_cast %add3A_419 : i32 to index
        %get3A_446 = tpu.vector_load %get3A_443[%get3A_444, %get3A_445] {strides = array<i32>} : memref<32x1024xf32, #tpu.memory_space<vmem>>, vector<16xf32>,
        %mul3A_447 = arith.mulf %get3A_273, %get3A_446 : vector<16xf32>
        %add3A_448 = arith.addf %add3A_438, %mul3A_447 : vector<16xf32>
        %get3A_449 = arith.constant 3 : i32
        %get3A_450 = arith.constant 0 : i32
        %get3A_451 = arith.constant 0 : i32
        %get3A_452 = tpu.memref_slice %arg9[%scan3A_395, %get3A_450, %get3A_451] : memref<2x32x1024xf32, #tpu.memory_space<vmem>> -> memref<1x32x1024xf32, #tpu.memory_space<vmem>>
        %get3A_453 = tpu.memref_squeeze %get3A_452 : memref<1x32x1024xf32, #tpu.memory_space<vmem>> -> memref<32x1024xf32, #tpu.memory_space<vmem>>
        %get3A_454 = arith.index_cast %get3A_449 : i32 to index
        %get3A_455 = arith.index_cast %add3A_419 : i32 to index
        %get3A_456 = tpu.vector_load %get3A_453[%get3A_454, %get3A_455] {strides = array<i32>} : memref<32x1024xf32, #tpu.memory_space<vmem>>, vector<16xf32>,
        %mul3A_457 = arith.mulf %get3A_277, %get3A_456 : vector<16xf32>
        %add3A_458 = arith.addf %add3A_448, %mul3A_457 : vector<16xf32>
        %get3A_459 = arith.constant 4 : i32
        %get3A_460 = arith.constant 0 : i32
        %get3A_461 = arith.constant 0 : i32
        %get3A_462 = tpu.memref_slice %arg9[%scan3A_395, %get3A_460, %get3A_461] : memref<2x32x1024xf32, #tpu.memory_space<vmem>> -> memref<1x32x1024xf32, #tpu.memory_space<vmem>>
        %get3A_463 = tpu.memref_squeeze %get3A_462 : memref<1x32x1024xf32, #tpu.memory_space<vmem>> -> memref<32x1024xf32, #tpu.memory_space<vmem>>
        %get3A_464 = arith.index_cast %get3A_459 : i32 to index
        %get3A_465 = arith.index_cast %add3A_419 : i32 to index
        %get3A_466 = tpu.vector_load %get3A_463[%get3A_464, %get3A_465] {strides = array<i32>} : memref<32x1024xf32, #tpu.memory_space<vmem>>, vector<16xf32>,
        %mul3A_467 = arith.mulf %get3A_281, %get3A_466 : vector<16xf32>
        %add3A_468 = arith.addf %add3A_458, %mul3A_467 : vector<16xf32>
        %get3A_469 = arith.constant 5 : i32
        %get3A_470 = arith.constant 0 : i32
        %get3A_471 = arith.constant 0 : i32
        %get3A_472 = tpu.memref_slice %arg9[%scan3A_395, %get3A_470, %get3A_471] : memref<2x32x1024xf32, #tpu.memory_space<vmem>> -> memref<1x32x1024xf32, #tpu.memory_space<vmem>>
        %get3A_473 = tpu.memref_squeeze %get3A_472 : memref<1x32x1024xf32, #tpu.memory_space<vmem>> -> memref<32x1024xf32, #tpu.memory_space<vmem>>
        %get3A_474 = arith.index_cast %get3A_469 : i32 to index
        %get3A_475 = arith.index_cast %add3A_419 : i32 to index
        %get3A_476 = tpu.vector_load %get3A_473[%get3A_474, %get3A_475] {strides = array<i32>} : memref<32x1024xf32, #tpu.memory_space<vmem>>, vector<16xf32>,
        %mul3A_477 = arith.mulf %get3A_285, %get3A_476 : vector<16xf32>
        %add3A_478 = arith.addf %add3A_468, %mul3A_477 : vector<16xf32>
        %get3A_479 = arith.constant 6 : i32
        %get3A_480 = arith.constant 0 : i32
        %get3A_481 = arith.constant 0 : i32
        %get3A_482 = tpu.memref_slice %arg9[%scan3A_395, %get3A_480, %get3A_481] : memref<2x32x1024xf32, #tpu.memory_space<vmem>> -> memref<1x32x1024xf32, #tpu.memory_space<vmem>>
        %get3A_483 = tpu.memref_squeeze %get3A_482 : memref<1x32x1024xf32, #tpu.memory_space<vmem>> -> memref<32x1024xf32, #tpu.memory_space<vmem>>
        %get3A_484 = arith.index_cast %get3A_479 : i32 to index
        %get3A_485 = arith.index_cast %add3A_419 : i32 to index
        %get3A_486 = tpu.vector_load %get3A_483[%get3A_484, %get3A_485] {strides = array<i32>} : memref<32x1024xf32, #tpu.memory_space<vmem>>, vector<16xf32>,
        %mul3A_487 = arith.mulf %get3A_289, %get3A_486 : vector<16xf32>
        %add3A_488 = arith.addf %add3A_478, %mul3A_487 : vector<16xf32>
        %get3A_489 = arith.constant 7 : i32
        %get3A_490 = arith.constant 0 : i32
        %get3A_491 = arith.constant 0 : i32
        %get3A_492 = tpu.memref_slice %arg9[%scan3A_395, %get3A_490, %get3A_491] : memref<2x32x1024xf32, #tpu.memory_space<vmem>> -> memref<1x32x1024xf32, #tpu.memory_space<vmem>>
        %get3A_493 = tpu.memref_squeeze %get3A_492 : memref<1x32x1024xf32, #tpu.memory_space<vmem>> -> memref<32x1024xf32, #tpu.memory_space<vmem>>
        %get3A_494 = arith.index_cast %get3A_489 : i32 to index
        %get3A_495 = arith.index_cast %add3A_419 : i32 to index
        %get3A_496 = tpu.vector_load %get3A_493[%get3A_494, %get3A_495] {strides = array<i32>} : memref<32x1024xf32, #tpu.memory_space<vmem>>, vector<16xf32>,
        %mul3A_497 = arith.mulf %get3A_293, %get3A_496 : vector<16xf32>
        %add3A_498 = arith.addf %add3A_488, %mul3A_497 : vector<16xf32>
        %get3A_499 = arith.constant 8 : i32
        %get3A_500 = arith.constant 0 : i32
        %get3A_501 = arith.constant 0 : i32
        %get3A_502 = tpu.memref_slice %arg9[%scan3A_395, %get3A_500, %get3A_501] : memref<2x32x1024xf32, #tpu.memory_space<vmem>> -> memref<1x32x1024xf32, #tpu.memory_space<vmem>>
        %get3A_503 = tpu.memref_squeeze %get3A_502 : memref<1x32x1024xf32, #tpu.memory_space<vmem>> -> memref<32x1024xf32, #tpu.memory_space<vmem>>
        %get3A_504 = arith.index_cast %get3A_499 : i32 to index
        %get3A_505 = arith.index_cast %add3A_419 : i32 to index
        %get3A_506 = tpu.vector_load %get3A_503[%get3A_504, %get3A_505] {strides = array<i32>} : memref<32x1024xf32, #tpu.memory_space<vmem>>, vector<16xf32>,
        %mul3A_507 = arith.mulf %get3A_297, %get3A_506 : vector<16xf32>
        %add3A_508 = arith.addf %add3A_498, %mul3A_507 : vector<16xf32>
        %get3A_509 = arith.constant 9 : i32
        %get3A_510 = arith.constant 0 : i32
        %get3A_511 = arith.constant 0 : i32
        %get3A_512 = tpu.memref_slice %arg9[%scan3A_395, %get3A_510, %get3A_511] : memref<2x32x1024xf32, #tpu.memory_space<vmem>> -> memref<1x32x1024xf32, #tpu.memory_space<vmem>>
        %get3A_513 = tpu.memref_squeeze %get3A_512 : memref<1x32x1024xf32, #tpu.memory_space<vmem>> -> memref<32x1024xf32, #tpu.memory_space<vmem>>
        %get3A_514 = arith.index_cast %get3A_509 : i32 to index
        %get3A_515 = arith.index_cast %add3A_419 : i32 to index
        %get3A_516 = tpu.vector_load %get3A_513[%get3A_514, %get3A_515] {strides = array<i32>} : memref<32x1024xf32, #tpu.memory_space<vmem>>, vector<16xf32>,
        %mul3A_517 = arith.mulf %get3A_301, %get3A_516 : vector<16xf32>
        %add3A_518 = arith.addf %add3A_508, %mul3A_517 : vector<16xf32>
        %get3A_519 = arith.constant 10 : i32
        %get3A_520 = arith.constant 0 : i32
        %get3A_521 = arith.constant 0 : i32
        %get3A_522 = tpu.memref_slice %arg9[%scan3A_395, %get3A_520, %get3A_521] : memref<2x32x1024xf32, #tpu.memory_space<vmem>> -> memref<1x32x1024xf32, #tpu.memory_space<vmem>>
        %get3A_523 = tpu.memref_squeeze %get3A_522 : memref<1x32x1024xf32, #tpu.memory_space<vmem>> -> memref<32x1024xf32, #tpu.memory_space<vmem>>
        %get3A_524 = arith.index_cast %get3A_519 : i32 to index
        %get3A_525 = arith.index_cast %add3A_419 : i32 to index
        %get3A_526 = tpu.vector_load %get3A_523[%get3A_524, %get3A_525] {strides = array<i32>} : memref<32x1024xf32, #tpu.memory_space<vmem>>, vector<16xf32>,
        %mul3A_527 = arith.mulf %get3A_305, %get3A_526 : vector<16xf32>
        %add3A_528 = arith.addf %add3A_518, %mul3A_527 : vector<16xf32>
        %get3A_529 = arith.constant 11 : i32
        %get3A_530 = arith.constant 0 : i32
        %get3A_531 = arith.constant 0 : i32
        %get3A_532 = tpu.memref_slice %arg9[%scan3A_395, %get3A_530, %get3A_531] : memref<2x32x1024xf32, #tpu.memory_space<vmem>> -> memref<1x32x1024xf32, #tpu.memory_space<vmem>>
        %get3A_533 = tpu.memref_squeeze %get3A_532 : memref<1x32x1024xf32, #tpu.memory_space<vmem>> -> memref<32x1024xf32, #tpu.memory_space<vmem>>
        %get3A_534 = arith.index_cast %get3A_529 : i32 to index
        %get3A_535 = arith.index_cast %add3A_419 : i32 to index
        %get3A_536 = tpu.vector_load %get3A_533[%get3A_534, %get3A_535] {strides = array<i32>} : memref<32x1024xf32, #tpu.memory_space<vmem>>, vector<16xf32>,
        %mul3A_537 = arith.mulf %get3A_309, %get3A_536 : vector<16xf32>
        %add3A_538 = arith.addf %add3A_528, %mul3A_537 : vector<16xf32>
        %get3A_539 = arith.constant 12 : i32
        %get3A_540 = arith.constant 0 : i32
        %get3A_541 = arith.constant 0 : i32
        %get3A_542 = tpu.memref_slice %arg9[%scan3A_395, %get3A_540, %get3A_541] : memref<2x32x1024xf32, #tpu.memory_space<vmem>> -> memref<1x32x1024xf32, #tpu.memory_space<vmem>>
        %get3A_543 = tpu.memref_squeeze %get3A_542 : memref<1x32x1024xf32, #tpu.memory_space<vmem>> -> memref<32x1024xf32, #tpu.memory_space<vmem>>
        %get3A_544 = arith.index_cast %get3A_539 : i32 to index
        %get3A_545 = arith.index_cast %add3A_419 : i32 to index
        %get3A_546 = tpu.vector_load %get3A_543[%get3A_544, %get3A_545] {strides = array<i32>} : memref<32x1024xf32, #tpu.memory_space<vmem>>, vector<16xf32>,
        %mul3A_547 = arith.mulf %get3A_313, %get3A_546 : vector<16xf32>
        %add3A_548 = arith.addf %add3A_538, %mul3A_547 : vector<16xf32>
        %get3A_549 = arith.constant 13 : i32
        %get3A_550 = arith.constant 0 : i32
        %get3A_551 = arith.constant 0 : i32
        %get3A_552 = tpu.memref_slice %arg9[%scan3A_395, %get3A_550, %get3A_551] : memref<2x32x1024xf32, #tpu.memory_space<vmem>> -> memref<1x32x1024xf32, #tpu.memory_space<vmem>>
        %get3A_553 = tpu.memref_squeeze %get3A_552 : memref<1x32x1024xf32, #tpu.memory_space<vmem>> -> memref<32x1024xf32, #tpu.memory_space<vmem>>
        %get3A_554 = arith.index_cast %get3A_549 : i32 to index
        %get3A_555 = arith.index_cast %add3A_419 : i32 to index
        %get3A_556 = tpu.vector_load %get3A_553[%get3A_554, %get3A_555] {strides = array<i32>} : memref<32x1024xf32, #tpu.memory_space<vmem>>, vector<16xf32>,
        %mul3A_557 = arith.mulf %get3A_317, %get3A_556 : vector<16xf32>
        %add3A_558 = arith.addf %add3A_548, %mul3A_557 : vector<16xf32>
        %get3A_559 = arith.constant 14 : i32
        %get3A_560 = arith.constant 0 : i32
        %get3A_561 = arith.constant 0 : i32
        %get3A_562 = tpu.memref_slice %arg9[%scan3A_395, %get3A_560, %get3A_561] : memref<2x32x1024xf32, #tpu.memory_space<vmem>> -> memref<1x32x1024xf32, #tpu.memory_space<vmem>>
        %get3A_563 = tpu.memref_squeeze %get3A_562 : memref<1x32x1024xf32, #tpu.memory_space<vmem>> -> memref<32x1024xf32, #tpu.memory_space<vmem>>
        %get3A_564 = arith.index_cast %get3A_559 : i32 to index
        %get3A_565 = arith.index_cast %add3A_419 : i32 to index
        %get3A_566 = tpu.vector_load %get3A_563[%get3A_564, %get3A_565] {strides = array<i32>} : memref<32x1024xf32, #tpu.memory_space<vmem>>, vector<16xf32>,
        %mul3A_567 = arith.mulf %get3A_321, %get3A_566 : vector<16xf32>
        %add3A_568 = arith.addf %add3A_558, %mul3A_567 : vector<16xf32>
        %get3A_569 = arith.constant 15 : i32
        %get3A_570 = arith.constant 0 : i32
        %get3A_571 = arith.constant 0 : i32
        %get3A_572 = tpu.memref_slice %arg9[%scan3A_395, %get3A_570, %get3A_571] : memref<2x32x1024xf32, #tpu.memory_space<vmem>> -> memref<1x32x1024xf32, #tpu.memory_space<vmem>>
        %get3A_573 = tpu.memref_squeeze %get3A_572 : memref<1x32x1024xf32, #tpu.memory_space<vmem>> -> memref<32x1024xf32, #tpu.memory_space<vmem>>
        %get3A_574 = arith.index_cast %get3A_569 : i32 to index
        %get3A_575 = arith.index_cast %add3A_419 : i32 to index
        %get3A_576 = tpu.vector_load %get3A_573[%get3A_574, %get3A_575] {strides = array<i32>} : memref<32x1024xf32, #tpu.memory_space<vmem>>, vector<16xf32>,
        %mul3A_577 = arith.mulf %get3A_325, %get3A_576 : vector<16xf32>
        %add3A_578 = arith.addf %add3A_568, %mul3A_577 : vector<16xf32>
        %get3A_579 = arith.constant 16 : i32
        %get3A_580 = arith.constant 0 : i32
        %get3A_581 = arith.constant 0 : i32
        %get3A_582 = tpu.memref_slice %arg9[%scan3A_395, %get3A_580, %get3A_581] : memref<2x32x1024xf32, #tpu.memory_space<vmem>> -> memref<1x32x1024xf32, #tpu.memory_space<vmem>>
        %get3A_583 = tpu.memref_squeeze %get3A_582 : memref<1x32x1024xf32, #tpu.memory_space<vmem>> -> memref<32x1024xf32, #tpu.memory_space<vmem>>
        %get3A_584 = arith.index_cast %get3A_579 : i32 to index
        %get3A_585 = arith.index_cast %add3A_419 : i32 to index
        %get3A_586 = tpu.vector_load %get3A_583[%get3A_584, %get3A_585] {strides = array<i32>} : memref<32x1024xf32, #tpu.memory_space<vmem>>, vector<16xf32>,
        %mul3A_587 = arith.mulf %get3A_329, %get3A_586 : vector<16xf32>
        %add3A_588 = arith.addf %add3A_578, %mul3A_587 : vector<16xf32>
        %get3A_589 = arith.constant 17 : i32
        %get3A_590 = arith.constant 0 : i32
        %get3A_591 = arith.constant 0 : i32
        %get3A_592 = tpu.memref_slice %arg9[%scan3A_395, %get3A_590, %get3A_591] : memref<2x32x1024xf32, #tpu.memory_space<vmem>> -> memref<1x32x1024xf32, #tpu.memory_space<vmem>>
        %get3A_593 = tpu.memref_squeeze %get3A_592 : memref<1x32x1024xf32, #tpu.memory_space<vmem>> -> memref<32x1024xf32, #tpu.memory_space<vmem>>
        %get3A_594 = arith.index_cast %get3A_589 : i32 to index
        %get3A_595 = arith.index_cast %add3A_419 : i32 to index
        %get3A_596 = tpu.vector_load %get3A_593[%get3A_594, %get3A_595] {strides = array<i32>} : memref<32x1024xf32, #tpu.memory_space<vmem>>, vector<16xf32>,
        %mul3A_597 = arith.mulf %get3A_333, %get3A_596 : vector<16xf32>
        %add3A_598 = arith.addf %add3A_588, %mul3A_597 : vector<16xf32>
        %get3A_599 = arith.constant 18 : i32
        %get3A_600 = arith.constant 0 : i32
        %get3A_601 = arith.constant 0 : i32
        %get3A_602 = tpu.memref_slice %arg9[%scan3A_395, %get3A_600, %get3A_601] : memref<2x32x1024xf32, #tpu.memory_space<vmem>> -> memref<1x32x1024xf32, #tpu.memory_space<vmem>>
        %get3A_603 = tpu.memref_squeeze %get3A_602 : memref<1x32x1024xf32, #tpu.memory_space<vmem>> -> memref<32x1024xf32, #tpu.memory_space<vmem>>
        %get3A_604 = arith.index_cast %get3A_599 : i32 to index
        %get3A_605 = arith.index_cast %add3A_419 : i32 to index
        %get3A_606 = tpu.vector_load %get3A_603[%get3A_604, %get3A_605] {strides = array<i32>} : memref<32x1024xf32, #tpu.memory_space<vmem>>, vector<16xf32>,
        %mul3A_607 = arith.mulf %get3A_337, %get3A_606 : vector<16xf32>
        %add3A_608 = arith.addf %add3A_598, %mul3A_607 : vector<16xf32>
        %get3A_609 = arith.constant 19 : i32
        %get3A_610 = arith.constant 0 : i32
        %get3A_611 = arith.constant 0 : i32
        %get3A_612 = tpu.memref_slice %arg9[%scan3A_395, %get3A_610, %get3A_611] : memref<2x32x1024xf32, #tpu.memory_space<vmem>> -> memref<1x32x1024xf32, #tpu.memory_space<vmem>>
        %get3A_613 = tpu.memref_squeeze %get3A_612 : memref<1x32x1024xf32, #tpu.memory_space<vmem>> -> memref<32x1024xf32, #tpu.memory_space<vmem>>
        %get3A_614 = arith.index_cast %get3A_609 : i32 to index
        %get3A_615 = arith.index_cast %add3A_419 : i32 to index
        %get3A_616 = tpu.vector_load %get3A_613[%get3A_614, %get3A_615] {strides = array<i32>} : memref<32x1024xf32, #tpu.memory_space<vmem>>, vector<16xf32>,
        %mul3A_617 = arith.mulf %get3A_341, %get3A_616 : vector<16xf32>
        %add3A_618 = arith.addf %add3A_608, %mul3A_617 : vector<16xf32>
        %get3A_619 = arith.constant 20 : i32
        %get3A_620 = arith.constant 0 : i32
        %get3A_621 = arith.constant 0 : i32
        %get3A_622 = tpu.memref_slice %arg9[%scan3A_395, %get3A_620, %get3A_621] : memref<2x32x1024xf32, #tpu.memory_space<vmem>> -> memref<1x32x1024xf32, #tpu.memory_space<vmem>>
        %get3A_623 = tpu.memref_squeeze %get3A_622 : memref<1x32x1024xf32, #tpu.memory_space<vmem>> -> memref<32x1024xf32, #tpu.memory_space<vmem>>
        %get3A_624 = arith.index_cast %get3A_619 : i32 to index
        %get3A_625 = arith.index_cast %add3A_419 : i32 to index
        %get3A_626 = tpu.vector_load %get3A_623[%get3A_624, %get3A_625] {strides = array<i32>} : memref<32x1024xf32, #tpu.memory_space<vmem>>, vector<16xf32>,
        %mul3A_627 = arith.mulf %get3A_345, %get3A_626 : vector<16xf32>
        %add3A_628 = arith.addf %add3A_618, %mul3A_627 : vector<16xf32>
        %get3A_629 = arith.constant 21 : i32
        %get3A_630 = arith.constant 0 : i32
        %get3A_631 = arith.constant 0 : i32
        %get3A_632 = tpu.memref_slice %arg9[%scan3A_395, %get3A_630, %get3A_631] : memref<2x32x1024xf32, #tpu.memory_space<vmem>> -> memref<1x32x1024xf32, #tpu.memory_space<vmem>>
        %get3A_633 = tpu.memref_squeeze %get3A_632 : memref<1x32x1024xf32, #tpu.memory_space<vmem>> -> memref<32x1024xf32, #tpu.memory_space<vmem>>
        %get3A_634 = arith.index_cast %get3A_629 : i32 to index
        %get3A_635 = arith.index_cast %add3A_419 : i32 to index
        %get3A_636 = tpu.vector_load %get3A_633[%get3A_634, %get3A_635] {strides = array<i32>} : memref<32x1024xf32, #tpu.memory_space<vmem>>, vector<16xf32>,
        %mul3A_637 = arith.mulf %get3A_349, %get3A_636 : vector<16xf32>
        %add3A_638 = arith.addf %add3A_628, %mul3A_637 : vector<16xf32>
        %get3A_639 = arith.constant 22 : i32
        %get3A_640 = arith.constant 0 : i32
        %get3A_641 = arith.constant 0 : i32
        %get3A_642 = tpu.memref_slice %arg9[%scan3A_395, %get3A_640, %get3A_641] : memref<2x32x1024xf32, #tpu.memory_space<vmem>> -> memref<1x32x1024xf32, #tpu.memory_space<vmem>>
        %get3A_643 = tpu.memref_squeeze %get3A_642 : memref<1x32x1024xf32, #tpu.memory_space<vmem>> -> memref<32x1024xf32, #tpu.memory_space<vmem>>
        %get3A_644 = arith.index_cast %get3A_639 : i32 to index
        %get3A_645 = arith.index_cast %add3A_419 : i32 to index
        %get3A_646 = tpu.vector_load %get3A_643[%get3A_644, %get3A_645] {strides = array<i32>} : memref<32x1024xf32, #tpu.memory_space<vmem>>, vector<16xf32>,
        %mul3A_647 = arith.mulf %get3A_353, %get3A_646 : vector<16xf32>
        %add3A_648 = arith.addf %add3A_638, %mul3A_647 : vector<16xf32>
        %get3A_649 = arith.constant 23 : i32
        %get3A_650 = arith.constant 0 : i32
        %get3A_651 = arith.constant 0 : i32
        %get3A_652 = tpu.memref_slice %arg9[%scan3A_395, %get3A_650, %get3A_651] : memref<2x32x1024xf32, #tpu.memory_space<vmem>> -> memref<1x32x1024xf32, #tpu.memory_space<vmem>>
        %get3A_653 = tpu.memref_squeeze %get3A_652 : memref<1x32x1024xf32, #tpu.memory_space<vmem>> -> memref<32x1024xf32, #tpu.memory_space<vmem>>
        %get3A_654 = arith.index_cast %get3A_649 : i32 to index
        %get3A_655 = arith.index_cast %add3A_419 : i32 to index
        %get3A_656 = tpu.vector_load %get3A_653[%get3A_654, %get3A_655] {strides = array<i32>} : memref<32x1024xf32, #tpu.memory_space<vmem>>, vector<16xf32>,
        %mul3A_657 = arith.mulf %get3A_357, %get3A_656 : vector<16xf32>
        %add3A_658 = arith.addf %add3A_648, %mul3A_657 : vector<16xf32>
        %get3A_659 = arith.constant 24 : i32
        %get3A_660 = arith.constant 0 : i32
        %get3A_661 = arith.constant 0 : i32
        %get3A_662 = tpu.memref_slice %arg9[%scan3A_395, %get3A_660, %get3A_661] : memref<2x32x1024xf32, #tpu.memory_space<vmem>> -> memref<1x32x1024xf32, #tpu.memory_space<vmem>>
        %get3A_663 = tpu.memref_squeeze %get3A_662 : memref<1x32x1024xf32, #tpu.memory_space<vmem>> -> memref<32x1024xf32, #tpu.memory_space<vmem>>
        %get3A_664 = arith.index_cast %get3A_659 : i32 to index
        %get3A_665 = arith.index_cast %add3A_419 : i32 to index
        %get3A_666 = tpu.vector_load %get3A_663[%get3A_664, %get3A_665] {strides = array<i32>} : memref<32x1024xf32, #tpu.memory_space<vmem>>, vector<16xf32>,
        %mul3A_667 = arith.mulf %get3A_361, %get3A_666 : vector<16xf32>
        %add3A_668 = arith.addf %add3A_658, %mul3A_667 : vector<16xf32>
        %get3A_669 = arith.constant 25 : i32
        %get3A_670 = arith.constant 0 : i32
        %get3A_671 = arith.constant 0 : i32
        %get3A_672 = tpu.memref_slice %arg9[%scan3A_395, %get3A_670, %get3A_671] : memref<2x32x1024xf32, #tpu.memory_space<vmem>> -> memref<1x32x1024xf32, #tpu.memory_space<vmem>>
        %get3A_673 = tpu.memref_squeeze %get3A_672 : memref<1x32x1024xf32, #tpu.memory_space<vmem>> -> memref<32x1024xf32, #tpu.memory_space<vmem>>
        %get3A_674 = arith.index_cast %get3A_669 : i32 to index
        %get3A_675 = arith.index_cast %add3A_419 : i32 to index
        %get3A_676 = tpu.vector_load %get3A_673[%get3A_674, %get3A_675] {strides = array<i32>} : memref<32x1024xf32, #tpu.memory_space<vmem>>, vector<16xf32>,
        %mul3A_677 = arith.mulf %get3A_365, %get3A_676 : vector<16xf32>
        %add3A_678 = arith.addf %add3A_668, %mul3A_677 : vector<16xf32>
        %get3A_679 = arith.constant 26 : i32
        %get3A_680 = arith.constant 0 : i32
        %get3A_681 = arith.constant 0 : i32
        %get3A_682 = tpu.memref_slice %arg9[%scan3A_395, %get3A_680, %get3A_681] : memref<2x32x1024xf32, #tpu.memory_space<vmem>> -> memref<1x32x1024xf32, #tpu.memory_space<vmem>>
        %get3A_683 = tpu.memref_squeeze %get3A_682 : memref<1x32x1024xf32, #tpu.memory_space<vmem>> -> memref<32x1024xf32, #tpu.memory_space<vmem>>
        %get3A_684 = arith.index_cast %get3A_679 : i32 to index
        %get3A_685 = arith.index_cast %add3A_419 : i32 to index
        %get3A_686 = tpu.vector_load %get3A_683[%get3A_684, %get3A_685] {strides = array<i32>} : memref<32x1024xf32, #tpu.memory_space<vmem>>, vector<16xf32>,
        %mul3A_687 = arith.mulf %get3A_369, %get3A_686 : vector<16xf32>
        %add3A_688 = arith.addf %add3A_678, %mul3A_687 : vector<16xf32>
        %get3A_689 = arith.constant 27 : i32
        %get3A_690 = arith.constant 0 : i32
        %get3A_691 = arith.constant 0 : i32
        %get3A_692 = tpu.memref_slice %arg9[%scan3A_395, %get3A_690, %get3A_691] : memref<2x32x1024xf32, #tpu.memory_space<vmem>> -> memref<1x32x1024xf32, #tpu.memory_space<vmem>>
        %get3A_693 = tpu.memref_squeeze %get3A_692 : memref<1x32x1024xf32, #tpu.memory_space<vmem>> -> memref<32x1024xf32, #tpu.memory_space<vmem>>
        %get3A_694 = arith.index_cast %get3A_689 : i32 to index
        %get3A_695 = arith.index_cast %add3A_419 : i32 to index
        %get3A_696 = tpu.vector_load %get3A_693[%get3A_694, %get3A_695] {strides = array<i32>} : memref<32x1024xf32, #tpu.memory_space<vmem>>, vector<16xf32>,
        %mul3A_697 = arith.mulf %get3A_373, %get3A_696 : vector<16xf32>
        %add3A_698 = arith.addf %add3A_688, %mul3A_697 : vector<16xf32>
        %get3A_699 = arith.constant 28 : i32
        %get3A_700 = arith.constant 0 : i32
        %get3A_701 = arith.constant 0 : i32
        %get3A_702 = tpu.memref_slice %arg9[%scan3A_395, %get3A_700, %get3A_701] : memref<2x32x1024xf32, #tpu.memory_space<vmem>> -> memref<1x32x1024xf32, #tpu.memory_space<vmem>>
        %get3A_703 = tpu.memref_squeeze %get3A_702 : memref<1x32x1024xf32, #tpu.memory_space<vmem>> -> memref<32x1024xf32, #tpu.memory_space<vmem>>
        %get3A_704 = arith.index_cast %get3A_699 : i32 to index
        %get3A_705 = arith.index_cast %add3A_419 : i32 to index
        %get3A_706 = tpu.vector_load %get3A_703[%get3A_704, %get3A_705] {strides = array<i32>} : memref<32x1024xf32, #tpu.memory_space<vmem>>, vector<16xf32>,
        %mul3A_707 = arith.mulf %get3A_377, %get3A_706 : vector<16xf32>
        %add3A_708 = arith.addf %add3A_698, %mul3A_707 : vector<16xf32>
        %get3A_709 = arith.constant 29 : i32
        %get3A_710 = arith.constant 0 : i32
        %get3A_711 = arith.constant 0 : i32
        %get3A_712 = tpu.memref_slice %arg9[%scan3A_395, %get3A_710, %get3A_711] : memref<2x32x1024xf32, #tpu.memory_space<vmem>> -> memref<1x32x1024xf32, #tpu.memory_space<vmem>>
        %get3A_713 = tpu.memref_squeeze %get3A_712 : memref<1x32x1024xf32, #tpu.memory_space<vmem>> -> memref<32x1024xf32, #tpu.memory_space<vmem>>
        %get3A_714 = arith.index_cast %get3A_709 : i32 to index
        %get3A_715 = arith.index_cast %add3A_419 : i32 to index
        %get3A_716 = tpu.vector_load %get3A_713[%get3A_714, %get3A_715] {strides = array<i32>} : memref<32x1024xf32, #tpu.memory_space<vmem>>, vector<16xf32>,
        %mul3A_717 = arith.mulf %get3A_381, %get3A_716 : vector<16xf32>
        %add3A_718 = arith.addf %add3A_708, %mul3A_717 : vector<16xf32>
        %get3A_719 = arith.constant 30 : i32
        %get3A_720 = arith.constant 0 : i32
        %get3A_721 = arith.constant 0 : i32
        %get3A_722 = tpu.memref_slice %arg9[%scan3A_395, %get3A_720, %get3A_721] : memref<2x32x1024xf32, #tpu.memory_space<vmem>> -> memref<1x32x1024xf32, #tpu.memory_space<vmem>>
        %get3A_723 = tpu.memref_squeeze %get3A_722 : memref<1x32x1024xf32, #tpu.memory_space<vmem>> -> memref<32x1024xf32, #tpu.memory_space<vmem>>
        %get3A_724 = arith.index_cast %get3A_719 : i32 to index
        %get3A_725 = arith.index_cast %add3A_419 : i32 to index
        %get3A_726 = tpu.vector_load %get3A_723[%get3A_724, %get3A_725] {strides = array<i32>} : memref<32x1024xf32, #tpu.memory_space<vmem>>, vector<16xf32>,
        %mul3A_727 = arith.mulf %get3A_385, %get3A_726 : vector<16xf32>
        %add3A_728 = arith.addf %add3A_718, %mul3A_727 : vector<16xf32>
        %get3A_729 = arith.constant 31 : i32
        %get3A_730 = arith.constant 0 : i32
        %get3A_731 = arith.constant 0 : i32
        %get3A_732 = tpu.memref_slice %arg9[%scan3A_395, %get3A_730, %get3A_731] : memref<2x32x1024xf32, #tpu.memory_space<vmem>> -> memref<1x32x1024xf32, #tpu.memory_space<vmem>>
        %get3A_733 = tpu.memref_squeeze %get3A_732 : memref<1x32x1024xf32, #tpu.memory_space<vmem>> -> memref<32x1024xf32, #tpu.memory_space<vmem>>
        %get3A_734 = arith.index_cast %get3A_729 : i32 to index
        %get3A_735 = arith.index_cast %add3A_419 : i32 to index
        %get3A_736 = tpu.vector_load %get3A_733[%get3A_734, %get3A_735] {strides = array<i32>} : memref<32x1024xf32, #tpu.memory_space<vmem>>, vector<16xf32>,
        %mul3A_737 = arith.mulf %get3A_389, %get3A_736 : vector<16xf32>
        %add3A_738 = arith.addf %add3A_728, %mul3A_737 : vector<16xf32>
        %swap3A = arith.constant 1 : i32
        %swap3A_739 = arith.index_cast %swap3A : i32 to index
        %swap3A_740 = arith.index_cast %add3A_419 : i32 to index
        %swap3A_741 = tpu.vector_load %arg10[%swap3A_739, %swap3A_740] {strides = array<i32>} : memref<2x1024xf32, #tpu.memory_space<vmem>>, vector<16xf32>,
        tpu.vector_store %arg10[%swap3A_739, %swap3A_740], %add3A_738 {strides = array<i32>} : memref<2x1024xf32, #tpu.memory_space<vmem>>, vector<16xf32>,
      }
      %scan3A_400 = arith.constant 64 : i32
      %add3A_401 = arith.addi %mul3A_2, %add3A_254 : i32
      %dma_start3A_402 = arith.constant 1 : i32
      %dma_start3A_403 = arith.constant 0 : i32
      %dma_start3A_404 = tpu.memref_slice %arg10[%dma_start3A_402, %dma_start3A_403] : memref<2x1024xf32, #tpu.memory_space<vmem>> -> memref<1x1024xf32, #tpu.memory_space<vmem>>
      %dma_start3A_405 = tpu.memref_squeeze %dma_start3A_404 : memref<1x1024xf32, #tpu.memory_space<vmem>> -> memref<1024xf32, #tpu.memory_space<vmem>>
      %dma_start3A_406 = arith.constant 0 : i32
      %dma_start3A_407 = tpu.memref_slice %arg5[%add3A_401, %dma_start3A_406] : memref<2048x1024xf32, #tpu.memory_space<hbm>> -> memref<1x1024xf32, #tpu.memory_space<hbm>>
      %dma_start3A_408 = tpu.memref_squeeze %dma_start3A_407 : memref<1x1024xf32, #tpu.memory_space<hbm>> -> memref<1024xf32, #tpu.memory_space<hbm>>
      %dma_start3A_409 = arith.constant 0 : i32
      %dma_start3A_410 = tpu.memref_slice %arg5[%add3A_401, %dma_start3A_409] : memref<2048x1024xf32, #tpu.memory_space<hbm>> -> memref<1x1024xf32, #tpu.memory_space<hbm>>
      %dma_start3A_411 = tpu.memref_squeeze %dma_start3A_410 : memref<1x1024xf32, #tpu.memory_space<hbm>> -> memref<1024xf32, #tpu.memory_space<hbm>>
      %dma_start3A_412 = arith.constant 0 : i32
      %dma_start3A_413 = tpu.memref_slice %arg10[%dma_start3A_402, %dma_start3A_412] : memref<2x1024xf32, #tpu.memory_space<vmem>> -> memref<1x1024xf32, #tpu.memory_space<vmem>>
      %dma_start3A_414 = tpu.memref_squeeze %dma_start3A_413 : memref<1x1024xf32, #tpu.memory_space<vmem>> -> memref<1024xf32, #tpu.memory_space<vmem>>
      tpu.enqueue_dma source(%dma_start3A_414 : memref<1024xf32, #tpu.memory_space<vmem>>) target(%dma_start3A_411 : memref<1024xf32, #tpu.memory_space<hbm>>) target_semaphore(%arg14 : memref<!tpu.dma_semaphore, #tpu.memory_space<semaphore_mem>>)
    }
    %scan3A_19 = arith.constant 32 : i32
    %add3A_20 = arith.constant 62 : i32
    %add3A_21 = arith.addi %mul3A_2, %add3A_20 : i32
    %dma_wait3A = arith.constant 0 : i32
    %dma_wait3A_22 = arith.constant 0 : i32
    %dma_wait3A_23 = tpu.memref_slice %arg10[%dma_wait3A, %dma_wait3A_22] : memref<2x1024xf32, #tpu.memory_space<vmem>> -> memref<1x1024xf32, #tpu.memory_space<vmem>>
    %dma_wait3A_24 = tpu.memref_squeeze %dma_wait3A_23 : memref<1x1024xf32, #tpu.memory_space<vmem>> -> memref<1024xf32, #tpu.memory_space<vmem>>
    %dma_wait3A_25 = arith.constant 0 : i32
    %dma_wait3A_26 = tpu.memref_slice %arg5[%add3A_21, %dma_wait3A_25] : memref<2048x1024xf32, #tpu.memory_space<hbm>> -> memref<1x1024xf32, #tpu.memory_space<hbm>>
    %dma_wait3A_27 = tpu.memref_squeeze %dma_wait3A_26 : memref<1x1024xf32, #tpu.memory_space<hbm>> -> memref<1024xf32, #tpu.memory_space<hbm>>
    %dma_wait3A_28 = arith.constant 0 : i32
    %dma_wait3A_29 = tpu.memref_slice %arg5[%add3A_21, %dma_wait3A_28] : memref<2048x1024xf32, #tpu.memory_space<hbm>> -> memref<1x1024xf32, #tpu.memory_space<hbm>>
    %dma_wait3A_30 = tpu.memref_squeeze %dma_wait3A_29 : memref<1x1024xf32, #tpu.memory_space<hbm>> -> memref<1024xf32, #tpu.memory_space<hbm>>
    %dma_wait3A_31 = arith.constant 0 : i32
    %dma_wait3A_32 = tpu.memref_slice %arg10[%dma_wait3A, %dma_wait3A_31] : memref<2x1024xf32, #tpu.memory_space<vmem>> -> memref<1x1024xf32, #tpu.memory_space<vmem>>
    %dma_wait3A_33 = tpu.memref_squeeze %dma_wait3A_32 : memref<1x1024xf32, #tpu.memory_space<vmem>> -> memref<1024xf32, #tpu.memory_space<vmem>>
    tpu.wait_dma2 semaphore(%arg13 : memref<!tpu.dma_semaphore, #tpu.memory_space<semaphore_mem>>) src(%dma_wait3A_33 : memref<1024xf32, #tpu.memory_space<vmem>>) dst(%dma_wait3A_30 : memref<1024xf32, #tpu.memory_space<hbm>>)
    %add3A_34 = arith.constant 63 : i32
    %add3A_35 = arith.addi %mul3A_2, %add3A_34 : i32
    %dma_wait3A_36 = arith.constant 1 : i32
    %dma_wait3A_37 = arith.constant 0 : i32
    %dma_wait3A_38 = tpu.memref_slice %arg10[%dma_wait3A_36, %dma_wait3A_37] : memref<2x1024xf32, #tpu.memory_space<vmem>> -> memref<1x1024xf32, #tpu.memory_space<vmem>>
    %dma_wait3A_39 = tpu.memref_squeeze %dma_wait3A_38 : memref<1x1024xf32, #tpu.memory_space<vmem>> -> memref<1024xf32, #tpu.memory_space<vmem>>
    %dma_wait3A_40 = arith.constant 0 : i32
    %dma_wait3A_41 = tpu.memref_slice %arg5[%add3A_35, %dma_wait3A_40] : memref<2048x1024xf32, #tpu.memory_space<hbm>> -> memref<1x1024xf32, #tpu.memory_space<hbm>>
    %dma_wait3A_42 = tpu.memref_squeeze %dma_wait3A_41 : memref<1x1024xf32, #tpu.memory_space<hbm>> -> memref<1024xf32, #tpu.memory_space<hbm>>
    %dma_wait3A_43 = arith.constant 0 : i32
    %dma_wait3A_44 = tpu.memref_slice %arg5[%add3A_35, %dma_wait3A_43] : memref<2048x1024xf32, #tpu.memory_space<hbm>> -> memref<1x1024xf32, #tpu.memory_space<hbm>>
    %dma_wait3A_45 = tpu.memref_squeeze %dma_wait3A_44 : memref<1x1024xf32, #tpu.memory_space<hbm>> -> memref<1024xf32, #tpu.memory_space<hbm>>
    %dma_wait3A_46 = arith.constant 0 : i32
    %dma_wait3A_47 = tpu.memref_slice %arg10[%dma_wait3A_36, %dma_wait3A_46] : memref<2x1024xf32, #tpu.memory_space<vmem>> -> memref<1x1024xf32, #tpu.memory_space<vmem>>
    %dma_wait3A_48 = tpu.memref_squeeze %dma_wait3A_47 : memref<1x1024xf32, #tpu.memory_space<vmem>> -> memref<1024xf32, #tpu.memory_space<vmem>>
    tpu.wait_dma2 semaphore(%arg14 : memref<!tpu.dma_semaphore, #tpu.memory_space<semaphore_mem>>) src(%dma_wait3A_48 : memref<1024xf32, #tpu.memory_space<vmem>>) dst(%dma_wait3A_45 : memref<1024xf32, #tpu.memory_space<hbm>>)
    return
  }
}

module attributes {stable_mosaic.version = 14 : i64} {
  func.func @_score_topk_body(%arg0: i32, %arg1: i32, %arg2: memref<128x1024xf32, #tpu.memory_space<vmem>>, %arg3: memref<1024x1024xf32, #tpu.memory_space<vmem>>, %arg4: memref<1x1024xf32, #tpu.memory_space<vmem>>, %arg5: memref<1024x2048xf32, #tpu.memory_space<vmem>>, %arg6: memref<1x2048xf32, #tpu.memory_space<vmem>>, %arg7: memref<1x2048xf32, #tpu.memory_space<vmem>>, %arg8: memref<128x32xf32, #tpu.memory_space<vmem>>, %arg9: memref<128x32xi32, #tpu.memory_space<vmem>>, %arg10: memref<128x1024xf32, #tpu.memory_space<vmem>>, %arg11: memref<8x128x2048xf32, #tpu.memory_space<vmem>>) attributes {dimension_semantics = [#tpu.dimension_semantics<parallel>, #tpu.dimension_semantics<arbitrary>], iteration_bounds = array<i64: 16, 8>, scalar_prefetch = 0 : i64, scratch_operands = 2 : i64, tpu.core_type = #tpu.core_type<tc>, window_params = [{transform_indices = @transform_0, window_bounds = array<i64: 128, 1024>}, {pipeline_mode = #tpu.pipeline_mode<synchronous>, transform_indices = @transform_1, window_bounds = array<i64: 1024, 1024>}, {pipeline_mode = #tpu.pipeline_mode<synchronous>, transform_indices = @transform_2, window_bounds = array<i64: 1, 1024>}, {transform_indices = @transform_3, window_bounds = array<i64: 1024, 2048>}, {transform_indices = @transform_4, window_bounds = array<i64: 1, 2048>}, {transform_indices = @transform_5, window_bounds = array<i64: 1, 2048>}, {transform_indices = @transform_6, window_bounds = array<i64: 128, 32>}, {transform_indices = @transform_7, window_bounds = array<i64: 128, 32>}]} {
    %eq3A = arith.constant 0 : i32
    %eq3A_0 = arith.cmpi eq, %arg1, %eq3A : i32
    %convert_element_type3A = arith.extui %eq3A_0 : i1 to i32
    %cond3A = arith.constant 0 : i32
    %cond3A_1 = arith.cmpi ne, %convert_element_type3A, %cond3A : i32
    scf.if %cond3A_1 {
      %get3A_43 = arith.constant 0 : index
      %get3A_44 = arith.constant 0 : index
      %get3A_45 = vector.load %arg2[%get3A_43, %get3A_44] : memref<128x1024xf32, #tpu.memory_space<vmem>>, vector<128x1024xf32>
      %get3A_46 = arith.constant 0 : index
      %get3A_47 = arith.constant 0 : index
      %get3A_48 = vector.load %arg3[%get3A_46, %get3A_47] : memref<1024x1024xf32, #tpu.memory_space<vmem>>, vector<1024x1024xf32>
      %dot_general3A_49 = arith.constant dense<0.000000e+00> : vector<128x1024xf32>
      %dot_general3A_50 = tpu.matmul %get3A_45, %get3A_48, %dot_general3A_49 {dimension_numbers = #tpu.dot_dimension_numbers<[1], [0], [0], [1], [0, 0, 1, 1], [], []>, transpose_lhs_hint = false} : vector<128x1024xf32>, vector<1024x1024xf32>, vector<128x1024xf32> -> vector<128x1024xf32>
      %get3A_51 = arith.constant 0 : index
      %get3A_52 = arith.constant 0 : index
      %get3A_53 = vector.load %arg4[%get3A_51, %get3A_52] : memref<1x1024xf32, #tpu.memory_space<vmem>>, vector<1x1024xf32>
      %add3A_54 = vector.broadcast %get3A_53 : vector<1x1024xf32> to vector<128x1024xf32>
      %add3A_55 = arith.addf %dot_general3A_50, %add3A_54 : vector<128x1024xf32>
      %swap3A_56 = arith.constant 0 : index
      %swap3A_57 = arith.constant 0 : index
      %swap3A_58 = vector.load %arg10[%swap3A_56, %swap3A_57] : memref<128x1024xf32, #tpu.memory_space<vmem>>, vector<128x1024xf32>
      tpu.vector_store %arg10[%swap3A_56, %swap3A_57], %add3A_55 {strides = array<i32>} : memref<128x1024xf32, #tpu.memory_space<vmem>>, vector<128x1024xf32>,
    } else {
    }
    %get3A = arith.constant 0 : index
    %get3A_2 = arith.constant 0 : index
    %get3A_3 = vector.load %arg6[%get3A, %get3A_2] : memref<1x2048xf32, #tpu.memory_space<vmem>>, vector<1x2048xf32>
    %get3A_4 = arith.constant 0 : index
    %get3A_5 = arith.constant 0 : index
    %get3A_6 = vector.load %arg7[%get3A_4, %get3A_5] : memref<1x2048xf32, #tpu.memory_space<vmem>>, vector<1x2048xf32>
    %add3A = arith.constant 1.000000e-10 : f32
    %add3A_7 = vector.broadcast %add3A : f32 to vector<1x2048xf32>
    %add3A_8 = arith.addf %get3A_3, %add3A_7 : vector<1x2048xf32>
    %div3A = arith.divf %get3A_6, %add3A_8 : vector<1x2048xf32>
    %mul3A = arith.constant 0.899999976 : f32
    %mul3A_9 = vector.broadcast %mul3A : f32 to vector<1x2048xf32>
    %mul3A_10 = arith.mulf %mul3A_9, %div3A : vector<1x2048xf32>
    %add3A_11 = arith.constant 1.000000e+00 : f32
    %add3A_12 = vector.broadcast %add3A_11 : f32 to vector<1x2048xf32>
    %add3A_13 = arith.addf %get3A_3, %add3A_12 : vector<1x2048xf32>
    %div3A_14 = arith.constant 1.000000e-01 : f32
    %div3A_15 = vector.broadcast %div3A_14 : f32 to vector<1x2048xf32>
    %div3A_16 = arith.divf %div3A_15, %add3A_13 : vector<1x2048xf32>
    %add3A_17 = arith.addf %mul3A_10, %div3A_16 : vector<1x2048xf32>
    %mul3A_18 = arith.constant 1.000000e-01 : f32
    %mul3A_19 = vector.broadcast %mul3A_18 : f32 to vector<1x2048xf32>
    %mul3A_20 = arith.mulf %mul3A_19, %add3A_17 : vector<1x2048xf32>
    %get3A_21 = arith.constant 0 : index
    %get3A_22 = arith.constant 0 : index
    %get3A_23 = vector.load %arg10[%get3A_21, %get3A_22] : memref<128x1024xf32, #tpu.memory_space<vmem>>, vector<128x1024xf32>
    %get3A_24 = arith.constant 0 : index
    %get3A_25 = arith.constant 0 : index
    %get3A_26 = vector.load %arg5[%get3A_24, %get3A_25] : memref<1024x2048xf32, #tpu.memory_space<vmem>>, vector<1024x2048xf32>
    %dot_general3A = arith.constant dense<0.000000e+00> : vector<128x2048xf32>
    %dot_general3A_27 = tpu.matmul %get3A_23, %get3A_26, %dot_general3A {dimension_numbers = #tpu.dot_dimension_numbers<[1], [0], [0], [1], [0, 0, 1, 1], [], []>, transpose_lhs_hint = false} : vector<128x1024xf32>, vector<1024x2048xf32>, vector<128x2048xf32> -> vector<128x2048xf32>
    %mul3A_28 = arith.constant 3.125000e-02 : f32
    %mul3A_29 = vector.broadcast %mul3A_28 : f32 to vector<128x2048xf32>
    %mul3A_30 = arith.mulf %dot_general3A_27, %mul3A_29 : vector<128x2048xf32>
    %add3A_31 = vector.broadcast %mul3A_20 : vector<1x2048xf32> to vector<128x2048xf32>
    %add3A_32 = arith.addf %mul3A_30, %add3A_31 : vector<128x2048xf32>
    %swap3A = arith.index_cast %arg1 : i32 to index
    %swap3A_33 = arith.constant 0 : index
    %swap3A_34 = arith.constant 0 : index
    %swap3A_35 = vector.load %arg11[%swap3A, %swap3A_33, %swap3A_34] : memref<8x128x2048xf32, #tpu.memory_space<vmem>>, vector<1x128x2048xf32>
    %swap3A_36 = vector.shape_cast %swap3A_35 : vector<1x128x2048xf32> to vector<128x2048xf32>
    %swap3A_37 = vector.shape_cast %add3A_32 : vector<128x2048xf32> to vector<1x128x2048xf32>
    tpu.vector_store %arg11[%swap3A, %swap3A_33, %swap3A_34], %swap3A_37 {strides = array<i32>} : memref<8x128x2048xf32, #tpu.memory_space<vmem>>, vector<1x128x2048xf32>,
    %eq3A_38 = arith.constant 7 : i32
    %eq3A_39 = arith.cmpi eq, %arg1, %eq3A_38 : i32
    %convert_element_type3A_40 = arith.extui %eq3A_39 : i1 to i32
    %cond3A_41 = arith.constant 0 : i32
    %cond3A_42 = arith.cmpi ne, %convert_element_type3A_40, %cond3A_41 : i32
    scf.if %cond3A_42 {
      %iota3A = tpu.iota {dimensions = array<i32: 0>} : vector<8x128x2048xi32>
      %mul3A_43 = arith.constant 2048 : i32
      %mul3A_44 = vector.broadcast %mul3A_43 : i32 to vector<8x128x2048xi32>
      %mul3A_45 = arith.muli %iota3A, %mul3A_44 : vector<8x128x2048xi32>
      %iota3A_46 = tpu.iota {dimensions = array<i32: 2>} : vector<8x128x2048xi32>
      %add3A_47 = arith.addi %mul3A_45, %iota3A_46 : vector<8x128x2048xi32>
      %iota3A_48 = tpu.iota {dimensions = array<i32: 1>} : vector<128x32xi32>
      %broadcast_in_dim3A = arith.constant 0xFF800000 : f32
      %broadcast_in_dim3A_49 = vector.broadcast %broadcast_in_dim3A : f32 to vector<128x32xf32>
      %broadcast_in_dim3A_50 = arith.constant 0 : i32
      %broadcast_in_dim3A_51 = vector.broadcast %broadcast_in_dim3A_50 : i32 to vector<128x32xi32>
      %scan3A = arith.constant 0 : i32
      %scan3A_52 = arith.constant 32 : i32
      %scan3A_53 = arith.addi %scan3A, %scan3A_52 : i32
      %scan3A_54 = arith.constant 1 : i32
      %scan3A_55:2 = scf.for %scan3A_68 = %scan3A to %scan3A_53 step %scan3A_54 iter_args(%scan3A_69 = %broadcast_in_dim3A_49, %scan3A_70 = %broadcast_in_dim3A_51) -> (vector<128x32xf32>, vector<128x32xi32>)  : i32 {
        %get3A_71 = arith.constant 0 : index
        %get3A_72 = arith.constant 0 : index
        %get3A_73 = arith.constant 0 : index
        %get3A_74 = vector.load %arg11[%get3A_71, %get3A_72, %get3A_73] : memref<8x128x2048xf32, #tpu.memory_space<vmem>>, vector<8x128x2048xf32>
        %reduce_max3A = arith.constant dense<0xFF800000> : vector<8x128xf32>
        %reduce_max3A_75 = vector.multi_reduction <maximumf>, %get3A_74, %reduce_max3A [2] : vector<8x128x2048xf32> to vector<8x128xf32>
        %reduce_max3A_76 = arith.constant dense<0xFF800000> : vector<128xf32>
        %reduce_max3A_77 = vector.multi_reduction <maximumf>, %reduce_max3A_75, %reduce_max3A_76 [0] : vector<8x128xf32> to vector<128xf32>
        %broadcast_in_dim3A_78 = vector.shape_cast %reduce_max3A_77 : vector<128xf32> to vector<1x128x1xf32>
        %eq3A_79 = vector.broadcast %broadcast_in_dim3A_78 : vector<1x128x1xf32> to vector<8x128x2048xf32>
        %eq3A_80 = arith.cmpf oeq, %get3A_74, %eq3A_79 : vector<8x128x2048xf32>
        %jit3A = arith.constant 1073741824 : i32
        %broadcast_in_dim3A_81 = vector.broadcast %jit3A : i32 to vector<8x128x2048xi32>
        %select_n3A = arith.select %eq3A_80, %add3A_47, %broadcast_in_dim3A_81 : vector<8x128x2048xi1>, vector<8x128x2048xi32>
        %reduce_min3A = arith.constant dense<2147483647> : vector<8x128xi32>
        %reduce_min3A_82 = vector.multi_reduction <minsi>, %select_n3A, %reduce_min3A [2] : vector<8x128x2048xi32> to vector<8x128xi32>
        %reduce_min3A_83 = arith.constant dense<2147483647> : vector<128xi32>
        %reduce_min3A_84 = vector.multi_reduction <minsi>, %reduce_min3A_82, %reduce_min3A_83 [0] : vector<8x128xi32> to vector<128xi32>
        %broadcast_in_dim3A_85 = vector.shape_cast %reduce_min3A_84 : vector<128xi32> to vector<1x128x1xi32>
        %eq3A_86 = vector.broadcast %broadcast_in_dim3A_85 : vector<1x128x1xi32> to vector<8x128x2048xi32>
        %eq3A_87 = arith.cmpi eq, %add3A_47, %eq3A_86 : vector<8x128x2048xi32>
        %jit3A_88 = arith.constant 0xFF800000 : f32
        %broadcast_in_dim3A_89 = vector.broadcast %jit3A_88 : f32 to vector<8x128x2048xf32>
        %select_n3A_90 = arith.select %eq3A_87, %broadcast_in_dim3A_89, %get3A_74 : vector<8x128x2048xi1>, vector<8x128x2048xf32>
        %swap3A_91 = arith.constant 0 : index
        %swap3A_92 = arith.constant 0 : index
        %swap3A_93 = arith.constant 0 : index
        %swap3A_94 = vector.load %arg11[%swap3A_91, %swap3A_92, %swap3A_93] : memref<8x128x2048xf32, #tpu.memory_space<vmem>>, vector<8x128x2048xf32>
        tpu.vector_store %arg11[%swap3A_91, %swap3A_92, %swap3A_93], %select_n3A_90 {strides = array<i32>} : memref<8x128x2048xf32, #tpu.memory_space<vmem>>, vector<8x128x2048xf32>,
        %eq3A_95 = vector.broadcast %scan3A_68 : i32 to vector<128x32xi32>
        %eq3A_96 = arith.cmpi eq, %iota3A_48, %eq3A_95 : vector<128x32xi32>
        %broadcast_in_dim3A_97 = vector.shape_cast %reduce_max3A_77 : vector<128xf32> to vector<128x1xf32>
        %broadcast_in_dim3A_98 = vector.shape_cast %broadcast_in_dim3A_97 : vector<128x1xf32> to vector<128x1xf32>
        %broadcast_in_dim3A_99 = vector.broadcast %broadcast_in_dim3A_98 : vector<128x1xf32> to vector<128x32xf32>
        %select_n3A_100 = arith.select %eq3A_96, %broadcast_in_dim3A_99, %scan3A_69 : vector<128x32xi1>, vector<128x32xf32>
        %eq3A_101 = vector.broadcast %scan3A_68 : i32 to vector<128x32xi32>
        %eq3A_102 = arith.cmpi eq, %iota3A_48, %eq3A_101 : vector<128x32xi32>
        %broadcast_in_dim3A_103 = vector.shape_cast %reduce_min3A_84 : vector<128xi32> to vector<128x1xi32>
        %broadcast_in_dim3A_104 = vector.shape_cast %broadcast_in_dim3A_103 : vector<128x1xi32> to vector<128x1xi32>
        %broadcast_in_dim3A_105 = vector.broadcast %broadcast_in_dim3A_104 : vector<128x1xi32> to vector<128x32xi32>
        %select_n3A_106 = arith.select %eq3A_102, %broadcast_in_dim3A_105, %scan3A_70 : vector<128x32xi1>, vector<128x32xi32>
        scf.yield %select_n3A_100, %select_n3A_106 : vector<128x32xf32>, vector<128x32xi32>
      }
      %scan3A_56 = arith.constant 32 : i32
      %slice3A = vector.extract_strided_slice %scan3A_55#0 {offsets = [0, 0], sizes = [128, 1], strides = [1, 1]} : vector<128x32xf32> to vector<128x1xf32>
      %sub3A = vector.broadcast %slice3A : vector<128x1xf32> to vector<128x32xf32>
      %sub3A_57 = arith.subf %scan3A_55#0, %sub3A : vector<128x32xf32>
      %exp3A = math.exp %sub3A_57 : vector<128x32xf32>
      %reduce_sum3A = arith.constant dense<0.000000e+00> : vector<128xf32>
      %reduce_sum3A_58 = vector.multi_reduction <add>, %exp3A, %reduce_sum3A [1] : vector<128x32xf32> to vector<128xf32>
      %broadcast_in_dim3A_59 = vector.shape_cast %reduce_sum3A_58 : vector<128xf32> to vector<128x1xf32>
      %div3A_60 = vector.broadcast %broadcast_in_dim3A_59 : vector<128x1xf32> to vector<128x32xf32>
      %div3A_61 = arith.divf %exp3A, %div3A_60 : vector<128x32xf32>
      %swap3A_62 = arith.constant 0 : index
      %swap3A_63 = arith.constant 0 : index
      %swap3A_64 = vector.load %arg8[%swap3A_62, %swap3A_63] : memref<128x32xf32, #tpu.memory_space<vmem>>, vector<128x32xf32>
      tpu.vector_store %arg8[%swap3A_62, %swap3A_63], %div3A_61 {strides = array<i32>} : memref<128x32xf32, #tpu.memory_space<vmem>>, vector<128x32xf32>,
      %swap3A_65 = arith.constant 0 : index
      %swap3A_66 = arith.constant 0 : index
      %swap3A_67 = vector.load %arg9[%swap3A_65, %swap3A_66] : memref<128x32xi32, #tpu.memory_space<vmem>>, vector<128x32xi32>
      tpu.vector_store %arg9[%swap3A_65, %swap3A_66], %scan3A_55#1 {strides = array<i32>} : memref<128x32xi32, #tpu.memory_space<vmem>>, vector<128x32xi32>,
    } else {
    }
    return
  }
  func.func @transform_0(%arg0: i32, %arg1: i32) -> (i32, i32) {
    %c0_i32 = arith.constant 0 : i32
    %c0_i32_0 = arith.constant 0 : i32
    return %arg0, %c0_i32 : i32, i32
  }
  func.func @transform_1(%arg0: i32, %arg1: i32) -> (i32, i32) {
    %c0_i32 = arith.constant 0 : i32
    %c0_i32_0 = arith.constant 0 : i32
    %c0_i32_1 = arith.constant 0 : i32
    return %c0_i32, %c0_i32_0 : i32, i32
  }
  func.func @transform_2(%arg0: i32, %arg1: i32) -> (i32, i32) {
    %c0_i32 = arith.constant 0 : i32
    %c0_i32_0 = arith.constant 0 : i32
    %c0_i32_1 = arith.constant 0 : i32
    return %c0_i32, %c0_i32_0 : i32, i32
  }
  func.func @transform_3(%arg0: i32, %arg1: i32) -> (i32, i32) {
    %c0_i32 = arith.constant 0 : i32
    %c0_i32_0 = arith.constant 0 : i32
    return %c0_i32, %arg1 : i32, i32
  }
  func.func @transform_4(%arg0: i32, %arg1: i32) -> (i32, i32) {
    %c0_i32 = arith.constant 0 : i32
    %c0_i32_0 = arith.constant 0 : i32
    return %c0_i32, %arg1 : i32, i32
  }
  func.func @transform_5(%arg0: i32, %arg1: i32) -> (i32, i32) {
    %c0_i32 = arith.constant 0 : i32
    %c0_i32_0 = arith.constant 0 : i32
    return %c0_i32, %arg1 : i32, i32
  }
  func.func @transform_6(%arg0: i32, %arg1: i32) -> (i32, i32) {
    %c0_i32 = arith.constant 0 : i32
    %c0_i32_0 = arith.constant 0 : i32
    return %arg0, %c0_i32 : i32, i32
  }
  func.func @transform_7(%arg0: i32, %arg1: i32) -> (i32, i32) {
    %c0_i32 = arith.constant 0 : i32
    %c0_i32_0 = arith.constant 0 : i32
    return %arg0, %c0_i32 : i32, i32
  }
}

module attributes {stable_mosaic.version = 14 : i64} {
  func.func @_conf_body(%arg0: i32, %arg1: memref<512x1024xf32, #tpu.memory_space<vmem>>, %arg2: memref<1024x512xf32, #tpu.memory_space<vmem>>, %arg3: memref<1x512xf32, #tpu.memory_space<vmem>>, %arg4: memref<512x1xf32, #tpu.memory_space<vmem>>, %arg5: memref<1x1xf32, #tpu.memory_space<vmem>>, %arg6: memref<512x1xf32, #tpu.memory_space<vmem>>) attributes {dimension_semantics = [#tpu.dimension_semantics<parallel>], iteration_bounds = array<i64: 8>, scalar_prefetch = 0 : i64, scratch_operands = 0 : i64, tpu.core_type = #tpu.core_type<tc>, window_params = [{transform_indices = @transform_0, window_bounds = array<i64: 512, 1024>}, {pipeline_mode = #tpu.pipeline_mode<synchronous>, transform_indices = @transform_1, window_bounds = array<i64: 1024, 512>}, {pipeline_mode = #tpu.pipeline_mode<synchronous>, transform_indices = @transform_2, window_bounds = array<i64: 1, 512>}, {pipeline_mode = #tpu.pipeline_mode<synchronous>, transform_indices = @transform_3, window_bounds = array<i64: 512, 1>}, {pipeline_mode = #tpu.pipeline_mode<synchronous>, transform_indices = @transform_4, window_bounds = array<i64: 1, 1>}, {transform_indices = @transform_5, window_bounds = array<i64: 512, 1>}]} {
    %get3A = arith.constant 0 : index
    %get3A_0 = arith.constant 0 : index
    %get3A_1 = vector.load %arg1[%get3A, %get3A_0] : memref<512x1024xf32, #tpu.memory_space<vmem>>, vector<512x1024xf32>
    %get3A_2 = arith.constant 0 : index
    %get3A_3 = arith.constant 0 : index
    %get3A_4 = vector.load %arg2[%get3A_2, %get3A_3] : memref<1024x512xf32, #tpu.memory_space<vmem>>, vector<1024x512xf32>
    %dot_general3A = arith.constant dense<0.000000e+00> : vector<512x512xf32>
    %dot_general3A_5 = tpu.matmul %get3A_1, %get3A_4, %dot_general3A {dimension_numbers = #tpu.dot_dimension_numbers<[1], [0], [0], [1], [0, 0, 1, 1], [], []>, transpose_lhs_hint = false} : vector<512x1024xf32>, vector<1024x512xf32>, vector<512x512xf32> -> vector<512x512xf32>
    %get3A_6 = arith.constant 0 : index
    %get3A_7 = arith.constant 0 : index
    %get3A_8 = vector.load %arg3[%get3A_6, %get3A_7] : memref<1x512xf32, #tpu.memory_space<vmem>>, vector<1x512xf32>
    %add3A = vector.broadcast %get3A_8 : vector<1x512xf32> to vector<512x512xf32>
    %add3A_9 = arith.addf %dot_general3A_5, %add3A : vector<512x512xf32>
    %max3A = arith.constant 0.000000e+00 : f32
    %max3A_10 = vector.broadcast %max3A : f32 to vector<512x512xf32>
    %max3A_11 = arith.maximumf %add3A_9, %max3A_10 : vector<512x512xf32>
    %get3A_12 = arith.constant 0 : index
    %get3A_13 = arith.constant 0 : index
    %get3A_14 = vector.load %arg4[%get3A_12, %get3A_13] : memref<512x1xf32, #tpu.memory_space<vmem>>, vector<512x1xf32>
    %dot_general3A_15 = arith.constant dense<0.000000e+00> : vector<512x1xf32>
    %dot_general3A_16 = tpu.matmul %max3A_11, %get3A_14, %dot_general3A_15 {dimension_numbers = #tpu.dot_dimension_numbers<[1], [0], [0], [1], [0, 0, 1, 1], [], []>, transpose_lhs_hint = false} : vector<512x512xf32>, vector<512x1xf32>, vector<512x1xf32> -> vector<512x1xf32>
    %get3A_17 = arith.constant 0 : index
    %get3A_18 = arith.constant 0 : index
    %get3A_19 = vector.load %arg5[%get3A_17, %get3A_18] : memref<1x1xf32, #tpu.memory_space<vmem>>, vector<1x1xf32>
    %add3A_20 = vector.broadcast %get3A_19 : vector<1x1xf32> to vector<512x1xf32>
    %add3A_21 = arith.addf %dot_general3A_16, %add3A_20 : vector<512x1xf32>
    %neg3A = arith.constant 0.000000e+00 : f32
    %neg3A_22 = vector.broadcast %neg3A : f32 to vector<512x1xf32>
    %neg3A_23 = arith.subf %neg3A_22, %add3A_21 : vector<512x1xf32>
    %exp3A = math.exp %neg3A_23 : vector<512x1xf32>
    %add3A_24 = arith.constant 1.000000e+00 : f32
    %add3A_25 = vector.broadcast %add3A_24 : f32 to vector<512x1xf32>
    %add3A_26 = arith.addf %add3A_25, %exp3A : vector<512x1xf32>
    %div3A = arith.constant 1.000000e+00 : f32
    %div3A_27 = vector.broadcast %div3A : f32 to vector<512x1xf32>
    %div3A_28 = arith.divf %div3A_27, %add3A_26 : vector<512x1xf32>
    %swap3A = arith.constant 0 : index
    %swap3A_29 = arith.constant 0 : index
    %swap3A_30 = vector.load %arg6[%swap3A, %swap3A_29] : memref<512x1xf32, #tpu.memory_space<vmem>>, vector<512x1xf32>
    tpu.vector_store %arg6[%swap3A, %swap3A_29], %div3A_28 {strides = array<i32>} : memref<512x1xf32, #tpu.memory_space<vmem>>, vector<512x1xf32>,
    return
  }
  func.func @transform_0(%arg0: i32) -> (i32, i32) {
    %c0_i32 = arith.constant 0 : i32
    %c0_i32_0 = arith.constant 0 : i32
    return %arg0, %c0_i32 : i32, i32
  }
  func.func @transform_1(%arg0: i32) -> (i32, i32) {
    %c0_i32 = arith.constant 0 : i32
    %c0_i32_0 = arith.constant 0 : i32
    %c0_i32_1 = arith.constant 0 : i32
    return %c0_i32, %c0_i32_0 : i32, i32
  }
  func.func @transform_2(%arg0: i32) -> (i32, i32) {
    %c0_i32 = arith.constant 0 : i32
    %c0_i32_0 = arith.constant 0 : i32
    %c0_i32_1 = arith.constant 0 : i32
    return %c0_i32, %c0_i32_0 : i32, i32
  }
  func.func @transform_3(%arg0: i32) -> (i32, i32) {
    %c0_i32 = arith.constant 0 : i32
    %c0_i32_0 = arith.constant 0 : i32
    %c0_i32_1 = arith.constant 0 : i32
    return %c0_i32, %c0_i32_0 : i32, i32
  }
  func.func @transform_4(%arg0: i32) -> (i32, i32) {
    %c0_i32 = arith.constant 0 : i32
    %c0_i32_0 = arith.constant 0 : i32
    %c0_i32_1 = arith.constant 0 : i32
    return %c0_i32, %c0_i32_0 : i32, i32
  }
  func.func @transform_5(%arg0: i32) -> (i32, i32) {
    %c0_i32 = arith.constant 0 : i32
    %c0_i32_0 = arith.constant 0 : i32
    return %arg0, %c0_i32 : i32, i32
  }
}

</mosaic_0001>

<sc_bundles>
// kernel: kernel.10.cloned.1.call-start
scs
__scs_entry_jumppad:
0x0: {  	(pc) =	sbr.rel $0x88, $3  }
0x1: {  	(tag) =	ssettag $0x0;
	lr =	simm.s32 $0x1  }
0x2: {  	[smem:$0x3F96] =	sst lr;
	_ =	strace $0xD0000000  }
0x3: {  	_ = 	snop  }
0x4: {  	_ = 	snop  }
0x5: {  	_ = 	snop  }
0x6: {  	_ = 	snop  }
0x7: {  	_ = 	snop  }
__scs_overlays_trampoline_lowered:
0x8: {  	[smem:$0x3FA5] =	sst s0  }
0x9: {  	[smem:$0x3FA6] =	sst s1  }
0xa: {  	[smem:$0x3FA7] =	sst s2  }
0xb: {  	[smem:$0x3FA8] =	sst s3  }
0xc: {  	[smem:$0x3FA9] =	sst s4  }
0xd: {  	[smem:$0x3FAA] =	sst s5  }
0xe: {  	[smem:$0x3FAB] =	sst s6  }
0xf: {  	[smem:$0x3FAC] =	sst s7  }
0x10: {  	[smem:$0x3FAD] =	sst s8  }
0x11: {  	[smem:$0x3FAE] =	sst s9;
	s0 =	simm.s32 @!p0 $0x0  }
0x12: {  	s1 =	sld [smem:$0x3F94];
	s0 =	simm.s32 @p0 $0x1  }
0x13: {  	[smem:$0x3FAF] =	sst s0;
	s0 =	simm.s32 @!p1 $0x0  }
0x14: {  	s2 =	sld [smem:$0x3F93];
	s0 =	simm.s32 @p1 $0x1  }
0x15: {  	[smem:$0x3FB0] =	sst s0;
	s0 =	simm.s32 @!p2 $0x0  }
0x16: {  	s3 =	sld [smem:$0x3FDB];
	s0 =	simm.s32 @p2 $0x1  }
0x17: {  	s4 =	simm.s32 $0x1BF5;
	[smem:$0x3FB2] =	sst s0  }
0x18: {  	s0 =	sld [smem:$0x3F95];
	_ =	swait.ge [sflag:s4], $0x0  }
0x19: {  	s7 =	sld [smem:$0x3F96]  }
0x1a: {  	s8 =	sadd.s32 $0xFFFFE003, lr  }
0x1b: {  	s9 =	sadd.s32 $0xFFFFFEF7, lr;
	s5 =	simm.s32 $0xFFFFFFFF;
	p2 =	slt.u32 s8, $0xFFFFF086  }
0x1c: {  	p1 =	slt.u32 s9, $0xF7A;
	s5 =	simm.s32 @!p2 $0x0  }
0x1d: {  	s5 =	simm.s32 @p1 $0x1;
	p0 =	seq.s32 s7, s2  }
0x1e: {  	s7 =	smul.u32 @!p0 $0xF7A, s2;
	p2 =	seq.s32 @!p0 s5, $0x0  }
0x1f: {  	s9 =	smul.u32 $0xF7A, s1;
	s8 =	simm.s32 @!p0 $0x1BF5;
	p2 =	por !p2, p0  }
0x20: {  	[sflag:s8] =	ssyncset.s32 @!p0 $0xFFFFF086;
	s6 =	sadd.s32 @!p0 s3, s7;
	s7 =	simm.s32 @!p0 $0x108  }
0x21: {  	s3 =	sadd.s32 s3, s9;
	s6 =	sadd.s32 @!p0 $0x88, s6;
	s7 =	simm.s32 @p2 $0x1082  }
0x22: {  	[simem:s7], [sflag:s8] =	dma.local @!p0 [hbm:s6], $0xF7A  }
0x23: {  	s9 =	sor.u32 $0xD0000000, s2;
	s6 =	simm.s32 $0x108;
	_ =	swait.ge @!p0 [sflag:s8], $0x0  }
0x24: {  	s3 =	sadd.s32 $0x88, s3;
	s6 =	simm.s32 @!p1 $0x1082;
	[sflag:s4] =	ssyncset.s32 $0xFFFFF086  }
0x25: {  	[simem:s6], [sflag:s4] =	dma.local [hbm:s3], $0xF7A  }
0x26: {  	[smem:$0x3F96] =	sst s1;
	(tag) =	ssettag s2;
	_ =	strace s9  }
0x27: {  	s1 =	sld [smem:$0x3FA6]  }
0x28: {  	s2 =	sld [smem:$0x3FA7]  }
0x29: {  	s4 =	sld [smem:$0x3FA9]  }
0x2a: {  	p0 =	seq.s32 s5, $0x0;
	s5 =	sld [smem:$0x3FAA]  }
0x2b: {  	s6 =	sld [smem:$0x3FAB]  }
0x2c: {  	s7 =	sld [smem:$0x3FAC]  }
0x2d: {  	s3 =	simm.s32 $0x108;
	s8 =	sld [smem:$0x3FAD]  }
0x2e: {  	s3 =	simm.s32 @!p0 $0x1082;
	s9 =	sld [smem:$0x3FAE]  }
0x2f: {  	lr =	sadd.s32 s0, s3;
	s0 =	sld [smem:$0x3FA5]  }
0x30: {  	s3 =	sld [smem:$0x3FA8]  }
0x31: {  	[smem:$0x3FB1] =	sst s10  }
0x32: {  	s10 =	sld [smem:$0x3FAF];
	_ =	sdelay $0x3  }
0x33: {  	p0 =	seq.s32 s10, $0x1;
	s10 =	sld [smem:$0x3FB1];
	_ =	sdelay $0x3  }
0x34: {  	[smem:$0x3FB1] =	sst s10  }
0x35: {  	s10 =	sld [smem:$0x3FB0];
	_ =	sdelay $0x3  }
0x36: {  	p1 =	seq.s32 s10, $0x1;
	s10 =	sld [smem:$0x3FB1];
	_ =	sdelay $0x3  }
0x37: {  	[smem:$0x3FB1] =	sst s10  }
0x38: {  	s10 =	sld [smem:$0x3FB2]  }
0x39: {  	_ = 	snop;
	(pc) =	sbr.ind lr, $3  }
0x3a: {  	_ = 	snop  }
0x3b: {  	_ = 	snop  }
0x3c: {  	p2 =	seq.s32 s10, $0x1;
	s10 =	sld [smem:$0x3FB1]  }
0x3d: {  	_ =	shalt  }
0x3e: {  	_ =	shalt  }
0x3f: {  	_ =	shalt  }
0x40: {  	_ =	shalt  }
0x41: {  	_ =	shalt  }
0x42: {  	_ =	shalt  }
0x43: {  	_ =	shalt  }
0x44: {  	_ =	shalt  }
0x45: {  	_ =	shalt  }
0x46: {  	_ =	shalt  }
0x47: {  	_ =	shalt  }
0x48: {  	_ =	shalt  }
0x49: {  	_ =	shalt  }
0x4a: {  	_ =	shalt  }
0x4b: {  	_ =	shalt  }
0x4c: {  	_ =	shalt  }
0x4d: {  	_ =	shalt  }
0x4e: {  	_ =	shalt  }
0x4f: {  	_ =	shalt  }
0x50: {  	_ =	shalt  }
0x51: {  	_ =	shalt  }
0x52: {  	_ =	shalt  }
0x53: {  	_ =	shalt  }
0x54: {  	_ =	shalt  }
0x55: {  	_ =	shalt  }
0x56: {  	_ =	shalt  }
0x57: {  	_ =	shalt  }
0x58: {  	_ =	shalt  }
0x59: {  	_ =	shalt  }
0x5a: {  	_ =	shalt  }
0x5b: {  	_ =	shalt  }
0x5c: {  	_ =	shalt  }
0x5d: {  	_ =	shalt  }
0x5e: {  	_ =	shalt  }
0x5f: {  	_ =	shalt  }
0x60: {  	_ =	shalt  }
0x61: {  	_ =	shalt  }
0x62: {  	_ =	shalt  }
0x63: {  	_ =	shalt  }
0x64: {  	_ =	shalt  }
0x65: {  	_ =	shalt  }
0x66: {  	_ =	shalt  }
0x67: {  	_ =	shalt  }
0x68: {  	_ =	shalt  }
0x69: {  	_ =	shalt  }
0x6a: {  	_ =	shalt  }
0x6b: {  	_ =	shalt  }
0x6c: {  	_ =	shalt  }
0x6d: {  	_ =	shalt  }
0x6e: {  	_ =	shalt  }
0x6f: {  	_ =	shalt  }
0x70: {  	_ =	shalt  }
0x71: {  	_ =	shalt  }
0x72: {  	_ =	shalt  }
0x73: {  	_ =	shalt  }
0x74: {  	_ =	shalt  }
0x75: {  	_ =	shalt  }
0x76: {  	_ =	shalt  }
0x77: {  	_ =	shalt  }
0x78: {  	_ =	shalt  }
0x79: {  	_ =	shalt  }
0x7a: {  	_ =	shalt  }
0x7b: {  	_ =	shalt  }
0x7c: {  	_ =	shalt  }
0x7d: {  	_ =	shalt  }
0x7e: {  	_ =	shalt  }
0x7f: {  	_ =	shalt  }
0x80: {  	_ =	shalt  }
0x81: {  	_ =	shalt  }
0x82: {  	_ =	shalt  }
0x83: {  	_ =	shalt  }
0x84: {  	_ =	shalt  }
0x85: {  	_ =	shalt  }
0x86: {  	_ =	shalt  }
0x87: {  	_ =	shalt  }
.Lfunc_end0:
.L_simem_size_0:
called_computation.1_lowered:
.L_overlay_start_0:
0x88: {  	s2 =	sld [smem:$0x3FD9]  }
0x89: {  	s3 =	sld [smem:$0x3FFE];
	_ =	sdelay $0x1  }
0x8a: {  	s1 =	srdreg.scid  }
0x8b: {  	s0 =	sand.u32 $0x1, s1  }
0x8c: {  	s15 =	sshll.u32 s0, $0xA;
	s2 =	sadd.s32 s3, s2  }
0x8d: {  	s2 =	sadd.s32 s2, s15  }
0x8e: {  	[smem:$0x3FBD] =	sst s2  }
0x8f: {  	_ = 	snop  }
0x90: {  	s16 =	sld [smem:$0x3FD0];
	_ =	sdelay $0x2  }
0x91: {  	s4 =	simm.s32 $0xB;
	s5 =	simm.s32 $0x10;
	s2 =	sld [smem:$0x3FC5]  }
0x92: {  	[smem:s5], [sflag:s4] =	dma.local [hbm:s16], $0x1  }
0x93: {  	_ =	swait.eq [sflag:s4], $0x1  }
0x94: {  	[sflag:s4] =	ssyncset.done $0x0  }
0x95: {  	[sflag:s4] =	ssyncadd.s32 $0xFFFFFFFF  }
0x96: {  	s17 =	sld [smem:$0x10];
	(tm) =	ssettm $0x1  }
0x97: {  	s18 =	sld [smem:$0x3FFB];
	_ =	sdelay $0x3  }
0x98: {  	_ =	strace s18  }
0x99: {  	s3 =	sld [smem:$0x3FFC];
	_ =	sdelay $0x3  }
0x9a: {  	_ =	strace s3  }
0x9b: {  	s3 =	sld [smem:$0x3FFD];
	_ =	sdelay $0x3  }
0x9c: {  	_ =	strace s3  }
0x9d: {  	_ =	strace $0x8FFFFFFF  }
0x9e: {  	s19 =	sld [smem:$0x3FDB];
	_ =	sdelay $0x1  }
0x9f: {  	s20 =	simm.s32 $_scs_section_size  }
0xa0: {  	s6 =	simm.s32 $_size__tile_overlayer_lowered;
	s7 =	simm.s32 $_tile_overlayer_lowered  }
0xa1: {  	s8 =	simm.s32 $0x1BFF;
	s21 =	sshll.u32 s7, $0x1;
	s5 =	sadd.s32 s20, s19  }
0xa2: {  	s22 =	simm.s32 $0x0;
	s6 =	sshll.u32 s6, $0x1;
	s7 =	sadd.s32 s21, s5  }
0xa3: {  	[timem:s22], [sflag:s8] =	dma.local [hbm:s7], s6  }
0xa4: {  	_ =	swait.ge [sflag:s8], s6  }
0xa5: {  	s6 =	ssub.s32 $0x0, s6;
	[sflag:s8] =	ssyncset.done $0x0  }
0xa6: {  	[sflag:s8] =	ssyncadd.s32 s6;
	_ =	sdelay $0x1  }
0xa7: {  	s23 =	simm.s32 $0x1B8B  }
0xa8: {  	_ =	swait.ge [sflag:s23], $0x1  }
0xa9: {  	[sflag:s23] =	ssyncset.done $0x0  }
0xaa: {  	[sflag:s23] =	ssyncadd.s32 $0xFFFFFFFF  }
0xab: {  	s6 =	sld [smem:$0x0]  }
0xac: {  	s7 =	sand.u32 $0xFFFFFFFE, s1  }
0xad: {  	p0 =	sne.s32 s1, s7  }
0xae: {  	s7 =	sshll.u32 @p0 s7, $0xE  }
0xaf: {  	s7 =	sadd.s32 @p0 $0x11B8D, s7;
	s8 =	sshll.u32 @p0 s6, $0x11  }
0xb0: {  	s7 =	sor.u32 @p0 s8, s7  }
0xb1: {  	[sflag:s7] =	ssyncadd.remote.s32 @p0 $0x1;
	_ =	sdelay $0x1  }
0xb2: {  	s7 =	simm.s32 @p0 $0x1B8D  }
0xb3: {  	_ =	swait.eq @p0 [sflag:s7], $0x1  }
0xb4: {  	[sflag:s7] =	ssyncadd.s32 @p0 $0xFFFFFFFF  }
0xb5: {  	s8 =	sshll.u32 @!p0 s1, $0xE  }
0xb6: {  	s8 =	sor.u32 @!p0 $0x4000, s8;
	s7 =	simm.s32 @!p0 $0x1B8D  }
0xb7: {  	s6 =	sshll.u32 @!p0 s6, $0x11;
	s8 =	sadd.s32 @!p0 $0x11B8D, s8;
	_ =	swait.eq @!p0 [sflag:s7], $0x1  }
0xb8: {  	s6 =	sor.u32 @!p0 s6, s8;
	[sflag:s7] =	ssyncadd.s32 @!p0 $0xFFFFFFFF  }
0xb9: {  	s25 =	simm.s32 $0x1B8E;
	s24 =	sld [smem:$0x3FFE];
	[sflag:s6] =	ssyncadd.remote.s32 @!p0 $0x1  }
0xba: {  	s26 =	simm.s32 $execute0_lowered;
	[smem:$0x3FD2] =	sst s25  }
0xbb: {  	s7 =	sshll.u32 s26, $0x1;
	_ =	strace $0x80000049;
	[dreg:$0x1] =	wrdreg $0xFFFFFFFF  }
0xbc: {  	s28 =	simm.s32 $_size_execute0_lowered;
	s5 =	sadd.s32 s5, s7;
	[dreg:$0x0] =	wrdreg $0x0  }
0xbd: {  	s7 =	sshll.u32 s28, $0x1;
	[dreg:$0x2] =	wrdreg s5  }
0xbe: {  	[dreg:$0x3] =	wrdreg s7  }
0xbf: {  	[dreg:$0x4] =	wrdreg $0xC0  }
0xc0: {  	_ =	task [dreg:s22], $0x5FFFF  }
0xc1: {  	[dreg:$0x1] =	wrdreg $0xFFFFFFFF  }
0xc2: {  	[dreg:$0x0] =	wrdreg $0x60  }
0xc3: {  	[dreg:$0x2] =	wrdreg s2  }
0xc4: {  	[dreg:$0x3] =	wrdreg s24  }
0xc5: {  	[dreg:$0x4] =	wrdreg s17  }
0xc6: {  	[dreg:$0x5] =	wrdreg $0xA  }
0xc7: {  	_ =	task.clear_ibuf [dreg:s22], $0x6FFFF;
	_ =	strace $0x90000049  }
0xc8: {  	s29 =	simm.s32 $0xA;
	_ =	strace $0x8000004B  }
0xc9: {  	_ =	swait.ge [sflag:s29], $0x1  }
0xca: {  	[sflag:s29] =	ssyncadd.s32 $0xFFFFFFFF  }
0xcb: {  	_ =	strace $0x9000004B  }
0xcc: {  	_ =	sfence  }
0xcd: {  	s30 =	sld [smem:$0x0];
	_ =	sdelay $0x2  }
0xce: {  	s31 =	sshll.u32 s1, $0xD;
	s1 =	sshrl.u32 s1, $0x2  }
0xcf: {  	s4 =	sand.u32 $0x4000, s31;
	s1 =	sadd.s32 s1, s30  }
0xd0: {  	s0 =	sor.u32 s4, s0;
	s1 =	sshll.u32 s1, $0x11  }
0xd1: {  	s0 =	sor.u32 s1, s0  }
0xd2: {  	s0 =	sadd.s32 $0x8F2B, s0  }
0xd3: {  	[sflag:s0] =	ssyncadd.remote.s32 $0x1  }
0xd4: {  	_ =	sfence.sel $0xFFFF  }
0xd5: {  	[dreg:$0x0] =	wrdreg $0xFFFFFFFF;
	(pc) =	sbr.abs _section_cstart, $3  }
0xd6: {  	[dreg:$0x1] =	wrdreg $0xFFFFFFFF  }
0xd7: {  	_ =	task.clear_ibuf [dreg:s22], $0x2FFFF;
	_ =	strace $0x9FFFFFFF  }
0xd8: {  	(tm) =	ssettm $0x7FFFFFFF  }
0xd9: {  	_ =	shalt  }
tec
execute0_lowered:
.L_overlay_start_1:
0x0: {  	(tag) =	ssettag $0x1  }
0x1: {  	s1 =	rddreg [dreg:$0x0]  }
0x2: {  	s0 =	rddreg [dreg:$0x1]  }
0x3: {  	s2 =	srdreg.scid;
	s4 =	stileid.u32  }
0x4: {  	s3 =	rddreg [dreg:$0x2];
	s13 =	simm.s32 $0x800;
	s31 =	simm.s32 $0x1  }
0x5: {  	s14 =	simm.s32 $0x2;
	s15 =	simm.s32 $0x12080;
	s16 =	simm.s32 $0x12180  }
0x6: {  	s17 =	simm.s32 $0x12280;
	s18 =	simm.s32 $0x12380;
	s19 =	simm.s32 $0x12480  }
0x7: {  	s20 =	simm.s32 $0x12580;
	s21 =	simm.s32 $0x12680;
	s22 =	simm.s32 $0x12780  }
0x8: {  	s11 =	simm.s32 $0x0;
	s2 =	sand.u32 $0x1, s2;
	s5 =	sshll.u32 s4, $0x1  }
0x9: {  	s4 =	simm.s32 $0x0;
	s7 =	sadd.s32 $0x100, s1;
	s5 =	sor.u32 s2, s5  }
0xa: {  	s8 =	sadd.s32 $0x200, s1;
	s9 =	sadd.s32 $0x300, s1;
	s6 =	sshll.u32 s5, $0x8  }
0xb: {  	[smem:$0x7FF] =	sst s4;
	s2 =	ssub.s32 $0x2, s2;
	s0 =	sadd.s32 s6, s0  }
0xc: {  	_ =	strace $0x8000004A;
	s28 =	sshrl.u32 s2, $0x1;
	s29 =	sadd.s32 $0x1E00, s0  }
0xd: {  	v2 =	vlaneseq.u32;
	s2 =	ssub.s32 s2, s28;
	s0 =	sadd.s32 $0x3E00, s0;
	[dreg:$0x4] =	wrdreg s29  }
0xe: {  	vm0 =	vmmov $0xffff;
	v1 =	vshrl.u32 v2, $0x3;
	s10 =	sshll.u32 s5, $0xD;
	s30 =	smax.u32 s2, $0x1;
	[dreg:$0x5] =	wrdreg s0  }
0xf: {  	v0 =	vand.u32 $0x7, v2;
	v2 =	vor.u32 $0x8, v2;
	v1 =	vmul.u32 $0x8, v1;
	s2 =	simm.s32 $0x12600;
	[dreg:$0x6] =	wrdreg s30;
	s0 =	simm.s32 $0x12700  }
.LBB2_1:
0x10: {  	[dreg:$0x7] =	wrdreg s11  }
0x11: {  	s5 =	rddreg [dreg:$0x4];
	s6 =	simm.s32 $0x5  }
0x12: {  	[tilespmem:s4], [sflag:$0x5] =	stream.linear.gather [hbm4b:s5+s4], $0x800, $0x38;
	[tilespmem:$0x12800] =	vst v63  }
0x13: {  	_ =	swait.ge [sflag:s6], $0x800  }
0x14: {  	[sflag:s6] =	ssyncset.done $0x0  }
0x15: {  	s23 =	rddreg [dreg:$0x5];
	[sflag:s6] =	ssyncadd.s32 $0xFFFFF800  }
0x16: {  	[tilespmem:s13], [sflag:$0x5] =	stream.linear.gather [hbm4b:s23+s4], $0x800, $0x38;
	[tilespmem:$0x12800] =	vst v63  }
0x17: {  	_ =	swait.ge [sflag:s6], $0x800  }
0x18: {  	[sflag:s6] =	ssyncset.done $0x0  }
0x19: {  	[sflag:s6] =	ssyncadd.s32 $0xFFFFF800  }
0x1a: {  	v3 =	vld [tilespmem:$0x0];
	_ =	sdelay $0x4  }
0x1b: {  	v4 =	vshll.u32 v3, $0x3  }
0x1c: {  	v3 =	vand.u32 $0x7, v3;
	v4 =	vand.u32 $0xFFFFFFC0, v4  }
0x1d: {  	v3 =	vor.u32 v3, v4  }
0x1e: {  	v4 =	vperm.xlane v3, v0;
	_ =	sdelay $0x1  }
0x1f: {  	v4 =	vadd.s32 v1, v4;
	_ =	sdelay $0x3  }
0x20: {  	s24 =	simm.s32 $0x2000  }
0x21: {  	[tilespmem:s24], [sflag:$0x1] =	stream.indirect_vreg.gather [hbm4b:s1+s4], $0x80, v4, vm0, $0xb8;
	[tilespmem:$0x12800] =	vst v63  }
0x22: {  	s25 =	simm.s32 $0x2800;
	v3 =	vperm.xlane v3, v2  }
0x23: {  	[tilespmem:s25], [sflag:$0x1] =	stream.indirect_vreg.gather [hbm4b:s7+s4], $0x80, v4, vm0, $0xb8;
	[tilespmem:$0x12800] =	vst v63  }
0x24: {  	s26 =	simm.s32 $0x3000;
	v3 =	vadd.s32 v1, v3  }
0x25: {  	[tilespmem:s26], [sflag:$0x1] =	stream.indirect_vreg.gather [hbm4b:s8+s4], $0x80, v4, vm0, $0xb8;
	[tilespmem:$0x12800] =	vst v63  }
0x26: {  	s28 =	simm.s32 $0x3800  }
0x27: {  	[tilespmem:s28], [sflag:$0x1] =	stream.indirect_vreg.gather [hbm4b:s9+s4], $0x80, v4, vm0, $0xb8;
	[tilespmem:$0x12800] =	vst v63  }
0x28: {  	s29 =	simm.s32 $0x4000  }
0x29: {  	[tilespmem:s29], [sflag:$0x1] =	stream.indirect_vreg.gather [hbm4b:s1+s4], $0x80, v3, vm0, $0xb8;
	[tilespmem:$0x12800] =	vst v63  }
0x2a: {  	s30 =	simm.s32 $0x4800  }
0x2b: {  	[tilespmem:s30], [sflag:$0x1] =	stream.indirect_vreg.gather [hbm4b:s7+s4], $0x80, v3, vm0, $0xb8;
	[tilespmem:$0x12800] =	vst v63  }
0x2c: {  	s6 =	simm.s32 $0x5000  }
0x2d: {  	[tilespmem:s6], [sflag:$0x1] =	stream.indirect_vreg.gather [hbm4b:s8+s4], $0x80, v3, vm0, $0xb8;
	[tilespmem:$0x12800] =	vst v63  }
0x2e: {  	s11 =	simm.s32 $0x5800  }
0x2f: {  	[tilespmem:s11], [sflag:$0x1] =	stream.indirect_vreg.gather [hbm4b:s9+s4], $0x80, v3, vm0, $0xb8;
	[tilespmem:$0x12800] =	vst v63  }
0x30: {  	v3 =	vld [tilespmem:$0x10];
	_ =	sdelay $0x4  }
0x31: {  	v63 =	vshll.u32 v3, $0x3  }
0x32: {  	v3 =	vand.u32 $0x7, v3;
	v4 =	vand.u32 $0xFFFFFFC0, v63  }
0x33: {  	v3 =	vor.u32 v3, v4  }
0x34: {  	v4 =	vperm.xlane v3, v0;
	_ =	sdelay $0x1  }
0x35: {  	v4 =	vadd.s32 v1, v4;
	_ =	sdelay $0x3  }
0x36: {  	s12 =	simm.s32 $0x6000  }
0x37: {  	[tilespmem:s12], [sflag:$0x1] =	stream.indirect_vreg.gather [hbm4b:s1+s4], $0x80, v4, vm0, $0xb8;
	[tilespmem:$0x12800] =	vst v63  }
0x38: {  	s23 =	simm.s32 $0x6800;
	v3 =	vperm.xlane v3, v2  }
0x39: {  	[tilespmem:s23], [sflag:$0x1] =	stream.indirect_vreg.gather [hbm4b:s7+s4], $0x80, v4, vm0, $0xb8;
	[tilespmem:$0x12800] =	vst v63  }
0x3a: {  	s24 =	simm.s32 $0x7000;
	v3 =	vadd.s32 v1, v3  }
0x3b: {  	[tilespmem:s24], [sflag:$0x1] =	stream.indirect_vreg.gather [hbm4b:s8+s4], $0x80, v4, vm0, $0xb8;
	[tilespmem:$0x12800] =	vst v63  }
0x3c: {  	s25 =	simm.s32 $0x7800  }
0x3d: {  	[tilespmem:s25], [sflag:$0x1] =	stream.indirect_vreg.gather [hbm4b:s9+s4], $0x80, v4, vm0, $0xb8;
	[tilespmem:$0x12800] =	vst v63  }
0x3e: {  	s26 =	simm.s32 $0x8000  }
0x3f: {  	[tilespmem:s26], [sflag:$0x1] =	stream.indirect_vreg.gather [hbm4b:s1+s4], $0x80, v3, vm0, $0xb8;
	[tilespmem:$0x12800] =	vst v63  }
0x40: {  	s28 =	simm.s32 $0x8800  }
0x41: {  	[tilespmem:s28], [sflag:$0x1] =	stream.indirect_vreg.gather [hbm4b:s7+s4], $0x80, v3, vm0, $0xb8;
	[tilespmem:$0x12800] =	vst v63  }
0x42: {  	s29 =	simm.s32 $0x9000;
	s30 =	simm.s32 $0x9800  }
0x43: {  	[tilespmem:s29], [sflag:$0x1] =	stream.indirect_vreg.gather [hbm4b:s8+s4], $0x80, v3, vm0, $0xb8;
	[tilespmem:$0x12800] =	vst v63  }
0x44: {  	s23 =	simm.s32 $0x20;
	s24 =	simm.s32 $0x0;
	s25 =	simm.s32 $0x0  }
0x45: {  	[tilespmem:s30], [sflag:$0x1] =	stream.indirect_vreg.gather [hbm4b:s9+s4], $0x80, v3, vm0, $0xb8;
	[tilespmem:$0x12800] =	vst v63  }
.LBB2_2:
0x46: {  	_ =	swait.ge [sflag:s31], $0x8000  }
0x47: {  	s26 =	sshllo.u32 s25, $0x1;
	[sflag:s31] =	ssyncset.done $0x0  }
0x48: {  	s6 =	sshll.u32 s26, $0x5;
	[sflag:s31] =	ssyncadd.s32 $0xFFFF8000  }
0x49: {  	v3 =	vld [tilespmem:s6+$0x0];
	_ =	sdelay $0x4  }
0x4a: {  	v4 =	vshll.u32 v3, $0x3  }
0x4b: {  	v3 =	vand.u32 $0x7, v3;
	v4 =	vand.u32 $0xFFFFFFC0, v4  }
0x4c: {  	v3 =	vor.u32 v3, v4  }
0x4d: {  	v4 =	vperm.xlane v3, v0;
	_ =	sdelay $0x1  }
0x4e: {  	v4 =	vadd.s32 v1, v4;
	_ =	sdelay $0x3  }
0x4f: {  	s5 =	simm.s32 $0x0;
	s11 =	simm.s32 $0xA000  }
0x50: {  	[tilespmem:s11], [sflag:$0x2] =	stream.indirect_vreg.gather [hbm4b:s1+s5], $0x80, v4, vm0, $0xb8;
	[tilespmem:$0x12800] =	vst v63  }
0x51: {  	s30 =	simm.s32 $0xA800;
	v3 =	vperm.xlane v3, v2  }
0x52: {  	[tilespmem:s30], [sflag:$0x2] =	stream.indirect_vreg.gather [hbm4b:s7+s5], $0x80, v4, vm0, $0xb8;
	[tilespmem:$0x12800] =	vst v63  }
0x53: {  	s12 =	simm.s32 $0xB000;
	v3 =	vadd.s32 v1, v3  }
0x54: {  	[tilespmem:s12], [sflag:$0x2] =	stream.indirect_vreg.gather [hbm4b:s8+s5], $0x80, v4, vm0, $0xb8;
	[tilespmem:$0x12800] =	vst v63  }
0x55: {  	s29 =	simm.s32 $0xB800  }
0x56: {  	[tilespmem:s29], [sflag:$0x2] =	stream.indirect_vreg.gather [hbm4b:s9+s5], $0x80, v4, vm0, $0xb8;
	[tilespmem:$0x12800] =	vst v63  }
0x57: {  	s30 =	simm.s32 $0xC000  }
0x58: {  	[tilespmem:s30], [sflag:$0x2] =	stream.indirect_vreg.gather [hbm4b:s1+s5], $0x80, v3, vm0, $0xb8;
	[tilespmem:$0x12800] =	vst v63  }
0x59: {  	s12 =	simm.s32 $0xC800  }
0x5a: {  	[tilespmem:s12], [sflag:$0x2] =	stream.indirect_vreg.gather [hbm4b:s7+s5], $0x80, v3, vm0, $0xb8;
	[tilespmem:$0x12800] =	vst v63  }
0x5b: {  	s29 =	simm.s32 $0xD000  }
0x5c: {  	[tilespmem:s29], [sflag:$0x2] =	stream.indirect_vreg.gather [hbm4b:s8+s5], $0x80, v3, vm0, $0xb8;
	[tilespmem:$0x12800] =	vst v63  }
0x5d: {  	s30 =	simm.s32 $0xD800  }
0x5e: {  	[tilespmem:s30], [sflag:$0x2] =	stream.indirect_vreg.gather [hbm4b:s9+s5], $0x80, v3, vm0, $0xb8;
	[tilespmem:$0x12800] =	vst v63  }
0x5f: {  	v3 =	vld [tilespmem:s6+$0x10];
	_ =	sdelay $0x4  }
0x60: {  	v4 =	vshll.u32 v3, $0x3  }
0x61: {  	v3 =	vand.u32 $0x7, v3;
	v4 =	vand.u32 $0xFFFFFFC0, v4  }
0x62: {  	v3 =	vor.u32 v3, v4  }
0x63: {  	v4 =	vperm.xlane v3, v0;
	_ =	sdelay $0x1  }
0x64: {  	v4 =	vadd.s32 v1, v4;
	_ =	sdelay $0x3  }
0x65: {  	s11 =	simm.s32 $0xE000  }
0x66: {  	[tilespmem:s11], [sflag:$0x2] =	stream.indirect_vreg.gather [hbm4b:s1+s5], $0x80, v4, vm0, $0xb8;
	[tilespmem:$0x12800] =	vst v63  }
0x67: {  	s12 =	simm.s32 $0xE800;
	v3 =	vperm.xlane v3, v2  }
0x68: {  	[tilespmem:s12], [sflag:$0x2] =	stream.indirect_vreg.gather [hbm4b:s7+s5], $0x80, v4, vm0, $0xb8;
	[tilespmem:$0x12800] =	vst v63  }
0x69: {  	s29 =	simm.s32 $0xF000;
	v3 =	vadd.s32 v1, v3  }
0x6a: {  	[tilespmem:s29], [sflag:$0x2] =	stream.indirect_vreg.gather [hbm4b:s8+s5], $0x80, v4, vm0, $0xb8;
	[tilespmem:$0x12800] =	vst v63  }
0x6b: {  	s30 =	simm.s32 $0xF800  }
0x6c: {  	[tilespmem:s30], [sflag:$0x2] =	stream.indirect_vreg.gather [hbm4b:s9+s5], $0x80, v4, vm0, $0xb8;
	[tilespmem:$0x12800] =	vst v63  }
0x6d: {  	s11 =	simm.s32 $0x10000  }
0x6e: {  	[tilespmem:s11], [sflag:$0x2] =	stream.indirect_vreg.gather [hbm4b:s1+s5], $0x80, v3, vm0, $0xb8;
	[tilespmem:$0x12800] =	vst v63  }
0x6f: {  	s12 =	simm.s32 $0x10800  }
0x70: {  	v4 =	vmov s24;
	[tilespmem:s12], [sflag:$0x2] =	stream.indirect_vreg.gather [hbm4b:s7+s5], $0x80, v3, vm0, $0xb8;
	[tilespmem:$0x12800] =	vst v63  }
0x71: {  	s29 =	simm.s32 $0x11000  }
0x72: {  	[tilespmem:s29], [sflag:$0x2] =	stream.indirect_vreg.gather [hbm4b:s8+s5], $0x80, v3, vm0, $0xb8;
	[tilespmem:$0x12800] =	vst v63  }
0x73: {  	s30 =	simm.s32 $0x11800  }
0x74: {  	[tilespmem:s30], [sflag:$0x2] =	stream.indirect_vreg.gather [hbm4b:s9+s5], $0x80, v3, vm0, $0xb8;
	[tilespmem:$0x12800] =	vst v63  }
0x75: {  	s11 =	sadd.s32 $0x1, s24;
	v3 =	vld.idx.msk [tilespmem:v4+s13+$0x0], $0xffff  }
0x76: {  	s28 =	simm.s32 $0x400;
	s6 =	simm.s32 $0x200;
	v4 =	vmov s11  }
.LBB2_3:
0x77: {  	p0 =	sne.s32 s28, $0x3E00;
	_ =	sdelay $0x1  }
.Ltmp0:
0x78: {  	s29 =	sshra.s32 s5, $0x2;
	s5 =	smov.u32 s6;
	(pc) =	sbr.rel @p0 .LBB2_3-.Ltmp0, $4  }
0x79: {  	s6 =	smov.u32 s28;
	[tilespmem:s29+$0x1000] =	vst v3  }
0x7a: {  	v3 =	vld.idx.msk [tilespmem:v4+s13+$0x0], $0xffff  }
0x7b: {  	s11 =	sadd.s32 $0x1, s11  }
0x7c: {  	s28 =	sadd.s32 $0x200, s28;
	v4 =	vmov s11  }
0x7d: {  	_ =	sdelay $0x1  }
0x7e: {  	s5 =	sshra.s32 s5, $0x2  }
0x7f: {  	[tilespmem:s5+$0x1000] =	vst v3  }
0x80: {  	v3 =	vld.idx.msk [tilespmem:v4+s13+$0x0], $0xffff;
	_ =	sdelay $0x3  }
0x81: {  	s12 =	sshra.s32 s6, $0x2  }
0x82: {  	[tilespmem:s12+$0x1000] =	vst v3  }
0x83: {  	v33 =	vld [tilespmem:$0x1000]  }
0x84: {  	v34 =	vld [tilespmem:$0x1080]  }
0x85: {  	v32 =	vld [tilespmem:$0x1100]  }
0x86: {  	v31 =	vld [tilespmem:$0x1180]  }
0x87: {  	v30 =	vld [tilespmem:$0x1200]  }
0x88: {  	v29 =	vld [tilespmem:$0x1280]  }
0x89: {  	v28 =	vld [tilespmem:$0x1300]  }
0x8a: {  	v27 =	vld [tilespmem:$0x1380]  }
0x8b: {  	v26 =	vld [tilespmem:$0x1400]  }
0x8c: {  	v25 =	vld [tilespmem:$0x1480]  }
0x8d: {  	v24 =	vld [tilespmem:$0x1500]  }
0x8e: {  	v23 =	vld [tilespmem:$0x1580]  }
0x8f: {  	v22 =	vld [tilespmem:$0x1600]  }
0x90: {  	v21 =	vld [tilespmem:$0x1680]  }
0x91: {  	v20 =	vld [tilespmem:$0x1700]  }
0x92: {  	v19 =	vld [tilespmem:$0x1780]  }
0x93: {  	v18 =	vld [tilespmem:$0x1800]  }
0x94: {  	v17 =	vld [tilespmem:$0x1880]  }
0x95: {  	v16 =	vld [tilespmem:$0x1900]  }
0x96: {  	v15 =	vld [tilespmem:$0x1980]  }
0x97: {  	v14 =	vld [tilespmem:$0x1A00]  }
0x98: {  	v13 =	vld [tilespmem:$0x1A80]  }
0x99: {  	v12 =	vld [tilespmem:$0x1B00]  }
0x9a: {  	v11 =	vld [tilespmem:$0x1B80]  }
0x9b: {  	v10 =	vld [tilespmem:$0x1C00]  }
0x9c: {  	v9 =	vld [tilespmem:$0x1C80]  }
0x9d: {  	v8 =	vld [tilespmem:$0x1D00]  }
0x9e: {  	v7 =	vld [tilespmem:$0x1D80]  }
0x9f: {  	v6 =	vld [tilespmem:$0x1E00]  }
0xa0: {  	p0 =	seq.s32 s25, $0x0;
	v5 =	vld [tilespmem:$0x1E80]  }
0xa1: {  	s6 =	simm.s32 @!p0 $0x3;
	v3 =	vld [tilespmem:$0x1F00]  }
0xa2: {  	s5 =	simm.s32 $0x0;
	v4 =	vld [tilespmem:$0x1F80];
	_ =	swait.ge @!p0 [sflag:s6], $0x400  }
0xa3: {  	s28 =	sand.u32 $0x70, s5;
	s29 =	sand.u32 $0x1C00, s5;
	[sflag:s6] =	ssyncset.done @!p0 $0x0  }
0xa4: {  	s30 =	sor.u32 s28, s29;
	[sflag:s6] =	ssyncadd.s32 @!p0 $0xFFFFFC00;
	s6 =	simm.s32 $0x80  }
.LBB2_5:
0xa5: {  	p1 =	sne.s32 s6, $0x1F80;
	v35 =	vld [tilespmem:s30+$0x2000]  }
0xa6: {  	v36 =	vld [tilespmem:s30+$0x2080];
	_ =	sdelay $0x1  }
0xa7: {  	v37 =	vld [tilespmem:s30+$0x2100];
	_ =	sdelay $0x1  }
0xa8: {  	v38 =	vld [tilespmem:s30+$0x2180]  }
0xa9: {  	v35 =	vmul.f32 v35, v33;
	v36 =	vmul.f32 v36, v34  }
0xaa: {  	v39 =	vld [tilespmem:s30+$0x2200]  }
0xab: {  	v35 =	vadd.f32 v36, v35;
	v36 =	vmul.f32 v37, v32  }
0xac: {  	v37 =	vld [tilespmem:s30+$0x2280]  }
0xad: {  	v35 =	vadd.f32 v36, v35;
	v36 =	vmul.f32 v38, v31  }
0xae: {  	v38 =	vld [tilespmem:s30+$0x2300]  }
0xaf: {  	v35 =	vadd.f32 v36, v35;
	v36 =	vmul.f32 v39, v30  }
0xb0: {  	v39 =	vld [tilespmem:s30+$0x2380]  }
0xb1: {  	v35 =	vadd.f32 v36, v35;
	v36 =	vmul.f32 v37, v29  }
0xb2: {  	v37 =	vld [tilespmem:s30+$0x4000]  }
0xb3: {  	v35 =	vadd.f32 v36, v35;
	v36 =	vmul.f32 v38, v28  }
0xb4: {  	v38 =	vld [tilespmem:s30+$0x4080]  }
0xb5: {  	v35 =	vadd.f32 v36, v35;
	v36 =	vmul.f32 v39, v27  }
0xb6: {  	v39 =	vld [tilespmem:s30+$0x4100]  }
0xb7: {  	v35 =	vadd.f32 v36, v35;
	v36 =	vmul.f32 v37, v26  }
0xb8: {  	v37 =	vld [tilespmem:s30+$0x4180]  }
0xb9: {  	v35 =	vadd.f32 v36, v35;
	v36 =	vmul.f32 v38, v25  }
0xba: {  	v38 =	vld [tilespmem:s30+$0x4200]  }
0xbb: {  	v35 =	vadd.f32 v36, v35;
	v36 =	vmul.f32 v39, v24  }
0xbc: {  	v39 =	vld [tilespmem:s30+$0x4280]  }
0xbd: {  	v35 =	vadd.f32 v36, v35;
	v36 =	vmul.f32 v37, v23  }
0xbe: {  	v37 =	vld [tilespmem:s30+$0x4300]  }
0xbf: {  	v35 =	vadd.f32 v36, v35;
	v36 =	vmul.f32 v38, v22  }
0xc0: {  	v38 =	vld [tilespmem:s30+$0x4380]  }
0xc1: {  	v35 =	vadd.f32 v36, v35;
	v36 =	vmul.f32 v39, v21  }
0xc2: {  	v39 =	vld [tilespmem:s30+$0x6000]  }
0xc3: {  	v35 =	vadd.f32 v36, v35;
	v36 =	vmul.f32 v37, v20  }
0xc4: {  	v37 =	vld [tilespmem:s30+$0x6080]  }
0xc5: {  	v35 =	vadd.f32 v36, v35;
	v36 =	vmul.f32 v38, v19  }
0xc6: {  	v38 =	vld [tilespmem:s30+$0x6100]  }
0xc7: {  	v35 =	vadd.f32 v36, v35;
	v36 =	vmul.f32 v39, v18  }
0xc8: {  	v39 =	vld [tilespmem:s30+$0x6180]  }
0xc9: {  	v35 =	vadd.f32 v36, v35;
	v36 =	vmul.f32 v37, v17  }
0xca: {  	v37 =	vld [tilespmem:s30+$0x6200]  }
0xcb: {  	v35 =	vadd.f32 v36, v35;
	v36 =	vmul.f32 v38, v16  }
0xcc: {  	v38 =	vld [tilespmem:s30+$0x6280]  }
0xcd: {  	v35 =	vadd.f32 v36, v35;
	v36 =	vmul.f32 v39, v15  }
0xce: {  	v39 =	vld [tilespmem:s30+$0x6300]  }
0xcf: {  	v35 =	vadd.f32 v36, v35;
	v36 =	vmul.f32 v37, v14  }
0xd0: {  	v37 =	vld [tilespmem:s30+$0x6380]  }
0xd1: {  	v35 =	vadd.f32 v36, v35;
	v36 =	vmul.f32 v38, v13  }
0xd2: {  	v38 =	vld [tilespmem:s30+$0x8000]  }
0xd3: {  	v35 =	vadd.f32 v36, v35;
	v36 =	vmul.f32 v39, v12  }
0xd4: {  	v39 =	vld [tilespmem:s30+$0x8080]  }
0xd5: {  	v35 =	vadd.f32 v36, v35;
	v36 =	vmul.f32 v37, v11  }
0xd6: {  	v37 =	vld [tilespmem:s30+$0x8100]  }
0xd7: {  	v35 =	vadd.f32 v36, v35;
	v36 =	vmul.f32 v38, v10  }
0xd8: {  	v38 =	vld [tilespmem:s30+$0x8180]  }
0xd9: {  	v35 =	vadd.f32 v36, v35;
	v36 =	vmul.f32 v39, v9  }
0xda: {  	v39 =	vld [tilespmem:s30+$0x8200]  }
0xdb: {  	v35 =	vadd.f32 v36, v35;
	v36 =	vmul.f32 v37, v8  }
0xdc: {  	v37 =	vld [tilespmem:s30+$0x8280]  }
0xdd: {  	v35 =	vadd.f32 v36, v35;
	v36 =	vmul.f32 v38, v7  }
0xde: {  	v38 =	vld [tilespmem:s30+$0x8300]  }
0xdf: {  	v35 =	vadd.f32 v36, v35;
	v36 =	vmul.f32 v39, v6  }
0xe0: {  	v39 =	vld [tilespmem:s30+$0x8380]  }
0xe1: {  	v35 =	vadd.f32 v36, v35;
	v36 =	vmul.f32 v37, v5;
	_ =	sdelay $0x1  }
0xe2: {  	v35 =	vadd.f32 v36, v35;
	v36 =	vmul.f32 v38, v3;
	_ =	sdelay $0x1  }
.Ltmp1:
0xe3: {  	v35 =	vadd.f32 v36, v35;
	v36 =	vmul.f32 v39, v4;
	(pc) =	sbr.rel @p1 .LBB2_5-.Ltmp1, $4  }
0xe4: {  	_ = 	snop  }
0xe5: {  	s11 =	sshrl.u32 s29, $0x2;
	s5 =	sadd.s32 $0x10, s5;
	v35 =	vadd.f32 v36, v35  }
0xe6: {  	s29 =	sand.u32 $0x1C00, s6;
	s11 =	sor.u32 s28, s11;
	s28 =	sand.u32 $0x70, s5  }
0xe7: {  	s6 =	sadd.s32 $0x80, s6;
	s30 =	sor.u32 s28, s29;
	[tilespmem:s11+$0x12000] =	vst v35  }
0xe8: {  	v35 =	vld [tilespmem:s30+$0x2000]  }
0xe9: {  	v36 =	vld [tilespmem:s30+$0x2080];
	_ =	sdelay $0x1  }
0xea: {  	v37 =	vld [tilespmem:s30+$0x2100];
	_ =	sdelay $0x1  }
0xeb: {  	v38 =	vld [tilespmem:s30+$0x2180]  }
0xec: {  	v33 =	vmul.f32 v35, v33;
	v34 =	vmul.f32 v36, v34  }
0xed: {  	v36 =	vld [tilespmem:s30+$0x2200]  }
0xee: {  	v32 =	vmul.f32 v37, v32;
	v33 =	vadd.f32 v34, v33  }
0xef: {  	v37 =	vld [tilespmem:s30+$0x2280]  }
0xf0: {  	v31 =	vmul.f32 v38, v31;
	v32 =	vadd.f32 v32, v33  }
0xf1: {  	v38 =	vld [tilespmem:s30+$0x2300]  }
0xf2: {  	v30 =	vmul.f32 v36, v30;
	v31 =	vadd.f32 v31, v32  }
0xf3: {  	v39 =	vld [tilespmem:s30+$0x2380]  }
0xf4: {  	v29 =	vmul.f32 v37, v29;
	v30 =	vadd.f32 v30, v31  }
0xf5: {  	v40 =	vld [tilespmem:s30+$0x4000]  }
0xf6: {  	v28 =	vmul.f32 v38, v28;
	v29 =	vadd.f32 v29, v30  }
0xf7: {  	v41 =	vld [tilespmem:s30+$0x4080]  }
0xf8: {  	v27 =	vmul.f32 v39, v27;
	v28 =	vadd.f32 v28, v29  }
0xf9: {  	v42 =	vld [tilespmem:s30+$0x4100]  }
0xfa: {  	v26 =	vmul.f32 v40, v26;
	v27 =	vadd.f32 v27, v28  }
0xfb: {  	v43 =	vld [tilespmem:s30+$0x4180]  }
0xfc: {  	v25 =	vmul.f32 v41, v25;
	v26 =	vadd.f32 v26, v27  }
0xfd: {  	v44 =	vld [tilespmem:s30+$0x4200]  }
0xfe: {  	v24 =	vmul.f32 v42, v24;
	v25 =	vadd.f32 v25, v26  }
0xff: {  	v45 =	vld [tilespmem:s30+$0x4280]  }
0x100: {  	v23 =	vmul.f32 v43, v23;
	v24 =	vadd.f32 v24, v25  }
0x101: {  	v46 =	vld [tilespmem:s30+$0x4300]  }
0x102: {  	v22 =	vmul.f32 v44, v22;
	v23 =	vadd.f32 v23, v24  }
0x103: {  	v47 =	vld [tilespmem:s30+$0x4380]  }
0x104: {  	v21 =	vmul.f32 v45, v21;
	v22 =	vadd.f32 v22, v23  }
0x105: {  	v48 =	vld [tilespmem:s30+$0x6000]  }
0x106: {  	v20 =	vmul.f32 v46, v20;
	v21 =	vadd.f32 v21, v22  }
0x107: {  	v49 =	vld [tilespmem:s30+$0x6080]  }
0x108: {  	v19 =	vmul.f32 v47, v19;
	v20 =	vadd.f32 v20, v21  }
0x109: {  	v50 =	vld [tilespmem:s30+$0x6100]  }
0x10a: {  	v18 =	vmul.f32 v48, v18;
	v19 =	vadd.f32 v19, v20  }
0x10b: {  	v51 =	vld [tilespmem:s30+$0x6180]  }
0x10c: {  	v17 =	vmul.f32 v49, v17;
	v18 =	vadd.f32 v18, v19  }
0x10d: {  	v52 =	vld [tilespmem:s30+$0x6200]  }
0x10e: {  	v16 =	vmul.f32 v50, v16;
	v17 =	vadd.f32 v17, v18  }
0x10f: {  	v53 =	vld [tilespmem:s30+$0x6280]  }
0x110: {  	v15 =	vmul.f32 v51, v15;
	v16 =	vadd.f32 v16, v17  }
0x111: {  	v54 =	vld [tilespmem:s30+$0x6300]  }
0x112: {  	v14 =	vmul.f32 v52, v14;
	v15 =	vadd.f32 v15, v16  }
0x113: {  	v55 =	vld [tilespmem:s30+$0x6380]  }
0x114: {  	v13 =	vmul.f32 v53, v13;
	v14 =	vadd.f32 v14, v15  }
0x115: {  	v56 =	vld [tilespmem:s30+$0x8000]  }
0x116: {  	v12 =	vmul.f32 v54, v12;
	v13 =	vadd.f32 v13, v14  }
0x117: {  	v57 =	vld [tilespmem:s30+$0x8080]  }
0x118: {  	v11 =	vmul.f32 v55, v11;
	v12 =	vadd.f32 v12, v13  }
0x119: {  	v58 =	vld [tilespmem:s30+$0x8100]  }
0x11a: {  	v10 =	vmul.f32 v56, v10;
	v11 =	vadd.f32 v11, v12  }
0x11b: {  	v59 =	vld [tilespmem:s30+$0x8180]  }
0x11c: {  	v9 =	vmul.f32 v57, v9;
	v10 =	vadd.f32 v10, v11  }
0x11d: {  	v60 =	vld [tilespmem:s30+$0x8200]  }
0x11e: {  	v8 =	vmul.f32 v58, v8;
	v9 =	vadd.f32 v9, v10  }
0x11f: {  	v61 =	vld [tilespmem:s30+$0x8280]  }
0x120: {  	v7 =	vmul.f32 v59, v7;
	v8 =	vadd.f32 v8, v9  }
0x121: {  	v62 =	vld [tilespmem:s30+$0x8300]  }
0x122: {  	v6 =	vmul.f32 v60, v6;
	v7 =	vadd.f32 v7, v8  }
0x123: {  	v63 =	vld [tilespmem:s30+$0x8380]  }
0x124: {  	v5 =	vmul.f32 v61, v5;
	v6 =	vadd.f32 v6, v7;
	_ =	sdelay $0x1  }
0x125: {  	v3 =	vmul.f32 v62, v3;
	v5 =	vadd.f32 v5, v6;
	_ =	sdelay $0x1  }
0x126: {  	v4 =	vmul.f32 v63, v4;
	v3 =	vadd.f32 v3, v5  }
0x127: {  	s5 =	sshll.u32 s25, $0x8;
	s6 =	sshll.u32 s25, $0x5  }
0x128: {  	s11 =	sshrl.u32 s29, $0x2;
	s29 =	sand.u32 $0x1C00, s5;
	s6 =	sand.u32 $0x60, s6;
	v3 =	vadd.f32 v4, v3  }
0x129: {  	s11 =	sor.u32 s28, s11;
	s28 =	sor.u32 s10, s29;
	s6 =	sadd.s32 s3, s6  }
0x12a: {  	s12 =	simm.s32 $0x12000;
	s6 =	sadd.s32 s28, s6;
	[tilespmem:s11+$0x12000] =	vst v3  }
0x12b: {  	[hbm4b:s6+s4] =	stream.linear.scatter [tilespmem:s12], [sflag:$0x3], $0x80, $0x38;
	[tilespmem:$0x12800] =	vst v63  }
0x12c: {  	s30 =	sadd.s32 $0x80, s6;
	s12 =	simm.s32 $0x12100  }
0x12d: {  	[hbm4b:s30+s4] =	stream.linear.scatter [tilespmem:s12], [sflag:$0x3], $0x80, $0x38;
	[tilespmem:$0x12800] =	vst v63  }
0x12e: {  	s12 =	sadd.s32 $0x100, s6;
	s30 =	simm.s32 $0x12200  }
0x12f: {  	[hbm4b:s12+s4] =	stream.linear.scatter [tilespmem:s30], [sflag:$0x3], $0x80, $0x38;
	[tilespmem:$0x12800] =	vst v63  }
0x130: {  	s12 =	sadd.s32 $0x180, s6;
	s30 =	simm.s32 $0x12300  }
0x131: {  	[hbm4b:s12+s4] =	stream.linear.scatter [tilespmem:s30], [sflag:$0x3], $0x80, $0x38;
	[tilespmem:$0x12800] =	vst v63  }
0x132: {  	s12 =	sadd.s32 $0x200, s6;
	s30 =	simm.s32 $0x12400  }
0x133: {  	[hbm4b:s12+s4] =	stream.linear.scatter [tilespmem:s30], [sflag:$0x3], $0x80, $0x38;
	[tilespmem:$0x12800] =	vst v63  }
0x134: {  	s12 =	sadd.s32 $0x280, s6;
	s30 =	simm.s32 $0x12500  }
0x135: {  	[hbm4b:s12+s4] =	stream.linear.scatter [tilespmem:s30], [sflag:$0x3], $0x80, $0x38;
	[tilespmem:$0x12800] =	vst v63  }
0x136: {  	s30 =	sadd.s32 $0x300, s6  }
0x137: {  	[hbm4b:s30+s4] =	stream.linear.scatter [tilespmem:s2], [sflag:$0x3], $0x80, $0x38;
	[tilespmem:$0x12800] =	vst v63  }
0x138: {  	s6 =	sadd.s32 $0x380, s6  }
0x139: {  	[hbm4b:s6+s4] =	stream.linear.scatter [tilespmem:s0], [sflag:$0x3], $0x80, $0x38;
	[tilespmem:$0x12800] =	vst v63  }
0x13a: {  	_ =	swait.ge [sflag:s14], $0x8000  }
0x13b: {  	p1 =	seq.s32 s25, $0x1F;
	[sflag:s14] =	ssyncset.done $0x0  }
0x13c: {  	s5 =	sshrl.u32 @!p1 s5, $0x2;
	[sflag:s14] =	ssyncadd.s32 $0xFFFF8000  }
0x13d: {  	v3 =	vld @!p1 [tilespmem:s5+$0x40];
	_ =	sdelay $0x4  }
0x13e: {  	v4 =	vshll.u32 @!p1 v3, $0x3  }
0x13f: {  	v5 =	vlaneseq.u32 @!p1;
	v3 =	vand.u32 @!p1 $0x7, v3;
	v4 =	vand.u32 @!p1 $0xFFFFFFC0, v4  }
0x140: {  	v6 =	vshrl.u32 @!p1 v5, $0x3;
	v3 =	vor.u32 @!p1 v3, v4;
	v4 =	vand.u32 @!p1 $0x7, v5  }
0x141: {  	v6 =	vmul.u32 @!p1 $0x8, v6;
	v7 =	vperm.xlane @!p1 v3, v4;
	_ =	sdelay $0x1  }
0x142: {  	v7 =	vadd.s32 @!p1 v6, v7;
	_ =	sdelay $0x3  }
0x143: {  	vm1 =	vmmov @!p1 $0xffff;
	s11 =	simm.s32 @!p1 $0x2000;
	s6 =	simm.s32 @!p1 $0x0  }
0x144: {  	v5 =	vor.u32 @!p1 $0x8, v5;
	[tilespmem:s11], [sflag:$0x1] =	stream.indirect_vreg.gather @!p1 [hbm4b:s1+s6], $0x80, v7, vm1, $0xb8;
	[tilespmem:$0x12800] =	vst v63  }
0x145: {  	v3 =	vperm.xlane @!p1 v3, v5;
	s11 =	simm.s32 @!p1 $0x2800  }
0x146: {  	[tilespmem:s11], [sflag:$0x1] =	stream.indirect_vreg.gather @!p1 [hbm4b:s7+s6], $0x80, v7, vm1, $0xb8;
	[tilespmem:$0x12800] =	vst v63  }
0x147: {  	v3 =	vadd.s32 @!p1 v6, v3;
	s11 =	simm.s32 @!p1 $0x3000  }
0x148: {  	[tilespmem:s11], [sflag:$0x1] =	stream.indirect_vreg.gather @!p1 [hbm4b:s8+s6], $0x80, v7, vm1, $0xb8;
	[tilespmem:$0x12800] =	vst v63  }
0x149: {  	s11 =	simm.s32 @!p1 $0x3800  }
0x14a: {  	[tilespmem:s11], [sflag:$0x1] =	stream.indirect_vreg.gather @!p1 [hbm4b:s9+s6], $0x80, v7, vm1, $0xb8;
	[tilespmem:$0x12800] =	vst v63  }
0x14b: {  	s11 =	simm.s32 @!p1 $0x4000  }
0x14c: {  	[tilespmem:s11], [sflag:$0x1] =	stream.indirect_vreg.gather @!p1 [hbm4b:s1+s6], $0x80, v3, vm1, $0xb8;
	[tilespmem:$0x12800] =	vst v63  }
0x14d: {  	s11 =	simm.s32 @!p1 $0x4800  }
0x14e: {  	[tilespmem:s11], [sflag:$0x1] =	stream.indirect_vreg.gather @!p1 [hbm4b:s7+s6], $0x80, v3, vm1, $0xb8;
	[tilespmem:$0x12800] =	vst v63  }
0x14f: {  	s11 =	simm.s32 @!p1 $0x5000  }
0x150: {  	[tilespmem:s11], [sflag:$0x1] =	stream.indirect_vreg.gather @!p1 [hbm4b:s8+s6], $0x80, v3, vm1, $0xb8;
	[tilespmem:$0x12800] =	vst v63  }
0x151: {  	s11 =	simm.s32 @!p1 $0x5800  }
0x152: {  	[tilespmem:s11], [sflag:$0x1] =	stream.indirect_vreg.gather @!p1 [hbm4b:s9+s6], $0x80, v3, vm1, $0xb8;
	[tilespmem:$0x12800] =	vst v63  }
0x153: {  	v3 =	vld @!p1 [tilespmem:s5+$0x50];
	_ =	sdelay $0x4  }
0x154: {  	v7 =	vshll.u32 @!p1 v3, $0x3  }
0x155: {  	v3 =	vand.u32 @!p1 $0x7, v3;
	v7 =	vand.u32 @!p1 $0xFFFFFFC0, v7  }
0x156: {  	v3 =	vor.u32 @!p1 v3, v7  }
0x157: {  	v4 =	vperm.xlane @!p1 v3, v4;
	_ =	sdelay $0x1  }
0x158: {  	v4 =	vadd.s32 @!p1 v6, v4;
	_ =	sdelay $0x3  }
0x159: {  	s5 =	simm.s32 @!p1 $0x6000  }
0x15a: {  	[tilespmem:s5], [sflag:$0x1] =	stream.indirect_vreg.gather @!p1 [hbm4b:s1+s6], $0x80, v4, vm1, $0xb8;
	[tilespmem:$0x12800] =	vst v63  }
0x15b: {  	v3 =	vperm.xlane @!p1 v3, v5;
	s5 =	simm.s32 @!p1 $0x6800  }
0x15c: {  	[tilespmem:s5], [sflag:$0x1] =	stream.indirect_vreg.gather @!p1 [hbm4b:s7+s6], $0x80, v4, vm1, $0xb8;
	[tilespmem:$0x12800] =	vst v63  }
0x15d: {  	v3 =	vadd.s32 @!p1 v6, v3;
	s5 =	simm.s32 @!p1 $0x7000  }
0x15e: {  	[tilespmem:s5], [sflag:$0x1] =	stream.indirect_vreg.gather @!p1 [hbm4b:s8+s6], $0x80, v4, vm1, $0xb8;
	[tilespmem:$0x12800] =	vst v63  }
0x15f: {  	s5 =	simm.s32 @!p1 $0x7800  }
0x160: {  	[tilespmem:s5], [sflag:$0x1] =	stream.indirect_vreg.gather @!p1 [hbm4b:s9+s6], $0x80, v4, vm1, $0xb8;
	[tilespmem:$0x12800] =	vst v63  }
0x161: {  	s5 =	simm.s32 @!p1 $0x8000  }
0x162: {  	[tilespmem:s5], [sflag:$0x1] =	stream.indirect_vreg.gather @!p1 [hbm4b:s1+s6], $0x80, v3, vm1, $0xb8;
	[tilespmem:$0x12800] =	vst v63  }
0x163: {  	s5 =	simm.s32 @!p1 $0x8800  }
0x164: {  	v4 =	vmov s23;
	[tilespmem:s5], [sflag:$0x1] =	stream.indirect_vreg.gather @!p1 [hbm4b:s7+s6], $0x80, v3, vm1, $0xb8;
	[tilespmem:$0x12800] =	vst v63  }
0x165: {  	s5 =	simm.s32 @!p1 $0x9000  }
0x166: {  	[tilespmem:s5], [sflag:$0x1] =	stream.indirect_vreg.gather @!p1 [hbm4b:s8+s6], $0x80, v3, vm1, $0xb8;
	[tilespmem:$0x12800] =	vst v63  }
0x167: {  	s5 =	simm.s32 @!p1 $0x9800  }
0x168: {  	[tilespmem:s5], [sflag:$0x1] =	stream.indirect_vreg.gather @!p1 [hbm4b:s9+s6], $0x80, v3, vm1, $0xb8;
	[tilespmem:$0x12800] =	vst v63  }
0x169: {  	s5 =	sadd.s32 $0x1, s23;
	v3 =	vld.idx.msk [tilespmem:v4+s13+$0x0], $0xffff  }
0x16a: {  	s29 =	simm.s32 $0x400;
	s11 =	simm.s32 $0x200;
	s6 =	simm.s32 $0x0;
	v4 =	vmov s5  }
.LBB2_7:
0x16b: {  	p1 =	sne.s32 s29, $0x3E00;
	_ =	sdelay $0x1  }
.Ltmp2:
0x16c: {  	s30 =	sshra.s32 s6, $0x2;
	s6 =	smov.u32 s11;
	(pc) =	sbr.rel @p1 .LBB2_7-.Ltmp2, $4  }
0x16d: {  	s11 =	smov.u32 s29;
	[tilespmem:s30+$0x1000] =	vst v3  }
0x16e: {  	v3 =	vld.idx.msk [tilespmem:v4+s13+$0x0], $0xffff  }
0x16f: {  	s5 =	sadd.s32 $0x1, s5  }
0x170: {  	s29 =	sadd.s32 $0x200, s29;
	v4 =	vmov s5  }
0x171: {  	_ =	sdelay $0x1  }
0x172: {  	s5 =	sshra.s32 s6, $0x2  }
0x173: {  	[tilespmem:s5+$0x1000] =	vst v3  }
0x174: {  	v3 =	vld.idx.msk [tilespmem:v4+s13+$0x0], $0xffff;
	_ =	sdelay $0x3  }
0x175: {  	s12 =	sshra.s32 s11, $0x2  }
0x176: {  	[tilespmem:s12+$0x1000] =	vst v3  }
0x177: {  	v33 =	vld [tilespmem:$0x1000]  }
0x178: {  	v34 =	vld [tilespmem:$0x1080]  }
0x179: {  	v32 =	vld [tilespmem:$0x1100]  }
0x17a: {  	v31 =	vld [tilespmem:$0x1180]  }
0x17b: {  	v30 =	vld [tilespmem:$0x1200]  }
0x17c: {  	v29 =	vld [tilespmem:$0x1280]  }
0x17d: {  	v28 =	vld [tilespmem:$0x1300]  }
0x17e: {  	v27 =	vld [tilespmem:$0x1380]  }
0x17f: {  	v26 =	vld [tilespmem:$0x1400]  }
0x180: {  	v25 =	vld [tilespmem:$0x1480]  }
0x181: {  	v24 =	vld [tilespmem:$0x1500]  }
0x182: {  	v23 =	vld [tilespmem:$0x1580]  }
0x183: {  	v22 =	vld [tilespmem:$0x1600]  }
0x184: {  	v21 =	vld [tilespmem:$0x1680]  }
0x185: {  	v20 =	vld [tilespmem:$0x1700]  }
0x186: {  	v19 =	vld [tilespmem:$0x1780]  }
0x187: {  	v18 =	vld [tilespmem:$0x1800]  }
0x188: {  	v17 =	vld [tilespmem:$0x1880]  }
0x189: {  	v16 =	vld [tilespmem:$0x1900]  }
0x18a: {  	v15 =	vld [tilespmem:$0x1980]  }
0x18b: {  	v14 =	vld [tilespmem:$0x1A00]  }
0x18c: {  	v13 =	vld [tilespmem:$0x1A80]  }
0x18d: {  	v12 =	vld [tilespmem:$0x1B00]  }
0x18e: {  	v11 =	vld [tilespmem:$0x1B80]  }
0x18f: {  	v10 =	vld [tilespmem:$0x1C00]  }
0x190: {  	v9 =	vld [tilespmem:$0x1C80]  }
0x191: {  	v8 =	vld [tilespmem:$0x1D00]  }
0x192: {  	v7 =	vld [tilespmem:$0x1D80]  }
0x193: {  	v6 =	vld [tilespmem:$0x1E00]  }
0x194: {  	v5 =	vld [tilespmem:$0x1E80]  }
0x195: {  	s5 =	simm.s32 @!p0 $0x4;
	v4 =	vld [tilespmem:$0x1F00]  }
0x196: {  	s6 =	simm.s32 $0x0;
	v3 =	vld [tilespmem:$0x1F80];
	_ =	swait.ge @!p0 [sflag:s5], $0x400  }
0x197: {  	s29 =	sand.u32 $0x70, s6;
	s30 =	sand.u32 $0x1C00, s6;
	[sflag:s5] =	ssyncset.done @!p0 $0x0  }
0x198: {  	s11 =	simm.s32 $0x80;
	[sflag:s5] =	ssyncadd.s32 @!p0 $0xFFFFFC00;
	s5 =	sor.u32 s29, s30  }
.LBB2_9:
0x199: {  	p0 =	sne.s32 s11, $0x1F80;
	v35 =	vld [tilespmem:s5+$0xA000]  }
0x19a: {  	v36 =	vld [tilespmem:s5+$0xA080];
	_ =	sdelay $0x1  }
0x19b: {  	v37 =	vld [tilespmem:s5+$0xA100];
	_ =	sdelay $0x1  }
0x19c: {  	v38 =	vld [tilespmem:s5+$0xA180]  }
0x19d: {  	v35 =	vmul.f32 v35, v33;
	v36 =	vmul.f32 v36, v34  }
0x19e: {  	v39 =	vld [tilespmem:s5+$0xA200]  }
0x19f: {  	v35 =	vadd.f32 v36, v35;
	v36 =	vmul.f32 v37, v32  }
0x1a0: {  	v37 =	vld [tilespmem:s5+$0xA280]  }
0x1a1: {  	v35 =	vadd.f32 v36, v35;
	v36 =	vmul.f32 v38, v31  }
0x1a2: {  	v38 =	vld [tilespmem:s5+$0xA300]  }
0x1a3: {  	v35 =	vadd.f32 v36, v35;
	v36 =	vmul.f32 v39, v30  }
0x1a4: {  	v39 =	vld [tilespmem:s5+$0xA380]  }
0x1a5: {  	v35 =	vadd.f32 v36, v35;
	v36 =	vmul.f32 v37, v29  }
0x1a6: {  	v37 =	vld [tilespmem:s5+$0xC000]  }
0x1a7: {  	v35 =	vadd.f32 v36, v35;
	v36 =	vmul.f32 v38, v28  }
0x1a8: {  	v38 =	vld [tilespmem:s5+$0xC080]  }
0x1a9: {  	v35 =	vadd.f32 v36, v35;
	v36 =	vmul.f32 v39, v27  }
0x1aa: {  	v39 =	vld [tilespmem:s5+$0xC100]  }
0x1ab: {  	v35 =	vadd.f32 v36, v35;
	v36 =	vmul.f32 v37, v26  }
0x1ac: {  	v37 =	vld [tilespmem:s5+$0xC180]  }
0x1ad: {  	v35 =	vadd.f32 v36, v35;
	v36 =	vmul.f32 v38, v25  }
0x1ae: {  	v38 =	vld [tilespmem:s5+$0xC200]  }
0x1af: {  	v35 =	vadd.f32 v36, v35;
	v36 =	vmul.f32 v39, v24  }
0x1b0: {  	v39 =	vld [tilespmem:s5+$0xC280]  }
0x1b1: {  	v35 =	vadd.f32 v36, v35;
	v36 =	vmul.f32 v37, v23  }
0x1b2: {  	v37 =	vld [tilespmem:s5+$0xC300]  }
0x1b3: {  	v35 =	vadd.f32 v36, v35;
	v36 =	vmul.f32 v38, v22  }
0x1b4: {  	v38 =	vld [tilespmem:s5+$0xC380]  }
0x1b5: {  	v35 =	vadd.f32 v36, v35;
	v36 =	vmul.f32 v39, v21  }
0x1b6: {  	v39 =	vld [tilespmem:s5+$0xE000]  }
0x1b7: {  	v35 =	vadd.f32 v36, v35;
	v36 =	vmul.f32 v37, v20  }
0x1b8: {  	v37 =	vld [tilespmem:s5+$0xE080]  }
0x1b9: {  	v35 =	vadd.f32 v36, v35;
	v36 =	vmul.f32 v38, v19  }
0x1ba: {  	v38 =	vld [tilespmem:s5+$0xE100]  }
0x1bb: {  	v35 =	vadd.f32 v36, v35;
	v36 =	vmul.f32 v39, v18  }
0x1bc: {  	v39 =	vld [tilespmem:s5+$0xE180]  }
0x1bd: {  	v35 =	vadd.f32 v36, v35;
	v36 =	vmul.f32 v37, v17  }
0x1be: {  	v37 =	vld [tilespmem:s5+$0xE200]  }
0x1bf: {  	v35 =	vadd.f32 v36, v35;
	v36 =	vmul.f32 v38, v16  }
0x1c0: {  	v38 =	vld [tilespmem:s5+$0xE280]  }
0x1c1: {  	v35 =	vadd.f32 v36, v35;
	v36 =	vmul.f32 v39, v15  }
0x1c2: {  	v39 =	vld [tilespmem:s5+$0xE300]  }
0x1c3: {  	v35 =	vadd.f32 v36, v35;
	v36 =	vmul.f32 v37, v14  }
0x1c4: {  	v37 =	vld [tilespmem:s5+$0xE380]  }
0x1c5: {  	v35 =	vadd.f32 v36, v35;
	v36 =	vmul.f32 v38, v13  }
0x1c6: {  	v38 =	vld [tilespmem:s5+$0x10000]  }
0x1c7: {  	v35 =	vadd.f32 v36, v35;
	v36 =	vmul.f32 v39, v12  }
0x1c8: {  	v39 =	vld [tilespmem:s5+$0x10080]  }
0x1c9: {  	v35 =	vadd.f32 v36, v35;
	v36 =	vmul.f32 v37, v11  }
0x1ca: {  	v37 =	vld [tilespmem:s5+$0x10100]  }
0x1cb: {  	v35 =	vadd.f32 v36, v35;
	v36 =	vmul.f32 v38, v10  }
0x1cc: {  	v38 =	vld [tilespmem:s5+$0x10180]  }
0x1cd: {  	v35 =	vadd.f32 v36, v35;
	v36 =	vmul.f32 v39, v9  }
0x1ce: {  	v39 =	vld [tilespmem:s5+$0x10200]  }
0x1cf: {  	v35 =	vadd.f32 v36, v35;
	v36 =	vmul.f32 v37, v8  }
0x1d0: {  	v37 =	vld [tilespmem:s5+$0x10280]  }
0x1d1: {  	v35 =	vadd.f32 v36, v35;
	v36 =	vmul.f32 v38, v7  }
0x1d2: {  	v38 =	vld [tilespmem:s5+$0x10300]  }
0x1d3: {  	v35 =	vadd.f32 v36, v35;
	v36 =	vmul.f32 v39, v6  }
0x1d4: {  	v39 =	vld [tilespmem:s5+$0x10380]  }
0x1d5: {  	v35 =	vadd.f32 v36, v35;
	v36 =	vmul.f32 v37, v5;
	_ =	sdelay $0x1  }
0x1d6: {  	v35 =	vadd.f32 v36, v35;
	v36 =	vmul.f32 v38, v4;
	_ =	sdelay $0x1  }
.Ltmp3:
0x1d7: {  	v35 =	vadd.f32 v36, v35;
	v36 =	vmul.f32 v39, v3;
	(pc) =	sbr.rel @p0 .LBB2_9-.Ltmp3, $4  }
0x1d8: {  	_ = 	snop  }
0x1d9: {  	s6 =	sadd.s32 $0x10, s6;
	s5 =	sshrl.u32 s30, $0x2;
	v35 =	vadd.f32 v36, v35  }
0x1da: {  	s30 =	sand.u32 $0x1C00, s11;
	s12 =	sor.u32 s29, s5;
	s29 =	sand.u32 $0x70, s6  }
0x1db: {  	s11 =	sadd.s32 $0x80, s11;
	s5 =	sor.u32 s29, s30;
	[tilespmem:s12+$0x12080] =	vst v35  }
0x1dc: {  	v35 =	vld [tilespmem:s5+$0xA000]  }
0x1dd: {  	v36 =	vld [tilespmem:s5+$0xA080];
	_ =	sdelay $0x1  }
0x1de: {  	v37 =	vld [tilespmem:s5+$0xA100];
	_ =	sdelay $0x1  }
0x1df: {  	v38 =	vld [tilespmem:s5+$0xA180]  }
0x1e0: {  	v33 =	vmul.f32 v35, v33;
	v34 =	vmul.f32 v36, v34  }
0x1e1: {  	v36 =	vld [tilespmem:s5+$0xA200]  }
0x1e2: {  	v32 =	vmul.f32 v37, v32;
	v33 =	vadd.f32 v34, v33  }
0x1e3: {  	v37 =	vld [tilespmem:s5+$0xA280]  }
0x1e4: {  	v31 =	vmul.f32 v38, v31;
	v32 =	vadd.f32 v32, v33  }
0x1e5: {  	v38 =	vld [tilespmem:s5+$0xA300]  }
0x1e6: {  	v30 =	vmul.f32 v36, v30;
	v31 =	vadd.f32 v31, v32  }
0x1e7: {  	v39 =	vld [tilespmem:s5+$0xA380]  }
0x1e8: {  	v29 =	vmul.f32 v37, v29;
	v30 =	vadd.f32 v30, v31  }
0x1e9: {  	v40 =	vld [tilespmem:s5+$0xC000]  }
0x1ea: {  	v28 =	vmul.f32 v38, v28;
	v29 =	vadd.f32 v29, v30  }
0x1eb: {  	v41 =	vld [tilespmem:s5+$0xC080]  }
0x1ec: {  	v27 =	vmul.f32 v39, v27;
	v28 =	vadd.f32 v28, v29  }
0x1ed: {  	v42 =	vld [tilespmem:s5+$0xC100]  }
0x1ee: {  	v26 =	vmul.f32 v40, v26;
	v27 =	vadd.f32 v27, v28  }
0x1ef: {  	v43 =	vld [tilespmem:s5+$0xC180]  }
0x1f0: {  	v25 =	vmul.f32 v41, v25;
	v26 =	vadd.f32 v26, v27  }
0x1f1: {  	v44 =	vld [tilespmem:s5+$0xC200]  }
0x1f2: {  	v24 =	vmul.f32 v42, v24;
	v25 =	vadd.f32 v25, v26  }
0x1f3: {  	v45 =	vld [tilespmem:s5+$0xC280]  }
0x1f4: {  	v23 =	vmul.f32 v43, v23;
	v24 =	vadd.f32 v24, v25  }
0x1f5: {  	v46 =	vld [tilespmem:s5+$0xC300]  }
0x1f6: {  	v22 =	vmul.f32 v44, v22;
	v23 =	vadd.f32 v23, v24  }
0x1f7: {  	v47 =	vld [tilespmem:s5+$0xC380]  }
0x1f8: {  	v21 =	vmul.f32 v45, v21;
	v22 =	vadd.f32 v22, v23  }
0x1f9: {  	v48 =	vld [tilespmem:s5+$0xE000]  }
0x1fa: {  	v20 =	vmul.f32 v46, v20;
	v21 =	vadd.f32 v21, v22  }
0x1fb: {  	v49 =	vld [tilespmem:s5+$0xE080]  }
0x1fc: {  	v19 =	vmul.f32 v47, v19;
	v20 =	vadd.f32 v20, v21  }
0x1fd: {  	v50 =	vld [tilespmem:s5+$0xE100]  }
0x1fe: {  	v18 =	vmul.f32 v48, v18;
	v19 =	vadd.f32 v19, v20  }
0x1ff: {  	v51 =	vld [tilespmem:s5+$0xE180]  }
0x200: {  	v17 =	vmul.f32 v49, v17;
	v18 =	vadd.f32 v18, v19  }
0x201: {  	v52 =	vld [tilespmem:s5+$0xE200]  }
0x202: {  	v16 =	vmul.f32 v50, v16;
	v17 =	vadd.f32 v17, v18  }
0x203: {  	v53 =	vld [tilespmem:s5+$0xE280]  }
0x204: {  	v15 =	vmul.f32 v51, v15;
	v16 =	vadd.f32 v16, v17  }
0x205: {  	v54 =	vld [tilespmem:s5+$0xE300]  }
0x206: {  	v14 =	vmul.f32 v52, v14;
	v15 =	vadd.f32 v15, v16  }
0x207: {  	v55 =	vld [tilespmem:s5+$0xE380]  }
0x208: {  	v13 =	vmul.f32 v53, v13;
	v14 =	vadd.f32 v14, v15  }
0x209: {  	v56 =	vld [tilespmem:s5+$0x10000]  }
0x20a: {  	v12 =	vmul.f32 v54, v12;
	v13 =	vadd.f32 v13, v14  }
0x20b: {  	v57 =	vld [tilespmem:s5+$0x10080]  }
0x20c: {  	v11 =	vmul.f32 v55, v11;
	v12 =	vadd.f32 v12, v13  }
0x20d: {  	v58 =	vld [tilespmem:s5+$0x10100]  }
0x20e: {  	v10 =	vmul.f32 v56, v10;
	v11 =	vadd.f32 v11, v12  }
0x20f: {  	v59 =	vld [tilespmem:s5+$0x10180]  }
0x210: {  	v9 =	vmul.f32 v57, v9;
	v10 =	vadd.f32 v10, v11  }
0x211: {  	v60 =	vld [tilespmem:s5+$0x10200]  }
0x212: {  	v8 =	vmul.f32 v58, v8;
	v9 =	vadd.f32 v9, v10  }
0x213: {  	v61 =	vld [tilespmem:s5+$0x10280]  }
0x214: {  	v7 =	vmul.f32 v59, v7;
	v8 =	vadd.f32 v8, v9  }
0x215: {  	v62 =	vld [tilespmem:s5+$0x10300]  }
0x216: {  	v6 =	vmul.f32 v60, v6;
	v7 =	vadd.f32 v7, v8  }
0x217: {  	v63 =	vld [tilespmem:s5+$0x10380]  }
0x218: {  	v5 =	vmul.f32 v61, v5;
	v6 =	vadd.f32 v6, v7;
	_ =	sdelay $0x1  }
0x219: {  	v4 =	vmul.f32 v62, v4;
	v5 =	vadd.f32 v5, v6;
	_ =	sdelay $0x1  }
0x21a: {  	v3 =	vmul.f32 v63, v3;
	v4 =	vadd.f32 v4, v5;
	_ =	sdelay $0x1  }
0x21b: {  	s30 =	sshrl.u32 s30, $0x2;
	s6 =	sshll.u32 s26, $0x4;
	v3 =	vadd.f32 v3, v4  }
0x21c: {  	s11 =	sadd.s32 s3, s28;
	s6 =	sand.u32 $0x70, s6;
	s5 =	sor.u32 s29, s30  }
0x21d: {  	s11 =	sadd.s32 s6, s11;
	[tilespmem:s5+$0x12080] =	vst v3  }
0x21e: {  	[hbm4b:s11+s4] =	stream.linear.scatter [tilespmem:s15], [sflag:$0x4], $0x80, $0x38;
	[tilespmem:$0x12800] =	vst v63  }
0x21f: {  	s6 =	sadd.s32 $0x80, s11  }
0x220: {  	[hbm4b:s6+s4] =	stream.linear.scatter [tilespmem:s16], [sflag:$0x4], $0x80, $0x38;
	[tilespmem:$0x12800] =	vst v63  }
0x221: {  	s12 =	sadd.s32 $0x100, s11  }
0x222: {  	[hbm4b:s12+s4] =	stream.linear.scatter [tilespmem:s17], [sflag:$0x4], $0x80, $0x38;
	[tilespmem:$0x12800] =	vst v63  }
0x223: {  	s26 =	sadd.s32 $0x180, s11  }
0x224: {  	[hbm4b:s26+s4] =	stream.linear.scatter [tilespmem:s18], [sflag:$0x4], $0x80, $0x38;
	[tilespmem:$0x12800] =	vst v63  }
0x225: {  	s25 =	sadd.s32 $0x1, s25;
	s28 =	sadd.s32 $0x200, s11  }
0x226: {  	[hbm4b:s28+s4] =	stream.linear.scatter [tilespmem:s19], [sflag:$0x4], $0x80, $0x38;
	[tilespmem:$0x12800] =	vst v63  }
0x227: {  	p0 =	sne.s32 s25, $0x20;
	s29 =	sadd.s32 $0x280, s11  }
0x228: {  	[hbm4b:s29+s4] =	stream.linear.scatter [tilespmem:s20], [sflag:$0x4], $0x80, $0x38;
	[tilespmem:$0x12800] =	vst v63  }
.Ltmp4:
0x229: {  	_ = 	snop;
	(pc) =	sbr.rel @p0 .LBB2_2-.Ltmp4, $4  }
0x22a: {  	s30 =	sadd.s32 $0x300, s11  }
0x22b: {  	[hbm4b:s30+s4] =	stream.linear.scatter [tilespmem:s21], [sflag:$0x4], $0x80, $0x38;
	[tilespmem:$0x12800] =	vst v63  }
0x22c: {  	s24 =	sadd.s32 $0x40, s24;
	s23 =	sadd.s32 $0x40, s23;
	s5 =	sadd.s32 $0x380, s11  }
0x22d: {  	[hbm4b:s5+s4] =	stream.linear.scatter [tilespmem:s22], [sflag:$0x4], $0x80, $0x38;
	[tilespmem:$0x12800] =	vst v63  }
0x22e: {  	s5 =	simm.s32 $0x3  }
0x22f: {  	_ =	swait.ge [sflag:s5], $0x400  }
0x230: {  	[sflag:s5] =	ssyncset.done $0x0  }
0x231: {  	s6 =	simm.s32 $0x4;
	[sflag:s5] =	ssyncadd.s32 $0xFFFFFC00  }
0x232: {  	_ =	swait.ge [sflag:s6], $0x400  }
0x233: {  	s11 =	rddreg [dreg:$0x7]  }
0x234: {  	s30 =	rddreg [dreg:$0x6];
	s11 =	sadd.s32 $0x1, s11  }
0x235: {  	p0 =	sne.s32 s11, s30  }
.Ltmp5:
0x236: {  	_ = 	snop;
	(pc) =	sbr.rel @p0 .LBB2_1-.Ltmp5, $3  }
0x237: {  	_ =	sdelay $0x1  }
0x238: {  	[sflag:s6] =	ssyncset.done $0x0  }
0x239: {  	[sflag:s6] =	ssyncadd.s32 $0xFFFFFC00  }
0x23a: {  	_ =	sfence.sel $0x180000  }
0x23b: {  	[bflag:$0x0] =	sbarrier.arrive $0xFFFF  }
0x23c: {  	_ =	strace $0x9000004A  }
0x23d: {  	s0 =	stileid.u32;
	[bflag:$0x2] =	sbarrier.arrive $0xFFFF  }
0x23e: {  	p0 =	sne.s32 s0, $0x0;
	s0 =	rddreg [dreg:$0x3]  }
0x23f: {  	s0 =	sadd.s32 @!p0 $0x100000, s0  }
0x240: {  	[sflag:s0] =	ssyncadd.tile.s32 @!p0 $0x1;
	_ =	shalt  }
.Lfunc_end2:
_tile_overlayer_lowered:
.L_overlay_start_2:
0x241: {  	(tag) =	ssettag $0x2  }
0x242: {  	s0 =	rddreg [dreg:$0x0];
	s2 =	stileid.u32  }
0x243: {  	s1 =	rddreg [dreg:$0x1];
	p0 =	sne.s32 s2, $0x0  }
0x244: {  	s3 =	rddreg [dreg:$0x2];
	[bflag:$0x3] =	sbarrier.arrive $0xFFFF;
	s2 =	simm.s32 @!p0 $0x1C05  }
0x245: {  	[timem:s3], [sflag:s2] =	dma.local @!p0 [hbm:s0], s1  }
0x246: {  	s0 =	simm.s32 @!p0 $0x5  }
0x247: {  	_ =	swait.ge @!p0 [sflag:s0], s1  }
0x248: {  	s1 =	ssub.s32 @!p0 $0x0, s1;
	[sflag:s0] =	ssyncset.done @!p0 $0x0  }
0x249: {  	[sflag:s0] =	ssyncadd.s32 @!p0 s1  }
0x24a: {  	[bflag:$0x3] =	sbarrier.arrive $0xFFFF  }
0x24b: {  	_ =	shalt  }

// kernel: kernel.7.cloned.1.call-start
scs
__scs_entry_jumppad:
0x0: {  	(pc) =	sbr.rel $0x88, $3  }
0x1: {  	(tag) =	ssettag $0x0;
	lr =	simm.s32 $0x1  }
0x2: {  	[smem:$0x3F96] =	sst lr;
	_ =	strace $0xD0000000  }
0x3: {  	_ = 	snop  }
0x4: {  	_ = 	snop  }
0x5: {  	_ = 	snop  }
0x6: {  	_ = 	snop  }
0x7: {  	_ = 	snop  }
__scs_overlays_trampoline_lowered:
0x8: {  	[smem:$0x3FA5] =	sst s0  }
0x9: {  	[smem:$0x3FA6] =	sst s1  }
0xa: {  	[smem:$0x3FA7] =	sst s2  }
0xb: {  	[smem:$0x3FA8] =	sst s3  }
0xc: {  	[smem:$0x3FA9] =	sst s4  }
0xd: {  	[smem:$0x3FAA] =	sst s5  }
0xe: {  	[smem:$0x3FAB] =	sst s6  }
0xf: {  	[smem:$0x3FAC] =	sst s7  }
0x10: {  	[smem:$0x3FAD] =	sst s8  }
0x11: {  	[smem:$0x3FAE] =	sst s9;
	s0 =	simm.s32 @!p0 $0x0  }
0x12: {  	s1 =	sld [smem:$0x3F94];
	s0 =	simm.s32 @p0 $0x1  }
0x13: {  	[smem:$0x3FAF] =	sst s0;
	s0 =	simm.s32 @!p1 $0x0  }
0x14: {  	s2 =	sld [smem:$0x3F93];
	s0 =	simm.s32 @p1 $0x1  }
0x15: {  	[smem:$0x3FB0] =	sst s0;
	s0 =	simm.s32 @!p2 $0x0  }
0x16: {  	s3 =	sld [smem:$0x3FDB];
	s0 =	simm.s32 @p2 $0x1  }
0x17: {  	s4 =	simm.s32 $0x1BF5;
	[smem:$0x3FB2] =	sst s0  }
0x18: {  	s0 =	sld [smem:$0x3F95];
	_ =	swait.ge [sflag:s4], $0x0  }
0x19: {  	s7 =	sld [smem:$0x3F96]  }
0x1a: {  	s8 =	sadd.s32 $0xFFFFE003, lr  }
0x1b: {  	s9 =	sadd.s32 $0xFFFFFEF7, lr;
	s5 =	simm.s32 $0xFFFFFFFF;
	p2 =	slt.u32 s8, $0xFFFFF086  }
0x1c: {  	p1 =	slt.u32 s9, $0xF7A;
	s5 =	simm.s32 @!p2 $0x0  }
0x1d: {  	s5 =	simm.s32 @p1 $0x1;
	p0 =	seq.s32 s7, s2  }
0x1e: {  	s7 =	smul.u32 @!p0 $0xF7A, s2;
	p2 =	seq.s32 @!p0 s5, $0x0  }
0x1f: {  	s9 =	smul.u32 $0xF7A, s1;
	s8 =	simm.s32 @!p0 $0x1BF5;
	p2 =	por !p2, p0  }
0x20: {  	[sflag:s8] =	ssyncset.s32 @!p0 $0xFFFFF086;
	s6 =	sadd.s32 @!p0 s3, s7;
	s7 =	simm.s32 @!p0 $0x108  }
0x21: {  	s3 =	sadd.s32 s3, s9;
	s6 =	sadd.s32 @!p0 $0x88, s6;
	s7 =	simm.s32 @p2 $0x1082  }
0x22: {  	[simem:s7], [sflag:s8] =	dma.local @!p0 [hbm:s6], $0xF7A  }
0x23: {  	s9 =	sor.u32 $0xD0000000, s2;
	s6 =	simm.s32 $0x108;
	_ =	swait.ge @!p0 [sflag:s8], $0x0  }
0x24: {  	s3 =	sadd.s32 $0x88, s3;
	s6 =	simm.s32 @!p1 $0x1082;
	[sflag:s4] =	ssyncset.s32 $0xFFFFF086  }
0x25: {  	[simem:s6], [sflag:s4] =	dma.local [hbm:s3], $0xF7A  }
0x26: {  	[smem:$0x3F96] =	sst s1;
	(tag) =	ssettag s2;
	_ =	strace s9  }
0x27: {  	s1 =	sld [smem:$0x3FA6]  }
0x28: {  	s2 =	sld [smem:$0x3FA7]  }
0x29: {  	s4 =	sld [smem:$0x3FA9]  }
0x2a: {  	p0 =	seq.s32 s5, $0x0;
	s5 =	sld [smem:$0x3FAA]  }
0x2b: {  	s6 =	sld [smem:$0x3FAB]  }
0x2c: {  	s7 =	sld [smem:$0x3FAC]  }
0x2d: {  	s3 =	simm.s32 $0x108;
	s8 =	sld [smem:$0x3FAD]  }
0x2e: {  	s3 =	simm.s32 @!p0 $0x1082;
	s9 =	sld [smem:$0x3FAE]  }
0x2f: {  	lr =	sadd.s32 s0, s3;
	s0 =	sld [smem:$0x3FA5]  }
0x30: {  	s3 =	sld [smem:$0x3FA8]  }
0x31: {  	[smem:$0x3FB1] =	sst s10  }
0x32: {  	s10 =	sld [smem:$0x3FAF];
	_ =	sdelay $0x3  }
0x33: {  	p0 =	seq.s32 s10, $0x1;
	s10 =	sld [smem:$0x3FB1];
	_ =	sdelay $0x3  }
0x34: {  	[smem:$0x3FB1] =	sst s10  }
0x35: {  	s10 =	sld [smem:$0x3FB0];
	_ =	sdelay $0x3  }
0x36: {  	p1 =	seq.s32 s10, $0x1;
	s10 =	sld [smem:$0x3FB1];
	_ =	sdelay $0x3  }
0x37: {  	[smem:$0x3FB1] =	sst s10  }
0x38: {  	s10 =	sld [smem:$0x3FB2]  }
0x39: {  	_ = 	snop;
	(pc) =	sbr.ind lr, $3  }
0x3a: {  	_ = 	snop  }
0x3b: {  	_ = 	snop  }
0x3c: {  	p2 =	seq.s32 s10, $0x1;
	s10 =	sld [smem:$0x3FB1]  }
0x3d: {  	_ =	shalt  }
0x3e: {  	_ =	shalt  }
0x3f: {  	_ =	shalt  }
0x40: {  	_ =	shalt  }
0x41: {  	_ =	shalt  }
0x42: {  	_ =	shalt  }
0x43: {  	_ =	shalt  }
0x44: {  	_ =	shalt  }
0x45: {  	_ =	shalt  }
0x46: {  	_ =	shalt  }
0x47: {  	_ =	shalt  }
0x48: {  	_ =	shalt  }
0x49: {  	_ =	shalt  }
0x4a: {  	_ =	shalt  }
0x4b: {  	_ =	shalt  }
0x4c: {  	_ =	shalt  }
0x4d: {  	_ =	shalt  }
0x4e: {  	_ =	shalt  }
0x4f: {  	_ =	shalt  }
0x50: {  	_ =	shalt  }
0x51: {  	_ =	shalt  }
0x52: {  	_ =	shalt  }
0x53: {  	_ =	shalt  }
0x54: {  	_ =	shalt  }
0x55: {  	_ =	shalt  }
0x56: {  	_ =	shalt  }
0x57: {  	_ =	shalt  }
0x58: {  	_ =	shalt  }
0x59: {  	_ =	shalt  }
0x5a: {  	_ =	shalt  }
0x5b: {  	_ =	shalt  }
0x5c: {  	_ =	shalt  }
0x5d: {  	_ =	shalt  }
0x5e: {  	_ =	shalt  }
0x5f: {  	_ =	shalt  }
0x60: {  	_ =	shalt  }
0x61: {  	_ =	shalt  }
0x62: {  	_ =	shalt  }
0x63: {  	_ =	shalt  }
0x64: {  	_ =	shalt  }
0x65: {  	_ =	shalt  }
0x66: {  	_ =	shalt  }
0x67: {  	_ =	shalt  }
0x68: {  	_ =	shalt  }
0x69: {  	_ =	shalt  }
0x6a: {  	_ =	shalt  }
0x6b: {  	_ =	shalt  }
0x6c: {  	_ =	shalt  }
0x6d: {  	_ =	shalt  }
0x6e: {  	_ =	shalt  }
0x6f: {  	_ =	shalt  }
0x70: {  	_ =	shalt  }
0x71: {  	_ =	shalt  }
0x72: {  	_ =	shalt  }
0x73: {  	_ =	shalt  }
0x74: {  	_ =	shalt  }
0x75: {  	_ =	shalt  }
0x76: {  	_ =	shalt  }
0x77: {  	_ =	shalt  }
0x78: {  	_ =	shalt  }
0x79: {  	_ =	shalt  }
0x7a: {  	_ =	shalt  }
0x7b: {  	_ =	shalt  }
0x7c: {  	_ =	shalt  }
0x7d: {  	_ =	shalt  }
0x7e: {  	_ =	shalt  }
0x7f: {  	_ =	shalt  }
0x80: {  	_ =	shalt  }
0x81: {  	_ =	shalt  }
0x82: {  	_ =	shalt  }
0x83: {  	_ =	shalt  }
0x84: {  	_ =	shalt  }
0x85: {  	_ =	shalt  }
0x86: {  	_ =	shalt  }
0x87: {  	_ =	shalt  }
.Lfunc_end0:
.L_simem_size_0:
called_computation_lowered:
.L_overlay_start_0:
0x88: {  	s2 =	sld [smem:$0x3FD9]  }
0x89: {  	s3 =	sld [smem:$0x3FFE];
	_ =	sdelay $0x1  }
0x8a: {  	s1 =	srdreg.scid  }
0x8b: {  	s0 =	sand.u32 $0x1, s1  }
0x8c: {  	s17 =	sshll.u32 s0, $0xA;
	s2 =	sadd.s32 s3, s2  }
0x8d: {  	s2 =	sadd.s32 s2, s17  }
0x8e: {  	[smem:$0x3FBD] =	sst s2  }
0x8f: {  	_ = 	snop  }
0x90: {  	s2 =	sld [smem:$0x3FC5];
	(tm) =	ssettm $0x1  }
0x91: {  	s18 =	sld [smem:$0x3FFB];
	_ =	sdelay $0x3  }
0x92: {  	_ =	strace s18  }
0x93: {  	s3 =	sld [smem:$0x3FFC];
	_ =	sdelay $0x3  }
0x94: {  	_ =	strace s3  }
0x95: {  	s3 =	sld [smem:$0x3FFD];
	_ =	sdelay $0x3  }
0x96: {  	_ =	strace s3  }
0x97: {  	_ =	strace $0x8FFFFFFF  }
0x98: {  	s19 =	sld [smem:$0x3FDB];
	_ =	sdelay $0x1  }
0x99: {  	s4 =	simm.s32 $_scs_section_size  }
0x9a: {  	s5 =	simm.s32 $_size__tile_overlayer_lowered;
	s6 =	simm.s32 $_tile_overlayer_lowered  }
0x9b: {  	s22 =	simm.s32 $0x1BFF;
	s21 =	sshll.u32 s6, $0x1;
	s3 =	sadd.s32 s4, s19  }
0x9c: {  	s7 =	simm.s32 $0x0;
	s20 =	sshll.u32 s5, $0x1;
	s5 =	sadd.s32 s21, s3  }
0x9d: {  	[timem:s7], [sflag:s22] =	dma.local [hbm:s5], s20  }
0x9e: {  	_ =	swait.ge [sflag:s22], s20  }
0x9f: {  	s4 =	ssub.s32 $0x0, s20;
	[sflag:s22] =	ssyncset.done $0x0  }
0xa0: {  	[sflag:s22] =	ssyncadd.s32 s4;
	_ =	sdelay $0x1  }
0xa1: {  	s23 =	simm.s32 $0x1B8B  }
0xa2: {  	_ =	swait.ge [sflag:s23], $0x1  }
0xa3: {  	[sflag:s23] =	ssyncset.done $0x0  }
0xa4: {  	s25 =	simm.s32 $0x1B8E;
	s24 =	sld [smem:$0x3FFE];
	[sflag:s23] =	ssyncadd.s32 $0xFFFFFFFF  }
0xa5: {  	s26 =	simm.s32 $execute0_lowered;
	[smem:$0x3FD2] =	sst s25  }
0xa6: {  	s5 =	sshll.u32 s26, $0x1;
	_ =	strace $0x80000046;
	[dreg:$0x1] =	wrdreg $0xFFFFFFFF  }
0xa7: {  	s28 =	simm.s32 $_size_execute0_lowered;
	s3 =	sadd.s32 s3, s5;
	[dreg:$0x0] =	wrdreg $0x0  }
0xa8: {  	s5 =	sshll.u32 s28, $0x1;
	[dreg:$0x2] =	wrdreg s3  }
0xa9: {  	[dreg:$0x3] =	wrdreg s5  }
0xaa: {  	[dreg:$0x4] =	wrdreg $0xC0  }
0xab: {  	_ =	task [dreg:s7], $0x5FFFF  }
0xac: {  	[dreg:$0x1] =	wrdreg $0xFFFFFFFF  }
0xad: {  	[dreg:$0x0] =	wrdreg $0x60  }
0xae: {  	[dreg:$0x2] =	wrdreg s2  }
0xaf: {  	[dreg:$0x3] =	wrdreg s24  }
0xb0: {  	[dreg:$0x4] =	wrdreg $0x9  }
0xb1: {  	_ =	task.clear_ibuf [dreg:s7], $0x5FFFF;
	_ =	strace $0x90000046  }
0xb2: {  	s29 =	simm.s32 $0x9;
	_ =	strace $0x80000048  }
0xb3: {  	_ =	swait.ge [sflag:s29], $0x1  }
0xb4: {  	[sflag:s29] =	ssyncadd.s32 $0xFFFFFFFF  }
0xb5: {  	_ =	strace $0x90000048  }
0xb6: {  	_ =	sfence  }
0xb7: {  	s30 =	sld [smem:$0x0];
	_ =	sdelay $0x2  }
0xb8: {  	s31 =	sshll.u32 s1, $0xD;
	s1 =	sshrl.u32 s1, $0x2  }
0xb9: {  	s3 =	sand.u32 $0x4000, s31;
	s1 =	sadd.s32 s1, s30  }
0xba: {  	s0 =	sor.u32 s3, s0;
	s1 =	sshll.u32 s1, $0x11  }
0xbb: {  	s0 =	sor.u32 s1, s0  }
0xbc: {  	s0 =	sadd.s32 $0x8F2B, s0  }
0xbd: {  	[sflag:s0] =	ssyncadd.remote.s32 $0x1  }
0xbe: {  	_ =	sfence.sel $0xFFFF  }
0xbf: {  	[dreg:$0x0] =	wrdreg $0xFFFFFFFF;
	(pc) =	sbr.abs _section_cstart, $3  }
0xc0: {  	[dreg:$0x1] =	wrdreg $0xFFFFFFFF  }
0xc1: {  	_ =	task.clear_ibuf [dreg:s7], $0x2FFFF;
	_ =	strace $0x9FFFFFFF  }
0xc2: {  	(tm) =	ssettm $0x7FFFFFFF  }
0xc3: {  	_ =	shalt  }
tec
execute0_lowered:
.L_overlay_start_1:
0x0: {  	(tag) =	ssettag $0x1  }
0x1: {  	s2 =	rddreg [dreg:$0x0]  }
0x2: {  	s0 =	rddreg [dreg:$0x1]  }
0x3: {  	s1 =	srdreg.scid;
	s4 =	stileid.u32  }
0x4: {  	s3 =	simm.s32 $0x0;
	s13 =	simm.s32 $0x800;
	s31 =	simm.s32 $0x1  }
0x5: {  	s14 =	simm.s32 $0x2;
	s15 =	simm.s32 $0x12080;
	s16 =	simm.s32 $0x12180  }
0x6: {  	s17 =	simm.s32 $0x12280;
	s18 =	simm.s32 $0x12380;
	s19 =	simm.s32 $0x12480  }
0x7: {  	s20 =	simm.s32 $0x12580;
	s21 =	simm.s32 $0x12680;
	s22 =	simm.s32 $0x12780  }
0x8: {  	s11 =	simm.s32 $0x0;
	s1 =	sand.u32 $0x1, s1;
	s4 =	sshll.u32 s4, $0x1  }
0x9: {  	[smem:$0x7FF] =	sst s3;
	s7 =	sadd.s32 $0x100, s2;
	s5 =	sor.u32 s1, s4  }
0xa: {  	s8 =	sadd.s32 $0x200, s2;
	s9 =	sadd.s32 $0x300, s2;
	s4 =	sshll.u32 s5, $0x8  }
0xb: {  	_ =	strace $0x80000047;
	s1 =	ssub.s32 $0x2, s1;
	s6 =	sadd.s32 s4, s0  }
0xc: {  	s28 =	sshrl.u32 s1, $0x1;
	s4 =	sadd.s32 $0x20DE00, s0;
	s29 =	sadd.s32 $0x209E00, s6  }
0xd: {  	v2 =	vlaneseq.u32;
	s0 =	ssub.s32 s1, s28;
	s30 =	sadd.s32 $0x20BE00, s6;
	[dreg:$0x3] =	wrdreg s29  }
0xe: {  	vm0 =	vmmov $0xffff;
	v1 =	vshrl.u32 v2, $0x3;
	s10 =	sshll.u32 s5, $0xD;
	s0 =	smax.u32 s0, $0x1;
	[dreg:$0x4] =	wrdreg s30  }
0xf: {  	v0 =	vand.u32 $0x7, v2;
	v2 =	vor.u32 $0x8, v2;
	v1 =	vmul.u32 $0x8, v1;
	s1 =	simm.s32 $0x12700;
	[dreg:$0x5] =	wrdreg s0;
	s0 =	simm.s32 $0x12600  }
.LBB2_1:
0x10: {  	[dreg:$0x6] =	wrdreg s11  }
0x11: {  	s5 =	rddreg [dreg:$0x3];
	s6 =	simm.s32 $0x5  }
0x12: {  	[tilespmem:s3], [sflag:$0x5] =	stream.linear.gather [hbm4b:s5+s3], $0x800, $0x38;
	[tilespmem:$0x12800] =	vst v63  }
0x13: {  	_ =	swait.ge [sflag:s6], $0x800  }
0x14: {  	[sflag:s6] =	ssyncset.done $0x0  }
0x15: {  	s23 =	rddreg [dreg:$0x4];
	[sflag:s6] =	ssyncadd.s32 $0xFFFFF800  }
0x16: {  	[tilespmem:s13], [sflag:$0x5] =	stream.linear.gather [hbm4b:s23+s3], $0x800, $0x38;
	[tilespmem:$0x12800] =	vst v63  }
0x17: {  	_ =	swait.ge [sflag:s6], $0x800  }
0x18: {  	[sflag:s6] =	ssyncset.done $0x0  }
0x19: {  	[sflag:s6] =	ssyncadd.s32 $0xFFFFF800  }
0x1a: {  	v3 =	vld [tilespmem:$0x0];
	_ =	sdelay $0x4  }
0x1b: {  	v4 =	vshll.u32 v3, $0x3  }
0x1c: {  	v3 =	vand.u32 $0x7, v3;
	v4 =	vand.u32 $0xFFFFFFC0, v4  }
0x1d: {  	v3 =	vor.u32 v3, v4  }
0x1e: {  	v4 =	vperm.xlane v3, v0;
	_ =	sdelay $0x1  }
0x1f: {  	v4 =	vadd.s32 v1, v4;
	_ =	sdelay $0x3  }
0x20: {  	s24 =	simm.s32 $0x2000  }
0x21: {  	[tilespmem:s24], [sflag:$0x1] =	stream.indirect_vreg.gather [hbm4b:s2+s3], $0x80, v4, vm0, $0xb8;
	[tilespmem:$0x12800] =	vst v63  }
0x22: {  	s25 =	simm.s32 $0x2800;
	v3 =	vperm.xlane v3, v2  }
0x23: {  	[tilespmem:s25], [sflag:$0x1] =	stream.indirect_vreg.gather [hbm4b:s7+s3], $0x80, v4, vm0, $0xb8;
	[tilespmem:$0x12800] =	vst v63  }
0x24: {  	s26 =	simm.s32 $0x3000;
	v3 =	vadd.s32 v1, v3  }
0x25: {  	[tilespmem:s26], [sflag:$0x1] =	stream.indirect_vreg.gather [hbm4b:s8+s3], $0x80, v4, vm0, $0xb8;
	[tilespmem:$0x12800] =	vst v63  }
0x26: {  	s28 =	simm.s32 $0x3800  }
0x27: {  	[tilespmem:s28], [sflag:$0x1] =	stream.indirect_vreg.gather [hbm4b:s9+s3], $0x80, v4, vm0, $0xb8;
	[tilespmem:$0x12800] =	vst v63  }
0x28: {  	s29 =	simm.s32 $0x4000  }
0x29: {  	[tilespmem:s29], [sflag:$0x1] =	stream.indirect_vreg.gather [hbm4b:s2+s3], $0x80, v3, vm0, $0xb8;
	[tilespmem:$0x12800] =	vst v63  }
0x2a: {  	s30 =	simm.s32 $0x4800  }
0x2b: {  	[tilespmem:s30], [sflag:$0x1] =	stream.indirect_vreg.gather [hbm4b:s7+s3], $0x80, v3, vm0, $0xb8;
	[tilespmem:$0x12800] =	vst v63  }
0x2c: {  	s6 =	simm.s32 $0x5000  }
0x2d: {  	[tilespmem:s6], [sflag:$0x1] =	stream.indirect_vreg.gather [hbm4b:s8+s3], $0x80, v3, vm0, $0xb8;
	[tilespmem:$0x12800] =	vst v63  }
0x2e: {  	s11 =	simm.s32 $0x5800  }
0x2f: {  	[tilespmem:s11], [sflag:$0x1] =	stream.indirect_vreg.gather [hbm4b:s9+s3], $0x80, v3, vm0, $0xb8;
	[tilespmem:$0x12800] =	vst v63  }
0x30: {  	v3 =	vld [tilespmem:$0x10];
	_ =	sdelay $0x4  }
0x31: {  	v63 =	vshll.u32 v3, $0x3  }
0x32: {  	v3 =	vand.u32 $0x7, v3;
	v4 =	vand.u32 $0xFFFFFFC0, v63  }
0x33: {  	v3 =	vor.u32 v3, v4  }
0x34: {  	v4 =	vperm.xlane v3, v0;
	_ =	sdelay $0x1  }
0x35: {  	v4 =	vadd.s32 v1, v4;
	_ =	sdelay $0x3  }
0x36: {  	s12 =	simm.s32 $0x6000  }
0x37: {  	[tilespmem:s12], [sflag:$0x1] =	stream.indirect_vreg.gather [hbm4b:s2+s3], $0x80, v4, vm0, $0xb8;
	[tilespmem:$0x12800] =	vst v63  }
0x38: {  	s23 =	simm.s32 $0x6800;
	v3 =	vperm.xlane v3, v2  }
0x39: {  	[tilespmem:s23], [sflag:$0x1] =	stream.indirect_vreg.gather [hbm4b:s7+s3], $0x80, v4, vm0, $0xb8;
	[tilespmem:$0x12800] =	vst v63  }
0x3a: {  	s24 =	simm.s32 $0x7000;
	v3 =	vadd.s32 v1, v3  }
0x3b: {  	[tilespmem:s24], [sflag:$0x1] =	stream.indirect_vreg.gather [hbm4b:s8+s3], $0x80, v4, vm0, $0xb8;
	[tilespmem:$0x12800] =	vst v63  }
0x3c: {  	s25 =	simm.s32 $0x7800  }
0x3d: {  	[tilespmem:s25], [sflag:$0x1] =	stream.indirect_vreg.gather [hbm4b:s9+s3], $0x80, v4, vm0, $0xb8;
	[tilespmem:$0x12800] =	vst v63  }
0x3e: {  	s26 =	simm.s32 $0x8000  }
0x3f: {  	[tilespmem:s26], [sflag:$0x1] =	stream.indirect_vreg.gather [hbm4b:s2+s3], $0x80, v3, vm0, $0xb8;
	[tilespmem:$0x12800] =	vst v63  }
0x40: {  	s28 =	simm.s32 $0x8800  }
0x41: {  	[tilespmem:s28], [sflag:$0x1] =	stream.indirect_vreg.gather [hbm4b:s7+s3], $0x80, v3, vm0, $0xb8;
	[tilespmem:$0x12800] =	vst v63  }
0x42: {  	s29 =	simm.s32 $0x9000;
	s30 =	simm.s32 $0x9800  }
0x43: {  	[tilespmem:s29], [sflag:$0x1] =	stream.indirect_vreg.gather [hbm4b:s8+s3], $0x80, v3, vm0, $0xb8;
	[tilespmem:$0x12800] =	vst v63  }
0x44: {  	s23 =	simm.s32 $0x20;
	s24 =	simm.s32 $0x0;
	s25 =	simm.s32 $0x0  }
0x45: {  	[tilespmem:s30], [sflag:$0x1] =	stream.indirect_vreg.gather [hbm4b:s9+s3], $0x80, v3, vm0, $0xb8;
	[tilespmem:$0x12800] =	vst v63  }
.LBB2_2:
0x46: {  	_ =	swait.ge [sflag:s31], $0x8000  }
0x47: {  	s26 =	sshllo.u32 s25, $0x1;
	[sflag:s31] =	ssyncset.done $0x0  }
0x48: {  	s6 =	sshll.u32 s26, $0x5;
	[sflag:s31] =	ssyncadd.s32 $0xFFFF8000  }
0x49: {  	v3 =	vld [tilespmem:s6+$0x0];
	_ =	sdelay $0x4  }
0x4a: {  	v4 =	vshll.u32 v3, $0x3  }
0x4b: {  	v3 =	vand.u32 $0x7, v3;
	v4 =	vand.u32 $0xFFFFFFC0, v4  }
0x4c: {  	v3 =	vor.u32 v3, v4  }
0x4d: {  	v4 =	vperm.xlane v3, v0;
	_ =	sdelay $0x1  }
0x4e: {  	v4 =	vadd.s32 v1, v4;
	_ =	sdelay $0x3  }
0x4f: {  	s5 =	simm.s32 $0x0;
	s11 =	simm.s32 $0xA000  }
0x50: {  	[tilespmem:s11], [sflag:$0x2] =	stream.indirect_vreg.gather [hbm4b:s2+s5], $0x80, v4, vm0, $0xb8;
	[tilespmem:$0x12800] =	vst v63  }
0x51: {  	s30 =	simm.s32 $0xA800;
	v3 =	vperm.xlane v3, v2  }
0x52: {  	[tilespmem:s30], [sflag:$0x2] =	stream.indirect_vreg.gather [hbm4b:s7+s5], $0x80, v4, vm0, $0xb8;
	[tilespmem:$0x12800] =	vst v63  }
0x53: {  	s12 =	simm.s32 $0xB000;
	v3 =	vadd.s32 v1, v3  }
0x54: {  	[tilespmem:s12], [sflag:$0x2] =	stream.indirect_vreg.gather [hbm4b:s8+s5], $0x80, v4, vm0, $0xb8;
	[tilespmem:$0x12800] =	vst v63  }
0x55: {  	s29 =	simm.s32 $0xB800  }
0x56: {  	[tilespmem:s29], [sflag:$0x2] =	stream.indirect_vreg.gather [hbm4b:s9+s5], $0x80, v4, vm0, $0xb8;
	[tilespmem:$0x12800] =	vst v63  }
0x57: {  	s30 =	simm.s32 $0xC000  }
0x58: {  	[tilespmem:s30], [sflag:$0x2] =	stream.indirect_vreg.gather [hbm4b:s2+s5], $0x80, v3, vm0, $0xb8;
	[tilespmem:$0x12800] =	vst v63  }
0x59: {  	s12 =	simm.s32 $0xC800  }
0x5a: {  	[tilespmem:s12], [sflag:$0x2] =	stream.indirect_vreg.gather [hbm4b:s7+s5], $0x80, v3, vm0, $0xb8;
	[tilespmem:$0x12800] =	vst v63  }
0x5b: {  	s29 =	simm.s32 $0xD000  }
0x5c: {  	[tilespmem:s29], [sflag:$0x2] =	stream.indirect_vreg.gather [hbm4b:s8+s5], $0x80, v3, vm0, $0xb8;
	[tilespmem:$0x12800] =	vst v63  }
0x5d: {  	s30 =	simm.s32 $0xD800  }
0x5e: {  	[tilespmem:s30], [sflag:$0x2] =	stream.indirect_vreg.gather [hbm4b:s9+s5], $0x80, v3, vm0, $0xb8;
	[tilespmem:$0x12800] =	vst v63  }
0x5f: {  	v3 =	vld [tilespmem:s6+$0x10];
	_ =	sdelay $0x4  }
0x60: {  	v4 =	vshll.u32 v3, $0x3  }
0x61: {  	v3 =	vand.u32 $0x7, v3;
	v4 =	vand.u32 $0xFFFFFFC0, v4  }
0x62: {  	v3 =	vor.u32 v3, v4  }
0x63: {  	v4 =	vperm.xlane v3, v0;
	_ =	sdelay $0x1  }
0x64: {  	v4 =	vadd.s32 v1, v4;
	_ =	sdelay $0x3  }
0x65: {  	s11 =	simm.s32 $0xE000  }
0x66: {  	[tilespmem:s11], [sflag:$0x2] =	stream.indirect_vreg.gather [hbm4b:s2+s5], $0x80, v4, vm0, $0xb8;
	[tilespmem:$0x12800] =	vst v63  }
0x67: {  	s12 =	simm.s32 $0xE800;
	v3 =	vperm.xlane v3, v2  }
0x68: {  	[tilespmem:s12], [sflag:$0x2] =	stream.indirect_vreg.gather [hbm4b:s7+s5], $0x80, v4, vm0, $0xb8;
	[tilespmem:$0x12800] =	vst v63  }
0x69: {  	s29 =	simm.s32 $0xF000;
	v3 =	vadd.s32 v1, v3  }
0x6a: {  	[tilespmem:s29], [sflag:$0x2] =	stream.indirect_vreg.gather [hbm4b:s8+s5], $0x80, v4, vm0, $0xb8;
	[tilespmem:$0x12800] =	vst v63  }
0x6b: {  	s30 =	simm.s32 $0xF800  }
0x6c: {  	[tilespmem:s30], [sflag:$0x2] =	stream.indirect_vreg.gather [hbm4b:s9+s5], $0x80, v4, vm0, $0xb8;
	[tilespmem:$0x12800] =	vst v63  }
0x6d: {  	s11 =	simm.s32 $0x10000  }
0x6e: {  	[tilespmem:s11], [sflag:$0x2] =	stream.indirect_vreg.gather [hbm4b:s2+s5], $0x80, v3, vm0, $0xb8;
	[tilespmem:$0x12800] =	vst v63  }
0x6f: {  	s12 =	simm.s32 $0x10800  }
0x70: {  	v4 =	vmov s24;
	[tilespmem:s12], [sflag:$0x2] =	stream.indirect_vreg.gather [hbm4b:s7+s5], $0x80, v3, vm0, $0xb8;
	[tilespmem:$0x12800] =	vst v63  }
0x71: {  	s29 =	simm.s32 $0x11000  }
0x72: {  	[tilespmem:s29], [sflag:$0x2] =	stream.indirect_vreg.gather [hbm4b:s8+s5], $0x80, v3, vm0, $0xb8;
	[tilespmem:$0x12800] =	vst v63  }
0x73: {  	s30 =	simm.s32 $0x11800  }
0x74: {  	[tilespmem:s30], [sflag:$0x2] =	stream.indirect_vreg.gather [hbm4b:s9+s5], $0x80, v3, vm0, $0xb8;
	[tilespmem:$0x12800] =	vst v63  }
0x75: {  	s11 =	sadd.s32 $0x1, s24;
	v3 =	vld.idx.msk [tilespmem:v4+s13+$0x0], $0xffff  }
0x76: {  	s28 =	simm.s32 $0x400;
	s6 =	simm.s32 $0x200;
	v4 =	vmov s11  }
.LBB2_3:
0x77: {  	p0 =	sne.s32 s28, $0x3E00;
	_ =	sdelay $0x1  }
.Ltmp0:
0x78: {  	s29 =	sshra.s32 s5, $0x2;
	s5 =	smov.u32 s6;
	(pc) =	sbr.rel @p0 .LBB2_3-.Ltmp0, $4  }
0x79: {  	s6 =	smov.u32 s28;
	[tilespmem:s29+$0x1000] =	vst v3  }
0x7a: {  	v3 =	vld.idx.msk [tilespmem:v4+s13+$0x0], $0xffff  }
0x7b: {  	s11 =	sadd.s32 $0x1, s11  }
0x7c: {  	s28 =	sadd.s32 $0x200, s28;
	v4 =	vmov s11  }
0x7d: {  	_ =	sdelay $0x1  }
0x7e: {  	s5 =	sshra.s32 s5, $0x2  }
0x7f: {  	[tilespmem:s5+$0x1000] =	vst v3  }
0x80: {  	v3 =	vld.idx.msk [tilespmem:v4+s13+$0x0], $0xffff;
	_ =	sdelay $0x3  }
0x81: {  	s12 =	sshra.s32 s6, $0x2  }
0x82: {  	[tilespmem:s12+$0x1000] =	vst v3  }
0x83: {  	v33 =	vld [tilespmem:$0x1000]  }
0x84: {  	v34 =	vld [tilespmem:$0x1080]  }
0x85: {  	v32 =	vld [tilespmem:$0x1100]  }
0x86: {  	v31 =	vld [tilespmem:$0x1180]  }
0x87: {  	v30 =	vld [tilespmem:$0x1200]  }
0x88: {  	v29 =	vld [tilespmem:$0x1280]  }
0x89: {  	v28 =	vld [tilespmem:$0x1300]  }
0x8a: {  	v27 =	vld [tilespmem:$0x1380]  }
0x8b: {  	v26 =	vld [tilespmem:$0x1400]  }
0x8c: {  	v25 =	vld [tilespmem:$0x1480]  }
0x8d: {  	v24 =	vld [tilespmem:$0x1500]  }
0x8e: {  	v23 =	vld [tilespmem:$0x1580]  }
0x8f: {  	v22 =	vld [tilespmem:$0x1600]  }
0x90: {  	v21 =	vld [tilespmem:$0x1680]  }
0x91: {  	v20 =	vld [tilespmem:$0x1700]  }
0x92: {  	v19 =	vld [tilespmem:$0x1780]  }
0x93: {  	v18 =	vld [tilespmem:$0x1800]  }
0x94: {  	v17 =	vld [tilespmem:$0x1880]  }
0x95: {  	v16 =	vld [tilespmem:$0x1900]  }
0x96: {  	v15 =	vld [tilespmem:$0x1980]  }
0x97: {  	v14 =	vld [tilespmem:$0x1A00]  }
0x98: {  	v13 =	vld [tilespmem:$0x1A80]  }
0x99: {  	v12 =	vld [tilespmem:$0x1B00]  }
0x9a: {  	v11 =	vld [tilespmem:$0x1B80]  }
0x9b: {  	v10 =	vld [tilespmem:$0x1C00]  }
0x9c: {  	v9 =	vld [tilespmem:$0x1C80]  }
0x9d: {  	v8 =	vld [tilespmem:$0x1D00]  }
0x9e: {  	v7 =	vld [tilespmem:$0x1D80]  }
0x9f: {  	v6 =	vld [tilespmem:$0x1E00]  }
0xa0: {  	p0 =	seq.s32 s25, $0x0;
	v5 =	vld [tilespmem:$0x1E80]  }
0xa1: {  	s6 =	simm.s32 @!p0 $0x3;
	v3 =	vld [tilespmem:$0x1F00]  }
0xa2: {  	s5 =	simm.s32 $0x0;
	v4 =	vld [tilespmem:$0x1F80];
	_ =	swait.ge @!p0 [sflag:s6], $0x400  }
0xa3: {  	s28 =	sand.u32 $0x70, s5;
	s29 =	sand.u32 $0x1C00, s5;
	[sflag:s6] =	ssyncset.done @!p0 $0x0  }
0xa4: {  	s30 =	sor.u32 s28, s29;
	[sflag:s6] =	ssyncadd.s32 @!p0 $0xFFFFFC00;
	s6 =	simm.s32 $0x80  }
.LBB2_5:
0xa5: {  	p1 =	sne.s32 s6, $0x1F80;
	v35 =	vld [tilespmem:s30+$0x2000]  }
0xa6: {  	v36 =	vld [tilespmem:s30+$0x2080];
	_ =	sdelay $0x1  }
0xa7: {  	v37 =	vld [tilespmem:s30+$0x2100];
	_ =	sdelay $0x1  }
0xa8: {  	v38 =	vld [tilespmem:s30+$0x2180]  }
0xa9: {  	v35 =	vmul.f32 v35, v33;
	v36 =	vmul.f32 v36, v34  }
0xaa: {  	v39 =	vld [tilespmem:s30+$0x2200]  }
0xab: {  	v35 =	vadd.f32 v36, v35;
	v36 =	vmul.f32 v37, v32  }
0xac: {  	v37 =	vld [tilespmem:s30+$0x2280]  }
0xad: {  	v35 =	vadd.f32 v36, v35;
	v36 =	vmul.f32 v38, v31  }
0xae: {  	v38 =	vld [tilespmem:s30+$0x2300]  }
0xaf: {  	v35 =	vadd.f32 v36, v35;
	v36 =	vmul.f32 v39, v30  }
0xb0: {  	v39 =	vld [tilespmem:s30+$0x2380]  }
0xb1: {  	v35 =	vadd.f32 v36, v35;
	v36 =	vmul.f32 v37, v29  }
0xb2: {  	v37 =	vld [tilespmem:s30+$0x4000]  }
0xb3: {  	v35 =	vadd.f32 v36, v35;
	v36 =	vmul.f32 v38, v28  }
0xb4: {  	v38 =	vld [tilespmem:s30+$0x4080]  }
0xb5: {  	v35 =	vadd.f32 v36, v35;
	v36 =	vmul.f32 v39, v27  }
0xb6: {  	v39 =	vld [tilespmem:s30+$0x4100]  }
0xb7: {  	v35 =	vadd.f32 v36, v35;
	v36 =	vmul.f32 v37, v26  }
0xb8: {  	v37 =	vld [tilespmem:s30+$0x4180]  }
0xb9: {  	v35 =	vadd.f32 v36, v35;
	v36 =	vmul.f32 v38, v25  }
0xba: {  	v38 =	vld [tilespmem:s30+$0x4200]  }
0xbb: {  	v35 =	vadd.f32 v36, v35;
	v36 =	vmul.f32 v39, v24  }
0xbc: {  	v39 =	vld [tilespmem:s30+$0x4280]  }
0xbd: {  	v35 =	vadd.f32 v36, v35;
	v36 =	vmul.f32 v37, v23  }
0xbe: {  	v37 =	vld [tilespmem:s30+$0x4300]  }
0xbf: {  	v35 =	vadd.f32 v36, v35;
	v36 =	vmul.f32 v38, v22  }
0xc0: {  	v38 =	vld [tilespmem:s30+$0x4380]  }
0xc1: {  	v35 =	vadd.f32 v36, v35;
	v36 =	vmul.f32 v39, v21  }
0xc2: {  	v39 =	vld [tilespmem:s30+$0x6000]  }
0xc3: {  	v35 =	vadd.f32 v36, v35;
	v36 =	vmul.f32 v37, v20  }
0xc4: {  	v37 =	vld [tilespmem:s30+$0x6080]  }
0xc5: {  	v35 =	vadd.f32 v36, v35;
	v36 =	vmul.f32 v38, v19  }
0xc6: {  	v38 =	vld [tilespmem:s30+$0x6100]  }
0xc7: {  	v35 =	vadd.f32 v36, v35;
	v36 =	vmul.f32 v39, v18  }
0xc8: {  	v39 =	vld [tilespmem:s30+$0x6180]  }
0xc9: {  	v35 =	vadd.f32 v36, v35;
	v36 =	vmul.f32 v37, v17  }
0xca: {  	v37 =	vld [tilespmem:s30+$0x6200]  }
0xcb: {  	v35 =	vadd.f32 v36, v35;
	v36 =	vmul.f32 v38, v16  }
0xcc: {  	v38 =	vld [tilespmem:s30+$0x6280]  }
0xcd: {  	v35 =	vadd.f32 v36, v35;
	v36 =	vmul.f32 v39, v15  }
0xce: {  	v39 =	vld [tilespmem:s30+$0x6300]  }
0xcf: {  	v35 =	vadd.f32 v36, v35;
	v36 =	vmul.f32 v37, v14  }
0xd0: {  	v37 =	vld [tilespmem:s30+$0x6380]  }
0xd1: {  	v35 =	vadd.f32 v36, v35;
	v36 =	vmul.f32 v38, v13  }
0xd2: {  	v38 =	vld [tilespmem:s30+$0x8000]  }
0xd3: {  	v35 =	vadd.f32 v36, v35;
	v36 =	vmul.f32 v39, v12  }
0xd4: {  	v39 =	vld [tilespmem:s30+$0x8080]  }
0xd5: {  	v35 =	vadd.f32 v36, v35;
	v36 =	vmul.f32 v37, v11  }
0xd6: {  	v37 =	vld [tilespmem:s30+$0x8100]  }
0xd7: {  	v35 =	vadd.f32 v36, v35;
	v36 =	vmul.f32 v38, v10  }
0xd8: {  	v38 =	vld [tilespmem:s30+$0x8180]  }
0xd9: {  	v35 =	vadd.f32 v36, v35;
	v36 =	vmul.f32 v39, v9  }
0xda: {  	v39 =	vld [tilespmem:s30+$0x8200]  }
0xdb: {  	v35 =	vadd.f32 v36, v35;
	v36 =	vmul.f32 v37, v8  }
0xdc: {  	v37 =	vld [tilespmem:s30+$0x8280]  }
0xdd: {  	v35 =	vadd.f32 v36, v35;
	v36 =	vmul.f32 v38, v7  }
0xde: {  	v38 =	vld [tilespmem:s30+$0x8300]  }
0xdf: {  	v35 =	vadd.f32 v36, v35;
	v36 =	vmul.f32 v39, v6  }
0xe0: {  	v39 =	vld [tilespmem:s30+$0x8380]  }
0xe1: {  	v35 =	vadd.f32 v36, v35;
	v36 =	vmul.f32 v37, v5;
	_ =	sdelay $0x1  }
0xe2: {  	v35 =	vadd.f32 v36, v35;
	v36 =	vmul.f32 v38, v3;
	_ =	sdelay $0x1  }
.Ltmp1:
0xe3: {  	v35 =	vadd.f32 v36, v35;
	v36 =	vmul.f32 v39, v4;
	(pc) =	sbr.rel @p1 .LBB2_5-.Ltmp1, $4  }
0xe4: {  	_ = 	snop  }
0xe5: {  	s11 =	sshrl.u32 s29, $0x2;
	s5 =	sadd.s32 $0x10, s5;
	v35 =	vadd.f32 v36, v35  }
0xe6: {  	s29 =	sand.u32 $0x1C00, s6;
	s11 =	sor.u32 s28, s11;
	s28 =	sand.u32 $0x70, s5  }
0xe7: {  	s6 =	sadd.s32 $0x80, s6;
	s30 =	sor.u32 s28, s29;
	[tilespmem:s11+$0x12000] =	vst v35  }
0xe8: {  	v35 =	vld [tilespmem:s30+$0x2000]  }
0xe9: {  	v36 =	vld [tilespmem:s30+$0x2080];
	_ =	sdelay $0x1  }
0xea: {  	v37 =	vld [tilespmem:s30+$0x2100];
	_ =	sdelay $0x1  }
0xeb: {  	v38 =	vld [tilespmem:s30+$0x2180]  }
0xec: {  	v33 =	vmul.f32 v35, v33;
	v34 =	vmul.f32 v36, v34  }
0xed: {  	v36 =	vld [tilespmem:s30+$0x2200]  }
0xee: {  	v32 =	vmul.f32 v37, v32;
	v33 =	vadd.f32 v34, v33  }
0xef: {  	v37 =	vld [tilespmem:s30+$0x2280]  }
0xf0: {  	v31 =	vmul.f32 v38, v31;
	v32 =	vadd.f32 v32, v33  }
0xf1: {  	v38 =	vld [tilespmem:s30+$0x2300]  }
0xf2: {  	v30 =	vmul.f32 v36, v30;
	v31 =	vadd.f32 v31, v32  }
0xf3: {  	v39 =	vld [tilespmem:s30+$0x2380]  }
0xf4: {  	v29 =	vmul.f32 v37, v29;
	v30 =	vadd.f32 v30, v31  }
0xf5: {  	v40 =	vld [tilespmem:s30+$0x4000]  }
0xf6: {  	v28 =	vmul.f32 v38, v28;
	v29 =	vadd.f32 v29, v30  }
0xf7: {  	v41 =	vld [tilespmem:s30+$0x4080]  }
0xf8: {  	v27 =	vmul.f32 v39, v27;
	v28 =	vadd.f32 v28, v29  }
0xf9: {  	v42 =	vld [tilespmem:s30+$0x4100]  }
0xfa: {  	v26 =	vmul.f32 v40, v26;
	v27 =	vadd.f32 v27, v28  }
0xfb: {  	v43 =	vld [tilespmem:s30+$0x4180]  }
0xfc: {  	v25 =	vmul.f32 v41, v25;
	v26 =	vadd.f32 v26, v27  }
0xfd: {  	v44 =	vld [tilespmem:s30+$0x4200]  }
0xfe: {  	v24 =	vmul.f32 v42, v24;
	v25 =	vadd.f32 v25, v26  }
0xff: {  	v45 =	vld [tilespmem:s30+$0x4280]  }
0x100: {  	v23 =	vmul.f32 v43, v23;
	v24 =	vadd.f32 v24, v25  }
0x101: {  	v46 =	vld [tilespmem:s30+$0x4300]  }
0x102: {  	v22 =	vmul.f32 v44, v22;
	v23 =	vadd.f32 v23, v24  }
0x103: {  	v47 =	vld [tilespmem:s30+$0x4380]  }
0x104: {  	v21 =	vmul.f32 v45, v21;
	v22 =	vadd.f32 v22, v23  }
0x105: {  	v48 =	vld [tilespmem:s30+$0x6000]  }
0x106: {  	v20 =	vmul.f32 v46, v20;
	v21 =	vadd.f32 v21, v22  }
0x107: {  	v49 =	vld [tilespmem:s30+$0x6080]  }
0x108: {  	v19 =	vmul.f32 v47, v19;
	v20 =	vadd.f32 v20, v21  }
0x109: {  	v50 =	vld [tilespmem:s30+$0x6100]  }
0x10a: {  	v18 =	vmul.f32 v48, v18;
	v19 =	vadd.f32 v19, v20  }
0x10b: {  	v51 =	vld [tilespmem:s30+$0x6180]  }
0x10c: {  	v17 =	vmul.f32 v49, v17;
	v18 =	vadd.f32 v18, v19  }
0x10d: {  	v52 =	vld [tilespmem:s30+$0x6200]  }
0x10e: {  	v16 =	vmul.f32 v50, v16;
	v17 =	vadd.f32 v17, v18  }
0x10f: {  	v53 =	vld [tilespmem:s30+$0x6280]  }
0x110: {  	v15 =	vmul.f32 v51, v15;
	v16 =	vadd.f32 v16, v17  }
0x111: {  	v54 =	vld [tilespmem:s30+$0x6300]  }
0x112: {  	v14 =	vmul.f32 v52, v14;
	v15 =	vadd.f32 v15, v16  }
0x113: {  	v55 =	vld [tilespmem:s30+$0x6380]  }
0x114: {  	v13 =	vmul.f32 v53, v13;
	v14 =	vadd.f32 v14, v15  }
0x115: {  	v56 =	vld [tilespmem:s30+$0x8000]  }
0x116: {  	v12 =	vmul.f32 v54, v12;
	v13 =	vadd.f32 v13, v14  }
0x117: {  	v57 =	vld [tilespmem:s30+$0x8080]  }
0x118: {  	v11 =	vmul.f32 v55, v11;
	v12 =	vadd.f32 v12, v13  }
0x119: {  	v58 =	vld [tilespmem:s30+$0x8100]  }
0x11a: {  	v10 =	vmul.f32 v56, v10;
	v11 =	vadd.f32 v11, v12  }
0x11b: {  	v59 =	vld [tilespmem:s30+$0x8180]  }
0x11c: {  	v9 =	vmul.f32 v57, v9;
	v10 =	vadd.f32 v10, v11  }
0x11d: {  	v60 =	vld [tilespmem:s30+$0x8200]  }
0x11e: {  	v8 =	vmul.f32 v58, v8;
	v9 =	vadd.f32 v9, v10  }
0x11f: {  	v61 =	vld [tilespmem:s30+$0x8280]  }
0x120: {  	v7 =	vmul.f32 v59, v7;
	v8 =	vadd.f32 v8, v9  }
0x121: {  	v62 =	vld [tilespmem:s30+$0x8300]  }
0x122: {  	v6 =	vmul.f32 v60, v6;
	v7 =	vadd.f32 v7, v8  }
0x123: {  	v63 =	vld [tilespmem:s30+$0x8380]  }
0x124: {  	v5 =	vmul.f32 v61, v5;
	v6 =	vadd.f32 v6, v7;
	_ =	sdelay $0x1  }
0x125: {  	v3 =	vmul.f32 v62, v3;
	v5 =	vadd.f32 v5, v6;
	_ =	sdelay $0x1  }
0x126: {  	v4 =	vmul.f32 v63, v4;
	v3 =	vadd.f32 v3, v5  }
0x127: {  	s5 =	sshll.u32 s25, $0x8;
	s6 =	sshll.u32 s25, $0x5  }
0x128: {  	s11 =	sshrl.u32 s29, $0x2;
	s29 =	sand.u32 $0x1C00, s5;
	s6 =	sand.u32 $0x60, s6;
	v3 =	vadd.f32 v4, v3  }
0x129: {  	s11 =	sor.u32 s28, s11;
	s28 =	sor.u32 s10, s29;
	s6 =	sadd.s32 s4, s6  }
0x12a: {  	s12 =	simm.s32 $0x12000;
	s6 =	sadd.s32 s28, s6;
	[tilespmem:s11+$0x12000] =	vst v3  }
0x12b: {  	[hbm4b:s6+s3] =	stream.linear.scatter [tilespmem:s12], [sflag:$0x3], $0x80, $0x38;
	[tilespmem:$0x12800] =	vst v63  }
0x12c: {  	s30 =	sadd.s32 $0x80, s6;
	s12 =	simm.s32 $0x12100  }
0x12d: {  	[hbm4b:s30+s3] =	stream.linear.scatter [tilespmem:s12], [sflag:$0x3], $0x80, $0x38;
	[tilespmem:$0x12800] =	vst v63  }
0x12e: {  	s12 =	sadd.s32 $0x100, s6;
	s30 =	simm.s32 $0x12200  }
0x12f: {  	[hbm4b:s12+s3] =	stream.linear.scatter [tilespmem:s30], [sflag:$0x3], $0x80, $0x38;
	[tilespmem:$0x12800] =	vst v63  }
0x130: {  	s12 =	sadd.s32 $0x180, s6;
	s30 =	simm.s32 $0x12300  }
0x131: {  	[hbm4b:s12+s3] =	stream.linear.scatter [tilespmem:s30], [sflag:$0x3], $0x80, $0x38;
	[tilespmem:$0x12800] =	vst v63  }
0x132: {  	s12 =	sadd.s32 $0x200, s6;
	s30 =	simm.s32 $0x12400  }
0x133: {  	[hbm4b:s12+s3] =	stream.linear.scatter [tilespmem:s30], [sflag:$0x3], $0x80, $0x38;
	[tilespmem:$0x12800] =	vst v63  }
0x134: {  	s12 =	sadd.s32 $0x280, s6;
	s30 =	simm.s32 $0x12500  }
0x135: {  	[hbm4b:s12+s3] =	stream.linear.scatter [tilespmem:s30], [sflag:$0x3], $0x80, $0x38;
	[tilespmem:$0x12800] =	vst v63  }
0x136: {  	s30 =	sadd.s32 $0x300, s6  }
0x137: {  	[hbm4b:s30+s3] =	stream.linear.scatter [tilespmem:s0], [sflag:$0x3], $0x80, $0x38;
	[tilespmem:$0x12800] =	vst v63  }
0x138: {  	s6 =	sadd.s32 $0x380, s6  }
0x139: {  	[hbm4b:s6+s3] =	stream.linear.scatter [tilespmem:s1], [sflag:$0x3], $0x80, $0x38;
	[tilespmem:$0x12800] =	vst v63  }
0x13a: {  	_ =	swait.ge [sflag:s14], $0x8000  }
0x13b: {  	p1 =	seq.s32 s25, $0x1F;
	[sflag:s14] =	ssyncset.done $0x0  }
0x13c: {  	s5 =	sshrl.u32 @!p1 s5, $0x2;
	[sflag:s14] =	ssyncadd.s32 $0xFFFF8000  }
0x13d: {  	v3 =	vld @!p1 [tilespmem:s5+$0x40];
	_ =	sdelay $0x4  }
0x13e: {  	v4 =	vshll.u32 @!p1 v3, $0x3  }
0x13f: {  	v5 =	vlaneseq.u32 @!p1;
	v3 =	vand.u32 @!p1 $0x7, v3;
	v4 =	vand.u32 @!p1 $0xFFFFFFC0, v4  }
0x140: {  	v6 =	vshrl.u32 @!p1 v5, $0x3;
	v3 =	vor.u32 @!p1 v3, v4;
	v4 =	vand.u32 @!p1 $0x7, v5  }
0x141: {  	v6 =	vmul.u32 @!p1 $0x8, v6;
	v7 =	vperm.xlane @!p1 v3, v4;
	_ =	sdelay $0x1  }
0x142: {  	v7 =	vadd.s32 @!p1 v6, v7;
	_ =	sdelay $0x3  }
0x143: {  	vm1 =	vmmov @!p1 $0xffff;
	s11 =	simm.s32 @!p1 $0x2000;
	s6 =	simm.s32 @!p1 $0x0  }
0x144: {  	v5 =	vor.u32 @!p1 $0x8, v5;
	[tilespmem:s11], [sflag:$0x1] =	stream.indirect_vreg.gather @!p1 [hbm4b:s2+s6], $0x80, v7, vm1, $0xb8;
	[tilespmem:$0x12800] =	vst v63  }
0x145: {  	v3 =	vperm.xlane @!p1 v3, v5;
	s11 =	simm.s32 @!p1 $0x2800  }
0x146: {  	[tilespmem:s11], [sflag:$0x1] =	stream.indirect_vreg.gather @!p1 [hbm4b:s7+s6], $0x80, v7, vm1, $0xb8;
	[tilespmem:$0x12800] =	vst v63  }
0x147: {  	v3 =	vadd.s32 @!p1 v6, v3;
	s11 =	simm.s32 @!p1 $0x3000  }
0x148: {  	[tilespmem:s11], [sflag:$0x1] =	stream.indirect_vreg.gather @!p1 [hbm4b:s8+s6], $0x80, v7, vm1, $0xb8;
	[tilespmem:$0x12800] =	vst v63  }
0x149: {  	s11 =	simm.s32 @!p1 $0x3800  }
0x14a: {  	[tilespmem:s11], [sflag:$0x1] =	stream.indirect_vreg.gather @!p1 [hbm4b:s9+s6], $0x80, v7, vm1, $0xb8;
	[tilespmem:$0x12800] =	vst v63  }
0x14b: {  	s11 =	simm.s32 @!p1 $0x4000  }
0x14c: {  	[tilespmem:s11], [sflag:$0x1] =	stream.indirect_vreg.gather @!p1 [hbm4b:s2+s6], $0x80, v3, vm1, $0xb8;
	[tilespmem:$0x12800] =	vst v63  }
0x14d: {  	s11 =	simm.s32 @!p1 $0x4800  }
0x14e: {  	[tilespmem:s11], [sflag:$0x1] =	stream.indirect_vreg.gather @!p1 [hbm4b:s7+s6], $0x80, v3, vm1, $0xb8;
	[tilespmem:$0x12800] =	vst v63  }
0x14f: {  	s11 =	simm.s32 @!p1 $0x5000  }
0x150: {  	[tilespmem:s11], [sflag:$0x1] =	stream.indirect_vreg.gather @!p1 [hbm4b:s8+s6], $0x80, v3, vm1, $0xb8;
	[tilespmem:$0x12800] =	vst v63  }
0x151: {  	s11 =	simm.s32 @!p1 $0x5800  }
0x152: {  	[tilespmem:s11], [sflag:$0x1] =	stream.indirect_vreg.gather @!p1 [hbm4b:s9+s6], $0x80, v3, vm1, $0xb8;
	[tilespmem:$0x12800] =	vst v63  }
0x153: {  	v3 =	vld @!p1 [tilespmem:s5+$0x50];
	_ =	sdelay $0x4  }
0x154: {  	v7 =	vshll.u32 @!p1 v3, $0x3  }
0x155: {  	v3 =	vand.u32 @!p1 $0x7, v3;
	v7 =	vand.u32 @!p1 $0xFFFFFFC0, v7  }
0x156: {  	v3 =	vor.u32 @!p1 v3, v7  }
0x157: {  	v4 =	vperm.xlane @!p1 v3, v4;
	_ =	sdelay $0x1  }
0x158: {  	v4 =	vadd.s32 @!p1 v6, v4;
	_ =	sdelay $0x3  }
0x159: {  	s5 =	simm.s32 @!p1 $0x6000  }
0x15a: {  	[tilespmem:s5], [sflag:$0x1] =	stream.indirect_vreg.gather @!p1 [hbm4b:s2+s6], $0x80, v4, vm1, $0xb8;
	[tilespmem:$0x12800] =	vst v63  }
0x15b: {  	v3 =	vperm.xlane @!p1 v3, v5;
	s5 =	simm.s32 @!p1 $0x6800  }
0x15c: {  	[tilespmem:s5], [sflag:$0x1] =	stream.indirect_vreg.gather @!p1 [hbm4b:s7+s6], $0x80, v4, vm1, $0xb8;
	[tilespmem:$0x12800] =	vst v63  }
0x15d: {  	v3 =	vadd.s32 @!p1 v6, v3;
	s5 =	simm.s32 @!p1 $0x7000  }
0x15e: {  	[tilespmem:s5], [sflag:$0x1] =	stream.indirect_vreg.gather @!p1 [hbm4b:s8+s6], $0x80, v4, vm1, $0xb8;
	[tilespmem:$0x12800] =	vst v63  }
0x15f: {  	s5 =	simm.s32 @!p1 $0x7800  }
0x160: {  	[tilespmem:s5], [sflag:$0x1] =	stream.indirect_vreg.gather @!p1 [hbm4b:s9+s6], $0x80, v4, vm1, $0xb8;
	[tilespmem:$0x12800] =	vst v63  }
0x161: {  	s5 =	simm.s32 @!p1 $0x8000  }
0x162: {  	[tilespmem:s5], [sflag:$0x1] =	stream.indirect_vreg.gather @!p1 [hbm4b:s2+s6], $0x80, v3, vm1, $0xb8;
	[tilespmem:$0x12800] =	vst v63  }
0x163: {  	s5 =	simm.s32 @!p1 $0x8800  }
0x164: {  	v4 =	vmov s23;
	[tilespmem:s5], [sflag:$0x1] =	stream.indirect_vreg.gather @!p1 [hbm4b:s7+s6], $0x80, v3, vm1, $0xb8;
	[tilespmem:$0x12800] =	vst v63  }
0x165: {  	s5 =	simm.s32 @!p1 $0x9000  }
0x166: {  	[tilespmem:s5], [sflag:$0x1] =	stream.indirect_vreg.gather @!p1 [hbm4b:s8+s6], $0x80, v3, vm1, $0xb8;
	[tilespmem:$0x12800] =	vst v63  }
0x167: {  	s5 =	simm.s32 @!p1 $0x9800  }
0x168: {  	[tilespmem:s5], [sflag:$0x1] =	stream.indirect_vreg.gather @!p1 [hbm4b:s9+s6], $0x80, v3, vm1, $0xb8;
	[tilespmem:$0x12800] =	vst v63  }
0x169: {  	s5 =	sadd.s32 $0x1, s23;
	v3 =	vld.idx.msk [tilespmem:v4+s13+$0x0], $0xffff  }
0x16a: {  	s29 =	simm.s32 $0x400;
	s11 =	simm.s32 $0x200;
	s6 =	simm.s32 $0x0;
	v4 =	vmov s5  }
.LBB2_7:
0x16b: {  	p1 =	sne.s32 s29, $0x3E00;
	_ =	sdelay $0x1  }
.Ltmp2:
0x16c: {  	s30 =	sshra.s32 s6, $0x2;
	s6 =	smov.u32 s11;
	(pc) =	sbr.rel @p1 .LBB2_7-.Ltmp2, $4  }
0x16d: {  	s11 =	smov.u32 s29;
	[tilespmem:s30+$0x1000] =	vst v3  }
0x16e: {  	v3 =	vld.idx.msk [tilespmem:v4+s13+$0x0], $0xffff  }
0x16f: {  	s5 =	sadd.s32 $0x1, s5  }
0x170: {  	s29 =	sadd.s32 $0x200, s29;
	v4 =	vmov s5  }
0x171: {  	_ =	sdelay $0x1  }
0x172: {  	s5 =	sshra.s32 s6, $0x2  }
0x173: {  	[tilespmem:s5+$0x1000] =	vst v3  }
0x174: {  	v3 =	vld.idx.msk [tilespmem:v4+s13+$0x0], $0xffff;
	_ =	sdelay $0x3  }
0x175: {  	s12 =	sshra.s32 s11, $0x2  }
0x176: {  	[tilespmem:s12+$0x1000] =	vst v3  }
0x177: {  	v33 =	vld [tilespmem:$0x1000]  }
0x178: {  	v34 =	vld [tilespmem:$0x1080]  }
0x179: {  	v32 =	vld [tilespmem:$0x1100]  }
0x17a: {  	v31 =	vld [tilespmem:$0x1180]  }
0x17b: {  	v30 =	vld [tilespmem:$0x1200]  }
0x17c: {  	v29 =	vld [tilespmem:$0x1280]  }
0x17d: {  	v28 =	vld [tilespmem:$0x1300]  }
0x17e: {  	v27 =	vld [tilespmem:$0x1380]  }
0x17f: {  	v26 =	vld [tilespmem:$0x1400]  }
0x180: {  	v25 =	vld [tilespmem:$0x1480]  }
0x181: {  	v24 =	vld [tilespmem:$0x1500]  }
0x182: {  	v23 =	vld [tilespmem:$0x1580]  }
0x183: {  	v22 =	vld [tilespmem:$0x1600]  }
0x184: {  	v21 =	vld [tilespmem:$0x1680]  }
0x185: {  	v20 =	vld [tilespmem:$0x1700]  }
0x186: {  	v19 =	vld [tilespmem:$0x1780]  }
0x187: {  	v18 =	vld [tilespmem:$0x1800]  }
0x188: {  	v17 =	vld [tilespmem:$0x1880]  }
0x189: {  	v16 =	vld [tilespmem:$0x1900]  }
0x18a: {  	v15 =	vld [tilespmem:$0x1980]  }
0x18b: {  	v14 =	vld [tilespmem:$0x1A00]  }
0x18c: {  	v13 =	vld [tilespmem:$0x1A80]  }
0x18d: {  	v12 =	vld [tilespmem:$0x1B00]  }
0x18e: {  	v11 =	vld [tilespmem:$0x1B80]  }
0x18f: {  	v10 =	vld [tilespmem:$0x1C00]  }
0x190: {  	v9 =	vld [tilespmem:$0x1C80]  }
0x191: {  	v8 =	vld [tilespmem:$0x1D00]  }
0x192: {  	v7 =	vld [tilespmem:$0x1D80]  }
0x193: {  	v6 =	vld [tilespmem:$0x1E00]  }
0x194: {  	v5 =	vld [tilespmem:$0x1E80]  }
0x195: {  	s5 =	simm.s32 @!p0 $0x4;
	v4 =	vld [tilespmem:$0x1F00]  }
0x196: {  	s6 =	simm.s32 $0x0;
	v3 =	vld [tilespmem:$0x1F80];
	_ =	swait.ge @!p0 [sflag:s5], $0x400  }
0x197: {  	s29 =	sand.u32 $0x70, s6;
	s30 =	sand.u32 $0x1C00, s6;
	[sflag:s5] =	ssyncset.done @!p0 $0x0  }
0x198: {  	s11 =	simm.s32 $0x80;
	[sflag:s5] =	ssyncadd.s32 @!p0 $0xFFFFFC00;
	s5 =	sor.u32 s29, s30  }
.LBB2_9:
0x199: {  	p0 =	sne.s32 s11, $0x1F80;
	v35 =	vld [tilespmem:s5+$0xA000]  }
0x19a: {  	v36 =	vld [tilespmem:s5+$0xA080];
	_ =	sdelay $0x1  }
0x19b: {  	v37 =	vld [tilespmem:s5+$0xA100];
	_ =	sdelay $0x1  }
0x19c: {  	v38 =	vld [tilespmem:s5+$0xA180]  }
0x19d: {  	v35 =	vmul.f32 v35, v33;
	v36 =	vmul.f32 v36, v34  }
0x19e: {  	v39 =	vld [tilespmem:s5+$0xA200]  }
0x19f: {  	v35 =	vadd.f32 v36, v35;
	v36 =	vmul.f32 v37, v32  }
0x1a0: {  	v37 =	vld [tilespmem:s5+$0xA280]  }
0x1a1: {  	v35 =	vadd.f32 v36, v35;
	v36 =	vmul.f32 v38, v31  }
0x1a2: {  	v38 =	vld [tilespmem:s5+$0xA300]  }
0x1a3: {  	v35 =	vadd.f32 v36, v35;
	v36 =	vmul.f32 v39, v30  }
0x1a4: {  	v39 =	vld [tilespmem:s5+$0xA380]  }
0x1a5: {  	v35 =	vadd.f32 v36, v35;
	v36 =	vmul.f32 v37, v29  }
0x1a6: {  	v37 =	vld [tilespmem:s5+$0xC000]  }
0x1a7: {  	v35 =	vadd.f32 v36, v35;
	v36 =	vmul.f32 v38, v28  }
0x1a8: {  	v38 =	vld [tilespmem:s5+$0xC080]  }
0x1a9: {  	v35 =	vadd.f32 v36, v35;
	v36 =	vmul.f32 v39, v27  }
0x1aa: {  	v39 =	vld [tilespmem:s5+$0xC100]  }
0x1ab: {  	v35 =	vadd.f32 v36, v35;
	v36 =	vmul.f32 v37, v26  }
0x1ac: {  	v37 =	vld [tilespmem:s5+$0xC180]  }
0x1ad: {  	v35 =	vadd.f32 v36, v35;
	v36 =	vmul.f32 v38, v25  }
0x1ae: {  	v38 =	vld [tilespmem:s5+$0xC200]  }
0x1af: {  	v35 =	vadd.f32 v36, v35;
	v36 =	vmul.f32 v39, v24  }
0x1b0: {  	v39 =	vld [tilespmem:s5+$0xC280]  }
0x1b1: {  	v35 =	vadd.f32 v36, v35;
	v36 =	vmul.f32 v37, v23  }
0x1b2: {  	v37 =	vld [tilespmem:s5+$0xC300]  }
0x1b3: {  	v35 =	vadd.f32 v36, v35;
	v36 =	vmul.f32 v38, v22  }
0x1b4: {  	v38 =	vld [tilespmem:s5+$0xC380]  }
0x1b5: {  	v35 =	vadd.f32 v36, v35;
	v36 =	vmul.f32 v39, v21  }
0x1b6: {  	v39 =	vld [tilespmem:s5+$0xE000]  }
0x1b7: {  	v35 =	vadd.f32 v36, v35;
	v36 =	vmul.f32 v37, v20  }
0x1b8: {  	v37 =	vld [tilespmem:s5+$0xE080]  }
0x1b9: {  	v35 =	vadd.f32 v36, v35;
	v36 =	vmul.f32 v38, v19  }
0x1ba: {  	v38 =	vld [tilespmem:s5+$0xE100]  }
0x1bb: {  	v35 =	vadd.f32 v36, v35;
	v36 =	vmul.f32 v39, v18  }
0x1bc: {  	v39 =	vld [tilespmem:s5+$0xE180]  }
0x1bd: {  	v35 =	vadd.f32 v36, v35;
	v36 =	vmul.f32 v37, v17  }
0x1be: {  	v37 =	vld [tilespmem:s5+$0xE200]  }
0x1bf: {  	v35 =	vadd.f32 v36, v35;
	v36 =	vmul.f32 v38, v16  }
0x1c0: {  	v38 =	vld [tilespmem:s5+$0xE280]  }
0x1c1: {  	v35 =	vadd.f32 v36, v35;
	v36 =	vmul.f32 v39, v15  }
0x1c2: {  	v39 =	vld [tilespmem:s5+$0xE300]  }
0x1c3: {  	v35 =	vadd.f32 v36, v35;
	v36 =	vmul.f32 v37, v14  }
0x1c4: {  	v37 =	vld [tilespmem:s5+$0xE380]  }
0x1c5: {  	v35 =	vadd.f32 v36, v35;
	v36 =	vmul.f32 v38, v13  }
0x1c6: {  	v38 =	vld [tilespmem:s5+$0x10000]  }
0x1c7: {  	v35 =	vadd.f32 v36, v35;
	v36 =	vmul.f32 v39, v12  }
0x1c8: {  	v39 =	vld [tilespmem:s5+$0x10080]  }
0x1c9: {  	v35 =	vadd.f32 v36, v35;
	v36 =	vmul.f32 v37, v11  }
0x1ca: {  	v37 =	vld [tilespmem:s5+$0x10100]  }
0x1cb: {  	v35 =	vadd.f32 v36, v35;
	v36 =	vmul.f32 v38, v10  }
0x1cc: {  	v38 =	vld [tilespmem:s5+$0x10180]  }
0x1cd: {  	v35 =	vadd.f32 v36, v35;
	v36 =	vmul.f32 v39, v9  }
0x1ce: {  	v39 =	vld [tilespmem:s5+$0x10200]  }
0x1cf: {  	v35 =	vadd.f32 v36, v35;
	v36 =	vmul.f32 v37, v8  }
0x1d0: {  	v37 =	vld [tilespmem:s5+$0x10280]  }
0x1d1: {  	v35 =	vadd.f32 v36, v35;
	v36 =	vmul.f32 v38, v7  }
0x1d2: {  	v38 =	vld [tilespmem:s5+$0x10300]  }
0x1d3: {  	v35 =	vadd.f32 v36, v35;
	v36 =	vmul.f32 v39, v6  }
0x1d4: {  	v39 =	vld [tilespmem:s5+$0x10380]  }
0x1d5: {  	v35 =	vadd.f32 v36, v35;
	v36 =	vmul.f32 v37, v5;
	_ =	sdelay $0x1  }
0x1d6: {  	v35 =	vadd.f32 v36, v35;
	v36 =	vmul.f32 v38, v4;
	_ =	sdelay $0x1  }
.Ltmp3:
0x1d7: {  	v35 =	vadd.f32 v36, v35;
	v36 =	vmul.f32 v39, v3;
	(pc) =	sbr.rel @p0 .LBB2_9-.Ltmp3, $4  }
0x1d8: {  	_ = 	snop  }
0x1d9: {  	s6 =	sadd.s32 $0x10, s6;
	s5 =	sshrl.u32 s30, $0x2;
	v35 =	vadd.f32 v36, v35  }
0x1da: {  	s30 =	sand.u32 $0x1C00, s11;
	s12 =	sor.u32 s29, s5;
	s29 =	sand.u32 $0x70, s6  }
0x1db: {  	s11 =	sadd.s32 $0x80, s11;
	s5 =	sor.u32 s29, s30;
	[tilespmem:s12+$0x12080] =	vst v35  }
0x1dc: {  	v35 =	vld [tilespmem:s5+$0xA000]  }
0x1dd: {  	v36 =	vld [tilespmem:s5+$0xA080];
	_ =	sdelay $0x1  }
0x1de: {  	v37 =	vld [tilespmem:s5+$0xA100];
	_ =	sdelay $0x1  }
0x1df: {  	v38 =	vld [tilespmem:s5+$0xA180]  }
0x1e0: {  	v33 =	vmul.f32 v35, v33;
	v34 =	vmul.f32 v36, v34  }
0x1e1: {  	v36 =	vld [tilespmem:s5+$0xA200]  }
0x1e2: {  	v32 =	vmul.f32 v37, v32;
	v33 =	vadd.f32 v34, v33  }
0x1e3: {  	v37 =	vld [tilespmem:s5+$0xA280]  }
0x1e4: {  	v31 =	vmul.f32 v38, v31;
	v32 =	vadd.f32 v32, v33  }
0x1e5: {  	v38 =	vld [tilespmem:s5+$0xA300]  }
0x1e6: {  	v30 =	vmul.f32 v36, v30;
	v31 =	vadd.f32 v31, v32  }
0x1e7: {  	v39 =	vld [tilespmem:s5+$0xA380]  }
0x1e8: {  	v29 =	vmul.f32 v37, v29;
	v30 =	vadd.f32 v30, v31  }
0x1e9: {  	v40 =	vld [tilespmem:s5+$0xC000]  }
0x1ea: {  	v28 =	vmul.f32 v38, v28;
	v29 =	vadd.f32 v29, v30  }
0x1eb: {  	v41 =	vld [tilespmem:s5+$0xC080]  }
0x1ec: {  	v27 =	vmul.f32 v39, v27;
	v28 =	vadd.f32 v28, v29  }
0x1ed: {  	v42 =	vld [tilespmem:s5+$0xC100]  }
0x1ee: {  	v26 =	vmul.f32 v40, v26;
	v27 =	vadd.f32 v27, v28  }
0x1ef: {  	v43 =	vld [tilespmem:s5+$0xC180]  }
0x1f0: {  	v25 =	vmul.f32 v41, v25;
	v26 =	vadd.f32 v26, v27  }
0x1f1: {  	v44 =	vld [tilespmem:s5+$0xC200]  }
0x1f2: {  	v24 =	vmul.f32 v42, v24;
	v25 =	vadd.f32 v25, v26  }
0x1f3: {  	v45 =	vld [tilespmem:s5+$0xC280]  }
0x1f4: {  	v23 =	vmul.f32 v43, v23;
	v24 =	vadd.f32 v24, v25  }
0x1f5: {  	v46 =	vld [tilespmem:s5+$0xC300]  }
0x1f6: {  	v22 =	vmul.f32 v44, v22;
	v23 =	vadd.f32 v23, v24  }
0x1f7: {  	v47 =	vld [tilespmem:s5+$0xC380]  }
0x1f8: {  	v21 =	vmul.f32 v45, v21;
	v22 =	vadd.f32 v22, v23  }
0x1f9: {  	v48 =	vld [tilespmem:s5+$0xE000]  }
0x1fa: {  	v20 =	vmul.f32 v46, v20;
	v21 =	vadd.f32 v21, v22  }
0x1fb: {  	v49 =	vld [tilespmem:s5+$0xE080]  }
0x1fc: {  	v19 =	vmul.f32 v47, v19;
	v20 =	vadd.f32 v20, v21  }
0x1fd: {  	v50 =	vld [tilespmem:s5+$0xE100]  }
0x1fe: {  	v18 =	vmul.f32 v48, v18;
	v19 =	vadd.f32 v19, v20  }
0x1ff: {  	v51 =	vld [tilespmem:s5+$0xE180]  }
0x200: {  	v17 =	vmul.f32 v49, v17;
	v18 =	vadd.f32 v18, v19  }
0x201: {  	v52 =	vld [tilespmem:s5+$0xE200]  }
0x202: {  	v16 =	vmul.f32 v50, v16;
	v17 =	vadd.f32 v17, v18  }
0x203: {  	v53 =	vld [tilespmem:s5+$0xE280]  }
0x204: {  	v15 =	vmul.f32 v51, v15;
	v16 =	vadd.f32 v16, v17  }
0x205: {  	v54 =	vld [tilespmem:s5+$0xE300]  }
0x206: {  	v14 =	vmul.f32 v52, v14;
	v15 =	vadd.f32 v15, v16  }
0x207: {  	v55 =	vld [tilespmem:s5+$0xE380]  }
0x208: {  	v13 =	vmul.f32 v53, v13;
	v14 =	vadd.f32 v14, v15  }
0x209: {  	v56 =	vld [tilespmem:s5+$0x10000]  }
0x20a: {  	v12 =	vmul.f32 v54, v12;
	v13 =	vadd.f32 v13, v14  }
0x20b: {  	v57 =	vld [tilespmem:s5+$0x10080]  }
0x20c: {  	v11 =	vmul.f32 v55, v11;
	v12 =	vadd.f32 v12, v13  }
0x20d: {  	v58 =	vld [tilespmem:s5+$0x10100]  }
0x20e: {  	v10 =	vmul.f32 v56, v10;
	v11 =	vadd.f32 v11, v12  }
0x20f: {  	v59 =	vld [tilespmem:s5+$0x10180]  }
0x210: {  	v9 =	vmul.f32 v57, v9;
	v10 =	vadd.f32 v10, v11  }
0x211: {  	v60 =	vld [tilespmem:s5+$0x10200]  }
0x212: {  	v8 =	vmul.f32 v58, v8;
	v9 =	vadd.f32 v9, v10  }
0x213: {  	v61 =	vld [tilespmem:s5+$0x10280]  }
0x214: {  	v7 =	vmul.f32 v59, v7;
	v8 =	vadd.f32 v8, v9  }
0x215: {  	v62 =	vld [tilespmem:s5+$0x10300]  }
0x216: {  	v6 =	vmul.f32 v60, v6;
	v7 =	vadd.f32 v7, v8  }
0x217: {  	v63 =	vld [tilespmem:s5+$0x10380]  }
0x218: {  	v5 =	vmul.f32 v61, v5;
	v6 =	vadd.f32 v6, v7;
	_ =	sdelay $0x1  }
0x219: {  	v4 =	vmul.f32 v62, v4;
	v5 =	vadd.f32 v5, v6;
	_ =	sdelay $0x1  }
0x21a: {  	v3 =	vmul.f32 v63, v3;
	v4 =	vadd.f32 v4, v5;
	_ =	sdelay $0x1  }
0x21b: {  	s30 =	sshrl.u32 s30, $0x2;
	s6 =	sshll.u32 s26, $0x4;
	v3 =	vadd.f32 v3, v4  }
0x21c: {  	s11 =	sadd.s32 s4, s28;
	s6 =	sand.u32 $0x70, s6;
	s5 =	sor.u32 s29, s30  }
0x21d: {  	s11 =	sadd.s32 s6, s11;
	[tilespmem:s5+$0x12080] =	vst v3  }
0x21e: {  	[hbm4b:s11+s3] =	stream.linear.scatter [tilespmem:s15], [sflag:$0x4], $0x80, $0x38;
	[tilespmem:$0x12800] =	vst v63  }
0x21f: {  	s6 =	sadd.s32 $0x80, s11  }
0x220: {  	[hbm4b:s6+s3] =	stream.linear.scatter [tilespmem:s16], [sflag:$0x4], $0x80, $0x38;
	[tilespmem:$0x12800] =	vst v63  }
0x221: {  	s12 =	sadd.s32 $0x100, s11  }
0x222: {  	[hbm4b:s12+s3] =	stream.linear.scatter [tilespmem:s17], [sflag:$0x4], $0x80, $0x38;
	[tilespmem:$0x12800] =	vst v63  }
0x223: {  	s26 =	sadd.s32 $0x180, s11  }
0x224: {  	[hbm4b:s26+s3] =	stream.linear.scatter [tilespmem:s18], [sflag:$0x4], $0x80, $0x38;
	[tilespmem:$0x12800] =	vst v63  }
0x225: {  	s25 =	sadd.s32 $0x1, s25;
	s28 =	sadd.s32 $0x200, s11  }
0x226: {  	[hbm4b:s28+s3] =	stream.linear.scatter [tilespmem:s19], [sflag:$0x4], $0x80, $0x38;
	[tilespmem:$0x12800] =	vst v63  }
0x227: {  	p0 =	sne.s32 s25, $0x20;
	s29 =	sadd.s32 $0x280, s11  }
0x228: {  	[hbm4b:s29+s3] =	stream.linear.scatter [tilespmem:s20], [sflag:$0x4], $0x80, $0x38;
	[tilespmem:$0x12800] =	vst v63  }
.Ltmp4:
0x229: {  	_ = 	snop;
	(pc) =	sbr.rel @p0 .LBB2_2-.Ltmp4, $4  }
0x22a: {  	s30 =	sadd.s32 $0x300, s11  }
0x22b: {  	[hbm4b:s30+s3] =	stream.linear.scatter [tilespmem:s21], [sflag:$0x4], $0x80, $0x38;
	[tilespmem:$0x12800] =	vst v63  }
0x22c: {  	s24 =	sadd.s32 $0x40, s24;
	s23 =	sadd.s32 $0x40, s23;
	s5 =	sadd.s32 $0x380, s11  }
0x22d: {  	[hbm4b:s5+s3] =	stream.linear.scatter [tilespmem:s22], [sflag:$0x4], $0x80, $0x38;
	[tilespmem:$0x12800] =	vst v63  }
0x22e: {  	s5 =	simm.s32 $0x3  }
0x22f: {  	_ =	swait.ge [sflag:s5], $0x400  }
0x230: {  	[sflag:s5] =	ssyncset.done $0x0  }
0x231: {  	s6 =	simm.s32 $0x4;
	[sflag:s5] =	ssyncadd.s32 $0xFFFFFC00  }
0x232: {  	_ =	swait.ge [sflag:s6], $0x400  }
0x233: {  	s11 =	rddreg [dreg:$0x6]  }
0x234: {  	s30 =	rddreg [dreg:$0x5];
	s11 =	sadd.s32 $0x1, s11  }
0x235: {  	p0 =	sne.s32 s11, s30  }
.Ltmp5:
0x236: {  	_ = 	snop;
	(pc) =	sbr.rel @p0 .LBB2_1-.Ltmp5, $3  }
0x237: {  	_ =	sdelay $0x1  }
0x238: {  	[sflag:s6] =	ssyncset.done $0x0  }
0x239: {  	[sflag:s6] =	ssyncadd.s32 $0xFFFFFC00  }
0x23a: {  	_ =	sfence.sel $0x180000  }
0x23b: {  	[bflag:$0x0] =	sbarrier.arrive $0xFFFF  }
0x23c: {  	_ =	strace $0x90000047  }
0x23d: {  	s0 =	stileid.u32;
	[bflag:$0x2] =	sbarrier.arrive $0xFFFF  }
0x23e: {  	p0 =	sne.s32 s0, $0x0;
	s0 =	rddreg [dreg:$0x2]  }
0x23f: {  	s0 =	sadd.s32 @!p0 $0x100000, s0  }
0x240: {  	[sflag:s0] =	ssyncadd.tile.s32 @!p0 $0x1;
	_ =	shalt  }
.Lfunc_end2:
_tile_overlayer_lowered:
.L_overlay_start_2:
0x241: {  	(tag) =	ssettag $0x2  }
0x242: {  	s0 =	rddreg [dreg:$0x0];
	s2 =	stileid.u32  }
0x243: {  	s1 =	rddreg [dreg:$0x1];
	p0 =	sne.s32 s2, $0x0  }
0x244: {  	s3 =	rddreg [dreg:$0x2];
	[bflag:$0x3] =	sbarrier.arrive $0xFFFF;
	s2 =	simm.s32 @!p0 $0x1C05  }
0x245: {  	[timem:s3], [sflag:s2] =	dma.local @!p0 [hbm:s0], s1  }
0x246: {  	s0 =	simm.s32 @!p0 $0x5  }
0x247: {  	_ =	swait.ge @!p0 [sflag:s0], s1  }
0x248: {  	s1 =	ssub.s32 @!p0 $0x0, s1;
	[sflag:s0] =	ssyncset.done @!p0 $0x0  }
0x249: {  	[sflag:s0] =	ssyncadd.s32 @!p0 s1  }
0x24a: {  	[bflag:$0x3] =	sbarrier.arrive $0xFFFF  }
0x24b: {  	_ =	shalt  }

</sc_bundles>
